<compile_context>
chip_gen: v7x
topology: tpu7x:2x2x1
jax: 0.10.2.dev20260603
libtpu: 0.0.44.dev20260713+nightly
codegen_flags: <defaults>
</compile_context>

<pallas_src>
import functools

import jax
import jax.numpy as jnp
from jax import lax
from jax.experimental import pallas as pl
from jax.experimental.pallas import tpu as pltpu
from jax.experimental.pallas import tpu_sc as plsc

N, C, D = 1024, 2048, 64
V_GENE, V_MOD, V_EXPR = 1000000, 100, 16
T = N * C

NUM_CORES = 2
NUM_SUBCORES = 16
NW = NUM_CORES * NUM_SUBCORES
TOK_W = T // NW
CB = 128
K = 4
CHUNK = K * CB
NB = TOK_W // CHUNK
ROWS_W = TOK_W // CB

V_MOD_PAD = 128
BT = 2048


def _sc_gather(ids2d, table):
    mesh = plsc.VectorSubcoreMesh(core_axis_name="c", subcore_axis_name="s")

    @functools.partial(
        pl.kernel,
        mesh=mesh,
        compiler_params=pltpu.CompilerParams(use_tc_tiling_on_sc=False),
        out_type=jax.ShapeDtypeStruct((T // 2, 128), jnp.float32),
        scratch_types=[
            pltpu.VMEM((2, K, CB), jnp.int32),
            pltpu.VMEM((2, CHUNK, D), jnp.float32),
            pltpu.SemaphoreType.DMA,
            pltpu.SemaphoreType.DMA,
        ],
    )
    def body(ids_hbm, table_hbm, out_hbm, idxv, rows, sem0, sem1):
        wid = lax.axis_index("s") * NUM_CORES + lax.axis_index("c")
        row0 = wid * ROWS_W
        tok0 = (wid % (NW // 2)) * TOK_W

        def load(j, b):
            pltpu.sync_copy(ids_hbm.at[pl.ds(row0 + j * K, K)], idxv.at[b])
            for k in range(K):
                for m in range(CB // 16):
                    g = idxv[b, k, pl.ds(m * 16, 16)]
                    idxv[b, k, pl.ds(m * 16, 16)] = (
                        ((g >> 11) << 11) + ((g & 1023) << 1)
                        + ((g >> 10) & 1))

        def fire(b, sem):
            for k in range(K):
                pltpu.async_copy(table_hbm.at[idxv.at[b, k]],
                                 rows.at[b].at[pl.ds(k * CB, CB)], sem)

        def drain(b, sem):
            for k in range(K):
                pltpu.make_async_copy(table_hbm.at[pl.ds(0, CB)],
                                      rows.at[b].at[pl.ds(k * CB, CB)],
                                      sem).wait()

        def store(j, b):
            @pl.when(wid < NW // 2)
            def _():
                pltpu.sync_copy(
                    rows.at[b],
                    out_hbm.at[pl.ds(tok0 + j * CHUNK, CHUNK), pl.ds(0, D)])

            @pl.when(wid >= NW // 2)
            def _():
                pltpu.sync_copy(
                    rows.at[b],
                    out_hbm.at[pl.ds(tok0 + j * CHUNK, CHUNK), pl.ds(D, D)])

        load(0, 0)
        fire(0, sem0)

        def pair(jj, carry):
            b0 = 2 * jj
            b1 = b0 + 1
            load(b1, 1)
            fire(1, sem1)
            drain(0, sem0)
            store(b0, 0)
            nxt = b1 + 1

            @pl.when(nxt < NB)
            def _():
                load(nxt, 0)
                fire(0, sem0)

            drain(1, sem1)
            store(b1, 1)
            return carry

        lax.fori_loop(0, NB // 2, pair, 0)

    return body(ids2d, table)


TBLK = 2048
NTB = (V_GENE + TBLK - 1) // TBLK
V_PAD = NTB * TBLK


def _tc_transpose_body(in_ref, out_ref):
    y = in_ref[...].T
    out_ref[...] = jnp.concatenate([y[:TBLK // 2], y[TBLK // 2:]], axis=1)


def _tc_transpose(table_t):
    return pl.pallas_call(
        _tc_transpose_body,
        grid=(NTB,),
        in_specs=[pl.BlockSpec((D, TBLK), lambda i: (0, i))],
        out_specs=pl.BlockSpec((TBLK // 2, 128), lambda i: (i, 0)),
        out_shape=jax.ShapeDtypeStruct((V_PAD // 2, 128), jnp.float32),
    )(table_t)


def _tc_combine_body(mod_ref, expt_ref, gene_ref, emodt_ref, w_ref, out_ref):
    gene = gene_ref[...]
    for h in range(2):
        mod = mod_ref[h, 0, 0, :]
        oht = (lax.broadcasted_iota(jnp.int32, (V_MOD_PAD, BT), 0)
               == mod[None, :]).astype(jnp.float32)
        acc = jnp.dot(emodt_ref[...], oht, preferred_element_type=jnp.float32)
        acc += jnp.dot(w_ref[...], expt_ref[h, 0],
                       preferred_element_type=jnp.float32)
        out_ref[h, 0] = acc + gene[:, h * D:(h + 1) * D].T


def _tc_combine(mod4d, expt4d, gene2d, emodt_pad, w):
    grid = (N // 2,)
    return pl.pallas_call(
        _tc_combine_body,
        grid=grid,
        in_specs=[
            pl.BlockSpec((2, 1, 1, BT), lambda i: (0, i, 0, 0)),
            pl.BlockSpec((2, 1, V_EXPR, BT), lambda i: (0, i, 0, 0)),
            pl.BlockSpec((BT, 128), lambda i: (i, 0)),
            pl.BlockSpec((D, V_MOD_PAD), lambda i: (0, 0)),
            pl.BlockSpec((D, V_EXPR), lambda i: (0, 0)),
        ],
        out_specs=pl.BlockSpec((2, 1, D, BT), lambda i: (0, i, 0, 0)),
        out_shape=jax.ShapeDtypeStruct((2, N // 2, D, C), jnp.float32),
    )(mod4d, expt4d, gene2d, emodt_pad, w)


def kernel(gene_id, modality, expression, E_gene, E_modality, W_expr):
    ids2d = gene_id.reshape(T // CB, CB)
    table_rm = _tc_transpose(E_gene.T)
    table = table_rm.reshape(V_PAD * D).reshape(V_PAD, D)
    gathered = _sc_gather(ids2d, table)
    mod4d = modality.reshape(2, N // 2, 1, C)
    expt4d = jnp.transpose(expression, (0, 2, 1)).reshape(2, N // 2, V_EXPR, C)
    emodt_pad = jnp.zeros((D, V_MOD_PAD), jnp.float32).at[:, :V_MOD].set(
        E_modality.T)
    out = _tc_combine(mod4d, expt4d, gathered, emodt_pad, W_expr)
    return jnp.transpose(out.reshape(N, D, C), (0, 2, 1))

# --- scband reference (transcript-rebuilt; emitter-appended) ---
"""Pipeline reference for scband-gene-embedding-26053271618025 (READ-ONLY COPY).

The authoritative reference and input builder live on the scoring server;
editing this copy changes nothing except your own understanding.
"""

import jax, jax.numpy as jnp
import numpy as np

N, C, D = 1024, 2048, 64
V_GENE, V_MOD, V_EXPR = 1000000, 100, 16

def setup_inputs(seed: int = 0) -> dict:
    key = jax.random.key(seed)
    k1, k2, k3, k4, k5, k6 = jax.random.split(key, 6)
    gene_id = jax.random.randint(k1, (N, C), 0, V_GENE)
    modality = jax.random.randint(k2, (N, C), 0, V_MOD)
    expression = jax.random.uniform(k3, (N, C, V_EXPR), dtype=jnp.float32)
    # learned parameters (per init_kwargs, normal_ init std=0.02)
    E_gene = jax.random.normal(k4, (V_GENE, D), dtype=jnp.float32) * 0.02
    E_modality = jax.random.normal(k5, (V_MOD, D), dtype=jnp.float32) * 0.02
    # nn.Linear(V_EXPR, D, bias=False).weight has shape (D, V_EXPR)
    W_expr = jax.random.normal(k6, (D, V_EXPR), dtype=jnp.float32) * 0.02
    return {"gene_id": gene_id, "modality": modality, "expression": expression,
            "E_gene": E_gene, "E_modality": E_modality, "W_expr": W_expr}

def reference(gene_id, modality, expression, E_gene, E_modality, W_expr):
    # sum over the ModuleDict branches:
    #   categorical: embedding gather -> (n, c, d)
    #   continuous:  Linear(vocab->d) -> x @ W.T -> (n, c, d)
    emb_gene = jnp.take(E_gene, gene_id, axis=0)
    emb_mod = jnp.take(E_modality, modality, axis=0)
    emb_expr = expression @ W_expr.T
    return emb_gene + emb_mod + emb_expr

if __name__ == "__main__":
    import jax
    _d = setup_inputs()
    print(jax.jit(kernel)(*tuple(_d.values())))

</pallas_src>

<mosaic_0001>
#map = affine_map<(d0, d1) -> (0, 0)>
module attributes {stable_mosaic.version = 14 : i64} {
  func.func @body(%arg0: i32, %arg1: i32, %arg2: memref<16384x128xi32, #tpu.memory_space<hbm>>, %arg3: memref<1001472x64xf32, #tpu.memory_space<hbm>>, %arg4: memref<1048576x128xf32, #tpu.memory_space<hbm>>, %arg5: memref<2x4x128xi32, #tpu.memory_space<vmem>>, %arg6: memref<2x512x64xf32, #tpu.memory_space<vmem>>, %arg7: memref<!tpu.dma_semaphore, #tpu.memory_space<semaphore_mem>>, %arg8: memref<!tpu.dma_semaphore, #tpu.memory_space<semaphore_mem>>) attributes {dimension_semantics = [#tpu.dimension_semantics<core_parallel>, #tpu.dimension_semantics<subcore_parallel>], iteration_bounds = array<i64: 2, 16>, scalar_prefetch = 0 : i64, scratch_operands = 4 : i64, tpu.core_type = #tpu.core_type<sc_vector_subcore>, window_params = [{transform_indices = #map}, {transform_indices = #map}, {transform_indices = #map}]} {
    %mul3A = arith.constant 2 : i32
    %mul3A_0 = arith.muli %arg1, %mul3A : i32
    %add3A = arith.addi %mul3A_0, %arg0 : i32
    %mul3A_1 = arith.constant 512 : i32
    %mul3A_2 = arith.muli %add3A, %mul3A_1 : i32
    %jit3A = arith.constant 16 : i32
    %eq3A = arith.constant 0 : i32
    %eq3A_3 = arith.cmpi eq, %jit3A, %eq3A : i32
    %jit3A_4 = arith.constant 1 : i32
    %select_n3A = arith.select %eq3A_3, %jit3A_4, %jit3A : i32
    %rem3A = arith.remsi %add3A, %select_n3A : i32
    %ne3A = arith.constant 0 : i32
    %ne3A_5 = arith.cmpi ne, %rem3A, %ne3A : i32
    %lt3A = arith.constant 0 : i32
    %lt3A_6 = arith.cmpi slt, %rem3A, %lt3A : i32
    %lt3A_7 = arith.constant 0 : i32
    %lt3A_8 = arith.cmpi slt, %select_n3A, %lt3A_7 : i32
    %ne3A_9 = arith.xori %lt3A_6, %lt3A_8 : i1
    %and3A = arith.andi %ne3A_9, %ne3A_5 : i1
    %add3A_10 = arith.addi %rem3A, %select_n3A : i32
    %select_n3A_11 = arith.select %and3A, %add3A_10, %rem3A : i32
    %mul3A_12 = arith.constant 65536 : i32
    %mul3A_13 = arith.muli %select_n3A_11, %mul3A_12 : i32
    %add3A_14 = arith.constant 0 : i32
    %add3A_15 = arith.addi %mul3A_2, %add3A_14 : i32
    %run_scoped3A = arith.constant 0 : i32
    "tpu.region"() ({
      %run_scoped3A_1200 = tpu.sem_alloc : memref<!tpu.dma_semaphore, #tpu.memory_space<semaphore_mem>>
      %dma_start3A_1201 = arith.constant 0 : i32
      %dma_start3A_1202 = arith.constant 0 : i32
      %dma_start3A_1203 = tpu.memref_slice %arg5[%run_scoped3A, %dma_start3A_1201, %dma_start3A_1202] : memref<2x4x128xi32, #tpu.memory_space<vmem>> -> memref<1x4x128xi32, #tpu.memory_space<vmem>>
      %dma_start3A_1204 = tpu.memref_squeeze %dma_start3A_1203 : memref<1x4x128xi32, #tpu.memory_space<vmem>> -> memref<4x128xi32, #tpu.memory_space<vmem>>
      %dma_start3A_1205 = arith.constant 0 : i32
      %dma_start3A_1206 = tpu.memref_slice %arg2[%add3A_15, %dma_start3A_1205] : memref<16384x128xi32, #tpu.memory_space<hbm>> -> memref<4x128xi32, #tpu.memory_space<hbm>>
      %dma_start3A_1207 = arith.constant 0 : i32
      %dma_start3A_1208 = arith.constant 0 : i32
      %dma_start3A_1209 = tpu.memref_slice %arg5[%run_scoped3A, %dma_start3A_1207, %dma_start3A_1208] : memref<2x4x128xi32, #tpu.memory_space<vmem>> -> memref<1x4x128xi32, #tpu.memory_space<vmem>>
      %dma_start3A_1210 = tpu.memref_squeeze %dma_start3A_1209 : memref<1x4x128xi32, #tpu.memory_space<vmem>> -> memref<4x128xi32, #tpu.memory_space<vmem>>
      %dma_start3A_1211 = arith.constant 0 : i32
      %dma_start3A_1212 = tpu.memref_slice %arg2[%add3A_15, %dma_start3A_1211] : memref<16384x128xi32, #tpu.memory_space<hbm>> -> memref<4x128xi32, #tpu.memory_space<hbm>>
      tpu.enqueue_dma source(%dma_start3A_1212 : memref<4x128xi32, #tpu.memory_space<hbm>>) target(%dma_start3A_1210 : memref<4x128xi32, #tpu.memory_space<vmem>>) target_semaphore(%run_scoped3A_1200 : memref<!tpu.dma_semaphore, #tpu.memory_space<semaphore_mem>>)
      %dma_wait3A = arith.constant 0 : i32
      %dma_wait3A_1213 = arith.constant 0 : i32
      %dma_wait3A_1214 = tpu.memref_slice %arg5[%run_scoped3A, %dma_wait3A, %dma_wait3A_1213] : memref<2x4x128xi32, #tpu.memory_space<vmem>> -> memref<1x4x128xi32, #tpu.memory_space<vmem>>
      %dma_wait3A_1215 = tpu.memref_squeeze %dma_wait3A_1214 : memref<1x4x128xi32, #tpu.memory_space<vmem>> -> memref<4x128xi32, #tpu.memory_space<vmem>>
      %dma_wait3A_1216 = arith.constant 0 : i32
      %dma_wait3A_1217 = tpu.memref_slice %arg2[%add3A_15, %dma_wait3A_1216] : memref<16384x128xi32, #tpu.memory_space<hbm>> -> memref<4x128xi32, #tpu.memory_space<hbm>>
      %dma_wait3A_1218 = arith.constant 0 : i32
      %dma_wait3A_1219 = arith.constant 0 : i32
      %dma_wait3A_1220 = tpu.memref_slice %arg5[%run_scoped3A, %dma_wait3A_1218, %dma_wait3A_1219] : memref<2x4x128xi32, #tpu.memory_space<vmem>> -> memref<1x4x128xi32, #tpu.memory_space<vmem>>
      %dma_wait3A_1221 = tpu.memref_squeeze %dma_wait3A_1220 : memref<1x4x128xi32, #tpu.memory_space<vmem>> -> memref<4x128xi32, #tpu.memory_space<vmem>>
      %dma_wait3A_1222 = arith.constant 0 : i32
      %dma_wait3A_1223 = tpu.memref_slice %arg2[%add3A_15, %dma_wait3A_1222] : memref<16384x128xi32, #tpu.memory_space<hbm>> -> memref<4x128xi32, #tpu.memory_space<hbm>>
      tpu.wait_dma2 semaphore(%run_scoped3A_1200 : memref<!tpu.dma_semaphore, #tpu.memory_space<semaphore_mem>>) src(%dma_wait3A_1223 : memref<4x128xi32, #tpu.memory_space<hbm>>) dst(%dma_wait3A_1221 : memref<4x128xi32, #tpu.memory_space<vmem>>)
      tpu.yield
    }) : () -> ()
    %get3A = arith.constant 0 : i32
    %get3A_16 = arith.constant 0 : i32
    %get3A_17 = arith.index_cast %get3A : i32 to index
    %get3A_18 = arith.index_cast %get3A_16 : i32 to index
    %get3A_19 = arith.constant 0 : index
    %get3A_20 = tpu.vector_load %arg5[%get3A_17, %get3A_18, %get3A_19] {strides = array<i32>} : memref<2x4x128xi32, #tpu.memory_space<vmem>>, vector<1x1x16xi32>,
    %get3A_21 = vector.shape_cast %get3A_20 : vector<1x1x16xi32> to vector<16xi32>
    %shift_right_arithmetic3A = arith.constant 11 : i32
    %shift_right_arithmetic3A_22 = vector.broadcast %shift_right_arithmetic3A : i32 to vector<16xi32>
    %shift_right_arithmetic3A_23 = arith.shrsi %get3A_21, %shift_right_arithmetic3A_22 : vector<16xi32>
    %shift_left3A = arith.constant 11 : i32
    %shift_left3A_24 = vector.broadcast %shift_left3A : i32 to vector<16xi32>
    %shift_left3A_25 = arith.shli %shift_right_arithmetic3A_23, %shift_left3A_24 : vector<16xi32>
    %and3A_26 = arith.constant 1023 : i32
    %and3A_27 = vector.broadcast %and3A_26 : i32 to vector<16xi32>
    %and3A_28 = arith.andi %get3A_21, %and3A_27 : vector<16xi32>
    %shift_left3A_29 = arith.constant 1 : i32
    %shift_left3A_30 = vector.broadcast %shift_left3A_29 : i32 to vector<16xi32>
    %shift_left3A_31 = arith.shli %and3A_28, %shift_left3A_30 : vector<16xi32>
    %add3A_32 = arith.addi %shift_left3A_25, %shift_left3A_31 : vector<16xi32>
    %shift_right_arithmetic3A_33 = arith.constant 10 : i32
    %shift_right_arithmetic3A_34 = vector.broadcast %shift_right_arithmetic3A_33 : i32 to vector<16xi32>
    %shift_right_arithmetic3A_35 = arith.shrsi %get3A_21, %shift_right_arithmetic3A_34 : vector<16xi32>
    %and3A_36 = arith.constant 1 : i32
    %and3A_37 = vector.broadcast %and3A_36 : i32 to vector<16xi32>
    %and3A_38 = arith.andi %shift_right_arithmetic3A_35, %and3A_37 : vector<16xi32>
    %add3A_39 = arith.addi %add3A_32, %and3A_38 : vector<16xi32>
    %swap3A = arith.constant 0 : i32
    %swap3A_40 = arith.constant 0 : i32
    %swap3A_41 = arith.index_cast %swap3A : i32 to index
    %swap3A_42 = arith.index_cast %swap3A_40 : i32 to index
    %swap3A_43 = arith.constant 0 : index
    %swap3A_44 = tpu.vector_load %arg5[%swap3A_41, %swap3A_42, %swap3A_43] {strides = array<i32>} : memref<2x4x128xi32, #tpu.memory_space<vmem>>, vector<1x1x16xi32>,
    %swap3A_45 = vector.shape_cast %swap3A_44 : vector<1x1x16xi32> to vector<16xi32>
    %swap3A_46 = vector.shape_cast %add3A_39 : vector<16xi32> to vector<1x1x16xi32>
    tpu.vector_store %arg5[%swap3A_41, %swap3A_42, %swap3A_43], %swap3A_46 {strides = array<i32>} : memref<2x4x128xi32, #tpu.memory_space<vmem>>, vector<1x1x16xi32>,
    %get3A_47 = arith.constant 0 : i32
    %get3A_48 = arith.constant 0 : i32
    %get3A_49 = arith.index_cast %get3A_47 : i32 to index
    %get3A_50 = arith.index_cast %get3A_48 : i32 to index
    %get3A_51 = arith.constant 16 : index
    %get3A_52 = tpu.vector_load %arg5[%get3A_49, %get3A_50, %get3A_51] {strides = array<i32>} : memref<2x4x128xi32, #tpu.memory_space<vmem>>, vector<1x1x16xi32>,
    %get3A_53 = vector.shape_cast %get3A_52 : vector<1x1x16xi32> to vector<16xi32>
    %shift_right_arithmetic3A_54 = arith.constant 11 : i32
    %shift_right_arithmetic3A_55 = vector.broadcast %shift_right_arithmetic3A_54 : i32 to vector<16xi32>
    %shift_right_arithmetic3A_56 = arith.shrsi %get3A_53, %shift_right_arithmetic3A_55 : vector<16xi32>
    %shift_left3A_57 = arith.constant 11 : i32
    %shift_left3A_58 = vector.broadcast %shift_left3A_57 : i32 to vector<16xi32>
    %shift_left3A_59 = arith.shli %shift_right_arithmetic3A_56, %shift_left3A_58 : vector<16xi32>
    %and3A_60 = arith.constant 1023 : i32
    %and3A_61 = vector.broadcast %and3A_60 : i32 to vector<16xi32>
    %and3A_62 = arith.andi %get3A_53, %and3A_61 : vector<16xi32>
    %shift_left3A_63 = arith.constant 1 : i32
    %shift_left3A_64 = vector.broadcast %shift_left3A_63 : i32 to vector<16xi32>
    %shift_left3A_65 = arith.shli %and3A_62, %shift_left3A_64 : vector<16xi32>
    %add3A_66 = arith.addi %shift_left3A_59, %shift_left3A_65 : vector<16xi32>
    %shift_right_arithmetic3A_67 = arith.constant 10 : i32
    %shift_right_arithmetic3A_68 = vector.broadcast %shift_right_arithmetic3A_67 : i32 to vector<16xi32>
    %shift_right_arithmetic3A_69 = arith.shrsi %get3A_53, %shift_right_arithmetic3A_68 : vector<16xi32>
    %and3A_70 = arith.constant 1 : i32
    %and3A_71 = vector.broadcast %and3A_70 : i32 to vector<16xi32>
    %and3A_72 = arith.andi %shift_right_arithmetic3A_69, %and3A_71 : vector<16xi32>
    %add3A_73 = arith.addi %add3A_66, %and3A_72 : vector<16xi32>
    %swap3A_74 = arith.constant 0 : i32
    %swap3A_75 = arith.constant 0 : i32
    %swap3A_76 = arith.index_cast %swap3A_74 : i32 to index
    %swap3A_77 = arith.index_cast %swap3A_75 : i32 to index
    %swap3A_78 = arith.constant 16 : index
    %swap3A_79 = tpu.vector_load %arg5[%swap3A_76, %swap3A_77, %swap3A_78] {strides = array<i32>} : memref<2x4x128xi32, #tpu.memory_space<vmem>>, vector<1x1x16xi32>,
    %swap3A_80 = vector.shape_cast %swap3A_79 : vector<1x1x16xi32> to vector<16xi32>
    %swap3A_81 = vector.shape_cast %add3A_73 : vector<16xi32> to vector<1x1x16xi32>
    tpu.vector_store %arg5[%swap3A_76, %swap3A_77, %swap3A_78], %swap3A_81 {strides = array<i32>} : memref<2x4x128xi32, #tpu.memory_space<vmem>>, vector<1x1x16xi32>,
    %get3A_82 = arith.constant 0 : i32
    %get3A_83 = arith.constant 0 : i32
    %get3A_84 = arith.index_cast %get3A_82 : i32 to index
    %get3A_85 = arith.index_cast %get3A_83 : i32 to index
    %get3A_86 = arith.constant 32 : index
    %get3A_87 = tpu.vector_load %arg5[%get3A_84, %get3A_85, %get3A_86] {strides = array<i32>} : memref<2x4x128xi32, #tpu.memory_space<vmem>>, vector<1x1x16xi32>,
    %get3A_88 = vector.shape_cast %get3A_87 : vector<1x1x16xi32> to vector<16xi32>
    %shift_right_arithmetic3A_89 = arith.constant 11 : i32
    %shift_right_arithmetic3A_90 = vector.broadcast %shift_right_arithmetic3A_89 : i32 to vector<16xi32>
    %shift_right_arithmetic3A_91 = arith.shrsi %get3A_88, %shift_right_arithmetic3A_90 : vector<16xi32>
    %shift_left3A_92 = arith.constant 11 : i32
    %shift_left3A_93 = vector.broadcast %shift_left3A_92 : i32 to vector<16xi32>
    %shift_left3A_94 = arith.shli %shift_right_arithmetic3A_91, %shift_left3A_93 : vector<16xi32>
    %and3A_95 = arith.constant 1023 : i32
    %and3A_96 = vector.broadcast %and3A_95 : i32 to vector<16xi32>
    %and3A_97 = arith.andi %get3A_88, %and3A_96 : vector<16xi32>
    %shift_left3A_98 = arith.constant 1 : i32
    %shift_left3A_99 = vector.broadcast %shift_left3A_98 : i32 to vector<16xi32>
    %shift_left3A_100 = arith.shli %and3A_97, %shift_left3A_99 : vector<16xi32>
    %add3A_101 = arith.addi %shift_left3A_94, %shift_left3A_100 : vector<16xi32>
    %shift_right_arithmetic3A_102 = arith.constant 10 : i32
    %shift_right_arithmetic3A_103 = vector.broadcast %shift_right_arithmetic3A_102 : i32 to vector<16xi32>
    %shift_right_arithmetic3A_104 = arith.shrsi %get3A_88, %shift_right_arithmetic3A_103 : vector<16xi32>
    %and3A_105 = arith.constant 1 : i32
    %and3A_106 = vector.broadcast %and3A_105 : i32 to vector<16xi32>
    %and3A_107 = arith.andi %shift_right_arithmetic3A_104, %and3A_106 : vector<16xi32>
    %add3A_108 = arith.addi %add3A_101, %and3A_107 : vector<16xi32>
    %swap3A_109 = arith.constant 0 : i32
    %swap3A_110 = arith.constant 0 : i32
    %swap3A_111 = arith.index_cast %swap3A_109 : i32 to index
    %swap3A_112 = arith.index_cast %swap3A_110 : i32 to index
    %swap3A_113 = arith.constant 32 : index
    %swap3A_114 = tpu.vector_load %arg5[%swap3A_111, %swap3A_112, %swap3A_113] {strides = array<i32>} : memref<2x4x128xi32, #tpu.memory_space<vmem>>, vector<1x1x16xi32>,
    %swap3A_115 = vector.shape_cast %swap3A_114 : vector<1x1x16xi32> to vector<16xi32>
    %swap3A_116 = vector.shape_cast %add3A_108 : vector<16xi32> to vector<1x1x16xi32>
    tpu.vector_store %arg5[%swap3A_111, %swap3A_112, %swap3A_113], %swap3A_116 {strides = array<i32>} : memref<2x4x128xi32, #tpu.memory_space<vmem>>, vector<1x1x16xi32>,
    %get3A_117 = arith.constant 0 : i32
    %get3A_118 = arith.constant 0 : i32
    %get3A_119 = arith.index_cast %get3A_117 : i32 to index
    %get3A_120 = arith.index_cast %get3A_118 : i32 to index
    %get3A_121 = arith.constant 48 : index
    %get3A_122 = tpu.vector_load %arg5[%get3A_119, %get3A_120, %get3A_121] {strides = array<i32>} : memref<2x4x128xi32, #tpu.memory_space<vmem>>, vector<1x1x16xi32>,
    %get3A_123 = vector.shape_cast %get3A_122 : vector<1x1x16xi32> to vector<16xi32>
    %shift_right_arithmetic3A_124 = arith.constant 11 : i32
    %shift_right_arithmetic3A_125 = vector.broadcast %shift_right_arithmetic3A_124 : i32 to vector<16xi32>
    %shift_right_arithmetic3A_126 = arith.shrsi %get3A_123, %shift_right_arithmetic3A_125 : vector<16xi32>
    %shift_left3A_127 = arith.constant 11 : i32
    %shift_left3A_128 = vector.broadcast %shift_left3A_127 : i32 to vector<16xi32>
    %shift_left3A_129 = arith.shli %shift_right_arithmetic3A_126, %shift_left3A_128 : vector<16xi32>
    %and3A_130 = arith.constant 1023 : i32
    %and3A_131 = vector.broadcast %and3A_130 : i32 to vector<16xi32>
    %and3A_132 = arith.andi %get3A_123, %and3A_131 : vector<16xi32>
    %shift_left3A_133 = arith.constant 1 : i32
    %shift_left3A_134 = vector.broadcast %shift_left3A_133 : i32 to vector<16xi32>
    %shift_left3A_135 = arith.shli %and3A_132, %shift_left3A_134 : vector<16xi32>
    %add3A_136 = arith.addi %shift_left3A_129, %shift_left3A_135 : vector<16xi32>
    %shift_right_arithmetic3A_137 = arith.constant 10 : i32
    %shift_right_arithmetic3A_138 = vector.broadcast %shift_right_arithmetic3A_137 : i32 to vector<16xi32>
    %shift_right_arithmetic3A_139 = arith.shrsi %get3A_123, %shift_right_arithmetic3A_138 : vector<16xi32>
    %and3A_140 = arith.constant 1 : i32
    %and3A_141 = vector.broadcast %and3A_140 : i32 to vector<16xi32>
    %and3A_142 = arith.andi %shift_right_arithmetic3A_139, %and3A_141 : vector<16xi32>
    %add3A_143 = arith.addi %add3A_136, %and3A_142 : vector<16xi32>
    %swap3A_144 = arith.constant 0 : i32
    %swap3A_145 = arith.constant 0 : i32
    %swap3A_146 = arith.index_cast %swap3A_144 : i32 to index
    %swap3A_147 = arith.index_cast %swap3A_145 : i32 to index
    %swap3A_148 = arith.constant 48 : index
    %swap3A_149 = tpu.vector_load %arg5[%swap3A_146, %swap3A_147, %swap3A_148] {strides = array<i32>} : memref<2x4x128xi32, #tpu.memory_space<vmem>>, vector<1x1x16xi32>,
    %swap3A_150 = vector.shape_cast %swap3A_149 : vector<1x1x16xi32> to vector<16xi32>
    %swap3A_151 = vector.shape_cast %add3A_143 : vector<16xi32> to vector<1x1x16xi32>
    tpu.vector_store %arg5[%swap3A_146, %swap3A_147, %swap3A_148], %swap3A_151 {strides = array<i32>} : memref<2x4x128xi32, #tpu.memory_space<vmem>>, vector<1x1x16xi32>,
    %get3A_152 = arith.constant 0 : i32
    %get3A_153 = arith.constant 0 : i32
    %get3A_154 = arith.index_cast %get3A_152 : i32 to index
    %get3A_155 = arith.index_cast %get3A_153 : i32 to index
    %get3A_156 = arith.constant 64 : index
    %get3A_157 = tpu.vector_load %arg5[%get3A_154, %get3A_155, %get3A_156] {strides = array<i32>} : memref<2x4x128xi32, #tpu.memory_space<vmem>>, vector<1x1x16xi32>,
    %get3A_158 = vector.shape_cast %get3A_157 : vector<1x1x16xi32> to vector<16xi32>
    %shift_right_arithmetic3A_159 = arith.constant 11 : i32
    %shift_right_arithmetic3A_160 = vector.broadcast %shift_right_arithmetic3A_159 : i32 to vector<16xi32>
    %shift_right_arithmetic3A_161 = arith.shrsi %get3A_158, %shift_right_arithmetic3A_160 : vector<16xi32>
    %shift_left3A_162 = arith.constant 11 : i32
    %shift_left3A_163 = vector.broadcast %shift_left3A_162 : i32 to vector<16xi32>
    %shift_left3A_164 = arith.shli %shift_right_arithmetic3A_161, %shift_left3A_163 : vector<16xi32>
    %and3A_165 = arith.constant 1023 : i32
    %and3A_166 = vector.broadcast %and3A_165 : i32 to vector<16xi32>
    %and3A_167 = arith.andi %get3A_158, %and3A_166 : vector<16xi32>
    %shift_left3A_168 = arith.constant 1 : i32
    %shift_left3A_169 = vector.broadcast %shift_left3A_168 : i32 to vector<16xi32>
    %shift_left3A_170 = arith.shli %and3A_167, %shift_left3A_169 : vector<16xi32>
    %add3A_171 = arith.addi %shift_left3A_164, %shift_left3A_170 : vector<16xi32>
    %shift_right_arithmetic3A_172 = arith.constant 10 : i32
    %shift_right_arithmetic3A_173 = vector.broadcast %shift_right_arithmetic3A_172 : i32 to vector<16xi32>
    %shift_right_arithmetic3A_174 = arith.shrsi %get3A_158, %shift_right_arithmetic3A_173 : vector<16xi32>
    %and3A_175 = arith.constant 1 : i32
    %and3A_176 = vector.broadcast %and3A_175 : i32 to vector<16xi32>
    %and3A_177 = arith.andi %shift_right_arithmetic3A_174, %and3A_176 : vector<16xi32>
    %add3A_178 = arith.addi %add3A_171, %and3A_177 : vector<16xi32>
    %swap3A_179 = arith.constant 0 : i32
    %swap3A_180 = arith.constant 0 : i32
    %swap3A_181 = arith.index_cast %swap3A_179 : i32 to index
    %swap3A_182 = arith.index_cast %swap3A_180 : i32 to index
    %swap3A_183 = arith.constant 64 : index
    %swap3A_184 = tpu.vector_load %arg5[%swap3A_181, %swap3A_182, %swap3A_183] {strides = array<i32>} : memref<2x4x128xi32, #tpu.memory_space<vmem>>, vector<1x1x16xi32>,
    %swap3A_185 = vector.shape_cast %swap3A_184 : vector<1x1x16xi32> to vector<16xi32>
    %swap3A_186 = vector.shape_cast %add3A_178 : vector<16xi32> to vector<1x1x16xi32>
    tpu.vector_store %arg5[%swap3A_181, %swap3A_182, %swap3A_183], %swap3A_186 {strides = array<i32>} : memref<2x4x128xi32, #tpu.memory_space<vmem>>, vector<1x1x16xi32>,
    %get3A_187 = arith.constant 0 : i32
    %get3A_188 = arith.constant 0 : i32
    %get3A_189 = arith.index_cast %get3A_187 : i32 to index
    %get3A_190 = arith.index_cast %get3A_188 : i32 to index
    %get3A_191 = arith.constant 80 : index
    %get3A_192 = tpu.vector_load %arg5[%get3A_189, %get3A_190, %get3A_191] {strides = array<i32>} : memref<2x4x128xi32, #tpu.memory_space<vmem>>, vector<1x1x16xi32>,
    %get3A_193 = vector.shape_cast %get3A_192 : vector<1x1x16xi32> to vector<16xi32>
    %shift_right_arithmetic3A_194 = arith.constant 11 : i32
    %shift_right_arithmetic3A_195 = vector.broadcast %shift_right_arithmetic3A_194 : i32 to vector<16xi32>
    %shift_right_arithmetic3A_196 = arith.shrsi %get3A_193, %shift_right_arithmetic3A_195 : vector<16xi32>
    %shift_left3A_197 = arith.constant 11 : i32
    %shift_left3A_198 = vector.broadcast %shift_left3A_197 : i32 to vector<16xi32>
    %shift_left3A_199 = arith.shli %shift_right_arithmetic3A_196, %shift_left3A_198 : vector<16xi32>
    %and3A_200 = arith.constant 1023 : i32
    %and3A_201 = vector.broadcast %and3A_200 : i32 to vector<16xi32>
    %and3A_202 = arith.andi %get3A_193, %and3A_201 : vector<16xi32>
    %shift_left3A_203 = arith.constant 1 : i32
    %shift_left3A_204 = vector.broadcast %shift_left3A_203 : i32 to vector<16xi32>
    %shift_left3A_205 = arith.shli %and3A_202, %shift_left3A_204 : vector<16xi32>
    %add3A_206 = arith.addi %shift_left3A_199, %shift_left3A_205 : vector<16xi32>
    %shift_right_arithmetic3A_207 = arith.constant 10 : i32
    %shift_right_arithmetic3A_208 = vector.broadcast %shift_right_arithmetic3A_207 : i32 to vector<16xi32>
    %shift_right_arithmetic3A_209 = arith.shrsi %get3A_193, %shift_right_arithmetic3A_208 : vector<16xi32>
    %and3A_210 = arith.constant 1 : i32
    %and3A_211 = vector.broadcast %and3A_210 : i32 to vector<16xi32>
    %and3A_212 = arith.andi %shift_right_arithmetic3A_209, %and3A_211 : vector<16xi32>
    %add3A_213 = arith.addi %add3A_206, %and3A_212 : vector<16xi32>
    %swap3A_214 = arith.constant 0 : i32
    %swap3A_215 = arith.constant 0 : i32
    %swap3A_216 = arith.index_cast %swap3A_214 : i32 to index
    %swap3A_217 = arith.index_cast %swap3A_215 : i32 to index
    %swap3A_218 = arith.constant 80 : index
    %swap3A_219 = tpu.vector_load %arg5[%swap3A_216, %swap3A_217, %swap3A_218] {strides = array<i32>} : memref<2x4x128xi32, #tpu.memory_space<vmem>>, vector<1x1x16xi32>,
    %swap3A_220 = vector.shape_cast %swap3A_219 : vector<1x1x16xi32> to vector<16xi32>
    %swap3A_221 = vector.shape_cast %add3A_213 : vector<16xi32> to vector<1x1x16xi32>
    tpu.vector_store %arg5[%swap3A_216, %swap3A_217, %swap3A_218], %swap3A_221 {strides = array<i32>} : memref<2x4x128xi32, #tpu.memory_space<vmem>>, vector<1x1x16xi32>,
    %get3A_222 = arith.constant 0 : i32
    %get3A_223 = arith.constant 0 : i32
    %get3A_224 = arith.index_cast %get3A_222 : i32 to index
    %get3A_225 = arith.index_cast %get3A_223 : i32 to index
    %get3A_226 = arith.constant 96 : index
    %get3A_227 = tpu.vector_load %arg5[%get3A_224, %get3A_225, %get3A_226] {strides = array<i32>} : memref<2x4x128xi32, #tpu.memory_space<vmem>>, vector<1x1x16xi32>,
    %get3A_228 = vector.shape_cast %get3A_227 : vector<1x1x16xi32> to vector<16xi32>
    %shift_right_arithmetic3A_229 = arith.constant 11 : i32
    %shift_right_arithmetic3A_230 = vector.broadcast %shift_right_arithmetic3A_229 : i32 to vector<16xi32>
    %shift_right_arithmetic3A_231 = arith.shrsi %get3A_228, %shift_right_arithmetic3A_230 : vector<16xi32>
    %shift_left3A_232 = arith.constant 11 : i32
    %shift_left3A_233 = vector.broadcast %shift_left3A_232 : i32 to vector<16xi32>
    %shift_left3A_234 = arith.shli %shift_right_arithmetic3A_231, %shift_left3A_233 : vector<16xi32>
    %and3A_235 = arith.constant 1023 : i32
    %and3A_236 = vector.broadcast %and3A_235 : i32 to vector<16xi32>
    %and3A_237 = arith.andi %get3A_228, %and3A_236 : vector<16xi32>
    %shift_left3A_238 = arith.constant 1 : i32
    %shift_left3A_239 = vector.broadcast %shift_left3A_238 : i32 to vector<16xi32>
    %shift_left3A_240 = arith.shli %and3A_237, %shift_left3A_239 : vector<16xi32>
    %add3A_241 = arith.addi %shift_left3A_234, %shift_left3A_240 : vector<16xi32>
    %shift_right_arithmetic3A_242 = arith.constant 10 : i32
    %shift_right_arithmetic3A_243 = vector.broadcast %shift_right_arithmetic3A_242 : i32 to vector<16xi32>
    %shift_right_arithmetic3A_244 = arith.shrsi %get3A_228, %shift_right_arithmetic3A_243 : vector<16xi32>
    %and3A_245 = arith.constant 1 : i32
    %and3A_246 = vector.broadcast %and3A_245 : i32 to vector<16xi32>
    %and3A_247 = arith.andi %shift_right_arithmetic3A_244, %and3A_246 : vector<16xi32>
    %add3A_248 = arith.addi %add3A_241, %and3A_247 : vector<16xi32>
    %swap3A_249 = arith.constant 0 : i32
    %swap3A_250 = arith.constant 0 : i32
    %swap3A_251 = arith.index_cast %swap3A_249 : i32 to index
    %swap3A_252 = arith.index_cast %swap3A_250 : i32 to index
    %swap3A_253 = arith.constant 96 : index
    %swap3A_254 = tpu.vector_load %arg5[%swap3A_251, %swap3A_252, %swap3A_253] {strides = array<i32>} : memref<2x4x128xi32, #tpu.memory_space<vmem>>, vector<1x1x16xi32>,
    %swap3A_255 = vector.shape_cast %swap3A_254 : vector<1x1x16xi32> to vector<16xi32>
    %swap3A_256 = vector.shape_cast %add3A_248 : vector<16xi32> to vector<1x1x16xi32>
    tpu.vector_store %arg5[%swap3A_251, %swap3A_252, %swap3A_253], %swap3A_256 {strides = array<i32>} : memref<2x4x128xi32, #tpu.memory_space<vmem>>, vector<1x1x16xi32>,
    %get3A_257 = arith.constant 0 : i32
    %get3A_258 = arith.constant 0 : i32
    %get3A_259 = arith.index_cast %get3A_257 : i32 to index
    %get3A_260 = arith.index_cast %get3A_258 : i32 to index
    %get3A_261 = arith.constant 112 : index
    %get3A_262 = tpu.vector_load %arg5[%get3A_259, %get3A_260, %get3A_261] {strides = array<i32>} : memref<2x4x128xi32, #tpu.memory_space<vmem>>, vector<1x1x16xi32>,
    %get3A_263 = vector.shape_cast %get3A_262 : vector<1x1x16xi32> to vector<16xi32>
    %shift_right_arithmetic3A_264 = arith.constant 11 : i32
    %shift_right_arithmetic3A_265 = vector.broadcast %shift_right_arithmetic3A_264 : i32 to vector<16xi32>
    %shift_right_arithmetic3A_266 = arith.shrsi %get3A_263, %shift_right_arithmetic3A_265 : vector<16xi32>
    %shift_left3A_267 = arith.constant 11 : i32
    %shift_left3A_268 = vector.broadcast %shift_left3A_267 : i32 to vector<16xi32>
    %shift_left3A_269 = arith.shli %shift_right_arithmetic3A_266, %shift_left3A_268 : vector<16xi32>
    %and3A_270 = arith.constant 1023 : i32
    %and3A_271 = vector.broadcast %and3A_270 : i32 to vector<16xi32>
    %and3A_272 = arith.andi %get3A_263, %and3A_271 : vector<16xi32>
    %shift_left3A_273 = arith.constant 1 : i32
    %shift_left3A_274 = vector.broadcast %shift_left3A_273 : i32 to vector<16xi32>
    %shift_left3A_275 = arith.shli %and3A_272, %shift_left3A_274 : vector<16xi32>
    %add3A_276 = arith.addi %shift_left3A_269, %shift_left3A_275 : vector<16xi32>
    %shift_right_arithmetic3A_277 = arith.constant 10 : i32
    %shift_right_arithmetic3A_278 = vector.broadcast %shift_right_arithmetic3A_277 : i32 to vector<16xi32>
    %shift_right_arithmetic3A_279 = arith.shrsi %get3A_263, %shift_right_arithmetic3A_278 : vector<16xi32>
    %and3A_280 = arith.constant 1 : i32
    %and3A_281 = vector.broadcast %and3A_280 : i32 to vector<16xi32>
    %and3A_282 = arith.andi %shift_right_arithmetic3A_279, %and3A_281 : vector<16xi32>
    %add3A_283 = arith.addi %add3A_276, %and3A_282 : vector<16xi32>
    %swap3A_284 = arith.constant 0 : i32
    %swap3A_285 = arith.constant 0 : i32
    %swap3A_286 = arith.index_cast %swap3A_284 : i32 to index
    %swap3A_287 = arith.index_cast %swap3A_285 : i32 to index
    %swap3A_288 = arith.constant 112 : index
    %swap3A_289 = tpu.vector_load %arg5[%swap3A_286, %swap3A_287, %swap3A_288] {strides = array<i32>} : memref<2x4x128xi32, #tpu.memory_space<vmem>>, vector<1x1x16xi32>,
    %swap3A_290 = vector.shape_cast %swap3A_289 : vector<1x1x16xi32> to vector<16xi32>
    %swap3A_291 = vector.shape_cast %add3A_283 : vector<16xi32> to vector<1x1x16xi32>
    tpu.vector_store %arg5[%swap3A_286, %swap3A_287, %swap3A_288], %swap3A_291 {strides = array<i32>} : memref<2x4x128xi32, #tpu.memory_space<vmem>>, vector<1x1x16xi32>,
    %get3A_292 = arith.constant 0 : i32
    %get3A_293 = arith.constant 1 : i32
    %get3A_294 = arith.index_cast %get3A_292 : i32 to index
    %get3A_295 = arith.index_cast %get3A_293 : i32 to index
    %get3A_296 = arith.constant 0 : index
    %get3A_297 = tpu.vector_load %arg5[%get3A_294, %get3A_295, %get3A_296] {strides = array<i32>} : memref<2x4x128xi32, #tpu.memory_space<vmem>>, vector<1x1x16xi32>,
    %get3A_298 = vector.shape_cast %get3A_297 : vector<1x1x16xi32> to vector<16xi32>
    %shift_right_arithmetic3A_299 = arith.constant 11 : i32
    %shift_right_arithmetic3A_300 = vector.broadcast %shift_right_arithmetic3A_299 : i32 to vector<16xi32>
    %shift_right_arithmetic3A_301 = arith.shrsi %get3A_298, %shift_right_arithmetic3A_300 : vector<16xi32>
    %shift_left3A_302 = arith.constant 11 : i32
    %shift_left3A_303 = vector.broadcast %shift_left3A_302 : i32 to vector<16xi32>
    %shift_left3A_304 = arith.shli %shift_right_arithmetic3A_301, %shift_left3A_303 : vector<16xi32>
    %and3A_305 = arith.constant 1023 : i32
    %and3A_306 = vector.broadcast %and3A_305 : i32 to vector<16xi32>
    %and3A_307 = arith.andi %get3A_298, %and3A_306 : vector<16xi32>
    %shift_left3A_308 = arith.constant 1 : i32
    %shift_left3A_309 = vector.broadcast %shift_left3A_308 : i32 to vector<16xi32>
    %shift_left3A_310 = arith.shli %and3A_307, %shift_left3A_309 : vector<16xi32>
    %add3A_311 = arith.addi %shift_left3A_304, %shift_left3A_310 : vector<16xi32>
    %shift_right_arithmetic3A_312 = arith.constant 10 : i32
    %shift_right_arithmetic3A_313 = vector.broadcast %shift_right_arithmetic3A_312 : i32 to vector<16xi32>
    %shift_right_arithmetic3A_314 = arith.shrsi %get3A_298, %shift_right_arithmetic3A_313 : vector<16xi32>
    %and3A_315 = arith.constant 1 : i32
    %and3A_316 = vector.broadcast %and3A_315 : i32 to vector<16xi32>
    %and3A_317 = arith.andi %shift_right_arithmetic3A_314, %and3A_316 : vector<16xi32>
    %add3A_318 = arith.addi %add3A_311, %and3A_317 : vector<16xi32>
    %swap3A_319 = arith.constant 0 : i32
    %swap3A_320 = arith.constant 1 : i32
    %swap3A_321 = arith.index_cast %swap3A_319 : i32 to index
    %swap3A_322 = arith.index_cast %swap3A_320 : i32 to index
    %swap3A_323 = arith.constant 0 : index
    %swap3A_324 = tpu.vector_load %arg5[%swap3A_321, %swap3A_322, %swap3A_323] {strides = array<i32>} : memref<2x4x128xi32, #tpu.memory_space<vmem>>, vector<1x1x16xi32>,
    %swap3A_325 = vector.shape_cast %swap3A_324 : vector<1x1x16xi32> to vector<16xi32>
    %swap3A_326 = vector.shape_cast %add3A_318 : vector<16xi32> to vector<1x1x16xi32>
    tpu.vector_store %arg5[%swap3A_321, %swap3A_322, %swap3A_323], %swap3A_326 {strides = array<i32>} : memref<2x4x128xi32, #tpu.memory_space<vmem>>, vector<1x1x16xi32>,
    %get3A_327 = arith.constant 0 : i32
    %get3A_328 = arith.constant 1 : i32
    %get3A_329 = arith.index_cast %get3A_327 : i32 to index
    %get3A_330 = arith.index_cast %get3A_328 : i32 to index
    %get3A_331 = arith.constant 16 : index
    %get3A_332 = tpu.vector_load %arg5[%get3A_329, %get3A_330, %get3A_331] {strides = array<i32>} : memref<2x4x128xi32, #tpu.memory_space<vmem>>, vector<1x1x16xi32>,
    %get3A_333 = vector.shape_cast %get3A_332 : vector<1x1x16xi32> to vector<16xi32>
    %shift_right_arithmetic3A_334 = arith.constant 11 : i32
    %shift_right_arithmetic3A_335 = vector.broadcast %shift_right_arithmetic3A_334 : i32 to vector<16xi32>
    %shift_right_arithmetic3A_336 = arith.shrsi %get3A_333, %shift_right_arithmetic3A_335 : vector<16xi32>
    %shift_left3A_337 = arith.constant 11 : i32
    %shift_left3A_338 = vector.broadcast %shift_left3A_337 : i32 to vector<16xi32>
    %shift_left3A_339 = arith.shli %shift_right_arithmetic3A_336, %shift_left3A_338 : vector<16xi32>
    %and3A_340 = arith.constant 1023 : i32
    %and3A_341 = vector.broadcast %and3A_340 : i32 to vector<16xi32>
    %and3A_342 = arith.andi %get3A_333, %and3A_341 : vector<16xi32>
    %shift_left3A_343 = arith.constant 1 : i32
    %shift_left3A_344 = vector.broadcast %shift_left3A_343 : i32 to vector<16xi32>
    %shift_left3A_345 = arith.shli %and3A_342, %shift_left3A_344 : vector<16xi32>
    %add3A_346 = arith.addi %shift_left3A_339, %shift_left3A_345 : vector<16xi32>
    %shift_right_arithmetic3A_347 = arith.constant 10 : i32
    %shift_right_arithmetic3A_348 = vector.broadcast %shift_right_arithmetic3A_347 : i32 to vector<16xi32>
    %shift_right_arithmetic3A_349 = arith.shrsi %get3A_333, %shift_right_arithmetic3A_348 : vector<16xi32>
    %and3A_350 = arith.constant 1 : i32
    %and3A_351 = vector.broadcast %and3A_350 : i32 to vector<16xi32>
    %and3A_352 = arith.andi %shift_right_arithmetic3A_349, %and3A_351 : vector<16xi32>
    %add3A_353 = arith.addi %add3A_346, %and3A_352 : vector<16xi32>
    %swap3A_354 = arith.constant 0 : i32
    %swap3A_355 = arith.constant 1 : i32
    %swap3A_356 = arith.index_cast %swap3A_354 : i32 to index
    %swap3A_357 = arith.index_cast %swap3A_355 : i32 to index
    %swap3A_358 = arith.constant 16 : index
    %swap3A_359 = tpu.vector_load %arg5[%swap3A_356, %swap3A_357, %swap3A_358] {strides = array<i32>} : memref<2x4x128xi32, #tpu.memory_space<vmem>>, vector<1x1x16xi32>,
    %swap3A_360 = vector.shape_cast %swap3A_359 : vector<1x1x16xi32> to vector<16xi32>
    %swap3A_361 = vector.shape_cast %add3A_353 : vector<16xi32> to vector<1x1x16xi32>
    tpu.vector_store %arg5[%swap3A_356, %swap3A_357, %swap3A_358], %swap3A_361 {strides = array<i32>} : memref<2x4x128xi32, #tpu.memory_space<vmem>>, vector<1x1x16xi32>,
    %get3A_362 = arith.constant 0 : i32
    %get3A_363 = arith.constant 1 : i32
    %get3A_364 = arith.index_cast %get3A_362 : i32 to index
    %get3A_365 = arith.index_cast %get3A_363 : i32 to index
    %get3A_366 = arith.constant 32 : index
    %get3A_367 = tpu.vector_load %arg5[%get3A_364, %get3A_365, %get3A_366] {strides = array<i32>} : memref<2x4x128xi32, #tpu.memory_space<vmem>>, vector<1x1x16xi32>,
    %get3A_368 = vector.shape_cast %get3A_367 : vector<1x1x16xi32> to vector<16xi32>
    %shift_right_arithmetic3A_369 = arith.constant 11 : i32
    %shift_right_arithmetic3A_370 = vector.broadcast %shift_right_arithmetic3A_369 : i32 to vector<16xi32>
    %shift_right_arithmetic3A_371 = arith.shrsi %get3A_368, %shift_right_arithmetic3A_370 : vector<16xi32>
    %shift_left3A_372 = arith.constant 11 : i32
    %shift_left3A_373 = vector.broadcast %shift_left3A_372 : i32 to vector<16xi32>
    %shift_left3A_374 = arith.shli %shift_right_arithmetic3A_371, %shift_left3A_373 : vector<16xi32>
    %and3A_375 = arith.constant 1023 : i32
    %and3A_376 = vector.broadcast %and3A_375 : i32 to vector<16xi32>
    %and3A_377 = arith.andi %get3A_368, %and3A_376 : vector<16xi32>
    %shift_left3A_378 = arith.constant 1 : i32
    %shift_left3A_379 = vector.broadcast %shift_left3A_378 : i32 to vector<16xi32>
    %shift_left3A_380 = arith.shli %and3A_377, %shift_left3A_379 : vector<16xi32>
    %add3A_381 = arith.addi %shift_left3A_374, %shift_left3A_380 : vector<16xi32>
    %shift_right_arithmetic3A_382 = arith.constant 10 : i32
    %shift_right_arithmetic3A_383 = vector.broadcast %shift_right_arithmetic3A_382 : i32 to vector<16xi32>
    %shift_right_arithmetic3A_384 = arith.shrsi %get3A_368, %shift_right_arithmetic3A_383 : vector<16xi32>
    %and3A_385 = arith.constant 1 : i32
    %and3A_386 = vector.broadcast %and3A_385 : i32 to vector<16xi32>
    %and3A_387 = arith.andi %shift_right_arithmetic3A_384, %and3A_386 : vector<16xi32>
    %add3A_388 = arith.addi %add3A_381, %and3A_387 : vector<16xi32>
    %swap3A_389 = arith.constant 0 : i32
    %swap3A_390 = arith.constant 1 : i32
    %swap3A_391 = arith.index_cast %swap3A_389 : i32 to index
    %swap3A_392 = arith.index_cast %swap3A_390 : i32 to index
    %swap3A_393 = arith.constant 32 : index
    %swap3A_394 = tpu.vector_load %arg5[%swap3A_391, %swap3A_392, %swap3A_393] {strides = array<i32>} : memref<2x4x128xi32, #tpu.memory_space<vmem>>, vector<1x1x16xi32>,
    %swap3A_395 = vector.shape_cast %swap3A_394 : vector<1x1x16xi32> to vector<16xi32>
    %swap3A_396 = vector.shape_cast %add3A_388 : vector<16xi32> to vector<1x1x16xi32>
    tpu.vector_store %arg5[%swap3A_391, %swap3A_392, %swap3A_393], %swap3A_396 {strides = array<i32>} : memref<2x4x128xi32, #tpu.memory_space<vmem>>, vector<1x1x16xi32>,
    %get3A_397 = arith.constant 0 : i32
    %get3A_398 = arith.constant 1 : i32
    %get3A_399 = arith.index_cast %get3A_397 : i32 to index
    %get3A_400 = arith.index_cast %get3A_398 : i32 to index
    %get3A_401 = arith.constant 48 : index
    %get3A_402 = tpu.vector_load %arg5[%get3A_399, %get3A_400, %get3A_401] {strides = array<i32>} : memref<2x4x128xi32, #tpu.memory_space<vmem>>, vector<1x1x16xi32>,
    %get3A_403 = vector.shape_cast %get3A_402 : vector<1x1x16xi32> to vector<16xi32>
    %shift_right_arithmetic3A_404 = arith.constant 11 : i32
    %shift_right_arithmetic3A_405 = vector.broadcast %shift_right_arithmetic3A_404 : i32 to vector<16xi32>
    %shift_right_arithmetic3A_406 = arith.shrsi %get3A_403, %shift_right_arithmetic3A_405 : vector<16xi32>
    %shift_left3A_407 = arith.constant 11 : i32
    %shift_left3A_408 = vector.broadcast %shift_left3A_407 : i32 to vector<16xi32>
    %shift_left3A_409 = arith.shli %shift_right_arithmetic3A_406, %shift_left3A_408 : vector<16xi32>
    %and3A_410 = arith.constant 1023 : i32
    %and3A_411 = vector.broadcast %and3A_410 : i32 to vector<16xi32>
    %and3A_412 = arith.andi %get3A_403, %and3A_411 : vector<16xi32>
    %shift_left3A_413 = arith.constant 1 : i32
    %shift_left3A_414 = vector.broadcast %shift_left3A_413 : i32 to vector<16xi32>
    %shift_left3A_415 = arith.shli %and3A_412, %shift_left3A_414 : vector<16xi32>
    %add3A_416 = arith.addi %shift_left3A_409, %shift_left3A_415 : vector<16xi32>
    %shift_right_arithmetic3A_417 = arith.constant 10 : i32
    %shift_right_arithmetic3A_418 = vector.broadcast %shift_right_arithmetic3A_417 : i32 to vector<16xi32>
    %shift_right_arithmetic3A_419 = arith.shrsi %get3A_403, %shift_right_arithmetic3A_418 : vector<16xi32>
    %and3A_420 = arith.constant 1 : i32
    %and3A_421 = vector.broadcast %and3A_420 : i32 to vector<16xi32>
    %and3A_422 = arith.andi %shift_right_arithmetic3A_419, %and3A_421 : vector<16xi32>
    %add3A_423 = arith.addi %add3A_416, %and3A_422 : vector<16xi32>
    %swap3A_424 = arith.constant 0 : i32
    %swap3A_425 = arith.constant 1 : i32
    %swap3A_426 = arith.index_cast %swap3A_424 : i32 to index
    %swap3A_427 = arith.index_cast %swap3A_425 : i32 to index
    %swap3A_428 = arith.constant 48 : index
    %swap3A_429 = tpu.vector_load %arg5[%swap3A_426, %swap3A_427, %swap3A_428] {strides = array<i32>} : memref<2x4x128xi32, #tpu.memory_space<vmem>>, vector<1x1x16xi32>,
    %swap3A_430 = vector.shape_cast %swap3A_429 : vector<1x1x16xi32> to vector<16xi32>
    %swap3A_431 = vector.shape_cast %add3A_423 : vector<16xi32> to vector<1x1x16xi32>
    tpu.vector_store %arg5[%swap3A_426, %swap3A_427, %swap3A_428], %swap3A_431 {strides = array<i32>} : memref<2x4x128xi32, #tpu.memory_space<vmem>>, vector<1x1x16xi32>,
    %get3A_432 = arith.constant 0 : i32
    %get3A_433 = arith.constant 1 : i32
    %get3A_434 = arith.index_cast %get3A_432 : i32 to index
    %get3A_435 = arith.index_cast %get3A_433 : i32 to index
    %get3A_436 = arith.constant 64 : index
    %get3A_437 = tpu.vector_load %arg5[%get3A_434, %get3A_435, %get3A_436] {strides = array<i32>} : memref<2x4x128xi32, #tpu.memory_space<vmem>>, vector<1x1x16xi32>,
    %get3A_438 = vector.shape_cast %get3A_437 : vector<1x1x16xi32> to vector<16xi32>
    %shift_right_arithmetic3A_439 = arith.constant 11 : i32
    %shift_right_arithmetic3A_440 = vector.broadcast %shift_right_arithmetic3A_439 : i32 to vector<16xi32>
    %shift_right_arithmetic3A_441 = arith.shrsi %get3A_438, %shift_right_arithmetic3A_440 : vector<16xi32>
    %shift_left3A_442 = arith.constant 11 : i32
    %shift_left3A_443 = vector.broadcast %shift_left3A_442 : i32 to vector<16xi32>
    %shift_left3A_444 = arith.shli %shift_right_arithmetic3A_441, %shift_left3A_443 : vector<16xi32>
    %and3A_445 = arith.constant 1023 : i32
    %and3A_446 = vector.broadcast %and3A_445 : i32 to vector<16xi32>
    %and3A_447 = arith.andi %get3A_438, %and3A_446 : vector<16xi32>
    %shift_left3A_448 = arith.constant 1 : i32
    %shift_left3A_449 = vector.broadcast %shift_left3A_448 : i32 to vector<16xi32>
    %shift_left3A_450 = arith.shli %and3A_447, %shift_left3A_449 : vector<16xi32>
    %add3A_451 = arith.addi %shift_left3A_444, %shift_left3A_450 : vector<16xi32>
    %shift_right_arithmetic3A_452 = arith.constant 10 : i32
    %shift_right_arithmetic3A_453 = vector.broadcast %shift_right_arithmetic3A_452 : i32 to vector<16xi32>
    %shift_right_arithmetic3A_454 = arith.shrsi %get3A_438, %shift_right_arithmetic3A_453 : vector<16xi32>
    %and3A_455 = arith.constant 1 : i32
    %and3A_456 = vector.broadcast %and3A_455 : i32 to vector<16xi32>
    %and3A_457 = arith.andi %shift_right_arithmetic3A_454, %and3A_456 : vector<16xi32>
    %add3A_458 = arith.addi %add3A_451, %and3A_457 : vector<16xi32>
    %swap3A_459 = arith.constant 0 : i32
    %swap3A_460 = arith.constant 1 : i32
    %swap3A_461 = arith.index_cast %swap3A_459 : i32 to index
    %swap3A_462 = arith.index_cast %swap3A_460 : i32 to index
    %swap3A_463 = arith.constant 64 : index
    %swap3A_464 = tpu.vector_load %arg5[%swap3A_461, %swap3A_462, %swap3A_463] {strides = array<i32>} : memref<2x4x128xi32, #tpu.memory_space<vmem>>, vector<1x1x16xi32>,
    %swap3A_465 = vector.shape_cast %swap3A_464 : vector<1x1x16xi32> to vector<16xi32>
    %swap3A_466 = vector.shape_cast %add3A_458 : vector<16xi32> to vector<1x1x16xi32>
    tpu.vector_store %arg5[%swap3A_461, %swap3A_462, %swap3A_463], %swap3A_466 {strides = array<i32>} : memref<2x4x128xi32, #tpu.memory_space<vmem>>, vector<1x1x16xi32>,
    %get3A_467 = arith.constant 0 : i32
    %get3A_468 = arith.constant 1 : i32
    %get3A_469 = arith.index_cast %get3A_467 : i32 to index
    %get3A_470 = arith.index_cast %get3A_468 : i32 to index
    %get3A_471 = arith.constant 80 : index
    %get3A_472 = tpu.vector_load %arg5[%get3A_469, %get3A_470, %get3A_471] {strides = array<i32>} : memref<2x4x128xi32, #tpu.memory_space<vmem>>, vector<1x1x16xi32>,
    %get3A_473 = vector.shape_cast %get3A_472 : vector<1x1x16xi32> to vector<16xi32>
    %shift_right_arithmetic3A_474 = arith.constant 11 : i32
    %shift_right_arithmetic3A_475 = vector.broadcast %shift_right_arithmetic3A_474 : i32 to vector<16xi32>
    %shift_right_arithmetic3A_476 = arith.shrsi %get3A_473, %shift_right_arithmetic3A_475 : vector<16xi32>
    %shift_left3A_477 = arith.constant 11 : i32
    %shift_left3A_478 = vector.broadcast %shift_left3A_477 : i32 to vector<16xi32>
    %shift_left3A_479 = arith.shli %shift_right_arithmetic3A_476, %shift_left3A_478 : vector<16xi32>
    %and3A_480 = arith.constant 1023 : i32
    %and3A_481 = vector.broadcast %and3A_480 : i32 to vector<16xi32>
    %and3A_482 = arith.andi %get3A_473, %and3A_481 : vector<16xi32>
    %shift_left3A_483 = arith.constant 1 : i32
    %shift_left3A_484 = vector.broadcast %shift_left3A_483 : i32 to vector<16xi32>
    %shift_left3A_485 = arith.shli %and3A_482, %shift_left3A_484 : vector<16xi32>
    %add3A_486 = arith.addi %shift_left3A_479, %shift_left3A_485 : vector<16xi32>
    %shift_right_arithmetic3A_487 = arith.constant 10 : i32
    %shift_right_arithmetic3A_488 = vector.broadcast %shift_right_arithmetic3A_487 : i32 to vector<16xi32>
    %shift_right_arithmetic3A_489 = arith.shrsi %get3A_473, %shift_right_arithmetic3A_488 : vector<16xi32>
    %and3A_490 = arith.constant 1 : i32
    %and3A_491 = vector.broadcast %and3A_490 : i32 to vector<16xi32>
    %and3A_492 = arith.andi %shift_right_arithmetic3A_489, %and3A_491 : vector<16xi32>
    %add3A_493 = arith.addi %add3A_486, %and3A_492 : vector<16xi32>
    %swap3A_494 = arith.constant 0 : i32
    %swap3A_495 = arith.constant 1 : i32
    %swap3A_496 = arith.index_cast %swap3A_494 : i32 to index
    %swap3A_497 = arith.index_cast %swap3A_495 : i32 to index
    %swap3A_498 = arith.constant 80 : index
    %swap3A_499 = tpu.vector_load %arg5[%swap3A_496, %swap3A_497, %swap3A_498] {strides = array<i32>} : memref<2x4x128xi32, #tpu.memory_space<vmem>>, vector<1x1x16xi32>,
    %swap3A_500 = vector.shape_cast %swap3A_499 : vector<1x1x16xi32> to vector<16xi32>
    %swap3A_501 = vector.shape_cast %add3A_493 : vector<16xi32> to vector<1x1x16xi32>
    tpu.vector_store %arg5[%swap3A_496, %swap3A_497, %swap3A_498], %swap3A_501 {strides = array<i32>} : memref<2x4x128xi32, #tpu.memory_space<vmem>>, vector<1x1x16xi32>,
    %get3A_502 = arith.constant 0 : i32
    %get3A_503 = arith.constant 1 : i32
    %get3A_504 = arith.index_cast %get3A_502 : i32 to index
    %get3A_505 = arith.index_cast %get3A_503 : i32 to index
    %get3A_506 = arith.constant 96 : index
    %get3A_507 = tpu.vector_load %arg5[%get3A_504, %get3A_505, %get3A_506] {strides = array<i32>} : memref<2x4x128xi32, #tpu.memory_space<vmem>>, vector<1x1x16xi32>,
    %get3A_508 = vector.shape_cast %get3A_507 : vector<1x1x16xi32> to vector<16xi32>
    %shift_right_arithmetic3A_509 = arith.constant 11 : i32
    %shift_right_arithmetic3A_510 = vector.broadcast %shift_right_arithmetic3A_509 : i32 to vector<16xi32>
    %shift_right_arithmetic3A_511 = arith.shrsi %get3A_508, %shift_right_arithmetic3A_510 : vector<16xi32>
    %shift_left3A_512 = arith.constant 11 : i32
    %shift_left3A_513 = vector.broadcast %shift_left3A_512 : i32 to vector<16xi32>
    %shift_left3A_514 = arith.shli %shift_right_arithmetic3A_511, %shift_left3A_513 : vector<16xi32>
    %and3A_515 = arith.constant 1023 : i32
    %and3A_516 = vector.broadcast %and3A_515 : i32 to vector<16xi32>
    %and3A_517 = arith.andi %get3A_508, %and3A_516 : vector<16xi32>
    %shift_left3A_518 = arith.constant 1 : i32
    %shift_left3A_519 = vector.broadcast %shift_left3A_518 : i32 to vector<16xi32>
    %shift_left3A_520 = arith.shli %and3A_517, %shift_left3A_519 : vector<16xi32>
    %add3A_521 = arith.addi %shift_left3A_514, %shift_left3A_520 : vector<16xi32>
    %shift_right_arithmetic3A_522 = arith.constant 10 : i32
    %shift_right_arithmetic3A_523 = vector.broadcast %shift_right_arithmetic3A_522 : i32 to vector<16xi32>
    %shift_right_arithmetic3A_524 = arith.shrsi %get3A_508, %shift_right_arithmetic3A_523 : vector<16xi32>
    %and3A_525 = arith.constant 1 : i32
    %and3A_526 = vector.broadcast %and3A_525 : i32 to vector<16xi32>
    %and3A_527 = arith.andi %shift_right_arithmetic3A_524, %and3A_526 : vector<16xi32>
    %add3A_528 = arith.addi %add3A_521, %and3A_527 : vector<16xi32>
    %swap3A_529 = arith.constant 0 : i32
    %swap3A_530 = arith.constant 1 : i32
    %swap3A_531 = arith.index_cast %swap3A_529 : i32 to index
    %swap3A_532 = arith.index_cast %swap3A_530 : i32 to index
    %swap3A_533 = arith.constant 96 : index
    %swap3A_534 = tpu.vector_load %arg5[%swap3A_531, %swap3A_532, %swap3A_533] {strides = array<i32>} : memref<2x4x128xi32, #tpu.memory_space<vmem>>, vector<1x1x16xi32>,
    %swap3A_535 = vector.shape_cast %swap3A_534 : vector<1x1x16xi32> to vector<16xi32>
    %swap3A_536 = vector.shape_cast %add3A_528 : vector<16xi32> to vector<1x1x16xi32>
    tpu.vector_store %arg5[%swap3A_531, %swap3A_532, %swap3A_533], %swap3A_536 {strides = array<i32>} : memref<2x4x128xi32, #tpu.memory_space<vmem>>, vector<1x1x16xi32>,
    %get3A_537 = arith.constant 0 : i32
    %get3A_538 = arith.constant 1 : i32
    %get3A_539 = arith.index_cast %get3A_537 : i32 to index
    %get3A_540 = arith.index_cast %get3A_538 : i32 to index
    %get3A_541 = arith.constant 112 : index
    %get3A_542 = tpu.vector_load %arg5[%get3A_539, %get3A_540, %get3A_541] {strides = array<i32>} : memref<2x4x128xi32, #tpu.memory_space<vmem>>, vector<1x1x16xi32>,
    %get3A_543 = vector.shape_cast %get3A_542 : vector<1x1x16xi32> to vector<16xi32>
    %shift_right_arithmetic3A_544 = arith.constant 11 : i32
    %shift_right_arithmetic3A_545 = vector.broadcast %shift_right_arithmetic3A_544 : i32 to vector<16xi32>
    %shift_right_arithmetic3A_546 = arith.shrsi %get3A_543, %shift_right_arithmetic3A_545 : vector<16xi32>
    %shift_left3A_547 = arith.constant 11 : i32
    %shift_left3A_548 = vector.broadcast %shift_left3A_547 : i32 to vector<16xi32>
    %shift_left3A_549 = arith.shli %shift_right_arithmetic3A_546, %shift_left3A_548 : vector<16xi32>
    %and3A_550 = arith.constant 1023 : i32
    %and3A_551 = vector.broadcast %and3A_550 : i32 to vector<16xi32>
    %and3A_552 = arith.andi %get3A_543, %and3A_551 : vector<16xi32>
    %shift_left3A_553 = arith.constant 1 : i32
    %shift_left3A_554 = vector.broadcast %shift_left3A_553 : i32 to vector<16xi32>
    %shift_left3A_555 = arith.shli %and3A_552, %shift_left3A_554 : vector<16xi32>
    %add3A_556 = arith.addi %shift_left3A_549, %shift_left3A_555 : vector<16xi32>
    %shift_right_arithmetic3A_557 = arith.constant 10 : i32
    %shift_right_arithmetic3A_558 = vector.broadcast %shift_right_arithmetic3A_557 : i32 to vector<16xi32>
    %shift_right_arithmetic3A_559 = arith.shrsi %get3A_543, %shift_right_arithmetic3A_558 : vector<16xi32>
    %and3A_560 = arith.constant 1 : i32
    %and3A_561 = vector.broadcast %and3A_560 : i32 to vector<16xi32>
    %and3A_562 = arith.andi %shift_right_arithmetic3A_559, %and3A_561 : vector<16xi32>
    %add3A_563 = arith.addi %add3A_556, %and3A_562 : vector<16xi32>
    %swap3A_564 = arith.constant 0 : i32
    %swap3A_565 = arith.constant 1 : i32
    %swap3A_566 = arith.index_cast %swap3A_564 : i32 to index
    %swap3A_567 = arith.index_cast %swap3A_565 : i32 to index
    %swap3A_568 = arith.constant 112 : index
    %swap3A_569 = tpu.vector_load %arg5[%swap3A_566, %swap3A_567, %swap3A_568] {strides = array<i32>} : memref<2x4x128xi32, #tpu.memory_space<vmem>>, vector<1x1x16xi32>,
    %swap3A_570 = vector.shape_cast %swap3A_569 : vector<1x1x16xi32> to vector<16xi32>
    %swap3A_571 = vector.shape_cast %add3A_563 : vector<16xi32> to vector<1x1x16xi32>
    tpu.vector_store %arg5[%swap3A_566, %swap3A_567, %swap3A_568], %swap3A_571 {strides = array<i32>} : memref<2x4x128xi32, #tpu.memory_space<vmem>>, vector<1x1x16xi32>,
    %get3A_572 = arith.constant 0 : i32
    %get3A_573 = arith.constant 2 : i32
    %get3A_574 = arith.index_cast %get3A_572 : i32 to index
    %get3A_575 = arith.index_cast %get3A_573 : i32 to index
    %get3A_576 = arith.constant 0 : index
    %get3A_577 = tpu.vector_load %arg5[%get3A_574, %get3A_575, %get3A_576] {strides = array<i32>} : memref<2x4x128xi32, #tpu.memory_space<vmem>>, vector<1x1x16xi32>,
    %get3A_578 = vector.shape_cast %get3A_577 : vector<1x1x16xi32> to vector<16xi32>
    %shift_right_arithmetic3A_579 = arith.constant 11 : i32
    %shift_right_arithmetic3A_580 = vector.broadcast %shift_right_arithmetic3A_579 : i32 to vector<16xi32>
    %shift_right_arithmetic3A_581 = arith.shrsi %get3A_578, %shift_right_arithmetic3A_580 : vector<16xi32>
    %shift_left3A_582 = arith.constant 11 : i32
    %shift_left3A_583 = vector.broadcast %shift_left3A_582 : i32 to vector<16xi32>
    %shift_left3A_584 = arith.shli %shift_right_arithmetic3A_581, %shift_left3A_583 : vector<16xi32>
    %and3A_585 = arith.constant 1023 : i32
    %and3A_586 = vector.broadcast %and3A_585 : i32 to vector<16xi32>
    %and3A_587 = arith.andi %get3A_578, %and3A_586 : vector<16xi32>
    %shift_left3A_588 = arith.constant 1 : i32
    %shift_left3A_589 = vector.broadcast %shift_left3A_588 : i32 to vector<16xi32>
    %shift_left3A_590 = arith.shli %and3A_587, %shift_left3A_589 : vector<16xi32>
    %add3A_591 = arith.addi %shift_left3A_584, %shift_left3A_590 : vector<16xi32>
    %shift_right_arithmetic3A_592 = arith.constant 10 : i32
    %shift_right_arithmetic3A_593 = vector.broadcast %shift_right_arithmetic3A_592 : i32 to vector<16xi32>
    %shift_right_arithmetic3A_594 = arith.shrsi %get3A_578, %shift_right_arithmetic3A_593 : vector<16xi32>
    %and3A_595 = arith.constant 1 : i32
    %and3A_596 = vector.broadcast %and3A_595 : i32 to vector<16xi32>
    %and3A_597 = arith.andi %shift_right_arithmetic3A_594, %and3A_596 : vector<16xi32>
    %add3A_598 = arith.addi %add3A_591, %and3A_597 : vector<16xi32>
    %swap3A_599 = arith.constant 0 : i32
    %swap3A_600 = arith.constant 2 : i32
    %swap3A_601 = arith.index_cast %swap3A_599 : i32 to index
    %swap3A_602 = arith.index_cast %swap3A_600 : i32 to index
    %swap3A_603 = arith.constant 0 : index
    %swap3A_604 = tpu.vector_load %arg5[%swap3A_601, %swap3A_602, %swap3A_603] {strides = array<i32>} : memref<2x4x128xi32, #tpu.memory_space<vmem>>, vector<1x1x16xi32>,
    %swap3A_605 = vector.shape_cast %swap3A_604 : vector<1x1x16xi32> to vector<16xi32>
    %swap3A_606 = vector.shape_cast %add3A_598 : vector<16xi32> to vector<1x1x16xi32>
    tpu.vector_store %arg5[%swap3A_601, %swap3A_602, %swap3A_603], %swap3A_606 {strides = array<i32>} : memref<2x4x128xi32, #tpu.memory_space<vmem>>, vector<1x1x16xi32>,
    %get3A_607 = arith.constant 0 : i32
    %get3A_608 = arith.constant 2 : i32
    %get3A_609 = arith.index_cast %get3A_607 : i32 to index
    %get3A_610 = arith.index_cast %get3A_608 : i32 to index
    %get3A_611 = arith.constant 16 : index
    %get3A_612 = tpu.vector_load %arg5[%get3A_609, %get3A_610, %get3A_611] {strides = array<i32>} : memref<2x4x128xi32, #tpu.memory_space<vmem>>, vector<1x1x16xi32>,
    %get3A_613 = vector.shape_cast %get3A_612 : vector<1x1x16xi32> to vector<16xi32>
    %shift_right_arithmetic3A_614 = arith.constant 11 : i32
    %shift_right_arithmetic3A_615 = vector.broadcast %shift_right_arithmetic3A_614 : i32 to vector<16xi32>
    %shift_right_arithmetic3A_616 = arith.shrsi %get3A_613, %shift_right_arithmetic3A_615 : vector<16xi32>
    %shift_left3A_617 = arith.constant 11 : i32
    %shift_left3A_618 = vector.broadcast %shift_left3A_617 : i32 to vector<16xi32>
    %shift_left3A_619 = arith.shli %shift_right_arithmetic3A_616, %shift_left3A_618 : vector<16xi32>
    %and3A_620 = arith.constant 1023 : i32
    %and3A_621 = vector.broadcast %and3A_620 : i32 to vector<16xi32>
    %and3A_622 = arith.andi %get3A_613, %and3A_621 : vector<16xi32>
    %shift_left3A_623 = arith.constant 1 : i32
    %shift_left3A_624 = vector.broadcast %shift_left3A_623 : i32 to vector<16xi32>
    %shift_left3A_625 = arith.shli %and3A_622, %shift_left3A_624 : vector<16xi32>
    %add3A_626 = arith.addi %shift_left3A_619, %shift_left3A_625 : vector<16xi32>
    %shift_right_arithmetic3A_627 = arith.constant 10 : i32
    %shift_right_arithmetic3A_628 = vector.broadcast %shift_right_arithmetic3A_627 : i32 to vector<16xi32>
    %shift_right_arithmetic3A_629 = arith.shrsi %get3A_613, %shift_right_arithmetic3A_628 : vector<16xi32>
    %and3A_630 = arith.constant 1 : i32
    %and3A_631 = vector.broadcast %and3A_630 : i32 to vector<16xi32>
    %and3A_632 = arith.andi %shift_right_arithmetic3A_629, %and3A_631 : vector<16xi32>
    %add3A_633 = arith.addi %add3A_626, %and3A_632 : vector<16xi32>
    %swap3A_634 = arith.constant 0 : i32
    %swap3A_635 = arith.constant 2 : i32
    %swap3A_636 = arith.index_cast %swap3A_634 : i32 to index
    %swap3A_637 = arith.index_cast %swap3A_635 : i32 to index
    %swap3A_638 = arith.constant 16 : index
    %swap3A_639 = tpu.vector_load %arg5[%swap3A_636, %swap3A_637, %swap3A_638] {strides = array<i32>} : memref<2x4x128xi32, #tpu.memory_space<vmem>>, vector<1x1x16xi32>,
    %swap3A_640 = vector.shape_cast %swap3A_639 : vector<1x1x16xi32> to vector<16xi32>
    %swap3A_641 = vector.shape_cast %add3A_633 : vector<16xi32> to vector<1x1x16xi32>
    tpu.vector_store %arg5[%swap3A_636, %swap3A_637, %swap3A_638], %swap3A_641 {strides = array<i32>} : memref<2x4x128xi32, #tpu.memory_space<vmem>>, vector<1x1x16xi32>,
    %get3A_642 = arith.constant 0 : i32
    %get3A_643 = arith.constant 2 : i32
    %get3A_644 = arith.index_cast %get3A_642 : i32 to index
    %get3A_645 = arith.index_cast %get3A_643 : i32 to index
    %get3A_646 = arith.constant 32 : index
    %get3A_647 = tpu.vector_load %arg5[%get3A_644, %get3A_645, %get3A_646] {strides = array<i32>} : memref<2x4x128xi32, #tpu.memory_space<vmem>>, vector<1x1x16xi32>,
    %get3A_648 = vector.shape_cast %get3A_647 : vector<1x1x16xi32> to vector<16xi32>
    %shift_right_arithmetic3A_649 = arith.constant 11 : i32
    %shift_right_arithmetic3A_650 = vector.broadcast %shift_right_arithmetic3A_649 : i32 to vector<16xi32>
    %shift_right_arithmetic3A_651 = arith.shrsi %get3A_648, %shift_right_arithmetic3A_650 : vector<16xi32>
    %shift_left3A_652 = arith.constant 11 : i32
    %shift_left3A_653 = vector.broadcast %shift_left3A_652 : i32 to vector<16xi32>
    %shift_left3A_654 = arith.shli %shift_right_arithmetic3A_651, %shift_left3A_653 : vector<16xi32>
    %and3A_655 = arith.constant 1023 : i32
    %and3A_656 = vector.broadcast %and3A_655 : i32 to vector<16xi32>
    %and3A_657 = arith.andi %get3A_648, %and3A_656 : vector<16xi32>
    %shift_left3A_658 = arith.constant 1 : i32
    %shift_left3A_659 = vector.broadcast %shift_left3A_658 : i32 to vector<16xi32>
    %shift_left3A_660 = arith.shli %and3A_657, %shift_left3A_659 : vector<16xi32>
    %add3A_661 = arith.addi %shift_left3A_654, %shift_left3A_660 : vector<16xi32>
    %shift_right_arithmetic3A_662 = arith.constant 10 : i32
    %shift_right_arithmetic3A_663 = vector.broadcast %shift_right_arithmetic3A_662 : i32 to vector<16xi32>
    %shift_right_arithmetic3A_664 = arith.shrsi %get3A_648, %shift_right_arithmetic3A_663 : vector<16xi32>
    %and3A_665 = arith.constant 1 : i32
    %and3A_666 = vector.broadcast %and3A_665 : i32 to vector<16xi32>
    %and3A_667 = arith.andi %shift_right_arithmetic3A_664, %and3A_666 : vector<16xi32>
    %add3A_668 = arith.addi %add3A_661, %and3A_667 : vector<16xi32>
    %swap3A_669 = arith.constant 0 : i32
    %swap3A_670 = arith.constant 2 : i32
    %swap3A_671 = arith.index_cast %swap3A_669 : i32 to index
    %swap3A_672 = arith.index_cast %swap3A_670 : i32 to index
    %swap3A_673 = arith.constant 32 : index
    %swap3A_674 = tpu.vector_load %arg5[%swap3A_671, %swap3A_672, %swap3A_673] {strides = array<i32>} : memref<2x4x128xi32, #tpu.memory_space<vmem>>, vector<1x1x16xi32>,
    %swap3A_675 = vector.shape_cast %swap3A_674 : vector<1x1x16xi32> to vector<16xi32>
    %swap3A_676 = vector.shape_cast %add3A_668 : vector<16xi32> to vector<1x1x16xi32>
    tpu.vector_store %arg5[%swap3A_671, %swap3A_672, %swap3A_673], %swap3A_676 {strides = array<i32>} : memref<2x4x128xi32, #tpu.memory_space<vmem>>, vector<1x1x16xi32>,
    %get3A_677 = arith.constant 0 : i32
    %get3A_678 = arith.constant 2 : i32
    %get3A_679 = arith.index_cast %get3A_677 : i32 to index
    %get3A_680 = arith.index_cast %get3A_678 : i32 to index
    %get3A_681 = arith.constant 48 : index
    %get3A_682 = tpu.vector_load %arg5[%get3A_679, %get3A_680, %get3A_681] {strides = array<i32>} : memref<2x4x128xi32, #tpu.memory_space<vmem>>, vector<1x1x16xi32>,
    %get3A_683 = vector.shape_cast %get3A_682 : vector<1x1x16xi32> to vector<16xi32>
    %shift_right_arithmetic3A_684 = arith.constant 11 : i32
    %shift_right_arithmetic3A_685 = vector.broadcast %shift_right_arithmetic3A_684 : i32 to vector<16xi32>
    %shift_right_arithmetic3A_686 = arith.shrsi %get3A_683, %shift_right_arithmetic3A_685 : vector<16xi32>
    %shift_left3A_687 = arith.constant 11 : i32
    %shift_left3A_688 = vector.broadcast %shift_left3A_687 : i32 to vector<16xi32>
    %shift_left3A_689 = arith.shli %shift_right_arithmetic3A_686, %shift_left3A_688 : vector<16xi32>
    %and3A_690 = arith.constant 1023 : i32
    %and3A_691 = vector.broadcast %and3A_690 : i32 to vector<16xi32>
    %and3A_692 = arith.andi %get3A_683, %and3A_691 : vector<16xi32>
    %shift_left3A_693 = arith.constant 1 : i32
    %shift_left3A_694 = vector.broadcast %shift_left3A_693 : i32 to vector<16xi32>
    %shift_left3A_695 = arith.shli %and3A_692, %shift_left3A_694 : vector<16xi32>
    %add3A_696 = arith.addi %shift_left3A_689, %shift_left3A_695 : vector<16xi32>
    %shift_right_arithmetic3A_697 = arith.constant 10 : i32
    %shift_right_arithmetic3A_698 = vector.broadcast %shift_right_arithmetic3A_697 : i32 to vector<16xi32>
    %shift_right_arithmetic3A_699 = arith.shrsi %get3A_683, %shift_right_arithmetic3A_698 : vector<16xi32>
    %and3A_700 = arith.constant 1 : i32
    %and3A_701 = vector.broadcast %and3A_700 : i32 to vector<16xi32>
    %and3A_702 = arith.andi %shift_right_arithmetic3A_699, %and3A_701 : vector<16xi32>
    %add3A_703 = arith.addi %add3A_696, %and3A_702 : vector<16xi32>
    %swap3A_704 = arith.constant 0 : i32
    %swap3A_705 = arith.constant 2 : i32
    %swap3A_706 = arith.index_cast %swap3A_704 : i32 to index
    %swap3A_707 = arith.index_cast %swap3A_705 : i32 to index
    %swap3A_708 = arith.constant 48 : index
    %swap3A_709 = tpu.vector_load %arg5[%swap3A_706, %swap3A_707, %swap3A_708] {strides = array<i32>} : memref<2x4x128xi32, #tpu.memory_space<vmem>>, vector<1x1x16xi32>,
    %swap3A_710 = vector.shape_cast %swap3A_709 : vector<1x1x16xi32> to vector<16xi32>
    %swap3A_711 = vector.shape_cast %add3A_703 : vector<16xi32> to vector<1x1x16xi32>
    tpu.vector_store %arg5[%swap3A_706, %swap3A_707, %swap3A_708], %swap3A_711 {strides = array<i32>} : memref<2x4x128xi32, #tpu.memory_space<vmem>>, vector<1x1x16xi32>,
    %get3A_712 = arith.constant 0 : i32
    %get3A_713 = arith.constant 2 : i32
    %get3A_714 = arith.index_cast %get3A_712 : i32 to index
    %get3A_715 = arith.index_cast %get3A_713 : i32 to index
    %get3A_716 = arith.constant 64 : index
    %get3A_717 = tpu.vector_load %arg5[%get3A_714, %get3A_715, %get3A_716] {strides = array<i32>} : memref<2x4x128xi32, #tpu.memory_space<vmem>>, vector<1x1x16xi32>,
    %get3A_718 = vector.shape_cast %get3A_717 : vector<1x1x16xi32> to vector<16xi32>
    %shift_right_arithmetic3A_719 = arith.constant 11 : i32
    %shift_right_arithmetic3A_720 = vector.broadcast %shift_right_arithmetic3A_719 : i32 to vector<16xi32>
    %shift_right_arithmetic3A_721 = arith.shrsi %get3A_718, %shift_right_arithmetic3A_720 : vector<16xi32>
    %shift_left3A_722 = arith.constant 11 : i32
    %shift_left3A_723 = vector.broadcast %shift_left3A_722 : i32 to vector<16xi32>
    %shift_left3A_724 = arith.shli %shift_right_arithmetic3A_721, %shift_left3A_723 : vector<16xi32>
    %and3A_725 = arith.constant 1023 : i32
    %and3A_726 = vector.broadcast %and3A_725 : i32 to vector<16xi32>
    %and3A_727 = arith.andi %get3A_718, %and3A_726 : vector<16xi32>
    %shift_left3A_728 = arith.constant 1 : i32
    %shift_left3A_729 = vector.broadcast %shift_left3A_728 : i32 to vector<16xi32>
    %shift_left3A_730 = arith.shli %and3A_727, %shift_left3A_729 : vector<16xi32>
    %add3A_731 = arith.addi %shift_left3A_724, %shift_left3A_730 : vector<16xi32>
    %shift_right_arithmetic3A_732 = arith.constant 10 : i32
    %shift_right_arithmetic3A_733 = vector.broadcast %shift_right_arithmetic3A_732 : i32 to vector<16xi32>
    %shift_right_arithmetic3A_734 = arith.shrsi %get3A_718, %shift_right_arithmetic3A_733 : vector<16xi32>
    %and3A_735 = arith.constant 1 : i32
    %and3A_736 = vector.broadcast %and3A_735 : i32 to vector<16xi32>
    %and3A_737 = arith.andi %shift_right_arithmetic3A_734, %and3A_736 : vector<16xi32>
    %add3A_738 = arith.addi %add3A_731, %and3A_737 : vector<16xi32>
    %swap3A_739 = arith.constant 0 : i32
    %swap3A_740 = arith.constant 2 : i32
    %swap3A_741 = arith.index_cast %swap3A_739 : i32 to index
    %swap3A_742 = arith.index_cast %swap3A_740 : i32 to index
    %swap3A_743 = arith.constant 64 : index
    %swap3A_744 = tpu.vector_load %arg5[%swap3A_741, %swap3A_742, %swap3A_743] {strides = array<i32>} : memref<2x4x128xi32, #tpu.memory_space<vmem>>, vector<1x1x16xi32>,
    %swap3A_745 = vector.shape_cast %swap3A_744 : vector<1x1x16xi32> to vector<16xi32>
    %swap3A_746 = vector.shape_cast %add3A_738 : vector<16xi32> to vector<1x1x16xi32>
    tpu.vector_store %arg5[%swap3A_741, %swap3A_742, %swap3A_743], %swap3A_746 {strides = array<i32>} : memref<2x4x128xi32, #tpu.memory_space<vmem>>, vector<1x1x16xi32>,
    %get3A_747 = arith.constant 0 : i32
    %get3A_748 = arith.constant 2 : i32
    %get3A_749 = arith.index_cast %get3A_747 : i32 to index
    %get3A_750 = arith.index_cast %get3A_748 : i32 to index
    %get3A_751 = arith.constant 80 : index
    %get3A_752 = tpu.vector_load %arg5[%get3A_749, %get3A_750, %get3A_751] {strides = array<i32>} : memref<2x4x128xi32, #tpu.memory_space<vmem>>, vector<1x1x16xi32>,
    %get3A_753 = vector.shape_cast %get3A_752 : vector<1x1x16xi32> to vector<16xi32>
    %shift_right_arithmetic3A_754 = arith.constant 11 : i32
    %shift_right_arithmetic3A_755 = vector.broadcast %shift_right_arithmetic3A_754 : i32 to vector<16xi32>
    %shift_right_arithmetic3A_756 = arith.shrsi %get3A_753, %shift_right_arithmetic3A_755 : vector<16xi32>
    %shift_left3A_757 = arith.constant 11 : i32
    %shift_left3A_758 = vector.broadcast %shift_left3A_757 : i32 to vector<16xi32>
    %shift_left3A_759 = arith.shli %shift_right_arithmetic3A_756, %shift_left3A_758 : vector<16xi32>
    %and3A_760 = arith.constant 1023 : i32
    %and3A_761 = vector.broadcast %and3A_760 : i32 to vector<16xi32>
    %and3A_762 = arith.andi %get3A_753, %and3A_761 : vector<16xi32>
    %shift_left3A_763 = arith.constant 1 : i32
    %shift_left3A_764 = vector.broadcast %shift_left3A_763 : i32 to vector<16xi32>
    %shift_left3A_765 = arith.shli %and3A_762, %shift_left3A_764 : vector<16xi32>
    %add3A_766 = arith.addi %shift_left3A_759, %shift_left3A_765 : vector<16xi32>
    %shift_right_arithmetic3A_767 = arith.constant 10 : i32
    %shift_right_arithmetic3A_768 = vector.broadcast %shift_right_arithmetic3A_767 : i32 to vector<16xi32>
    %shift_right_arithmetic3A_769 = arith.shrsi %get3A_753, %shift_right_arithmetic3A_768 : vector<16xi32>
    %and3A_770 = arith.constant 1 : i32
    %and3A_771 = vector.broadcast %and3A_770 : i32 to vector<16xi32>
    %and3A_772 = arith.andi %shift_right_arithmetic3A_769, %and3A_771 : vector<16xi32>
    %add3A_773 = arith.addi %add3A_766, %and3A_772 : vector<16xi32>
    %swap3A_774 = arith.constant 0 : i32
    %swap3A_775 = arith.constant 2 : i32
    %swap3A_776 = arith.index_cast %swap3A_774 : i32 to index
    %swap3A_777 = arith.index_cast %swap3A_775 : i32 to index
    %swap3A_778 = arith.constant 80 : index
    %swap3A_779 = tpu.vector_load %arg5[%swap3A_776, %swap3A_777, %swap3A_778] {strides = array<i32>} : memref<2x4x128xi32, #tpu.memory_space<vmem>>, vector<1x1x16xi32>,
    %swap3A_780 = vector.shape_cast %swap3A_779 : vector<1x1x16xi32> to vector<16xi32>
    %swap3A_781 = vector.shape_cast %add3A_773 : vector<16xi32> to vector<1x1x16xi32>
    tpu.vector_store %arg5[%swap3A_776, %swap3A_777, %swap3A_778], %swap3A_781 {strides = array<i32>} : memref<2x4x128xi32, #tpu.memory_space<vmem>>, vector<1x1x16xi32>,
    %get3A_782 = arith.constant 0 : i32
    %get3A_783 = arith.constant 2 : i32
    %get3A_784 = arith.index_cast %get3A_782 : i32 to index
    %get3A_785 = arith.index_cast %get3A_783 : i32 to index
    %get3A_786 = arith.constant 96 : index
    %get3A_787 = tpu.vector_load %arg5[%get3A_784, %get3A_785, %get3A_786] {strides = array<i32>} : memref<2x4x128xi32, #tpu.memory_space<vmem>>, vector<1x1x16xi32>,
    %get3A_788 = vector.shape_cast %get3A_787 : vector<1x1x16xi32> to vector<16xi32>
    %shift_right_arithmetic3A_789 = arith.constant 11 : i32
    %shift_right_arithmetic3A_790 = vector.broadcast %shift_right_arithmetic3A_789 : i32 to vector<16xi32>
    %shift_right_arithmetic3A_791 = arith.shrsi %get3A_788, %shift_right_arithmetic3A_790 : vector<16xi32>
    %shift_left3A_792 = arith.constant 11 : i32
    %shift_left3A_793 = vector.broadcast %shift_left3A_792 : i32 to vector<16xi32>
    %shift_left3A_794 = arith.shli %shift_right_arithmetic3A_791, %shift_left3A_793 : vector<16xi32>
    %and3A_795 = arith.constant 1023 : i32
    %and3A_796 = vector.broadcast %and3A_795 : i32 to vector<16xi32>
    %and3A_797 = arith.andi %get3A_788, %and3A_796 : vector<16xi32>
    %shift_left3A_798 = arith.constant 1 : i32
    %shift_left3A_799 = vector.broadcast %shift_left3A_798 : i32 to vector<16xi32>
    %shift_left3A_800 = arith.shli %and3A_797, %shift_left3A_799 : vector<16xi32>
    %add3A_801 = arith.addi %shift_left3A_794, %shift_left3A_800 : vector<16xi32>
    %shift_right_arithmetic3A_802 = arith.constant 10 : i32
    %shift_right_arithmetic3A_803 = vector.broadcast %shift_right_arithmetic3A_802 : i32 to vector<16xi32>
    %shift_right_arithmetic3A_804 = arith.shrsi %get3A_788, %shift_right_arithmetic3A_803 : vector<16xi32>
    %and3A_805 = arith.constant 1 : i32
    %and3A_806 = vector.broadcast %and3A_805 : i32 to vector<16xi32>
    %and3A_807 = arith.andi %shift_right_arithmetic3A_804, %and3A_806 : vector<16xi32>
    %add3A_808 = arith.addi %add3A_801, %and3A_807 : vector<16xi32>
    %swap3A_809 = arith.constant 0 : i32
    %swap3A_810 = arith.constant 2 : i32
    %swap3A_811 = arith.index_cast %swap3A_809 : i32 to index
    %swap3A_812 = arith.index_cast %swap3A_810 : i32 to index
    %swap3A_813 = arith.constant 96 : index
    %swap3A_814 = tpu.vector_load %arg5[%swap3A_811, %swap3A_812, %swap3A_813] {strides = array<i32>} : memref<2x4x128xi32, #tpu.memory_space<vmem>>, vector<1x1x16xi32>,
    %swap3A_815 = vector.shape_cast %swap3A_814 : vector<1x1x16xi32> to vector<16xi32>
    %swap3A_816 = vector.shape_cast %add3A_808 : vector<16xi32> to vector<1x1x16xi32>
    tpu.vector_store %arg5[%swap3A_811, %swap3A_812, %swap3A_813], %swap3A_816 {strides = array<i32>} : memref<2x4x128xi32, #tpu.memory_space<vmem>>, vector<1x1x16xi32>,
    %get3A_817 = arith.constant 0 : i32
    %get3A_818 = arith.constant 2 : i32
    %get3A_819 = arith.index_cast %get3A_817 : i32 to index
    %get3A_820 = arith.index_cast %get3A_818 : i32 to index
    %get3A_821 = arith.constant 112 : index
    %get3A_822 = tpu.vector_load %arg5[%get3A_819, %get3A_820, %get3A_821] {strides = array<i32>} : memref<2x4x128xi32, #tpu.memory_space<vmem>>, vector<1x1x16xi32>,
    %get3A_823 = vector.shape_cast %get3A_822 : vector<1x1x16xi32> to vector<16xi32>
    %shift_right_arithmetic3A_824 = arith.constant 11 : i32
    %shift_right_arithmetic3A_825 = vector.broadcast %shift_right_arithmetic3A_824 : i32 to vector<16xi32>
    %shift_right_arithmetic3A_826 = arith.shrsi %get3A_823, %shift_right_arithmetic3A_825 : vector<16xi32>
    %shift_left3A_827 = arith.constant 11 : i32
    %shift_left3A_828 = vector.broadcast %shift_left3A_827 : i32 to vector<16xi32>
    %shift_left3A_829 = arith.shli %shift_right_arithmetic3A_826, %shift_left3A_828 : vector<16xi32>
    %and3A_830 = arith.constant 1023 : i32
    %and3A_831 = vector.broadcast %and3A_830 : i32 to vector<16xi32>
    %and3A_832 = arith.andi %get3A_823, %and3A_831 : vector<16xi32>
    %shift_left3A_833 = arith.constant 1 : i32
    %shift_left3A_834 = vector.broadcast %shift_left3A_833 : i32 to vector<16xi32>
    %shift_left3A_835 = arith.shli %and3A_832, %shift_left3A_834 : vector<16xi32>
    %add3A_836 = arith.addi %shift_left3A_829, %shift_left3A_835 : vector<16xi32>
    %shift_right_arithmetic3A_837 = arith.constant 10 : i32
    %shift_right_arithmetic3A_838 = vector.broadcast %shift_right_arithmetic3A_837 : i32 to vector<16xi32>
    %shift_right_arithmetic3A_839 = arith.shrsi %get3A_823, %shift_right_arithmetic3A_838 : vector<16xi32>
    %and3A_840 = arith.constant 1 : i32
    %and3A_841 = vector.broadcast %and3A_840 : i32 to vector<16xi32>
    %and3A_842 = arith.andi %shift_right_arithmetic3A_839, %and3A_841 : vector<16xi32>
    %add3A_843 = arith.addi %add3A_836, %and3A_842 : vector<16xi32>
    %swap3A_844 = arith.constant 0 : i32
    %swap3A_845 = arith.constant 2 : i32
    %swap3A_846 = arith.index_cast %swap3A_844 : i32 to index
    %swap3A_847 = arith.index_cast %swap3A_845 : i32 to index
    %swap3A_848 = arith.constant 112 : index
    %swap3A_849 = tpu.vector_load %arg5[%swap3A_846, %swap3A_847, %swap3A_848] {strides = array<i32>} : memref<2x4x128xi32, #tpu.memory_space<vmem>>, vector<1x1x16xi32>,
    %swap3A_850 = vector.shape_cast %swap3A_849 : vector<1x1x16xi32> to vector<16xi32>
    %swap3A_851 = vector.shape_cast %add3A_843 : vector<16xi32> to vector<1x1x16xi32>
    tpu.vector_store %arg5[%swap3A_846, %swap3A_847, %swap3A_848], %swap3A_851 {strides = array<i32>} : memref<2x4x128xi32, #tpu.memory_space<vmem>>, vector<1x1x16xi32>,
    %get3A_852 = arith.constant 0 : i32
    %get3A_853 = arith.constant 3 : i32
    %get3A_854 = arith.index_cast %get3A_852 : i32 to index
    %get3A_855 = arith.index_cast %get3A_853 : i32 to index
    %get3A_856 = arith.constant 0 : index
    %get3A_857 = tpu.vector_load %arg5[%get3A_854, %get3A_855, %get3A_856] {strides = array<i32>} : memref<2x4x128xi32, #tpu.memory_space<vmem>>, vector<1x1x16xi32>,
    %get3A_858 = vector.shape_cast %get3A_857 : vector<1x1x16xi32> to vector<16xi32>
    %shift_right_arithmetic3A_859 = arith.constant 11 : i32
    %shift_right_arithmetic3A_860 = vector.broadcast %shift_right_arithmetic3A_859 : i32 to vector<16xi32>
    %shift_right_arithmetic3A_861 = arith.shrsi %get3A_858, %shift_right_arithmetic3A_860 : vector<16xi32>
    %shift_left3A_862 = arith.constant 11 : i32
    %shift_left3A_863 = vector.broadcast %shift_left3A_862 : i32 to vector<16xi32>
    %shift_left3A_864 = arith.shli %shift_right_arithmetic3A_861, %shift_left3A_863 : vector<16xi32>
    %and3A_865 = arith.constant 1023 : i32
    %and3A_866 = vector.broadcast %and3A_865 : i32 to vector<16xi32>
    %and3A_867 = arith.andi %get3A_858, %and3A_866 : vector<16xi32>
    %shift_left3A_868 = arith.constant 1 : i32
    %shift_left3A_869 = vector.broadcast %shift_left3A_868 : i32 to vector<16xi32>
    %shift_left3A_870 = arith.shli %and3A_867, %shift_left3A_869 : vector<16xi32>
    %add3A_871 = arith.addi %shift_left3A_864, %shift_left3A_870 : vector<16xi32>
    %shift_right_arithmetic3A_872 = arith.constant 10 : i32
    %shift_right_arithmetic3A_873 = vector.broadcast %shift_right_arithmetic3A_872 : i32 to vector<16xi32>
    %shift_right_arithmetic3A_874 = arith.shrsi %get3A_858, %shift_right_arithmetic3A_873 : vector<16xi32>
    %and3A_875 = arith.constant 1 : i32
    %and3A_876 = vector.broadcast %and3A_875 : i32 to vector<16xi32>
    %and3A_877 = arith.andi %shift_right_arithmetic3A_874, %and3A_876 : vector<16xi32>
    %add3A_878 = arith.addi %add3A_871, %and3A_877 : vector<16xi32>
    %swap3A_879 = arith.constant 0 : i32
    %swap3A_880 = arith.constant 3 : i32
    %swap3A_881 = arith.index_cast %swap3A_879 : i32 to index
    %swap3A_882 = arith.index_cast %swap3A_880 : i32 to index
    %swap3A_883 = arith.constant 0 : index
    %swap3A_884 = tpu.vector_load %arg5[%swap3A_881, %swap3A_882, %swap3A_883] {strides = array<i32>} : memref<2x4x128xi32, #tpu.memory_space<vmem>>, vector<1x1x16xi32>,
    %swap3A_885 = vector.shape_cast %swap3A_884 : vector<1x1x16xi32> to vector<16xi32>
    %swap3A_886 = vector.shape_cast %add3A_878 : vector<16xi32> to vector<1x1x16xi32>
    tpu.vector_store %arg5[%swap3A_881, %swap3A_882, %swap3A_883], %swap3A_886 {strides = array<i32>} : memref<2x4x128xi32, #tpu.memory_space<vmem>>, vector<1x1x16xi32>,
    %get3A_887 = arith.constant 0 : i32
    %get3A_888 = arith.constant 3 : i32
    %get3A_889 = arith.index_cast %get3A_887 : i32 to index
    %get3A_890 = arith.index_cast %get3A_888 : i32 to index
    %get3A_891 = arith.constant 16 : index
    %get3A_892 = tpu.vector_load %arg5[%get3A_889, %get3A_890, %get3A_891] {strides = array<i32>} : memref<2x4x128xi32, #tpu.memory_space<vmem>>, vector<1x1x16xi32>,
    %get3A_893 = vector.shape_cast %get3A_892 : vector<1x1x16xi32> to vector<16xi32>
    %shift_right_arithmetic3A_894 = arith.constant 11 : i32
    %shift_right_arithmetic3A_895 = vector.broadcast %shift_right_arithmetic3A_894 : i32 to vector<16xi32>
    %shift_right_arithmetic3A_896 = arith.shrsi %get3A_893, %shift_right_arithmetic3A_895 : vector<16xi32>
    %shift_left3A_897 = arith.constant 11 : i32
    %shift_left3A_898 = vector.broadcast %shift_left3A_897 : i32 to vector<16xi32>
    %shift_left3A_899 = arith.shli %shift_right_arithmetic3A_896, %shift_left3A_898 : vector<16xi32>
    %and3A_900 = arith.constant 1023 : i32
    %and3A_901 = vector.broadcast %and3A_900 : i32 to vector<16xi32>
    %and3A_902 = arith.andi %get3A_893, %and3A_901 : vector<16xi32>
    %shift_left3A_903 = arith.constant 1 : i32
    %shift_left3A_904 = vector.broadcast %shift_left3A_903 : i32 to vector<16xi32>
    %shift_left3A_905 = arith.shli %and3A_902, %shift_left3A_904 : vector<16xi32>
    %add3A_906 = arith.addi %shift_left3A_899, %shift_left3A_905 : vector<16xi32>
    %shift_right_arithmetic3A_907 = arith.constant 10 : i32
    %shift_right_arithmetic3A_908 = vector.broadcast %shift_right_arithmetic3A_907 : i32 to vector<16xi32>
    %shift_right_arithmetic3A_909 = arith.shrsi %get3A_893, %shift_right_arithmetic3A_908 : vector<16xi32>
    %and3A_910 = arith.constant 1 : i32
    %and3A_911 = vector.broadcast %and3A_910 : i32 to vector<16xi32>
    %and3A_912 = arith.andi %shift_right_arithmetic3A_909, %and3A_911 : vector<16xi32>
    %add3A_913 = arith.addi %add3A_906, %and3A_912 : vector<16xi32>
    %swap3A_914 = arith.constant 0 : i32
    %swap3A_915 = arith.constant 3 : i32
    %swap3A_916 = arith.index_cast %swap3A_914 : i32 to index
    %swap3A_917 = arith.index_cast %swap3A_915 : i32 to index
    %swap3A_918 = arith.constant 16 : index
    %swap3A_919 = tpu.vector_load %arg5[%swap3A_916, %swap3A_917, %swap3A_918] {strides = array<i32>} : memref<2x4x128xi32, #tpu.memory_space<vmem>>, vector<1x1x16xi32>,
    %swap3A_920 = vector.shape_cast %swap3A_919 : vector<1x1x16xi32> to vector<16xi32>
    %swap3A_921 = vector.shape_cast %add3A_913 : vector<16xi32> to vector<1x1x16xi32>
    tpu.vector_store %arg5[%swap3A_916, %swap3A_917, %swap3A_918], %swap3A_921 {strides = array<i32>} : memref<2x4x128xi32, #tpu.memory_space<vmem>>, vector<1x1x16xi32>,
    %get3A_922 = arith.constant 0 : i32
    %get3A_923 = arith.constant 3 : i32
    %get3A_924 = arith.index_cast %get3A_922 : i32 to index
    %get3A_925 = arith.index_cast %get3A_923 : i32 to index
    %get3A_926 = arith.constant 32 : index
    %get3A_927 = tpu.vector_load %arg5[%get3A_924, %get3A_925, %get3A_926] {strides = array<i32>} : memref<2x4x128xi32, #tpu.memory_space<vmem>>, vector<1x1x16xi32>,
    %get3A_928 = vector.shape_cast %get3A_927 : vector<1x1x16xi32> to vector<16xi32>
    %shift_right_arithmetic3A_929 = arith.constant 11 : i32
    %shift_right_arithmetic3A_930 = vector.broadcast %shift_right_arithmetic3A_929 : i32 to vector<16xi32>
    %shift_right_arithmetic3A_931 = arith.shrsi %get3A_928, %shift_right_arithmetic3A_930 : vector<16xi32>
    %shift_left3A_932 = arith.constant 11 : i32
    %shift_left3A_933 = vector.broadcast %shift_left3A_932 : i32 to vector<16xi32>
    %shift_left3A_934 = arith.shli %shift_right_arithmetic3A_931, %shift_left3A_933 : vector<16xi32>
    %and3A_935 = arith.constant 1023 : i32
    %and3A_936 = vector.broadcast %and3A_935 : i32 to vector<16xi32>
    %and3A_937 = arith.andi %get3A_928, %and3A_936 : vector<16xi32>
    %shift_left3A_938 = arith.constant 1 : i32
    %shift_left3A_939 = vector.broadcast %shift_left3A_938 : i32 to vector<16xi32>
    %shift_left3A_940 = arith.shli %and3A_937, %shift_left3A_939 : vector<16xi32>
    %add3A_941 = arith.addi %shift_left3A_934, %shift_left3A_940 : vector<16xi32>
    %shift_right_arithmetic3A_942 = arith.constant 10 : i32
    %shift_right_arithmetic3A_943 = vector.broadcast %shift_right_arithmetic3A_942 : i32 to vector<16xi32>
    %shift_right_arithmetic3A_944 = arith.shrsi %get3A_928, %shift_right_arithmetic3A_943 : vector<16xi32>
    %and3A_945 = arith.constant 1 : i32
    %and3A_946 = vector.broadcast %and3A_945 : i32 to vector<16xi32>
    %and3A_947 = arith.andi %shift_right_arithmetic3A_944, %and3A_946 : vector<16xi32>
    %add3A_948 = arith.addi %add3A_941, %and3A_947 : vector<16xi32>
    %swap3A_949 = arith.constant 0 : i32
    %swap3A_950 = arith.constant 3 : i32
    %swap3A_951 = arith.index_cast %swap3A_949 : i32 to index
    %swap3A_952 = arith.index_cast %swap3A_950 : i32 to index
    %swap3A_953 = arith.constant 32 : index
    %swap3A_954 = tpu.vector_load %arg5[%swap3A_951, %swap3A_952, %swap3A_953] {strides = array<i32>} : memref<2x4x128xi32, #tpu.memory_space<vmem>>, vector<1x1x16xi32>,
    %swap3A_955 = vector.shape_cast %swap3A_954 : vector<1x1x16xi32> to vector<16xi32>
    %swap3A_956 = vector.shape_cast %add3A_948 : vector<16xi32> to vector<1x1x16xi32>
    tpu.vector_store %arg5[%swap3A_951, %swap3A_952, %swap3A_953], %swap3A_956 {strides = array<i32>} : memref<2x4x128xi32, #tpu.memory_space<vmem>>, vector<1x1x16xi32>,
    %get3A_957 = arith.constant 0 : i32
    %get3A_958 = arith.constant 3 : i32
    %get3A_959 = arith.index_cast %get3A_957 : i32 to index
    %get3A_960 = arith.index_cast %get3A_958 : i32 to index
    %get3A_961 = arith.constant 48 : index
    %get3A_962 = tpu.vector_load %arg5[%get3A_959, %get3A_960, %get3A_961] {strides = array<i32>} : memref<2x4x128xi32, #tpu.memory_space<vmem>>, vector<1x1x16xi32>,
    %get3A_963 = vector.shape_cast %get3A_962 : vector<1x1x16xi32> to vector<16xi32>
    %shift_right_arithmetic3A_964 = arith.constant 11 : i32
    %shift_right_arithmetic3A_965 = vector.broadcast %shift_right_arithmetic3A_964 : i32 to vector<16xi32>
    %shift_right_arithmetic3A_966 = arith.shrsi %get3A_963, %shift_right_arithmetic3A_965 : vector<16xi32>
    %shift_left3A_967 = arith.constant 11 : i32
    %shift_left3A_968 = vector.broadcast %shift_left3A_967 : i32 to vector<16xi32>
    %shift_left3A_969 = arith.shli %shift_right_arithmetic3A_966, %shift_left3A_968 : vector<16xi32>
    %and3A_970 = arith.constant 1023 : i32
    %and3A_971 = vector.broadcast %and3A_970 : i32 to vector<16xi32>
    %and3A_972 = arith.andi %get3A_963, %and3A_971 : vector<16xi32>
    %shift_left3A_973 = arith.constant 1 : i32
    %shift_left3A_974 = vector.broadcast %shift_left3A_973 : i32 to vector<16xi32>
    %shift_left3A_975 = arith.shli %and3A_972, %shift_left3A_974 : vector<16xi32>
    %add3A_976 = arith.addi %shift_left3A_969, %shift_left3A_975 : vector<16xi32>
    %shift_right_arithmetic3A_977 = arith.constant 10 : i32
    %shift_right_arithmetic3A_978 = vector.broadcast %shift_right_arithmetic3A_977 : i32 to vector<16xi32>
    %shift_right_arithmetic3A_979 = arith.shrsi %get3A_963, %shift_right_arithmetic3A_978 : vector<16xi32>
    %and3A_980 = arith.constant 1 : i32
    %and3A_981 = vector.broadcast %and3A_980 : i32 to vector<16xi32>
    %and3A_982 = arith.andi %shift_right_arithmetic3A_979, %and3A_981 : vector<16xi32>
    %add3A_983 = arith.addi %add3A_976, %and3A_982 : vector<16xi32>
    %swap3A_984 = arith.constant 0 : i32
    %swap3A_985 = arith.constant 3 : i32
    %swap3A_986 = arith.index_cast %swap3A_984 : i32 to index
    %swap3A_987 = arith.index_cast %swap3A_985 : i32 to index
    %swap3A_988 = arith.constant 48 : index
    %swap3A_989 = tpu.vector_load %arg5[%swap3A_986, %swap3A_987, %swap3A_988] {strides = array<i32>} : memref<2x4x128xi32, #tpu.memory_space<vmem>>, vector<1x1x16xi32>,
    %swap3A_990 = vector.shape_cast %swap3A_989 : vector<1x1x16xi32> to vector<16xi32>
    %swap3A_991 = vector.shape_cast %add3A_983 : vector<16xi32> to vector<1x1x16xi32>
    tpu.vector_store %arg5[%swap3A_986, %swap3A_987, %swap3A_988], %swap3A_991 {strides = array<i32>} : memref<2x4x128xi32, #tpu.memory_space<vmem>>, vector<1x1x16xi32>,
    %get3A_992 = arith.constant 0 : i32
    %get3A_993 = arith.constant 3 : i32
    %get3A_994 = arith.index_cast %get3A_992 : i32 to index
    %get3A_995 = arith.index_cast %get3A_993 : i32 to index
    %get3A_996 = arith.constant 64 : index
    %get3A_997 = tpu.vector_load %arg5[%get3A_994, %get3A_995, %get3A_996] {strides = array<i32>} : memref<2x4x128xi32, #tpu.memory_space<vmem>>, vector<1x1x16xi32>,
    %get3A_998 = vector.shape_cast %get3A_997 : vector<1x1x16xi32> to vector<16xi32>
    %shift_right_arithmetic3A_999 = arith.constant 11 : i32
    %shift_right_arithmetic3A_1000 = vector.broadcast %shift_right_arithmetic3A_999 : i32 to vector<16xi32>
    %shift_right_arithmetic3A_1001 = arith.shrsi %get3A_998, %shift_right_arithmetic3A_1000 : vector<16xi32>
    %shift_left3A_1002 = arith.constant 11 : i32
    %shift_left3A_1003 = vector.broadcast %shift_left3A_1002 : i32 to vector<16xi32>
    %shift_left3A_1004 = arith.shli %shift_right_arithmetic3A_1001, %shift_left3A_1003 : vector<16xi32>
    %and3A_1005 = arith.constant 1023 : i32
    %and3A_1006 = vector.broadcast %and3A_1005 : i32 to vector<16xi32>
    %and3A_1007 = arith.andi %get3A_998, %and3A_1006 : vector<16xi32>
    %shift_left3A_1008 = arith.constant 1 : i32
    %shift_left3A_1009 = vector.broadcast %shift_left3A_1008 : i32 to vector<16xi32>
    %shift_left3A_1010 = arith.shli %and3A_1007, %shift_left3A_1009 : vector<16xi32>
    %add3A_1011 = arith.addi %shift_left3A_1004, %shift_left3A_1010 : vector<16xi32>
    %shift_right_arithmetic3A_1012 = arith.constant 10 : i32
    %shift_right_arithmetic3A_1013 = vector.broadcast %shift_right_arithmetic3A_1012 : i32 to vector<16xi32>
    %shift_right_arithmetic3A_1014 = arith.shrsi %get3A_998, %shift_right_arithmetic3A_1013 : vector<16xi32>
    %and3A_1015 = arith.constant 1 : i32
    %and3A_1016 = vector.broadcast %and3A_1015 : i32 to vector<16xi32>
    %and3A_1017 = arith.andi %shift_right_arithmetic3A_1014, %and3A_1016 : vector<16xi32>
    %add3A_1018 = arith.addi %add3A_1011, %and3A_1017 : vector<16xi32>
    %swap3A_1019 = arith.constant 0 : i32
    %swap3A_1020 = arith.constant 3 : i32
    %swap3A_1021 = arith.index_cast %swap3A_1019 : i32 to index
    %swap3A_1022 = arith.index_cast %swap3A_1020 : i32 to index
    %swap3A_1023 = arith.constant 64 : index
    %swap3A_1024 = tpu.vector_load %arg5[%swap3A_1021, %swap3A_1022, %swap3A_1023] {strides = array<i32>} : memref<2x4x128xi32, #tpu.memory_space<vmem>>, vector<1x1x16xi32>,
    %swap3A_1025 = vector.shape_cast %swap3A_1024 : vector<1x1x16xi32> to vector<16xi32>
    %swap3A_1026 = vector.shape_cast %add3A_1018 : vector<16xi32> to vector<1x1x16xi32>
    tpu.vector_store %arg5[%swap3A_1021, %swap3A_1022, %swap3A_1023], %swap3A_1026 {strides = array<i32>} : memref<2x4x128xi32, #tpu.memory_space<vmem>>, vector<1x1x16xi32>,
    %get3A_1027 = arith.constant 0 : i32
    %get3A_1028 = arith.constant 3 : i32
    %get3A_1029 = arith.index_cast %get3A_1027 : i32 to index
    %get3A_1030 = arith.index_cast %get3A_1028 : i32 to index
    %get3A_1031 = arith.constant 80 : index
    %get3A_1032 = tpu.vector_load %arg5[%get3A_1029, %get3A_1030, %get3A_1031] {strides = array<i32>} : memref<2x4x128xi32, #tpu.memory_space<vmem>>, vector<1x1x16xi32>,
    %get3A_1033 = vector.shape_cast %get3A_1032 : vector<1x1x16xi32> to vector<16xi32>
    %shift_right_arithmetic3A_1034 = arith.constant 11 : i32
    %shift_right_arithmetic3A_1035 = vector.broadcast %shift_right_arithmetic3A_1034 : i32 to vector<16xi32>
    %shift_right_arithmetic3A_1036 = arith.shrsi %get3A_1033, %shift_right_arithmetic3A_1035 : vector<16xi32>
    %shift_left3A_1037 = arith.constant 11 : i32
    %shift_left3A_1038 = vector.broadcast %shift_left3A_1037 : i32 to vector<16xi32>
    %shift_left3A_1039 = arith.shli %shift_right_arithmetic3A_1036, %shift_left3A_1038 : vector<16xi32>
    %and3A_1040 = arith.constant 1023 : i32
    %and3A_1041 = vector.broadcast %and3A_1040 : i32 to vector<16xi32>
    %and3A_1042 = arith.andi %get3A_1033, %and3A_1041 : vector<16xi32>
    %shift_left3A_1043 = arith.constant 1 : i32
    %shift_left3A_1044 = vector.broadcast %shift_left3A_1043 : i32 to vector<16xi32>
    %shift_left3A_1045 = arith.shli %and3A_1042, %shift_left3A_1044 : vector<16xi32>
    %add3A_1046 = arith.addi %shift_left3A_1039, %shift_left3A_1045 : vector<16xi32>
    %shift_right_arithmetic3A_1047 = arith.constant 10 : i32
    %shift_right_arithmetic3A_1048 = vector.broadcast %shift_right_arithmetic3A_1047 : i32 to vector<16xi32>
    %shift_right_arithmetic3A_1049 = arith.shrsi %get3A_1033, %shift_right_arithmetic3A_1048 : vector<16xi32>
    %and3A_1050 = arith.constant 1 : i32
    %and3A_1051 = vector.broadcast %and3A_1050 : i32 to vector<16xi32>
    %and3A_1052 = arith.andi %shift_right_arithmetic3A_1049, %and3A_1051 : vector<16xi32>
    %add3A_1053 = arith.addi %add3A_1046, %and3A_1052 : vector<16xi32>
    %swap3A_1054 = arith.constant 0 : i32
    %swap3A_1055 = arith.constant 3 : i32
    %swap3A_1056 = arith.index_cast %swap3A_1054 : i32 to index
    %swap3A_1057 = arith.index_cast %swap3A_1055 : i32 to index
    %swap3A_1058 = arith.constant 80 : index
    %swap3A_1059 = tpu.vector_load %arg5[%swap3A_1056, %swap3A_1057, %swap3A_1058] {strides = array<i32>} : memref<2x4x128xi32, #tpu.memory_space<vmem>>, vector<1x1x16xi32>,
    %swap3A_1060 = vector.shape_cast %swap3A_1059 : vector<1x1x16xi32> to vector<16xi32>
    %swap3A_1061 = vector.shape_cast %add3A_1053 : vector<16xi32> to vector<1x1x16xi32>
    tpu.vector_store %arg5[%swap3A_1056, %swap3A_1057, %swap3A_1058], %swap3A_1061 {strides = array<i32>} : memref<2x4x128xi32, #tpu.memory_space<vmem>>, vector<1x1x16xi32>,
    %get3A_1062 = arith.constant 0 : i32
    %get3A_1063 = arith.constant 3 : i32
    %get3A_1064 = arith.index_cast %get3A_1062 : i32 to index
    %get3A_1065 = arith.index_cast %get3A_1063 : i32 to index
    %get3A_1066 = arith.constant 96 : index
    %get3A_1067 = tpu.vector_load %arg5[%get3A_1064, %get3A_1065, %get3A_1066] {strides = array<i32>} : memref<2x4x128xi32, #tpu.memory_space<vmem>>, vector<1x1x16xi32>,
    %get3A_1068 = vector.shape_cast %get3A_1067 : vector<1x1x16xi32> to vector<16xi32>
    %shift_right_arithmetic3A_1069 = arith.constant 11 : i32
    %shift_right_arithmetic3A_1070 = vector.broadcast %shift_right_arithmetic3A_1069 : i32 to vector<16xi32>
    %shift_right_arithmetic3A_1071 = arith.shrsi %get3A_1068, %shift_right_arithmetic3A_1070 : vector<16xi32>
    %shift_left3A_1072 = arith.constant 11 : i32
    %shift_left3A_1073 = vector.broadcast %shift_left3A_1072 : i32 to vector<16xi32>
    %shift_left3A_1074 = arith.shli %shift_right_arithmetic3A_1071, %shift_left3A_1073 : vector<16xi32>
    %and3A_1075 = arith.constant 1023 : i32
    %and3A_1076 = vector.broadcast %and3A_1075 : i32 to vector<16xi32>
    %and3A_1077 = arith.andi %get3A_1068, %and3A_1076 : vector<16xi32>
    %shift_left3A_1078 = arith.constant 1 : i32
    %shift_left3A_1079 = vector.broadcast %shift_left3A_1078 : i32 to vector<16xi32>
    %shift_left3A_1080 = arith.shli %and3A_1077, %shift_left3A_1079 : vector<16xi32>
    %add3A_1081 = arith.addi %shift_left3A_1074, %shift_left3A_1080 : vector<16xi32>
    %shift_right_arithmetic3A_1082 = arith.constant 10 : i32
    %shift_right_arithmetic3A_1083 = vector.broadcast %shift_right_arithmetic3A_1082 : i32 to vector<16xi32>
    %shift_right_arithmetic3A_1084 = arith.shrsi %get3A_1068, %shift_right_arithmetic3A_1083 : vector<16xi32>
    %and3A_1085 = arith.constant 1 : i32
    %and3A_1086 = vector.broadcast %and3A_1085 : i32 to vector<16xi32>
    %and3A_1087 = arith.andi %shift_right_arithmetic3A_1084, %and3A_1086 : vector<16xi32>
    %add3A_1088 = arith.addi %add3A_1081, %and3A_1087 : vector<16xi32>
    %swap3A_1089 = arith.constant 0 : i32
    %swap3A_1090 = arith.constant 3 : i32
    %swap3A_1091 = arith.index_cast %swap3A_1089 : i32 to index
    %swap3A_1092 = arith.index_cast %swap3A_1090 : i32 to index
    %swap3A_1093 = arith.constant 96 : index
    %swap3A_1094 = tpu.vector_load %arg5[%swap3A_1091, %swap3A_1092, %swap3A_1093] {strides = array<i32>} : memref<2x4x128xi32, #tpu.memory_space<vmem>>, vector<1x1x16xi32>,
    %swap3A_1095 = vector.shape_cast %swap3A_1094 : vector<1x1x16xi32> to vector<16xi32>
    %swap3A_1096 = vector.shape_cast %add3A_1088 : vector<16xi32> to vector<1x1x16xi32>
    tpu.vector_store %arg5[%swap3A_1091, %swap3A_1092, %swap3A_1093], %swap3A_1096 {strides = array<i32>} : memref<2x4x128xi32, #tpu.memory_space<vmem>>, vector<1x1x16xi32>,
    %get3A_1097 = arith.constant 0 : i32
    %get3A_1098 = arith.constant 3 : i32
    %get3A_1099 = arith.index_cast %get3A_1097 : i32 to index
    %get3A_1100 = arith.index_cast %get3A_1098 : i32 to index
    %get3A_1101 = arith.constant 112 : index
    %get3A_1102 = tpu.vector_load %arg5[%get3A_1099, %get3A_1100, %get3A_1101] {strides = array<i32>} : memref<2x4x128xi32, #tpu.memory_space<vmem>>, vector<1x1x16xi32>,
    %get3A_1103 = vector.shape_cast %get3A_1102 : vector<1x1x16xi32> to vector<16xi32>
    %shift_right_arithmetic3A_1104 = arith.constant 11 : i32
    %shift_right_arithmetic3A_1105 = vector.broadcast %shift_right_arithmetic3A_1104 : i32 to vector<16xi32>
    %shift_right_arithmetic3A_1106 = arith.shrsi %get3A_1103, %shift_right_arithmetic3A_1105 : vector<16xi32>
    %shift_left3A_1107 = arith.constant 11 : i32
    %shift_left3A_1108 = vector.broadcast %shift_left3A_1107 : i32 to vector<16xi32>
    %shift_left3A_1109 = arith.shli %shift_right_arithmetic3A_1106, %shift_left3A_1108 : vector<16xi32>
    %and3A_1110 = arith.constant 1023 : i32
    %and3A_1111 = vector.broadcast %and3A_1110 : i32 to vector<16xi32>
    %and3A_1112 = arith.andi %get3A_1103, %and3A_1111 : vector<16xi32>
    %shift_left3A_1113 = arith.constant 1 : i32
    %shift_left3A_1114 = vector.broadcast %shift_left3A_1113 : i32 to vector<16xi32>
    %shift_left3A_1115 = arith.shli %and3A_1112, %shift_left3A_1114 : vector<16xi32>
    %add3A_1116 = arith.addi %shift_left3A_1109, %shift_left3A_1115 : vector<16xi32>
    %shift_right_arithmetic3A_1117 = arith.constant 10 : i32
    %shift_right_arithmetic3A_1118 = vector.broadcast %shift_right_arithmetic3A_1117 : i32 to vector<16xi32>
    %shift_right_arithmetic3A_1119 = arith.shrsi %get3A_1103, %shift_right_arithmetic3A_1118 : vector<16xi32>
    %and3A_1120 = arith.constant 1 : i32
    %and3A_1121 = vector.broadcast %and3A_1120 : i32 to vector<16xi32>
    %and3A_1122 = arith.andi %shift_right_arithmetic3A_1119, %and3A_1121 : vector<16xi32>
    %add3A_1123 = arith.addi %add3A_1116, %and3A_1122 : vector<16xi32>
    %swap3A_1124 = arith.constant 0 : i32
    %swap3A_1125 = arith.constant 3 : i32
    %swap3A_1126 = arith.index_cast %swap3A_1124 : i32 to index
    %swap3A_1127 = arith.index_cast %swap3A_1125 : i32 to index
    %swap3A_1128 = arith.constant 112 : index
    %swap3A_1129 = tpu.vector_load %arg5[%swap3A_1126, %swap3A_1127, %swap3A_1128] {strides = array<i32>} : memref<2x4x128xi32, #tpu.memory_space<vmem>>, vector<1x1x16xi32>,
    %swap3A_1130 = vector.shape_cast %swap3A_1129 : vector<1x1x16xi32> to vector<16xi32>
    %swap3A_1131 = vector.shape_cast %add3A_1123 : vector<16xi32> to vector<1x1x16xi32>
    tpu.vector_store %arg5[%swap3A_1126, %swap3A_1127, %swap3A_1128], %swap3A_1131 {strides = array<i32>} : memref<2x4x128xi32, #tpu.memory_space<vmem>>, vector<1x1x16xi32>,
    %dma_start3A = arith.constant 0 : i32
    %dma_start3A_1132 = arith.constant 0 : i32
    %dma_start3A_1133 = arith.constant 0 : i32
    %dma_start3A_1134 = arith.constant 0 : i32
    %dma_start3A_1135 = arith.constant 0 : i32
    %dma_start3A_1136 = tpu.memref_slice %arg6[%dma_start3A_1133, %dma_start3A_1134, %dma_start3A_1135] : memref<2x512x64xf32, #tpu.memory_space<vmem>> -> memref<1x512x64xf32, #tpu.memory_space<vmem>>
    %dma_start3A_1137 = tpu.memref_squeeze %dma_start3A_1136 : memref<1x512x64xf32, #tpu.memory_space<vmem>> -> memref<512x64xf32, #tpu.memory_space<vmem>>
    %dma_start3A_1138 = arith.constant 0 : i32
    %dma_start3A_1139 = arith.constant 0 : i32
    %dma_start3A_1140 = tpu.memref_slice %dma_start3A_1137[%dma_start3A_1138, %dma_start3A_1139] : memref<512x64xf32, #tpu.memory_space<vmem>> -> memref<128x64xf32, #tpu.memory_space<vmem>>
    %dma_start3A_1141 = arith.constant 0 : i32
    %dma_start3A_1142 = tpu.memref_slice %arg5[%dma_start3A, %dma_start3A_1132, %dma_start3A_1141] : memref<2x4x128xi32, #tpu.memory_space<vmem>> -> memref<1x1x128xi32, #tpu.memory_space<vmem>>
    %dma_start3A_1143 = tpu.memref_squeeze %dma_start3A_1142 : memref<1x1x128xi32, #tpu.memory_space<vmem>> -> memref<128xi32, #tpu.memory_space<vmem>>
    %dma_start3A_1144 = arith.constant 0 : i32
    %dma_start3A_1145 = arith.constant 0 : i32
    %dma_start3A_1146 = tpu.memref_slice %arg3[%dma_start3A_1144, %dma_start3A_1145] : memref<1001472x64xf32, #tpu.memory_space<hbm>> -> memref<1001472x64xf32, #tpu.memory_space<hbm>>
    tpu.enqueue_indirect_dma source(%dma_start3A_1146 : memref<1001472x64xf32, #tpu.memory_space<hbm>>) target(%dma_start3A_1140 : memref<128x64xf32, #tpu.memory_space<vmem>>) offsets(%dma_start3A_1143 : memref<128xi32, #tpu.memory_space<vmem>>) semaphore(%arg7 : memref<!tpu.dma_semaphore, #tpu.memory_space<semaphore_mem>>)
    %dma_start3A_1147 = arith.constant 0 : i32
    %dma_start3A_1148 = arith.constant 1 : i32
    %dma_start3A_1149 = arith.constant 0 : i32
    %dma_start3A_1150 = arith.constant 0 : i32
    %dma_start3A_1151 = arith.constant 0 : i32
    %dma_start3A_1152 = tpu.memref_slice %arg6[%dma_start3A_1149, %dma_start3A_1150, %dma_start3A_1151] : memref<2x512x64xf32, #tpu.memory_space<vmem>> -> memref<1x512x64xf32, #tpu.memory_space<vmem>>
    %dma_start3A_1153 = tpu.memref_squeeze %dma_start3A_1152 : memref<1x512x64xf32, #tpu.memory_space<vmem>> -> memref<512x64xf32, #tpu.memory_space<vmem>>
    %dma_start3A_1154 = arith.constant 128 : i32
    %dma_start3A_1155 = arith.constant 0 : i32
    %dma_start3A_1156 = tpu.memref_slice %dma_start3A_1153[%dma_start3A_1154, %dma_start3A_1155] : memref<512x64xf32, #tpu.memory_space<vmem>> -> memref<128x64xf32, #tpu.memory_space<vmem>>
    %dma_start3A_1157 = arith.constant 0 : i32
    %dma_start3A_1158 = tpu.memref_slice %arg5[%dma_start3A_1147, %dma_start3A_1148, %dma_start3A_1157] : memref<2x4x128xi32, #tpu.memory_space<vmem>> -> memref<1x1x128xi32, #tpu.memory_space<vmem>>
    %dma_start3A_1159 = tpu.memref_squeeze %dma_start3A_1158 : memref<1x1x128xi32, #tpu.memory_space<vmem>> -> memref<128xi32, #tpu.memory_space<vmem>>
    %dma_start3A_1160 = arith.constant 0 : i32
    %dma_start3A_1161 = arith.constant 0 : i32
    %dma_start3A_1162 = tpu.memref_slice %arg3[%dma_start3A_1160, %dma_start3A_1161] : memref<1001472x64xf32, #tpu.memory_space<hbm>> -> memref<1001472x64xf32, #tpu.memory_space<hbm>>
    tpu.enqueue_indirect_dma source(%dma_start3A_1162 : memref<1001472x64xf32, #tpu.memory_space<hbm>>) target(%dma_start3A_1156 : memref<128x64xf32, #tpu.memory_space<vmem>>) offsets(%dma_start3A_1159 : memref<128xi32, #tpu.memory_space<vmem>>) semaphore(%arg7 : memref<!tpu.dma_semaphore, #tpu.memory_space<semaphore_mem>>)
    %dma_start3A_1163 = arith.constant 0 : i32
    %dma_start3A_1164 = arith.constant 2 : i32
    %dma_start3A_1165 = arith.constant 0 : i32
    %dma_start3A_1166 = arith.constant 0 : i32
    %dma_start3A_1167 = arith.constant 0 : i32
    %dma_start3A_1168 = tpu.memref_slice %arg6[%dma_start3A_1165, %dma_start3A_1166, %dma_start3A_1167] : memref<2x512x64xf32, #tpu.memory_space<vmem>> -> memref<1x512x64xf32, #tpu.memory_space<vmem>>
    %dma_start3A_1169 = tpu.memref_squeeze %dma_start3A_1168 : memref<1x512x64xf32, #tpu.memory_space<vmem>> -> memref<512x64xf32, #tpu.memory_space<vmem>>
    %dma_start3A_1170 = arith.constant 256 : i32
    %dma_start3A_1171 = arith.constant 0 : i32
    %dma_start3A_1172 = tpu.memref_slice %dma_start3A_1169[%dma_start3A_1170, %dma_start3A_1171] : memref<512x64xf32, #tpu.memory_space<vmem>> -> memref<128x64xf32, #tpu.memory_space<vmem>>
    %dma_start3A_1173 = arith.constant 0 : i32
    %dma_start3A_1174 = tpu.memref_slice %arg5[%dma_start3A_1163, %dma_start3A_1164, %dma_start3A_1173] : memref<2x4x128xi32, #tpu.memory_space<vmem>> -> memref<1x1x128xi32, #tpu.memory_space<vmem>>
    %dma_start3A_1175 = tpu.memref_squeeze %dma_start3A_1174 : memref<1x1x128xi32, #tpu.memory_space<vmem>> -> memref<128xi32, #tpu.memory_space<vmem>>
    %dma_start3A_1176 = arith.constant 0 : i32
    %dma_start3A_1177 = arith.constant 0 : i32
    %dma_start3A_1178 = tpu.memref_slice %arg3[%dma_start3A_1176, %dma_start3A_1177] : memref<1001472x64xf32, #tpu.memory_space<hbm>> -> memref<1001472x64xf32, #tpu.memory_space<hbm>>
    tpu.enqueue_indirect_dma source(%dma_start3A_1178 : memref<1001472x64xf32, #tpu.memory_space<hbm>>) target(%dma_start3A_1172 : memref<128x64xf32, #tpu.memory_space<vmem>>) offsets(%dma_start3A_1175 : memref<128xi32, #tpu.memory_space<vmem>>) semaphore(%arg7 : memref<!tpu.dma_semaphore, #tpu.memory_space<semaphore_mem>>)
    %dma_start3A_1179 = arith.constant 0 : i32
    %dma_start3A_1180 = arith.constant 3 : i32
    %dma_start3A_1181 = arith.constant 0 : i32
    %dma_start3A_1182 = arith.constant 0 : i32
    %dma_start3A_1183 = arith.constant 0 : i32
    %dma_start3A_1184 = tpu.memref_slice %arg6[%dma_start3A_1181, %dma_start3A_1182, %dma_start3A_1183] : memref<2x512x64xf32, #tpu.memory_space<vmem>> -> memref<1x512x64xf32, #tpu.memory_space<vmem>>
    %dma_start3A_1185 = tpu.memref_squeeze %dma_start3A_1184 : memref<1x512x64xf32, #tpu.memory_space<vmem>> -> memref<512x64xf32, #tpu.memory_space<vmem>>
    %dma_start3A_1186 = arith.constant 384 : i32
    %dma_start3A_1187 = arith.constant 0 : i32
    %dma_start3A_1188 = tpu.memref_slice %dma_start3A_1185[%dma_start3A_1186, %dma_start3A_1187] : memref<512x64xf32, #tpu.memory_space<vmem>> -> memref<128x64xf32, #tpu.memory_space<vmem>>
    %dma_start3A_1189 = arith.constant 0 : i32
    %dma_start3A_1190 = tpu.memref_slice %arg5[%dma_start3A_1179, %dma_start3A_1180, %dma_start3A_1189] : memref<2x4x128xi32, #tpu.memory_space<vmem>> -> memref<1x1x128xi32, #tpu.memory_space<vmem>>
    %dma_start3A_1191 = tpu.memref_squeeze %dma_start3A_1190 : memref<1x1x128xi32, #tpu.memory_space<vmem>> -> memref<128xi32, #tpu.memory_space<vmem>>
    %dma_start3A_1192 = arith.constant 0 : i32
    %dma_start3A_1193 = arith.constant 0 : i32
    %dma_start3A_1194 = tpu.memref_slice %arg3[%dma_start3A_1192, %dma_start3A_1193] : memref<1001472x64xf32, #tpu.memory_space<hbm>> -> memref<1001472x64xf32, #tpu.memory_space<hbm>>
    tpu.enqueue_indirect_dma source(%dma_start3A_1194 : memref<1001472x64xf32, #tpu.memory_space<hbm>>) target(%dma_start3A_1188 : memref<128x64xf32, #tpu.memory_space<vmem>>) offsets(%dma_start3A_1191 : memref<128xi32, #tpu.memory_space<vmem>>) semaphore(%arg7 : memref<!tpu.dma_semaphore, #tpu.memory_space<semaphore_mem>>)
    %scan3A = arith.constant 0 : i32
    %scan3A_1195 = arith.constant 0 : i32
    %scan3A_1196 = arith.constant 64 : i32
    %scan3A_1197 = arith.addi %scan3A_1195, %scan3A_1196 : i32
    %scan3A_1198 = arith.constant 1 : i32
    scf.for %scan3A_1200 = %scan3A_1195 to %scan3A_1197 step %scan3A_1198  : i32 {
      %mul3A_1201 = arith.constant 2 : i32
      %mul3A_1202 = arith.muli %mul3A_1201, %scan3A_1200 : i32
      %add3A_1203 = arith.constant 1 : i32
      %add3A_1204 = arith.addi %mul3A_1202, %add3A_1203 : i32
      %mul3A_1205 = arith.constant 4 : i32
      %mul3A_1206 = arith.muli %add3A_1204, %mul3A_1205 : i32
      %add3A_1207 = arith.addi %mul3A_2, %mul3A_1206 : i32
      %run_scoped3A_1208 = arith.constant 1 : i32
      "tpu.region"() ({
        %run_scoped3A_2584 = tpu.sem_alloc : memref<!tpu.dma_semaphore, #tpu.memory_space<semaphore_mem>>
        %dma_start3A_2585 = arith.constant 0 : i32
        %dma_start3A_2586 = arith.constant 0 : i32
        %dma_start3A_2587 = tpu.memref_slice %arg5[%run_scoped3A_1208, %dma_start3A_2585, %dma_start3A_2586] : memref<2x4x128xi32, #tpu.memory_space<vmem>> -> memref<1x4x128xi32, #tpu.memory_space<vmem>>
        %dma_start3A_2588 = tpu.memref_squeeze %dma_start3A_2587 : memref<1x4x128xi32, #tpu.memory_space<vmem>> -> memref<4x128xi32, #tpu.memory_space<vmem>>
        %dma_start3A_2589 = arith.constant 0 : i32
        %dma_start3A_2590 = tpu.memref_slice %arg2[%add3A_1207, %dma_start3A_2589] : memref<16384x128xi32, #tpu.memory_space<hbm>> -> memref<4x128xi32, #tpu.memory_space<hbm>>
        %dma_start3A_2591 = arith.constant 0 : i32
        %dma_start3A_2592 = arith.constant 0 : i32
        %dma_start3A_2593 = tpu.memref_slice %arg5[%run_scoped3A_1208, %dma_start3A_2591, %dma_start3A_2592] : memref<2x4x128xi32, #tpu.memory_space<vmem>> -> memref<1x4x128xi32, #tpu.memory_space<vmem>>
        %dma_start3A_2594 = tpu.memref_squeeze %dma_start3A_2593 : memref<1x4x128xi32, #tpu.memory_space<vmem>> -> memref<4x128xi32, #tpu.memory_space<vmem>>
        %dma_start3A_2595 = arith.constant 0 : i32
        %dma_start3A_2596 = tpu.memref_slice %arg2[%add3A_1207, %dma_start3A_2595] : memref<16384x128xi32, #tpu.memory_space<hbm>> -> memref<4x128xi32, #tpu.memory_space<hbm>>
        tpu.enqueue_dma source(%dma_start3A_2596 : memref<4x128xi32, #tpu.memory_space<hbm>>) target(%dma_start3A_2594 : memref<4x128xi32, #tpu.memory_space<vmem>>) target_semaphore(%run_scoped3A_2584 : memref<!tpu.dma_semaphore, #tpu.memory_space<semaphore_mem>>)
        %dma_wait3A_2597 = arith.constant 0 : i32
        %dma_wait3A_2598 = arith.constant 0 : i32
        %dma_wait3A_2599 = tpu.memref_slice %arg5[%run_scoped3A_1208, %dma_wait3A_2597, %dma_wait3A_2598] : memref<2x4x128xi32, #tpu.memory_space<vmem>> -> memref<1x4x128xi32, #tpu.memory_space<vmem>>
        %dma_wait3A_2600 = tpu.memref_squeeze %dma_wait3A_2599 : memref<1x4x128xi32, #tpu.memory_space<vmem>> -> memref<4x128xi32, #tpu.memory_space<vmem>>
        %dma_wait3A_2601 = arith.constant 0 : i32
        %dma_wait3A_2602 = tpu.memref_slice %arg2[%add3A_1207, %dma_wait3A_2601] : memref<16384x128xi32, #tpu.memory_space<hbm>> -> memref<4x128xi32, #tpu.memory_space<hbm>>
        %dma_wait3A_2603 = arith.constant 0 : i32
        %dma_wait3A_2604 = arith.constant 0 : i32
        %dma_wait3A_2605 = tpu.memref_slice %arg5[%run_scoped3A_1208, %dma_wait3A_2603, %dma_wait3A_2604] : memref<2x4x128xi32, #tpu.memory_space<vmem>> -> memref<1x4x128xi32, #tpu.memory_space<vmem>>
        %dma_wait3A_2606 = tpu.memref_squeeze %dma_wait3A_2605 : memref<1x4x128xi32, #tpu.memory_space<vmem>> -> memref<4x128xi32, #tpu.memory_space<vmem>>
        %dma_wait3A_2607 = arith.constant 0 : i32
        %dma_wait3A_2608 = tpu.memref_slice %arg2[%add3A_1207, %dma_wait3A_2607] : memref<16384x128xi32, #tpu.memory_space<hbm>> -> memref<4x128xi32, #tpu.memory_space<hbm>>
        tpu.wait_dma2 semaphore(%run_scoped3A_2584 : memref<!tpu.dma_semaphore, #tpu.memory_space<semaphore_mem>>) src(%dma_wait3A_2608 : memref<4x128xi32, #tpu.memory_space<hbm>>) dst(%dma_wait3A_2606 : memref<4x128xi32, #tpu.memory_space<vmem>>)
        tpu.yield
      }) : () -> ()
      %get3A_1209 = arith.constant 1 : i32
      %get3A_1210 = arith.constant 0 : i32
      %get3A_1211 = arith.index_cast %get3A_1209 : i32 to index
      %get3A_1212 = arith.index_cast %get3A_1210 : i32 to index
      %get3A_1213 = arith.constant 0 : index
      %get3A_1214 = tpu.vector_load %arg5[%get3A_1211, %get3A_1212, %get3A_1213] {strides = array<i32>} : memref<2x4x128xi32, #tpu.memory_space<vmem>>, vector<1x1x16xi32>,
      %get3A_1215 = vector.shape_cast %get3A_1214 : vector<1x1x16xi32> to vector<16xi32>
      %shift_right_arithmetic3A_1216 = arith.constant 11 : i32
      %shift_right_arithmetic3A_1217 = vector.broadcast %shift_right_arithmetic3A_1216 : i32 to vector<16xi32>
      %shift_right_arithmetic3A_1218 = arith.shrsi %get3A_1215, %shift_right_arithmetic3A_1217 : vector<16xi32>
      %shift_left3A_1219 = arith.constant 11 : i32
      %shift_left3A_1220 = vector.broadcast %shift_left3A_1219 : i32 to vector<16xi32>
      %shift_left3A_1221 = arith.shli %shift_right_arithmetic3A_1218, %shift_left3A_1220 : vector<16xi32>
      %and3A_1222 = arith.constant 1023 : i32
      %and3A_1223 = vector.broadcast %and3A_1222 : i32 to vector<16xi32>
      %and3A_1224 = arith.andi %get3A_1215, %and3A_1223 : vector<16xi32>
      %shift_left3A_1225 = arith.constant 1 : i32
      %shift_left3A_1226 = vector.broadcast %shift_left3A_1225 : i32 to vector<16xi32>
      %shift_left3A_1227 = arith.shli %and3A_1224, %shift_left3A_1226 : vector<16xi32>
      %add3A_1228 = arith.addi %shift_left3A_1221, %shift_left3A_1227 : vector<16xi32>
      %shift_right_arithmetic3A_1229 = arith.constant 10 : i32
      %shift_right_arithmetic3A_1230 = vector.broadcast %shift_right_arithmetic3A_1229 : i32 to vector<16xi32>
      %shift_right_arithmetic3A_1231 = arith.shrsi %get3A_1215, %shift_right_arithmetic3A_1230 : vector<16xi32>
      %and3A_1232 = arith.constant 1 : i32
      %and3A_1233 = vector.broadcast %and3A_1232 : i32 to vector<16xi32>
      %and3A_1234 = arith.andi %shift_right_arithmetic3A_1231, %and3A_1233 : vector<16xi32>
      %add3A_1235 = arith.addi %add3A_1228, %and3A_1234 : vector<16xi32>
      %swap3A_1236 = arith.constant 1 : i32
      %swap3A_1237 = arith.constant 0 : i32
      %swap3A_1238 = arith.index_cast %swap3A_1236 : i32 to index
      %swap3A_1239 = arith.index_cast %swap3A_1237 : i32 to index
      %swap3A_1240 = arith.constant 0 : index
      %swap3A_1241 = tpu.vector_load %arg5[%swap3A_1238, %swap3A_1239, %swap3A_1240] {strides = array<i32>} : memref<2x4x128xi32, #tpu.memory_space<vmem>>, vector<1x1x16xi32>,
      %swap3A_1242 = vector.shape_cast %swap3A_1241 : vector<1x1x16xi32> to vector<16xi32>
      %swap3A_1243 = vector.shape_cast %add3A_1235 : vector<16xi32> to vector<1x1x16xi32>
      tpu.vector_store %arg5[%swap3A_1238, %swap3A_1239, %swap3A_1240], %swap3A_1243 {strides = array<i32>} : memref<2x4x128xi32, #tpu.memory_space<vmem>>, vector<1x1x16xi32>,
      %get3A_1244 = arith.constant 1 : i32
      %get3A_1245 = arith.constant 0 : i32
      %get3A_1246 = arith.index_cast %get3A_1244 : i32 to index
      %get3A_1247 = arith.index_cast %get3A_1245 : i32 to index
      %get3A_1248 = arith.constant 16 : index
      %get3A_1249 = tpu.vector_load %arg5[%get3A_1246, %get3A_1247, %get3A_1248] {strides = array<i32>} : memref<2x4x128xi32, #tpu.memory_space<vmem>>, vector<1x1x16xi32>,
      %get3A_1250 = vector.shape_cast %get3A_1249 : vector<1x1x16xi32> to vector<16xi32>
      %shift_right_arithmetic3A_1251 = arith.constant 11 : i32
      %shift_right_arithmetic3A_1252 = vector.broadcast %shift_right_arithmetic3A_1251 : i32 to vector<16xi32>
      %shift_right_arithmetic3A_1253 = arith.shrsi %get3A_1250, %shift_right_arithmetic3A_1252 : vector<16xi32>
      %shift_left3A_1254 = arith.constant 11 : i32
      %shift_left3A_1255 = vector.broadcast %shift_left3A_1254 : i32 to vector<16xi32>
      %shift_left3A_1256 = arith.shli %shift_right_arithmetic3A_1253, %shift_left3A_1255 : vector<16xi32>
      %and3A_1257 = arith.constant 1023 : i32
      %and3A_1258 = vector.broadcast %and3A_1257 : i32 to vector<16xi32>
      %and3A_1259 = arith.andi %get3A_1250, %and3A_1258 : vector<16xi32>
      %shift_left3A_1260 = arith.constant 1 : i32
      %shift_left3A_1261 = vector.broadcast %shift_left3A_1260 : i32 to vector<16xi32>
      %shift_left3A_1262 = arith.shli %and3A_1259, %shift_left3A_1261 : vector<16xi32>
      %add3A_1263 = arith.addi %shift_left3A_1256, %shift_left3A_1262 : vector<16xi32>
      %shift_right_arithmetic3A_1264 = arith.constant 10 : i32
      %shift_right_arithmetic3A_1265 = vector.broadcast %shift_right_arithmetic3A_1264 : i32 to vector<16xi32>
      %shift_right_arithmetic3A_1266 = arith.shrsi %get3A_1250, %shift_right_arithmetic3A_1265 : vector<16xi32>
      %and3A_1267 = arith.constant 1 : i32
      %and3A_1268 = vector.broadcast %and3A_1267 : i32 to vector<16xi32>
      %and3A_1269 = arith.andi %shift_right_arithmetic3A_1266, %and3A_1268 : vector<16xi32>
      %add3A_1270 = arith.addi %add3A_1263, %and3A_1269 : vector<16xi32>
      %swap3A_1271 = arith.constant 1 : i32
      %swap3A_1272 = arith.constant 0 : i32
      %swap3A_1273 = arith.index_cast %swap3A_1271 : i32 to index
      %swap3A_1274 = arith.index_cast %swap3A_1272 : i32 to index
      %swap3A_1275 = arith.constant 16 : index
      %swap3A_1276 = tpu.vector_load %arg5[%swap3A_1273, %swap3A_1274, %swap3A_1275] {strides = array<i32>} : memref<2x4x128xi32, #tpu.memory_space<vmem>>, vector<1x1x16xi32>,
      %swap3A_1277 = vector.shape_cast %swap3A_1276 : vector<1x1x16xi32> to vector<16xi32>
      %swap3A_1278 = vector.shape_cast %add3A_1270 : vector<16xi32> to vector<1x1x16xi32>
      tpu.vector_store %arg5[%swap3A_1273, %swap3A_1274, %swap3A_1275], %swap3A_1278 {strides = array<i32>} : memref<2x4x128xi32, #tpu.memory_space<vmem>>, vector<1x1x16xi32>,
      %get3A_1279 = arith.constant 1 : i32
      %get3A_1280 = arith.constant 0 : i32
      %get3A_1281 = arith.index_cast %get3A_1279 : i32 to index
      %get3A_1282 = arith.index_cast %get3A_1280 : i32 to index
      %get3A_1283 = arith.constant 32 : index
      %get3A_1284 = tpu.vector_load %arg5[%get3A_1281, %get3A_1282, %get3A_1283] {strides = array<i32>} : memref<2x4x128xi32, #tpu.memory_space<vmem>>, vector<1x1x16xi32>,
      %get3A_1285 = vector.shape_cast %get3A_1284 : vector<1x1x16xi32> to vector<16xi32>
      %shift_right_arithmetic3A_1286 = arith.constant 11 : i32
      %shift_right_arithmetic3A_1287 = vector.broadcast %shift_right_arithmetic3A_1286 : i32 to vector<16xi32>
      %shift_right_arithmetic3A_1288 = arith.shrsi %get3A_1285, %shift_right_arithmetic3A_1287 : vector<16xi32>
      %shift_left3A_1289 = arith.constant 11 : i32
      %shift_left3A_1290 = vector.broadcast %shift_left3A_1289 : i32 to vector<16xi32>
      %shift_left3A_1291 = arith.shli %shift_right_arithmetic3A_1288, %shift_left3A_1290 : vector<16xi32>
      %and3A_1292 = arith.constant 1023 : i32
      %and3A_1293 = vector.broadcast %and3A_1292 : i32 to vector<16xi32>
      %and3A_1294 = arith.andi %get3A_1285, %and3A_1293 : vector<16xi32>
      %shift_left3A_1295 = arith.constant 1 : i32
      %shift_left3A_1296 = vector.broadcast %shift_left3A_1295 : i32 to vector<16xi32>
      %shift_left3A_1297 = arith.shli %and3A_1294, %shift_left3A_1296 : vector<16xi32>
      %add3A_1298 = arith.addi %shift_left3A_1291, %shift_left3A_1297 : vector<16xi32>
      %shift_right_arithmetic3A_1299 = arith.constant 10 : i32
      %shift_right_arithmetic3A_1300 = vector.broadcast %shift_right_arithmetic3A_1299 : i32 to vector<16xi32>
      %shift_right_arithmetic3A_1301 = arith.shrsi %get3A_1285, %shift_right_arithmetic3A_1300 : vector<16xi32>
      %and3A_1302 = arith.constant 1 : i32
      %and3A_1303 = vector.broadcast %and3A_1302 : i32 to vector<16xi32>
      %and3A_1304 = arith.andi %shift_right_arithmetic3A_1301, %and3A_1303 : vector<16xi32>
      %add3A_1305 = arith.addi %add3A_1298, %and3A_1304 : vector<16xi32>
      %swap3A_1306 = arith.constant 1 : i32
      %swap3A_1307 = arith.constant 0 : i32
      %swap3A_1308 = arith.index_cast %swap3A_1306 : i32 to index
      %swap3A_1309 = arith.index_cast %swap3A_1307 : i32 to index
      %swap3A_1310 = arith.constant 32 : index
      %swap3A_1311 = tpu.vector_load %arg5[%swap3A_1308, %swap3A_1309, %swap3A_1310] {strides = array<i32>} : memref<2x4x128xi32, #tpu.memory_space<vmem>>, vector<1x1x16xi32>,
      %swap3A_1312 = vector.shape_cast %swap3A_1311 : vector<1x1x16xi32> to vector<16xi32>
      %swap3A_1313 = vector.shape_cast %add3A_1305 : vector<16xi32> to vector<1x1x16xi32>
      tpu.vector_store %arg5[%swap3A_1308, %swap3A_1309, %swap3A_1310], %swap3A_1313 {strides = array<i32>} : memref<2x4x128xi32, #tpu.memory_space<vmem>>, vector<1x1x16xi32>,
      %get3A_1314 = arith.constant 1 : i32
      %get3A_1315 = arith.constant 0 : i32
      %get3A_1316 = arith.index_cast %get3A_1314 : i32 to index
      %get3A_1317 = arith.index_cast %get3A_1315 : i32 to index
      %get3A_1318 = arith.constant 48 : index
      %get3A_1319 = tpu.vector_load %arg5[%get3A_1316, %get3A_1317, %get3A_1318] {strides = array<i32>} : memref<2x4x128xi32, #tpu.memory_space<vmem>>, vector<1x1x16xi32>,
      %get3A_1320 = vector.shape_cast %get3A_1319 : vector<1x1x16xi32> to vector<16xi32>
      %shift_right_arithmetic3A_1321 = arith.constant 11 : i32
      %shift_right_arithmetic3A_1322 = vector.broadcast %shift_right_arithmetic3A_1321 : i32 to vector<16xi32>
      %shift_right_arithmetic3A_1323 = arith.shrsi %get3A_1320, %shift_right_arithmetic3A_1322 : vector<16xi32>
      %shift_left3A_1324 = arith.constant 11 : i32
      %shift_left3A_1325 = vector.broadcast %shift_left3A_1324 : i32 to vector<16xi32>
      %shift_left3A_1326 = arith.shli %shift_right_arithmetic3A_1323, %shift_left3A_1325 : vector<16xi32>
      %and3A_1327 = arith.constant 1023 : i32
      %and3A_1328 = vector.broadcast %and3A_1327 : i32 to vector<16xi32>
      %and3A_1329 = arith.andi %get3A_1320, %and3A_1328 : vector<16xi32>
      %shift_left3A_1330 = arith.constant 1 : i32
      %shift_left3A_1331 = vector.broadcast %shift_left3A_1330 : i32 to vector<16xi32>
      %shift_left3A_1332 = arith.shli %and3A_1329, %shift_left3A_1331 : vector<16xi32>
      %add3A_1333 = arith.addi %shift_left3A_1326, %shift_left3A_1332 : vector<16xi32>
      %shift_right_arithmetic3A_1334 = arith.constant 10 : i32
      %shift_right_arithmetic3A_1335 = vector.broadcast %shift_right_arithmetic3A_1334 : i32 to vector<16xi32>
      %shift_right_arithmetic3A_1336 = arith.shrsi %get3A_1320, %shift_right_arithmetic3A_1335 : vector<16xi32>
      %and3A_1337 = arith.constant 1 : i32
      %and3A_1338 = vector.broadcast %and3A_1337 : i32 to vector<16xi32>
      %and3A_1339 = arith.andi %shift_right_arithmetic3A_1336, %and3A_1338 : vector<16xi32>
      %add3A_1340 = arith.addi %add3A_1333, %and3A_1339 : vector<16xi32>
      %swap3A_1341 = arith.constant 1 : i32
      %swap3A_1342 = arith.constant 0 : i32
      %swap3A_1343 = arith.index_cast %swap3A_1341 : i32 to index
      %swap3A_1344 = arith.index_cast %swap3A_1342 : i32 to index
      %swap3A_1345 = arith.constant 48 : index
      %swap3A_1346 = tpu.vector_load %arg5[%swap3A_1343, %swap3A_1344, %swap3A_1345] {strides = array<i32>} : memref<2x4x128xi32, #tpu.memory_space<vmem>>, vector<1x1x16xi32>,
      %swap3A_1347 = vector.shape_cast %swap3A_1346 : vector<1x1x16xi32> to vector<16xi32>
      %swap3A_1348 = vector.shape_cast %add3A_1340 : vector<16xi32> to vector<1x1x16xi32>
      tpu.vector_store %arg5[%swap3A_1343, %swap3A_1344, %swap3A_1345], %swap3A_1348 {strides = array<i32>} : memref<2x4x128xi32, #tpu.memory_space<vmem>>, vector<1x1x16xi32>,
      %get3A_1349 = arith.constant 1 : i32
      %get3A_1350 = arith.constant 0 : i32
      %get3A_1351 = arith.index_cast %get3A_1349 : i32 to index
      %get3A_1352 = arith.index_cast %get3A_1350 : i32 to index
      %get3A_1353 = arith.constant 64 : index
      %get3A_1354 = tpu.vector_load %arg5[%get3A_1351, %get3A_1352, %get3A_1353] {strides = array<i32>} : memref<2x4x128xi32, #tpu.memory_space<vmem>>, vector<1x1x16xi32>,
      %get3A_1355 = vector.shape_cast %get3A_1354 : vector<1x1x16xi32> to vector<16xi32>
      %shift_right_arithmetic3A_1356 = arith.constant 11 : i32
      %shift_right_arithmetic3A_1357 = vector.broadcast %shift_right_arithmetic3A_1356 : i32 to vector<16xi32>
      %shift_right_arithmetic3A_1358 = arith.shrsi %get3A_1355, %shift_right_arithmetic3A_1357 : vector<16xi32>
      %shift_left3A_1359 = arith.constant 11 : i32
      %shift_left3A_1360 = vector.broadcast %shift_left3A_1359 : i32 to vector<16xi32>
      %shift_left3A_1361 = arith.shli %shift_right_arithmetic3A_1358, %shift_left3A_1360 : vector<16xi32>
      %and3A_1362 = arith.constant 1023 : i32
      %and3A_1363 = vector.broadcast %and3A_1362 : i32 to vector<16xi32>
      %and3A_1364 = arith.andi %get3A_1355, %and3A_1363 : vector<16xi32>
      %shift_left3A_1365 = arith.constant 1 : i32
      %shift_left3A_1366 = vector.broadcast %shift_left3A_1365 : i32 to vector<16xi32>
      %shift_left3A_1367 = arith.shli %and3A_1364, %shift_left3A_1366 : vector<16xi32>
      %add3A_1368 = arith.addi %shift_left3A_1361, %shift_left3A_1367 : vector<16xi32>
      %shift_right_arithmetic3A_1369 = arith.constant 10 : i32
      %shift_right_arithmetic3A_1370 = vector.broadcast %shift_right_arithmetic3A_1369 : i32 to vector<16xi32>
      %shift_right_arithmetic3A_1371 = arith.shrsi %get3A_1355, %shift_right_arithmetic3A_1370 : vector<16xi32>
      %and3A_1372 = arith.constant 1 : i32
      %and3A_1373 = vector.broadcast %and3A_1372 : i32 to vector<16xi32>
      %and3A_1374 = arith.andi %shift_right_arithmetic3A_1371, %and3A_1373 : vector<16xi32>
      %add3A_1375 = arith.addi %add3A_1368, %and3A_1374 : vector<16xi32>
      %swap3A_1376 = arith.constant 1 : i32
      %swap3A_1377 = arith.constant 0 : i32
      %swap3A_1378 = arith.index_cast %swap3A_1376 : i32 to index
      %swap3A_1379 = arith.index_cast %swap3A_1377 : i32 to index
      %swap3A_1380 = arith.constant 64 : index
      %swap3A_1381 = tpu.vector_load %arg5[%swap3A_1378, %swap3A_1379, %swap3A_1380] {strides = array<i32>} : memref<2x4x128xi32, #tpu.memory_space<vmem>>, vector<1x1x16xi32>,
      %swap3A_1382 = vector.shape_cast %swap3A_1381 : vector<1x1x16xi32> to vector<16xi32>
      %swap3A_1383 = vector.shape_cast %add3A_1375 : vector<16xi32> to vector<1x1x16xi32>
      tpu.vector_store %arg5[%swap3A_1378, %swap3A_1379, %swap3A_1380], %swap3A_1383 {strides = array<i32>} : memref<2x4x128xi32, #tpu.memory_space<vmem>>, vector<1x1x16xi32>,
      %get3A_1384 = arith.constant 1 : i32
      %get3A_1385 = arith.constant 0 : i32
      %get3A_1386 = arith.index_cast %get3A_1384 : i32 to index
      %get3A_1387 = arith.index_cast %get3A_1385 : i32 to index
      %get3A_1388 = arith.constant 80 : index
      %get3A_1389 = tpu.vector_load %arg5[%get3A_1386, %get3A_1387, %get3A_1388] {strides = array<i32>} : memref<2x4x128xi32, #tpu.memory_space<vmem>>, vector<1x1x16xi32>,
      %get3A_1390 = vector.shape_cast %get3A_1389 : vector<1x1x16xi32> to vector<16xi32>
      %shift_right_arithmetic3A_1391 = arith.constant 11 : i32
      %shift_right_arithmetic3A_1392 = vector.broadcast %shift_right_arithmetic3A_1391 : i32 to vector<16xi32>
      %shift_right_arithmetic3A_1393 = arith.shrsi %get3A_1390, %shift_right_arithmetic3A_1392 : vector<16xi32>
      %shift_left3A_1394 = arith.constant 11 : i32
      %shift_left3A_1395 = vector.broadcast %shift_left3A_1394 : i32 to vector<16xi32>
      %shift_left3A_1396 = arith.shli %shift_right_arithmetic3A_1393, %shift_left3A_1395 : vector<16xi32>
      %and3A_1397 = arith.constant 1023 : i32
      %and3A_1398 = vector.broadcast %and3A_1397 : i32 to vector<16xi32>
      %and3A_1399 = arith.andi %get3A_1390, %and3A_1398 : vector<16xi32>
      %shift_left3A_1400 = arith.constant 1 : i32
      %shift_left3A_1401 = vector.broadcast %shift_left3A_1400 : i32 to vector<16xi32>
      %shift_left3A_1402 = arith.shli %and3A_1399, %shift_left3A_1401 : vector<16xi32>
      %add3A_1403 = arith.addi %shift_left3A_1396, %shift_left3A_1402 : vector<16xi32>
      %shift_right_arithmetic3A_1404 = arith.constant 10 : i32
      %shift_right_arithmetic3A_1405 = vector.broadcast %shift_right_arithmetic3A_1404 : i32 to vector<16xi32>
      %shift_right_arithmetic3A_1406 = arith.shrsi %get3A_1390, %shift_right_arithmetic3A_1405 : vector<16xi32>
      %and3A_1407 = arith.constant 1 : i32
      %and3A_1408 = vector.broadcast %and3A_1407 : i32 to vector<16xi32>
      %and3A_1409 = arith.andi %shift_right_arithmetic3A_1406, %and3A_1408 : vector<16xi32>
      %add3A_1410 = arith.addi %add3A_1403, %and3A_1409 : vector<16xi32>
      %swap3A_1411 = arith.constant 1 : i32
      %swap3A_1412 = arith.constant 0 : i32
      %swap3A_1413 = arith.index_cast %swap3A_1411 : i32 to index
      %swap3A_1414 = arith.index_cast %swap3A_1412 : i32 to index
      %swap3A_1415 = arith.constant 80 : index
      %swap3A_1416 = tpu.vector_load %arg5[%swap3A_1413, %swap3A_1414, %swap3A_1415] {strides = array<i32>} : memref<2x4x128xi32, #tpu.memory_space<vmem>>, vector<1x1x16xi32>,
      %swap3A_1417 = vector.shape_cast %swap3A_1416 : vector<1x1x16xi32> to vector<16xi32>
      %swap3A_1418 = vector.shape_cast %add3A_1410 : vector<16xi32> to vector<1x1x16xi32>
      tpu.vector_store %arg5[%swap3A_1413, %swap3A_1414, %swap3A_1415], %swap3A_1418 {strides = array<i32>} : memref<2x4x128xi32, #tpu.memory_space<vmem>>, vector<1x1x16xi32>,
      %get3A_1419 = arith.constant 1 : i32
      %get3A_1420 = arith.constant 0 : i32
      %get3A_1421 = arith.index_cast %get3A_1419 : i32 to index
      %get3A_1422 = arith.index_cast %get3A_1420 : i32 to index
      %get3A_1423 = arith.constant 96 : index
      %get3A_1424 = tpu.vector_load %arg5[%get3A_1421, %get3A_1422, %get3A_1423] {strides = array<i32>} : memref<2x4x128xi32, #tpu.memory_space<vmem>>, vector<1x1x16xi32>,
      %get3A_1425 = vector.shape_cast %get3A_1424 : vector<1x1x16xi32> to vector<16xi32>
      %shift_right_arithmetic3A_1426 = arith.constant 11 : i32
      %shift_right_arithmetic3A_1427 = vector.broadcast %shift_right_arithmetic3A_1426 : i32 to vector<16xi32>
      %shift_right_arithmetic3A_1428 = arith.shrsi %get3A_1425, %shift_right_arithmetic3A_1427 : vector<16xi32>
      %shift_left3A_1429 = arith.constant 11 : i32
      %shift_left3A_1430 = vector.broadcast %shift_left3A_1429 : i32 to vector<16xi32>
      %shift_left3A_1431 = arith.shli %shift_right_arithmetic3A_1428, %shift_left3A_1430 : vector<16xi32>
      %and3A_1432 = arith.constant 1023 : i32
      %and3A_1433 = vector.broadcast %and3A_1432 : i32 to vector<16xi32>
      %and3A_1434 = arith.andi %get3A_1425, %and3A_1433 : vector<16xi32>
      %shift_left3A_1435 = arith.constant 1 : i32
      %shift_left3A_1436 = vector.broadcast %shift_left3A_1435 : i32 to vector<16xi32>
      %shift_left3A_1437 = arith.shli %and3A_1434, %shift_left3A_1436 : vector<16xi32>
      %add3A_1438 = arith.addi %shift_left3A_1431, %shift_left3A_1437 : vector<16xi32>
      %shift_right_arithmetic3A_1439 = arith.constant 10 : i32
      %shift_right_arithmetic3A_1440 = vector.broadcast %shift_right_arithmetic3A_1439 : i32 to vector<16xi32>
      %shift_right_arithmetic3A_1441 = arith.shrsi %get3A_1425, %shift_right_arithmetic3A_1440 : vector<16xi32>
      %and3A_1442 = arith.constant 1 : i32
      %and3A_1443 = vector.broadcast %and3A_1442 : i32 to vector<16xi32>
      %and3A_1444 = arith.andi %shift_right_arithmetic3A_1441, %and3A_1443 : vector<16xi32>
      %add3A_1445 = arith.addi %add3A_1438, %and3A_1444 : vector<16xi32>
      %swap3A_1446 = arith.constant 1 : i32
      %swap3A_1447 = arith.constant 0 : i32
      %swap3A_1448 = arith.index_cast %swap3A_1446 : i32 to index
      %swap3A_1449 = arith.index_cast %swap3A_1447 : i32 to index
      %swap3A_1450 = arith.constant 96 : index
      %swap3A_1451 = tpu.vector_load %arg5[%swap3A_1448, %swap3A_1449, %swap3A_1450] {strides = array<i32>} : memref<2x4x128xi32, #tpu.memory_space<vmem>>, vector<1x1x16xi32>,
      %swap3A_1452 = vector.shape_cast %swap3A_1451 : vector<1x1x16xi32> to vector<16xi32>
      %swap3A_1453 = vector.shape_cast %add3A_1445 : vector<16xi32> to vector<1x1x16xi32>
      tpu.vector_store %arg5[%swap3A_1448, %swap3A_1449, %swap3A_1450], %swap3A_1453 {strides = array<i32>} : memref<2x4x128xi32, #tpu.memory_space<vmem>>, vector<1x1x16xi32>,
      %get3A_1454 = arith.constant 1 : i32
      %get3A_1455 = arith.constant 0 : i32
      %get3A_1456 = arith.index_cast %get3A_1454 : i32 to index
      %get3A_1457 = arith.index_cast %get3A_1455 : i32 to index
      %get3A_1458 = arith.constant 112 : index
      %get3A_1459 = tpu.vector_load %arg5[%get3A_1456, %get3A_1457, %get3A_1458] {strides = array<i32>} : memref<2x4x128xi32, #tpu.memory_space<vmem>>, vector<1x1x16xi32>,
      %get3A_1460 = vector.shape_cast %get3A_1459 : vector<1x1x16xi32> to vector<16xi32>
      %shift_right_arithmetic3A_1461 = arith.constant 11 : i32
      %shift_right_arithmetic3A_1462 = vector.broadcast %shift_right_arithmetic3A_1461 : i32 to vector<16xi32>
      %shift_right_arithmetic3A_1463 = arith.shrsi %get3A_1460, %shift_right_arithmetic3A_1462 : vector<16xi32>
      %shift_left3A_1464 = arith.constant 11 : i32
      %shift_left3A_1465 = vector.broadcast %shift_left3A_1464 : i32 to vector<16xi32>
      %shift_left3A_1466 = arith.shli %shift_right_arithmetic3A_1463, %shift_left3A_1465 : vector<16xi32>
      %and3A_1467 = arith.constant 1023 : i32
      %and3A_1468 = vector.broadcast %and3A_1467 : i32 to vector<16xi32>
      %and3A_1469 = arith.andi %get3A_1460, %and3A_1468 : vector<16xi32>
      %shift_left3A_1470 = arith.constant 1 : i32
      %shift_left3A_1471 = vector.broadcast %shift_left3A_1470 : i32 to vector<16xi32>
      %shift_left3A_1472 = arith.shli %and3A_1469, %shift_left3A_1471 : vector<16xi32>
      %add3A_1473 = arith.addi %shift_left3A_1466, %shift_left3A_1472 : vector<16xi32>
      %shift_right_arithmetic3A_1474 = arith.constant 10 : i32
      %shift_right_arithmetic3A_1475 = vector.broadcast %shift_right_arithmetic3A_1474 : i32 to vector<16xi32>
      %shift_right_arithmetic3A_1476 = arith.shrsi %get3A_1460, %shift_right_arithmetic3A_1475 : vector<16xi32>
      %and3A_1477 = arith.constant 1 : i32
      %and3A_1478 = vector.broadcast %and3A_1477 : i32 to vector<16xi32>
      %and3A_1479 = arith.andi %shift_right_arithmetic3A_1476, %and3A_1478 : vector<16xi32>
      %add3A_1480 = arith.addi %add3A_1473, %and3A_1479 : vector<16xi32>
      %swap3A_1481 = arith.constant 1 : i32
      %swap3A_1482 = arith.constant 0 : i32
      %swap3A_1483 = arith.index_cast %swap3A_1481 : i32 to index
      %swap3A_1484 = arith.index_cast %swap3A_1482 : i32 to index
      %swap3A_1485 = arith.constant 112 : index
      %swap3A_1486 = tpu.vector_load %arg5[%swap3A_1483, %swap3A_1484, %swap3A_1485] {strides = array<i32>} : memref<2x4x128xi32, #tpu.memory_space<vmem>>, vector<1x1x16xi32>,
      %swap3A_1487 = vector.shape_cast %swap3A_1486 : vector<1x1x16xi32> to vector<16xi32>
      %swap3A_1488 = vector.shape_cast %add3A_1480 : vector<16xi32> to vector<1x1x16xi32>
      tpu.vector_store %arg5[%swap3A_1483, %swap3A_1484, %swap3A_1485], %swap3A_1488 {strides = array<i32>} : memref<2x4x128xi32, #tpu.memory_space<vmem>>, vector<1x1x16xi32>,
      %get3A_1489 = arith.constant 1 : i32
      %get3A_1490 = arith.constant 1 : i32
      %get3A_1491 = arith.index_cast %get3A_1489 : i32 to index
      %get3A_1492 = arith.index_cast %get3A_1490 : i32 to index
      %get3A_1493 = arith.constant 0 : index
      %get3A_1494 = tpu.vector_load %arg5[%get3A_1491, %get3A_1492, %get3A_1493] {strides = array<i32>} : memref<2x4x128xi32, #tpu.memory_space<vmem>>, vector<1x1x16xi32>,
      %get3A_1495 = vector.shape_cast %get3A_1494 : vector<1x1x16xi32> to vector<16xi32>
      %shift_right_arithmetic3A_1496 = arith.constant 11 : i32
      %shift_right_arithmetic3A_1497 = vector.broadcast %shift_right_arithmetic3A_1496 : i32 to vector<16xi32>
      %shift_right_arithmetic3A_1498 = arith.shrsi %get3A_1495, %shift_right_arithmetic3A_1497 : vector<16xi32>
      %shift_left3A_1499 = arith.constant 11 : i32
      %shift_left3A_1500 = vector.broadcast %shift_left3A_1499 : i32 to vector<16xi32>
      %shift_left3A_1501 = arith.shli %shift_right_arithmetic3A_1498, %shift_left3A_1500 : vector<16xi32>
      %and3A_1502 = arith.constant 1023 : i32
      %and3A_1503 = vector.broadcast %and3A_1502 : i32 to vector<16xi32>
      %and3A_1504 = arith.andi %get3A_1495, %and3A_1503 : vector<16xi32>
      %shift_left3A_1505 = arith.constant 1 : i32
      %shift_left3A_1506 = vector.broadcast %shift_left3A_1505 : i32 to vector<16xi32>
      %shift_left3A_1507 = arith.shli %and3A_1504, %shift_left3A_1506 : vector<16xi32>
      %add3A_1508 = arith.addi %shift_left3A_1501, %shift_left3A_1507 : vector<16xi32>
      %shift_right_arithmetic3A_1509 = arith.constant 10 : i32
      %shift_right_arithmetic3A_1510 = vector.broadcast %shift_right_arithmetic3A_1509 : i32 to vector<16xi32>
      %shift_right_arithmetic3A_1511 = arith.shrsi %get3A_1495, %shift_right_arithmetic3A_1510 : vector<16xi32>
      %and3A_1512 = arith.constant 1 : i32
      %and3A_1513 = vector.broadcast %and3A_1512 : i32 to vector<16xi32>
      %and3A_1514 = arith.andi %shift_right_arithmetic3A_1511, %and3A_1513 : vector<16xi32>
      %add3A_1515 = arith.addi %add3A_1508, %and3A_1514 : vector<16xi32>
      %swap3A_1516 = arith.constant 1 : i32
      %swap3A_1517 = arith.constant 1 : i32
      %swap3A_1518 = arith.index_cast %swap3A_1516 : i32 to index
      %swap3A_1519 = arith.index_cast %swap3A_1517 : i32 to index
      %swap3A_1520 = arith.constant 0 : index
      %swap3A_1521 = tpu.vector_load %arg5[%swap3A_1518, %swap3A_1519, %swap3A_1520] {strides = array<i32>} : memref<2x4x128xi32, #tpu.memory_space<vmem>>, vector<1x1x16xi32>,
      %swap3A_1522 = vector.shape_cast %swap3A_1521 : vector<1x1x16xi32> to vector<16xi32>
      %swap3A_1523 = vector.shape_cast %add3A_1515 : vector<16xi32> to vector<1x1x16xi32>
      tpu.vector_store %arg5[%swap3A_1518, %swap3A_1519, %swap3A_1520], %swap3A_1523 {strides = array<i32>} : memref<2x4x128xi32, #tpu.memory_space<vmem>>, vector<1x1x16xi32>,
      %get3A_1524 = arith.constant 1 : i32
      %get3A_1525 = arith.constant 1 : i32
      %get3A_1526 = arith.index_cast %get3A_1524 : i32 to index
      %get3A_1527 = arith.index_cast %get3A_1525 : i32 to index
      %get3A_1528 = arith.constant 16 : index
      %get3A_1529 = tpu.vector_load %arg5[%get3A_1526, %get3A_1527, %get3A_1528] {strides = array<i32>} : memref<2x4x128xi32, #tpu.memory_space<vmem>>, vector<1x1x16xi32>,
      %get3A_1530 = vector.shape_cast %get3A_1529 : vector<1x1x16xi32> to vector<16xi32>
      %shift_right_arithmetic3A_1531 = arith.constant 11 : i32
      %shift_right_arithmetic3A_1532 = vector.broadcast %shift_right_arithmetic3A_1531 : i32 to vector<16xi32>
      %shift_right_arithmetic3A_1533 = arith.shrsi %get3A_1530, %shift_right_arithmetic3A_1532 : vector<16xi32>
      %shift_left3A_1534 = arith.constant 11 : i32
      %shift_left3A_1535 = vector.broadcast %shift_left3A_1534 : i32 to vector<16xi32>
      %shift_left3A_1536 = arith.shli %shift_right_arithmetic3A_1533, %shift_left3A_1535 : vector<16xi32>
      %and3A_1537 = arith.constant 1023 : i32
      %and3A_1538 = vector.broadcast %and3A_1537 : i32 to vector<16xi32>
      %and3A_1539 = arith.andi %get3A_1530, %and3A_1538 : vector<16xi32>
      %shift_left3A_1540 = arith.constant 1 : i32
      %shift_left3A_1541 = vector.broadcast %shift_left3A_1540 : i32 to vector<16xi32>
      %shift_left3A_1542 = arith.shli %and3A_1539, %shift_left3A_1541 : vector<16xi32>
      %add3A_1543 = arith.addi %shift_left3A_1536, %shift_left3A_1542 : vector<16xi32>
      %shift_right_arithmetic3A_1544 = arith.constant 10 : i32
      %shift_right_arithmetic3A_1545 = vector.broadcast %shift_right_arithmetic3A_1544 : i32 to vector<16xi32>
      %shift_right_arithmetic3A_1546 = arith.shrsi %get3A_1530, %shift_right_arithmetic3A_1545 : vector<16xi32>
      %and3A_1547 = arith.constant 1 : i32
      %and3A_1548 = vector.broadcast %and3A_1547 : i32 to vector<16xi32>
      %and3A_1549 = arith.andi %shift_right_arithmetic3A_1546, %and3A_1548 : vector<16xi32>
      %add3A_1550 = arith.addi %add3A_1543, %and3A_1549 : vector<16xi32>
      %swap3A_1551 = arith.constant 1 : i32
      %swap3A_1552 = arith.constant 1 : i32
      %swap3A_1553 = arith.index_cast %swap3A_1551 : i32 to index
      %swap3A_1554 = arith.index_cast %swap3A_1552 : i32 to index
      %swap3A_1555 = arith.constant 16 : index
      %swap3A_1556 = tpu.vector_load %arg5[%swap3A_1553, %swap3A_1554, %swap3A_1555] {strides = array<i32>} : memref<2x4x128xi32, #tpu.memory_space<vmem>>, vector<1x1x16xi32>,
      %swap3A_1557 = vector.shape_cast %swap3A_1556 : vector<1x1x16xi32> to vector<16xi32>
      %swap3A_1558 = vector.shape_cast %add3A_1550 : vector<16xi32> to vector<1x1x16xi32>
      tpu.vector_store %arg5[%swap3A_1553, %swap3A_1554, %swap3A_1555], %swap3A_1558 {strides = array<i32>} : memref<2x4x128xi32, #tpu.memory_space<vmem>>, vector<1x1x16xi32>,
      %get3A_1559 = arith.constant 1 : i32
      %get3A_1560 = arith.constant 1 : i32
      %get3A_1561 = arith.index_cast %get3A_1559 : i32 to index
      %get3A_1562 = arith.index_cast %get3A_1560 : i32 to index
      %get3A_1563 = arith.constant 32 : index
      %get3A_1564 = tpu.vector_load %arg5[%get3A_1561, %get3A_1562, %get3A_1563] {strides = array<i32>} : memref<2x4x128xi32, #tpu.memory_space<vmem>>, vector<1x1x16xi32>,
      %get3A_1565 = vector.shape_cast %get3A_1564 : vector<1x1x16xi32> to vector<16xi32>
      %shift_right_arithmetic3A_1566 = arith.constant 11 : i32
      %shift_right_arithmetic3A_1567 = vector.broadcast %shift_right_arithmetic3A_1566 : i32 to vector<16xi32>
      %shift_right_arithmetic3A_1568 = arith.shrsi %get3A_1565, %shift_right_arithmetic3A_1567 : vector<16xi32>
      %shift_left3A_1569 = arith.constant 11 : i32
      %shift_left3A_1570 = vector.broadcast %shift_left3A_1569 : i32 to vector<16xi32>
      %shift_left3A_1571 = arith.shli %shift_right_arithmetic3A_1568, %shift_left3A_1570 : vector<16xi32>
      %and3A_1572 = arith.constant 1023 : i32
      %and3A_1573 = vector.broadcast %and3A_1572 : i32 to vector<16xi32>
      %and3A_1574 = arith.andi %get3A_1565, %and3A_1573 : vector<16xi32>
      %shift_left3A_1575 = arith.constant 1 : i32
      %shift_left3A_1576 = vector.broadcast %shift_left3A_1575 : i32 to vector<16xi32>
      %shift_left3A_1577 = arith.shli %and3A_1574, %shift_left3A_1576 : vector<16xi32>
      %add3A_1578 = arith.addi %shift_left3A_1571, %shift_left3A_1577 : vector<16xi32>
      %shift_right_arithmetic3A_1579 = arith.constant 10 : i32
      %shift_right_arithmetic3A_1580 = vector.broadcast %shift_right_arithmetic3A_1579 : i32 to vector<16xi32>
      %shift_right_arithmetic3A_1581 = arith.shrsi %get3A_1565, %shift_right_arithmetic3A_1580 : vector<16xi32>
      %and3A_1582 = arith.constant 1 : i32
      %and3A_1583 = vector.broadcast %and3A_1582 : i32 to vector<16xi32>
      %and3A_1584 = arith.andi %shift_right_arithmetic3A_1581, %and3A_1583 : vector<16xi32>
      %add3A_1585 = arith.addi %add3A_1578, %and3A_1584 : vector<16xi32>
      %swap3A_1586 = arith.constant 1 : i32
      %swap3A_1587 = arith.constant 1 : i32
      %swap3A_1588 = arith.index_cast %swap3A_1586 : i32 to index
      %swap3A_1589 = arith.index_cast %swap3A_1587 : i32 to index
      %swap3A_1590 = arith.constant 32 : index
      %swap3A_1591 = tpu.vector_load %arg5[%swap3A_1588, %swap3A_1589, %swap3A_1590] {strides = array<i32>} : memref<2x4x128xi32, #tpu.memory_space<vmem>>, vector<1x1x16xi32>,
      %swap3A_1592 = vector.shape_cast %swap3A_1591 : vector<1x1x16xi32> to vector<16xi32>
      %swap3A_1593 = vector.shape_cast %add3A_1585 : vector<16xi32> to vector<1x1x16xi32>
      tpu.vector_store %arg5[%swap3A_1588, %swap3A_1589, %swap3A_1590], %swap3A_1593 {strides = array<i32>} : memref<2x4x128xi32, #tpu.memory_space<vmem>>, vector<1x1x16xi32>,
      %get3A_1594 = arith.constant 1 : i32
      %get3A_1595 = arith.constant 1 : i32
      %get3A_1596 = arith.index_cast %get3A_1594 : i32 to index
      %get3A_1597 = arith.index_cast %get3A_1595 : i32 to index
      %get3A_1598 = arith.constant 48 : index
      %get3A_1599 = tpu.vector_load %arg5[%get3A_1596, %get3A_1597, %get3A_1598] {strides = array<i32>} : memref<2x4x128xi32, #tpu.memory_space<vmem>>, vector<1x1x16xi32>,
      %get3A_1600 = vector.shape_cast %get3A_1599 : vector<1x1x16xi32> to vector<16xi32>
      %shift_right_arithmetic3A_1601 = arith.constant 11 : i32
      %shift_right_arithmetic3A_1602 = vector.broadcast %shift_right_arithmetic3A_1601 : i32 to vector<16xi32>
      %shift_right_arithmetic3A_1603 = arith.shrsi %get3A_1600, %shift_right_arithmetic3A_1602 : vector<16xi32>
      %shift_left3A_1604 = arith.constant 11 : i32
      %shift_left3A_1605 = vector.broadcast %shift_left3A_1604 : i32 to vector<16xi32>
      %shift_left3A_1606 = arith.shli %shift_right_arithmetic3A_1603, %shift_left3A_1605 : vector<16xi32>
      %and3A_1607 = arith.constant 1023 : i32
      %and3A_1608 = vector.broadcast %and3A_1607 : i32 to vector<16xi32>
      %and3A_1609 = arith.andi %get3A_1600, %and3A_1608 : vector<16xi32>
      %shift_left3A_1610 = arith.constant 1 : i32
      %shift_left3A_1611 = vector.broadcast %shift_left3A_1610 : i32 to vector<16xi32>
      %shift_left3A_1612 = arith.shli %and3A_1609, %shift_left3A_1611 : vector<16xi32>
      %add3A_1613 = arith.addi %shift_left3A_1606, %shift_left3A_1612 : vector<16xi32>
      %shift_right_arithmetic3A_1614 = arith.constant 10 : i32
      %shift_right_arithmetic3A_1615 = vector.broadcast %shift_right_arithmetic3A_1614 : i32 to vector<16xi32>
      %shift_right_arithmetic3A_1616 = arith.shrsi %get3A_1600, %shift_right_arithmetic3A_1615 : vector<16xi32>
      %and3A_1617 = arith.constant 1 : i32
      %and3A_1618 = vector.broadcast %and3A_1617 : i32 to vector<16xi32>
      %and3A_1619 = arith.andi %shift_right_arithmetic3A_1616, %and3A_1618 : vector<16xi32>
      %add3A_1620 = arith.addi %add3A_1613, %and3A_1619 : vector<16xi32>
      %swap3A_1621 = arith.constant 1 : i32
      %swap3A_1622 = arith.constant 1 : i32
      %swap3A_1623 = arith.index_cast %swap3A_1621 : i32 to index
      %swap3A_1624 = arith.index_cast %swap3A_1622 : i32 to index
      %swap3A_1625 = arith.constant 48 : index
      %swap3A_1626 = tpu.vector_load %arg5[%swap3A_1623, %swap3A_1624, %swap3A_1625] {strides = array<i32>} : memref<2x4x128xi32, #tpu.memory_space<vmem>>, vector<1x1x16xi32>,
      %swap3A_1627 = vector.shape_cast %swap3A_1626 : vector<1x1x16xi32> to vector<16xi32>
      %swap3A_1628 = vector.shape_cast %add3A_1620 : vector<16xi32> to vector<1x1x16xi32>
      tpu.vector_store %arg5[%swap3A_1623, %swap3A_1624, %swap3A_1625], %swap3A_1628 {strides = array<i32>} : memref<2x4x128xi32, #tpu.memory_space<vmem>>, vector<1x1x16xi32>,
      %get3A_1629 = arith.constant 1 : i32
      %get3A_1630 = arith.constant 1 : i32
      %get3A_1631 = arith.index_cast %get3A_1629 : i32 to index
      %get3A_1632 = arith.index_cast %get3A_1630 : i32 to index
      %get3A_1633 = arith.constant 64 : index
      %get3A_1634 = tpu.vector_load %arg5[%get3A_1631, %get3A_1632, %get3A_1633] {strides = array<i32>} : memref<2x4x128xi32, #tpu.memory_space<vmem>>, vector<1x1x16xi32>,
      %get3A_1635 = vector.shape_cast %get3A_1634 : vector<1x1x16xi32> to vector<16xi32>
      %shift_right_arithmetic3A_1636 = arith.constant 11 : i32
      %shift_right_arithmetic3A_1637 = vector.broadcast %shift_right_arithmetic3A_1636 : i32 to vector<16xi32>
      %shift_right_arithmetic3A_1638 = arith.shrsi %get3A_1635, %shift_right_arithmetic3A_1637 : vector<16xi32>
      %shift_left3A_1639 = arith.constant 11 : i32
      %shift_left3A_1640 = vector.broadcast %shift_left3A_1639 : i32 to vector<16xi32>
      %shift_left3A_1641 = arith.shli %shift_right_arithmetic3A_1638, %shift_left3A_1640 : vector<16xi32>
      %and3A_1642 = arith.constant 1023 : i32
      %and3A_1643 = vector.broadcast %and3A_1642 : i32 to vector<16xi32>
      %and3A_1644 = arith.andi %get3A_1635, %and3A_1643 : vector<16xi32>
      %shift_left3A_1645 = arith.constant 1 : i32
      %shift_left3A_1646 = vector.broadcast %shift_left3A_1645 : i32 to vector<16xi32>
      %shift_left3A_1647 = arith.shli %and3A_1644, %shift_left3A_1646 : vector<16xi32>
      %add3A_1648 = arith.addi %shift_left3A_1641, %shift_left3A_1647 : vector<16xi32>
      %shift_right_arithmetic3A_1649 = arith.constant 10 : i32
      %shift_right_arithmetic3A_1650 = vector.broadcast %shift_right_arithmetic3A_1649 : i32 to vector<16xi32>
      %shift_right_arithmetic3A_1651 = arith.shrsi %get3A_1635, %shift_right_arithmetic3A_1650 : vector<16xi32>
      %and3A_1652 = arith.constant 1 : i32
      %and3A_1653 = vector.broadcast %and3A_1652 : i32 to vector<16xi32>
      %and3A_1654 = arith.andi %shift_right_arithmetic3A_1651, %and3A_1653 : vector<16xi32>
      %add3A_1655 = arith.addi %add3A_1648, %and3A_1654 : vector<16xi32>
      %swap3A_1656 = arith.constant 1 : i32
      %swap3A_1657 = arith.constant 1 : i32
      %swap3A_1658 = arith.index_cast %swap3A_1656 : i32 to index
      %swap3A_1659 = arith.index_cast %swap3A_1657 : i32 to index
      %swap3A_1660 = arith.constant 64 : index
      %swap3A_1661 = tpu.vector_load %arg5[%swap3A_1658, %swap3A_1659, %swap3A_1660] {strides = array<i32>} : memref<2x4x128xi32, #tpu.memory_space<vmem>>, vector<1x1x16xi32>,
      %swap3A_1662 = vector.shape_cast %swap3A_1661 : vector<1x1x16xi32> to vector<16xi32>
      %swap3A_1663 = vector.shape_cast %add3A_1655 : vector<16xi32> to vector<1x1x16xi32>
      tpu.vector_store %arg5[%swap3A_1658, %swap3A_1659, %swap3A_1660], %swap3A_1663 {strides = array<i32>} : memref<2x4x128xi32, #tpu.memory_space<vmem>>, vector<1x1x16xi32>,
      %get3A_1664 = arith.constant 1 : i32
      %get3A_1665 = arith.constant 1 : i32
      %get3A_1666 = arith.index_cast %get3A_1664 : i32 to index
      %get3A_1667 = arith.index_cast %get3A_1665 : i32 to index
      %get3A_1668 = arith.constant 80 : index
      %get3A_1669 = tpu.vector_load %arg5[%get3A_1666, %get3A_1667, %get3A_1668] {strides = array<i32>} : memref<2x4x128xi32, #tpu.memory_space<vmem>>, vector<1x1x16xi32>,
      %get3A_1670 = vector.shape_cast %get3A_1669 : vector<1x1x16xi32> to vector<16xi32>
      %shift_right_arithmetic3A_1671 = arith.constant 11 : i32
      %shift_right_arithmetic3A_1672 = vector.broadcast %shift_right_arithmetic3A_1671 : i32 to vector<16xi32>
      %shift_right_arithmetic3A_1673 = arith.shrsi %get3A_1670, %shift_right_arithmetic3A_1672 : vector<16xi32>
      %shift_left3A_1674 = arith.constant 11 : i32
      %shift_left3A_1675 = vector.broadcast %shift_left3A_1674 : i32 to vector<16xi32>
      %shift_left3A_1676 = arith.shli %shift_right_arithmetic3A_1673, %shift_left3A_1675 : vector<16xi32>
      %and3A_1677 = arith.constant 1023 : i32
      %and3A_1678 = vector.broadcast %and3A_1677 : i32 to vector<16xi32>
      %and3A_1679 = arith.andi %get3A_1670, %and3A_1678 : vector<16xi32>
      %shift_left3A_1680 = arith.constant 1 : i32
      %shift_left3A_1681 = vector.broadcast %shift_left3A_1680 : i32 to vector<16xi32>
      %shift_left3A_1682 = arith.shli %and3A_1679, %shift_left3A_1681 : vector<16xi32>
      %add3A_1683 = arith.addi %shift_left3A_1676, %shift_left3A_1682 : vector<16xi32>
      %shift_right_arithmetic3A_1684 = arith.constant 10 : i32
      %shift_right_arithmetic3A_1685 = vector.broadcast %shift_right_arithmetic3A_1684 : i32 to vector<16xi32>
      %shift_right_arithmetic3A_1686 = arith.shrsi %get3A_1670, %shift_right_arithmetic3A_1685 : vector<16xi32>
      %and3A_1687 = arith.constant 1 : i32
      %and3A_1688 = vector.broadcast %and3A_1687 : i32 to vector<16xi32>
      %and3A_1689 = arith.andi %shift_right_arithmetic3A_1686, %and3A_1688 : vector<16xi32>
      %add3A_1690 = arith.addi %add3A_1683, %and3A_1689 : vector<16xi32>
      %swap3A_1691 = arith.constant 1 : i32
      %swap3A_1692 = arith.constant 1 : i32
      %swap3A_1693 = arith.index_cast %swap3A_1691 : i32 to index
      %swap3A_1694 = arith.index_cast %swap3A_1692 : i32 to index
      %swap3A_1695 = arith.constant 80 : index
      %swap3A_1696 = tpu.vector_load %arg5[%swap3A_1693, %swap3A_1694, %swap3A_1695] {strides = array<i32>} : memref<2x4x128xi32, #tpu.memory_space<vmem>>, vector<1x1x16xi32>,
      %swap3A_1697 = vector.shape_cast %swap3A_1696 : vector<1x1x16xi32> to vector<16xi32>
      %swap3A_1698 = vector.shape_cast %add3A_1690 : vector<16xi32> to vector<1x1x16xi32>
      tpu.vector_store %arg5[%swap3A_1693, %swap3A_1694, %swap3A_1695], %swap3A_1698 {strides = array<i32>} : memref<2x4x128xi32, #tpu.memory_space<vmem>>, vector<1x1x16xi32>,
      %get3A_1699 = arith.constant 1 : i32
      %get3A_1700 = arith.constant 1 : i32
      %get3A_1701 = arith.index_cast %get3A_1699 : i32 to index
      %get3A_1702 = arith.index_cast %get3A_1700 : i32 to index
      %get3A_1703 = arith.constant 96 : index
      %get3A_1704 = tpu.vector_load %arg5[%get3A_1701, %get3A_1702, %get3A_1703] {strides = array<i32>} : memref<2x4x128xi32, #tpu.memory_space<vmem>>, vector<1x1x16xi32>,
      %get3A_1705 = vector.shape_cast %get3A_1704 : vector<1x1x16xi32> to vector<16xi32>
      %shift_right_arithmetic3A_1706 = arith.constant 11 : i32
      %shift_right_arithmetic3A_1707 = vector.broadcast %shift_right_arithmetic3A_1706 : i32 to vector<16xi32>
      %shift_right_arithmetic3A_1708 = arith.shrsi %get3A_1705, %shift_right_arithmetic3A_1707 : vector<16xi32>
      %shift_left3A_1709 = arith.constant 11 : i32
      %shift_left3A_1710 = vector.broadcast %shift_left3A_1709 : i32 to vector<16xi32>
      %shift_left3A_1711 = arith.shli %shift_right_arithmetic3A_1708, %shift_left3A_1710 : vector<16xi32>
      %and3A_1712 = arith.constant 1023 : i32
      %and3A_1713 = vector.broadcast %and3A_1712 : i32 to vector<16xi32>
      %and3A_1714 = arith.andi %get3A_1705, %and3A_1713 : vector<16xi32>
      %shift_left3A_1715 = arith.constant 1 : i32
      %shift_left3A_1716 = vector.broadcast %shift_left3A_1715 : i32 to vector<16xi32>
      %shift_left3A_1717 = arith.shli %and3A_1714, %shift_left3A_1716 : vector<16xi32>
      %add3A_1718 = arith.addi %shift_left3A_1711, %shift_left3A_1717 : vector<16xi32>
      %shift_right_arithmetic3A_1719 = arith.constant 10 : i32
      %shift_right_arithmetic3A_1720 = vector.broadcast %shift_right_arithmetic3A_1719 : i32 to vector<16xi32>
      %shift_right_arithmetic3A_1721 = arith.shrsi %get3A_1705, %shift_right_arithmetic3A_1720 : vector<16xi32>
      %and3A_1722 = arith.constant 1 : i32
      %and3A_1723 = vector.broadcast %and3A_1722 : i32 to vector<16xi32>
      %and3A_1724 = arith.andi %shift_right_arithmetic3A_1721, %and3A_1723 : vector<16xi32>
      %add3A_1725 = arith.addi %add3A_1718, %and3A_1724 : vector<16xi32>
      %swap3A_1726 = arith.constant 1 : i32
      %swap3A_1727 = arith.constant 1 : i32
      %swap3A_1728 = arith.index_cast %swap3A_1726 : i32 to index
      %swap3A_1729 = arith.index_cast %swap3A_1727 : i32 to index
      %swap3A_1730 = arith.constant 96 : index
      %swap3A_1731 = tpu.vector_load %arg5[%swap3A_1728, %swap3A_1729, %swap3A_1730] {strides = array<i32>} : memref<2x4x128xi32, #tpu.memory_space<vmem>>, vector<1x1x16xi32>,
      %swap3A_1732 = vector.shape_cast %swap3A_1731 : vector<1x1x16xi32> to vector<16xi32>
      %swap3A_1733 = vector.shape_cast %add3A_1725 : vector<16xi32> to vector<1x1x16xi32>
      tpu.vector_store %arg5[%swap3A_1728, %swap3A_1729, %swap3A_1730], %swap3A_1733 {strides = array<i32>} : memref<2x4x128xi32, #tpu.memory_space<vmem>>, vector<1x1x16xi32>,
      %get3A_1734 = arith.constant 1 : i32
      %get3A_1735 = arith.constant 1 : i32
      %get3A_1736 = arith.index_cast %get3A_1734 : i32 to index
      %get3A_1737 = arith.index_cast %get3A_1735 : i32 to index
      %get3A_1738 = arith.constant 112 : index
      %get3A_1739 = tpu.vector_load %arg5[%get3A_1736, %get3A_1737, %get3A_1738] {strides = array<i32>} : memref<2x4x128xi32, #tpu.memory_space<vmem>>, vector<1x1x16xi32>,
      %get3A_1740 = vector.shape_cast %get3A_1739 : vector<1x1x16xi32> to vector<16xi32>
      %shift_right_arithmetic3A_1741 = arith.constant 11 : i32
      %shift_right_arithmetic3A_1742 = vector.broadcast %shift_right_arithmetic3A_1741 : i32 to vector<16xi32>
      %shift_right_arithmetic3A_1743 = arith.shrsi %get3A_1740, %shift_right_arithmetic3A_1742 : vector<16xi32>
      %shift_left3A_1744 = arith.constant 11 : i32
      %shift_left3A_1745 = vector.broadcast %shift_left3A_1744 : i32 to vector<16xi32>
      %shift_left3A_1746 = arith.shli %shift_right_arithmetic3A_1743, %shift_left3A_1745 : vector<16xi32>
      %and3A_1747 = arith.constant 1023 : i32
      %and3A_1748 = vector.broadcast %and3A_1747 : i32 to vector<16xi32>
      %and3A_1749 = arith.andi %get3A_1740, %and3A_1748 : vector<16xi32>
      %shift_left3A_1750 = arith.constant 1 : i32
      %shift_left3A_1751 = vector.broadcast %shift_left3A_1750 : i32 to vector<16xi32>
      %shift_left3A_1752 = arith.shli %and3A_1749, %shift_left3A_1751 : vector<16xi32>
      %add3A_1753 = arith.addi %shift_left3A_1746, %shift_left3A_1752 : vector<16xi32>
      %shift_right_arithmetic3A_1754 = arith.constant 10 : i32
      %shift_right_arithmetic3A_1755 = vector.broadcast %shift_right_arithmetic3A_1754 : i32 to vector<16xi32>
      %shift_right_arithmetic3A_1756 = arith.shrsi %get3A_1740, %shift_right_arithmetic3A_1755 : vector<16xi32>
      %and3A_1757 = arith.constant 1 : i32
      %and3A_1758 = vector.broadcast %and3A_1757 : i32 to vector<16xi32>
      %and3A_1759 = arith.andi %shift_right_arithmetic3A_1756, %and3A_1758 : vector<16xi32>
      %add3A_1760 = arith.addi %add3A_1753, %and3A_1759 : vector<16xi32>
      %swap3A_1761 = arith.constant 1 : i32
      %swap3A_1762 = arith.constant 1 : i32
      %swap3A_1763 = arith.index_cast %swap3A_1761 : i32 to index
      %swap3A_1764 = arith.index_cast %swap3A_1762 : i32 to index
      %swap3A_1765 = arith.constant 112 : index
      %swap3A_1766 = tpu.vector_load %arg5[%swap3A_1763, %swap3A_1764, %swap3A_1765] {strides = array<i32>} : memref<2x4x128xi32, #tpu.memory_space<vmem>>, vector<1x1x16xi32>,
      %swap3A_1767 = vector.shape_cast %swap3A_1766 : vector<1x1x16xi32> to vector<16xi32>
      %swap3A_1768 = vector.shape_cast %add3A_1760 : vector<16xi32> to vector<1x1x16xi32>
      tpu.vector_store %arg5[%swap3A_1763, %swap3A_1764, %swap3A_1765], %swap3A_1768 {strides = array<i32>} : memref<2x4x128xi32, #tpu.memory_space<vmem>>, vector<1x1x16xi32>,
      %get3A_1769 = arith.constant 1 : i32
      %get3A_1770 = arith.constant 2 : i32
      %get3A_1771 = arith.index_cast %get3A_1769 : i32 to index
      %get3A_1772 = arith.index_cast %get3A_1770 : i32 to index
      %get3A_1773 = arith.constant 0 : index
      %get3A_1774 = tpu.vector_load %arg5[%get3A_1771, %get3A_1772, %get3A_1773] {strides = array<i32>} : memref<2x4x128xi32, #tpu.memory_space<vmem>>, vector<1x1x16xi32>,
      %get3A_1775 = vector.shape_cast %get3A_1774 : vector<1x1x16xi32> to vector<16xi32>
      %shift_right_arithmetic3A_1776 = arith.constant 11 : i32
      %shift_right_arithmetic3A_1777 = vector.broadcast %shift_right_arithmetic3A_1776 : i32 to vector<16xi32>
      %shift_right_arithmetic3A_1778 = arith.shrsi %get3A_1775, %shift_right_arithmetic3A_1777 : vector<16xi32>
      %shift_left3A_1779 = arith.constant 11 : i32
      %shift_left3A_1780 = vector.broadcast %shift_left3A_1779 : i32 to vector<16xi32>
      %shift_left3A_1781 = arith.shli %shift_right_arithmetic3A_1778, %shift_left3A_1780 : vector<16xi32>
      %and3A_1782 = arith.constant 1023 : i32
      %and3A_1783 = vector.broadcast %and3A_1782 : i32 to vector<16xi32>
      %and3A_1784 = arith.andi %get3A_1775, %and3A_1783 : vector<16xi32>
      %shift_left3A_1785 = arith.constant 1 : i32
      %shift_left3A_1786 = vector.broadcast %shift_left3A_1785 : i32 to vector<16xi32>
      %shift_left3A_1787 = arith.shli %and3A_1784, %shift_left3A_1786 : vector<16xi32>
      %add3A_1788 = arith.addi %shift_left3A_1781, %shift_left3A_1787 : vector<16xi32>
      %shift_right_arithmetic3A_1789 = arith.constant 10 : i32
      %shift_right_arithmetic3A_1790 = vector.broadcast %shift_right_arithmetic3A_1789 : i32 to vector<16xi32>
      %shift_right_arithmetic3A_1791 = arith.shrsi %get3A_1775, %shift_right_arithmetic3A_1790 : vector<16xi32>
      %and3A_1792 = arith.constant 1 : i32
      %and3A_1793 = vector.broadcast %and3A_1792 : i32 to vector<16xi32>
      %and3A_1794 = arith.andi %shift_right_arithmetic3A_1791, %and3A_1793 : vector<16xi32>
      %add3A_1795 = arith.addi %add3A_1788, %and3A_1794 : vector<16xi32>
      %swap3A_1796 = arith.constant 1 : i32
      %swap3A_1797 = arith.constant 2 : i32
      %swap3A_1798 = arith.index_cast %swap3A_1796 : i32 to index
      %swap3A_1799 = arith.index_cast %swap3A_1797 : i32 to index
      %swap3A_1800 = arith.constant 0 : index
      %swap3A_1801 = tpu.vector_load %arg5[%swap3A_1798, %swap3A_1799, %swap3A_1800] {strides = array<i32>} : memref<2x4x128xi32, #tpu.memory_space<vmem>>, vector<1x1x16xi32>,
      %swap3A_1802 = vector.shape_cast %swap3A_1801 : vector<1x1x16xi32> to vector<16xi32>
      %swap3A_1803 = vector.shape_cast %add3A_1795 : vector<16xi32> to vector<1x1x16xi32>
      tpu.vector_store %arg5[%swap3A_1798, %swap3A_1799, %swap3A_1800], %swap3A_1803 {strides = array<i32>} : memref<2x4x128xi32, #tpu.memory_space<vmem>>, vector<1x1x16xi32>,
      %get3A_1804 = arith.constant 1 : i32
      %get3A_1805 = arith.constant 2 : i32
      %get3A_1806 = arith.index_cast %get3A_1804 : i32 to index
      %get3A_1807 = arith.index_cast %get3A_1805 : i32 to index
      %get3A_1808 = arith.constant 16 : index
      %get3A_1809 = tpu.vector_load %arg5[%get3A_1806, %get3A_1807, %get3A_1808] {strides = array<i32>} : memref<2x4x128xi32, #tpu.memory_space<vmem>>, vector<1x1x16xi32>,
      %get3A_1810 = vector.shape_cast %get3A_1809 : vector<1x1x16xi32> to vector<16xi32>
      %shift_right_arithmetic3A_1811 = arith.constant 11 : i32
      %shift_right_arithmetic3A_1812 = vector.broadcast %shift_right_arithmetic3A_1811 : i32 to vector<16xi32>
      %shift_right_arithmetic3A_1813 = arith.shrsi %get3A_1810, %shift_right_arithmetic3A_1812 : vector<16xi32>
      %shift_left3A_1814 = arith.constant 11 : i32
      %shift_left3A_1815 = vector.broadcast %shift_left3A_1814 : i32 to vector<16xi32>
      %shift_left3A_1816 = arith.shli %shift_right_arithmetic3A_1813, %shift_left3A_1815 : vector<16xi32>
      %and3A_1817 = arith.constant 1023 : i32
      %and3A_1818 = vector.broadcast %and3A_1817 : i32 to vector<16xi32>
      %and3A_1819 = arith.andi %get3A_1810, %and3A_1818 : vector<16xi32>
      %shift_left3A_1820 = arith.constant 1 : i32
      %shift_left3A_1821 = vector.broadcast %shift_left3A_1820 : i32 to vector<16xi32>
      %shift_left3A_1822 = arith.shli %and3A_1819, %shift_left3A_1821 : vector<16xi32>
      %add3A_1823 = arith.addi %shift_left3A_1816, %shift_left3A_1822 : vector<16xi32>
      %shift_right_arithmetic3A_1824 = arith.constant 10 : i32
      %shift_right_arithmetic3A_1825 = vector.broadcast %shift_right_arithmetic3A_1824 : i32 to vector<16xi32>
      %shift_right_arithmetic3A_1826 = arith.shrsi %get3A_1810, %shift_right_arithmetic3A_1825 : vector<16xi32>
      %and3A_1827 = arith.constant 1 : i32
      %and3A_1828 = vector.broadcast %and3A_1827 : i32 to vector<16xi32>
      %and3A_1829 = arith.andi %shift_right_arithmetic3A_1826, %and3A_1828 : vector<16xi32>
      %add3A_1830 = arith.addi %add3A_1823, %and3A_1829 : vector<16xi32>
      %swap3A_1831 = arith.constant 1 : i32
      %swap3A_1832 = arith.constant 2 : i32
      %swap3A_1833 = arith.index_cast %swap3A_1831 : i32 to index
      %swap3A_1834 = arith.index_cast %swap3A_1832 : i32 to index
      %swap3A_1835 = arith.constant 16 : index
      %swap3A_1836 = tpu.vector_load %arg5[%swap3A_1833, %swap3A_1834, %swap3A_1835] {strides = array<i32>} : memref<2x4x128xi32, #tpu.memory_space<vmem>>, vector<1x1x16xi32>,
      %swap3A_1837 = vector.shape_cast %swap3A_1836 : vector<1x1x16xi32> to vector<16xi32>
      %swap3A_1838 = vector.shape_cast %add3A_1830 : vector<16xi32> to vector<1x1x16xi32>
      tpu.vector_store %arg5[%swap3A_1833, %swap3A_1834, %swap3A_1835], %swap3A_1838 {strides = array<i32>} : memref<2x4x128xi32, #tpu.memory_space<vmem>>, vector<1x1x16xi32>,
      %get3A_1839 = arith.constant 1 : i32
      %get3A_1840 = arith.constant 2 : i32
      %get3A_1841 = arith.index_cast %get3A_1839 : i32 to index
      %get3A_1842 = arith.index_cast %get3A_1840 : i32 to index
      %get3A_1843 = arith.constant 32 : index
      %get3A_1844 = tpu.vector_load %arg5[%get3A_1841, %get3A_1842, %get3A_1843] {strides = array<i32>} : memref<2x4x128xi32, #tpu.memory_space<vmem>>, vector<1x1x16xi32>,
      %get3A_1845 = vector.shape_cast %get3A_1844 : vector<1x1x16xi32> to vector<16xi32>
      %shift_right_arithmetic3A_1846 = arith.constant 11 : i32
      %shift_right_arithmetic3A_1847 = vector.broadcast %shift_right_arithmetic3A_1846 : i32 to vector<16xi32>
      %shift_right_arithmetic3A_1848 = arith.shrsi %get3A_1845, %shift_right_arithmetic3A_1847 : vector<16xi32>
      %shift_left3A_1849 = arith.constant 11 : i32
      %shift_left3A_1850 = vector.broadcast %shift_left3A_1849 : i32 to vector<16xi32>
      %shift_left3A_1851 = arith.shli %shift_right_arithmetic3A_1848, %shift_left3A_1850 : vector<16xi32>
      %and3A_1852 = arith.constant 1023 : i32
      %and3A_1853 = vector.broadcast %and3A_1852 : i32 to vector<16xi32>
      %and3A_1854 = arith.andi %get3A_1845, %and3A_1853 : vector<16xi32>
      %shift_left3A_1855 = arith.constant 1 : i32
      %shift_left3A_1856 = vector.broadcast %shift_left3A_1855 : i32 to vector<16xi32>
      %shift_left3A_1857 = arith.shli %and3A_1854, %shift_left3A_1856 : vector<16xi32>
      %add3A_1858 = arith.addi %shift_left3A_1851, %shift_left3A_1857 : vector<16xi32>
      %shift_right_arithmetic3A_1859 = arith.constant 10 : i32
      %shift_right_arithmetic3A_1860 = vector.broadcast %shift_right_arithmetic3A_1859 : i32 to vector<16xi32>
      %shift_right_arithmetic3A_1861 = arith.shrsi %get3A_1845, %shift_right_arithmetic3A_1860 : vector<16xi32>
      %and3A_1862 = arith.constant 1 : i32
      %and3A_1863 = vector.broadcast %and3A_1862 : i32 to vector<16xi32>
      %and3A_1864 = arith.andi %shift_right_arithmetic3A_1861, %and3A_1863 : vector<16xi32>
      %add3A_1865 = arith.addi %add3A_1858, %and3A_1864 : vector<16xi32>
      %swap3A_1866 = arith.constant 1 : i32
      %swap3A_1867 = arith.constant 2 : i32
      %swap3A_1868 = arith.index_cast %swap3A_1866 : i32 to index
      %swap3A_1869 = arith.index_cast %swap3A_1867 : i32 to index
      %swap3A_1870 = arith.constant 32 : index
      %swap3A_1871 = tpu.vector_load %arg5[%swap3A_1868, %swap3A_1869, %swap3A_1870] {strides = array<i32>} : memref<2x4x128xi32, #tpu.memory_space<vmem>>, vector<1x1x16xi32>,
      %swap3A_1872 = vector.shape_cast %swap3A_1871 : vector<1x1x16xi32> to vector<16xi32>
      %swap3A_1873 = vector.shape_cast %add3A_1865 : vector<16xi32> to vector<1x1x16xi32>
      tpu.vector_store %arg5[%swap3A_1868, %swap3A_1869, %swap3A_1870], %swap3A_1873 {strides = array<i32>} : memref<2x4x128xi32, #tpu.memory_space<vmem>>, vector<1x1x16xi32>,
      %get3A_1874 = arith.constant 1 : i32
      %get3A_1875 = arith.constant 2 : i32
      %get3A_1876 = arith.index_cast %get3A_1874 : i32 to index
      %get3A_1877 = arith.index_cast %get3A_1875 : i32 to index
      %get3A_1878 = arith.constant 48 : index
      %get3A_1879 = tpu.vector_load %arg5[%get3A_1876, %get3A_1877, %get3A_1878] {strides = array<i32>} : memref<2x4x128xi32, #tpu.memory_space<vmem>>, vector<1x1x16xi32>,
      %get3A_1880 = vector.shape_cast %get3A_1879 : vector<1x1x16xi32> to vector<16xi32>
      %shift_right_arithmetic3A_1881 = arith.constant 11 : i32
      %shift_right_arithmetic3A_1882 = vector.broadcast %shift_right_arithmetic3A_1881 : i32 to vector<16xi32>
      %shift_right_arithmetic3A_1883 = arith.shrsi %get3A_1880, %shift_right_arithmetic3A_1882 : vector<16xi32>
      %shift_left3A_1884 = arith.constant 11 : i32
      %shift_left3A_1885 = vector.broadcast %shift_left3A_1884 : i32 to vector<16xi32>
      %shift_left3A_1886 = arith.shli %shift_right_arithmetic3A_1883, %shift_left3A_1885 : vector<16xi32>
      %and3A_1887 = arith.constant 1023 : i32
      %and3A_1888 = vector.broadcast %and3A_1887 : i32 to vector<16xi32>
      %and3A_1889 = arith.andi %get3A_1880, %and3A_1888 : vector<16xi32>
      %shift_left3A_1890 = arith.constant 1 : i32
      %shift_left3A_1891 = vector.broadcast %shift_left3A_1890 : i32 to vector<16xi32>
      %shift_left3A_1892 = arith.shli %and3A_1889, %shift_left3A_1891 : vector<16xi32>
      %add3A_1893 = arith.addi %shift_left3A_1886, %shift_left3A_1892 : vector<16xi32>
      %shift_right_arithmetic3A_1894 = arith.constant 10 : i32
      %shift_right_arithmetic3A_1895 = vector.broadcast %shift_right_arithmetic3A_1894 : i32 to vector<16xi32>
      %shift_right_arithmetic3A_1896 = arith.shrsi %get3A_1880, %shift_right_arithmetic3A_1895 : vector<16xi32>
      %and3A_1897 = arith.constant 1 : i32
      %and3A_1898 = vector.broadcast %and3A_1897 : i32 to vector<16xi32>
      %and3A_1899 = arith.andi %shift_right_arithmetic3A_1896, %and3A_1898 : vector<16xi32>
      %add3A_1900 = arith.addi %add3A_1893, %and3A_1899 : vector<16xi32>
      %swap3A_1901 = arith.constant 1 : i32
      %swap3A_1902 = arith.constant 2 : i32
      %swap3A_1903 = arith.index_cast %swap3A_1901 : i32 to index
      %swap3A_1904 = arith.index_cast %swap3A_1902 : i32 to index
      %swap3A_1905 = arith.constant 48 : index
      %swap3A_1906 = tpu.vector_load %arg5[%swap3A_1903, %swap3A_1904, %swap3A_1905] {strides = array<i32>} : memref<2x4x128xi32, #tpu.memory_space<vmem>>, vector<1x1x16xi32>,
      %swap3A_1907 = vector.shape_cast %swap3A_1906 : vector<1x1x16xi32> to vector<16xi32>
      %swap3A_1908 = vector.shape_cast %add3A_1900 : vector<16xi32> to vector<1x1x16xi32>
      tpu.vector_store %arg5[%swap3A_1903, %swap3A_1904, %swap3A_1905], %swap3A_1908 {strides = array<i32>} : memref<2x4x128xi32, #tpu.memory_space<vmem>>, vector<1x1x16xi32>,
      %get3A_1909 = arith.constant 1 : i32
      %get3A_1910 = arith.constant 2 : i32
      %get3A_1911 = arith.index_cast %get3A_1909 : i32 to index
      %get3A_1912 = arith.index_cast %get3A_1910 : i32 to index
      %get3A_1913 = arith.constant 64 : index
      %get3A_1914 = tpu.vector_load %arg5[%get3A_1911, %get3A_1912, %get3A_1913] {strides = array<i32>} : memref<2x4x128xi32, #tpu.memory_space<vmem>>, vector<1x1x16xi32>,
      %get3A_1915 = vector.shape_cast %get3A_1914 : vector<1x1x16xi32> to vector<16xi32>
      %shift_right_arithmetic3A_1916 = arith.constant 11 : i32
      %shift_right_arithmetic3A_1917 = vector.broadcast %shift_right_arithmetic3A_1916 : i32 to vector<16xi32>
      %shift_right_arithmetic3A_1918 = arith.shrsi %get3A_1915, %shift_right_arithmetic3A_1917 : vector<16xi32>
      %shift_left3A_1919 = arith.constant 11 : i32
      %shift_left3A_1920 = vector.broadcast %shift_left3A_1919 : i32 to vector<16xi32>
      %shift_left3A_1921 = arith.shli %shift_right_arithmetic3A_1918, %shift_left3A_1920 : vector<16xi32>
      %and3A_1922 = arith.constant 1023 : i32
      %and3A_1923 = vector.broadcast %and3A_1922 : i32 to vector<16xi32>
      %and3A_1924 = arith.andi %get3A_1915, %and3A_1923 : vector<16xi32>
      %shift_left3A_1925 = arith.constant 1 : i32
      %shift_left3A_1926 = vector.broadcast %shift_left3A_1925 : i32 to vector<16xi32>
      %shift_left3A_1927 = arith.shli %and3A_1924, %shift_left3A_1926 : vector<16xi32>
      %add3A_1928 = arith.addi %shift_left3A_1921, %shift_left3A_1927 : vector<16xi32>
      %shift_right_arithmetic3A_1929 = arith.constant 10 : i32
      %shift_right_arithmetic3A_1930 = vector.broadcast %shift_right_arithmetic3A_1929 : i32 to vector<16xi32>
      %shift_right_arithmetic3A_1931 = arith.shrsi %get3A_1915, %shift_right_arithmetic3A_1930 : vector<16xi32>
      %and3A_1932 = arith.constant 1 : i32
      %and3A_1933 = vector.broadcast %and3A_1932 : i32 to vector<16xi32>
      %and3A_1934 = arith.andi %shift_right_arithmetic3A_1931, %and3A_1933 : vector<16xi32>
      %add3A_1935 = arith.addi %add3A_1928, %and3A_1934 : vector<16xi32>
      %swap3A_1936 = arith.constant 1 : i32
      %swap3A_1937 = arith.constant 2 : i32
      %swap3A_1938 = arith.index_cast %swap3A_1936 : i32 to index
      %swap3A_1939 = arith.index_cast %swap3A_1937 : i32 to index
      %swap3A_1940 = arith.constant 64 : index
      %swap3A_1941 = tpu.vector_load %arg5[%swap3A_1938, %swap3A_1939, %swap3A_1940] {strides = array<i32>} : memref<2x4x128xi32, #tpu.memory_space<vmem>>, vector<1x1x16xi32>,
      %swap3A_1942 = vector.shape_cast %swap3A_1941 : vector<1x1x16xi32> to vector<16xi32>
      %swap3A_1943 = vector.shape_cast %add3A_1935 : vector<16xi32> to vector<1x1x16xi32>
      tpu.vector_store %arg5[%swap3A_1938, %swap3A_1939, %swap3A_1940], %swap3A_1943 {strides = array<i32>} : memref<2x4x128xi32, #tpu.memory_space<vmem>>, vector<1x1x16xi32>,
      %get3A_1944 = arith.constant 1 : i32
      %get3A_1945 = arith.constant 2 : i32
      %get3A_1946 = arith.index_cast %get3A_1944 : i32 to index
      %get3A_1947 = arith.index_cast %get3A_1945 : i32 to index
      %get3A_1948 = arith.constant 80 : index
      %get3A_1949 = tpu.vector_load %arg5[%get3A_1946, %get3A_1947, %get3A_1948] {strides = array<i32>} : memref<2x4x128xi32, #tpu.memory_space<vmem>>, vector<1x1x16xi32>,
      %get3A_1950 = vector.shape_cast %get3A_1949 : vector<1x1x16xi32> to vector<16xi32>
      %shift_right_arithmetic3A_1951 = arith.constant 11 : i32
      %shift_right_arithmetic3A_1952 = vector.broadcast %shift_right_arithmetic3A_1951 : i32 to vector<16xi32>
      %shift_right_arithmetic3A_1953 = arith.shrsi %get3A_1950, %shift_right_arithmetic3A_1952 : vector<16xi32>
      %shift_left3A_1954 = arith.constant 11 : i32
      %shift_left3A_1955 = vector.broadcast %shift_left3A_1954 : i32 to vector<16xi32>
      %shift_left3A_1956 = arith.shli %shift_right_arithmetic3A_1953, %shift_left3A_1955 : vector<16xi32>
      %and3A_1957 = arith.constant 1023 : i32
      %and3A_1958 = vector.broadcast %and3A_1957 : i32 to vector<16xi32>
      %and3A_1959 = arith.andi %get3A_1950, %and3A_1958 : vector<16xi32>
      %shift_left3A_1960 = arith.constant 1 : i32
      %shift_left3A_1961 = vector.broadcast %shift_left3A_1960 : i32 to vector<16xi32>
      %shift_left3A_1962 = arith.shli %and3A_1959, %shift_left3A_1961 : vector<16xi32>
      %add3A_1963 = arith.addi %shift_left3A_1956, %shift_left3A_1962 : vector<16xi32>
      %shift_right_arithmetic3A_1964 = arith.constant 10 : i32
      %shift_right_arithmetic3A_1965 = vector.broadcast %shift_right_arithmetic3A_1964 : i32 to vector<16xi32>
      %shift_right_arithmetic3A_1966 = arith.shrsi %get3A_1950, %shift_right_arithmetic3A_1965 : vector<16xi32>
      %and3A_1967 = arith.constant 1 : i32
      %and3A_1968 = vector.broadcast %and3A_1967 : i32 to vector<16xi32>
      %and3A_1969 = arith.andi %shift_right_arithmetic3A_1966, %and3A_1968 : vector<16xi32>
      %add3A_1970 = arith.addi %add3A_1963, %and3A_1969 : vector<16xi32>
      %swap3A_1971 = arith.constant 1 : i32
      %swap3A_1972 = arith.constant 2 : i32
      %swap3A_1973 = arith.index_cast %swap3A_1971 : i32 to index
      %swap3A_1974 = arith.index_cast %swap3A_1972 : i32 to index
      %swap3A_1975 = arith.constant 80 : index
      %swap3A_1976 = tpu.vector_load %arg5[%swap3A_1973, %swap3A_1974, %swap3A_1975] {strides = array<i32>} : memref<2x4x128xi32, #tpu.memory_space<vmem>>, vector<1x1x16xi32>,
      %swap3A_1977 = vector.shape_cast %swap3A_1976 : vector<1x1x16xi32> to vector<16xi32>
      %swap3A_1978 = vector.shape_cast %add3A_1970 : vector<16xi32> to vector<1x1x16xi32>
      tpu.vector_store %arg5[%swap3A_1973, %swap3A_1974, %swap3A_1975], %swap3A_1978 {strides = array<i32>} : memref<2x4x128xi32, #tpu.memory_space<vmem>>, vector<1x1x16xi32>,
      %get3A_1979 = arith.constant 1 : i32
      %get3A_1980 = arith.constant 2 : i32
      %get3A_1981 = arith.index_cast %get3A_1979 : i32 to index
      %get3A_1982 = arith.index_cast %get3A_1980 : i32 to index
      %get3A_1983 = arith.constant 96 : index
      %get3A_1984 = tpu.vector_load %arg5[%get3A_1981, %get3A_1982, %get3A_1983] {strides = array<i32>} : memref<2x4x128xi32, #tpu.memory_space<vmem>>, vector<1x1x16xi32>,
      %get3A_1985 = vector.shape_cast %get3A_1984 : vector<1x1x16xi32> to vector<16xi32>
      %shift_right_arithmetic3A_1986 = arith.constant 11 : i32
      %shift_right_arithmetic3A_1987 = vector.broadcast %shift_right_arithmetic3A_1986 : i32 to vector<16xi32>
      %shift_right_arithmetic3A_1988 = arith.shrsi %get3A_1985, %shift_right_arithmetic3A_1987 : vector<16xi32>
      %shift_left3A_1989 = arith.constant 11 : i32
      %shift_left3A_1990 = vector.broadcast %shift_left3A_1989 : i32 to vector<16xi32>
      %shift_left3A_1991 = arith.shli %shift_right_arithmetic3A_1988, %shift_left3A_1990 : vector<16xi32>
      %and3A_1992 = arith.constant 1023 : i32
      %and3A_1993 = vector.broadcast %and3A_1992 : i32 to vector<16xi32>
      %and3A_1994 = arith.andi %get3A_1985, %and3A_1993 : vector<16xi32>
      %shift_left3A_1995 = arith.constant 1 : i32
      %shift_left3A_1996 = vector.broadcast %shift_left3A_1995 : i32 to vector<16xi32>
      %shift_left3A_1997 = arith.shli %and3A_1994, %shift_left3A_1996 : vector<16xi32>
      %add3A_1998 = arith.addi %shift_left3A_1991, %shift_left3A_1997 : vector<16xi32>
      %shift_right_arithmetic3A_1999 = arith.constant 10 : i32
      %shift_right_arithmetic3A_2000 = vector.broadcast %shift_right_arithmetic3A_1999 : i32 to vector<16xi32>
      %shift_right_arithmetic3A_2001 = arith.shrsi %get3A_1985, %shift_right_arithmetic3A_2000 : vector<16xi32>
      %and3A_2002 = arith.constant 1 : i32
      %and3A_2003 = vector.broadcast %and3A_2002 : i32 to vector<16xi32>
      %and3A_2004 = arith.andi %shift_right_arithmetic3A_2001, %and3A_2003 : vector<16xi32>
      %add3A_2005 = arith.addi %add3A_1998, %and3A_2004 : vector<16xi32>
      %swap3A_2006 = arith.constant 1 : i32
      %swap3A_2007 = arith.constant 2 : i32
      %swap3A_2008 = arith.index_cast %swap3A_2006 : i32 to index
      %swap3A_2009 = arith.index_cast %swap3A_2007 : i32 to index
      %swap3A_2010 = arith.constant 96 : index
      %swap3A_2011 = tpu.vector_load %arg5[%swap3A_2008, %swap3A_2009, %swap3A_2010] {strides = array<i32>} : memref<2x4x128xi32, #tpu.memory_space<vmem>>, vector<1x1x16xi32>,
      %swap3A_2012 = vector.shape_cast %swap3A_2011 : vector<1x1x16xi32> to vector<16xi32>
      %swap3A_2013 = vector.shape_cast %add3A_2005 : vector<16xi32> to vector<1x1x16xi32>
      tpu.vector_store %arg5[%swap3A_2008, %swap3A_2009, %swap3A_2010], %swap3A_2013 {strides = array<i32>} : memref<2x4x128xi32, #tpu.memory_space<vmem>>, vector<1x1x16xi32>,
      %get3A_2014 = arith.constant 1 : i32
      %get3A_2015 = arith.constant 2 : i32
      %get3A_2016 = arith.index_cast %get3A_2014 : i32 to index
      %get3A_2017 = arith.index_cast %get3A_2015 : i32 to index
      %get3A_2018 = arith.constant 112 : index
      %get3A_2019 = tpu.vector_load %arg5[%get3A_2016, %get3A_2017, %get3A_2018] {strides = array<i32>} : memref<2x4x128xi32, #tpu.memory_space<vmem>>, vector<1x1x16xi32>,
      %get3A_2020 = vector.shape_cast %get3A_2019 : vector<1x1x16xi32> to vector<16xi32>
      %shift_right_arithmetic3A_2021 = arith.constant 11 : i32
      %shift_right_arithmetic3A_2022 = vector.broadcast %shift_right_arithmetic3A_2021 : i32 to vector<16xi32>
      %shift_right_arithmetic3A_2023 = arith.shrsi %get3A_2020, %shift_right_arithmetic3A_2022 : vector<16xi32>
      %shift_left3A_2024 = arith.constant 11 : i32
      %shift_left3A_2025 = vector.broadcast %shift_left3A_2024 : i32 to vector<16xi32>
      %shift_left3A_2026 = arith.shli %shift_right_arithmetic3A_2023, %shift_left3A_2025 : vector<16xi32>
      %and3A_2027 = arith.constant 1023 : i32
      %and3A_2028 = vector.broadcast %and3A_2027 : i32 to vector<16xi32>
      %and3A_2029 = arith.andi %get3A_2020, %and3A_2028 : vector<16xi32>
      %shift_left3A_2030 = arith.constant 1 : i32
      %shift_left3A_2031 = vector.broadcast %shift_left3A_2030 : i32 to vector<16xi32>
      %shift_left3A_2032 = arith.shli %and3A_2029, %shift_left3A_2031 : vector<16xi32>
      %add3A_2033 = arith.addi %shift_left3A_2026, %shift_left3A_2032 : vector<16xi32>
      %shift_right_arithmetic3A_2034 = arith.constant 10 : i32
      %shift_right_arithmetic3A_2035 = vector.broadcast %shift_right_arithmetic3A_2034 : i32 to vector<16xi32>
      %shift_right_arithmetic3A_2036 = arith.shrsi %get3A_2020, %shift_right_arithmetic3A_2035 : vector<16xi32>
      %and3A_2037 = arith.constant 1 : i32
      %and3A_2038 = vector.broadcast %and3A_2037 : i32 to vector<16xi32>
      %and3A_2039 = arith.andi %shift_right_arithmetic3A_2036, %and3A_2038 : vector<16xi32>
      %add3A_2040 = arith.addi %add3A_2033, %and3A_2039 : vector<16xi32>
      %swap3A_2041 = arith.constant 1 : i32
      %swap3A_2042 = arith.constant 2 : i32
      %swap3A_2043 = arith.index_cast %swap3A_2041 : i32 to index
      %swap3A_2044 = arith.index_cast %swap3A_2042 : i32 to index
      %swap3A_2045 = arith.constant 112 : index
      %swap3A_2046 = tpu.vector_load %arg5[%swap3A_2043, %swap3A_2044, %swap3A_2045] {strides = array<i32>} : memref<2x4x128xi32, #tpu.memory_space<vmem>>, vector<1x1x16xi32>,
      %swap3A_2047 = vector.shape_cast %swap3A_2046 : vector<1x1x16xi32> to vector<16xi32>
      %swap3A_2048 = vector.shape_cast %add3A_2040 : vector<16xi32> to vector<1x1x16xi32>
      tpu.vector_store %arg5[%swap3A_2043, %swap3A_2044, %swap3A_2045], %swap3A_2048 {strides = array<i32>} : memref<2x4x128xi32, #tpu.memory_space<vmem>>, vector<1x1x16xi32>,
      %get3A_2049 = arith.constant 1 : i32
      %get3A_2050 = arith.constant 3 : i32
      %get3A_2051 = arith.index_cast %get3A_2049 : i32 to index
      %get3A_2052 = arith.index_cast %get3A_2050 : i32 to index
      %get3A_2053 = arith.constant 0 : index
      %get3A_2054 = tpu.vector_load %arg5[%get3A_2051, %get3A_2052, %get3A_2053] {strides = array<i32>} : memref<2x4x128xi32, #tpu.memory_space<vmem>>, vector<1x1x16xi32>,
      %get3A_2055 = vector.shape_cast %get3A_2054 : vector<1x1x16xi32> to vector<16xi32>
      %shift_right_arithmetic3A_2056 = arith.constant 11 : i32
      %shift_right_arithmetic3A_2057 = vector.broadcast %shift_right_arithmetic3A_2056 : i32 to vector<16xi32>
      %shift_right_arithmetic3A_2058 = arith.shrsi %get3A_2055, %shift_right_arithmetic3A_2057 : vector<16xi32>
      %shift_left3A_2059 = arith.constant 11 : i32
      %shift_left3A_2060 = vector.broadcast %shift_left3A_2059 : i32 to vector<16xi32>
      %shift_left3A_2061 = arith.shli %shift_right_arithmetic3A_2058, %shift_left3A_2060 : vector<16xi32>
      %and3A_2062 = arith.constant 1023 : i32
      %and3A_2063 = vector.broadcast %and3A_2062 : i32 to vector<16xi32>
      %and3A_2064 = arith.andi %get3A_2055, %and3A_2063 : vector<16xi32>
      %shift_left3A_2065 = arith.constant 1 : i32
      %shift_left3A_2066 = vector.broadcast %shift_left3A_2065 : i32 to vector<16xi32>
      %shift_left3A_2067 = arith.shli %and3A_2064, %shift_left3A_2066 : vector<16xi32>
      %add3A_2068 = arith.addi %shift_left3A_2061, %shift_left3A_2067 : vector<16xi32>
      %shift_right_arithmetic3A_2069 = arith.constant 10 : i32
      %shift_right_arithmetic3A_2070 = vector.broadcast %shift_right_arithmetic3A_2069 : i32 to vector<16xi32>
      %shift_right_arithmetic3A_2071 = arith.shrsi %get3A_2055, %shift_right_arithmetic3A_2070 : vector<16xi32>
      %and3A_2072 = arith.constant 1 : i32
      %and3A_2073 = vector.broadcast %and3A_2072 : i32 to vector<16xi32>
      %and3A_2074 = arith.andi %shift_right_arithmetic3A_2071, %and3A_2073 : vector<16xi32>
      %add3A_2075 = arith.addi %add3A_2068, %and3A_2074 : vector<16xi32>
      %swap3A_2076 = arith.constant 1 : i32
      %swap3A_2077 = arith.constant 3 : i32
      %swap3A_2078 = arith.index_cast %swap3A_2076 : i32 to index
      %swap3A_2079 = arith.index_cast %swap3A_2077 : i32 to index
      %swap3A_2080 = arith.constant 0 : index
      %swap3A_2081 = tpu.vector_load %arg5[%swap3A_2078, %swap3A_2079, %swap3A_2080] {strides = array<i32>} : memref<2x4x128xi32, #tpu.memory_space<vmem>>, vector<1x1x16xi32>,
      %swap3A_2082 = vector.shape_cast %swap3A_2081 : vector<1x1x16xi32> to vector<16xi32>
      %swap3A_2083 = vector.shape_cast %add3A_2075 : vector<16xi32> to vector<1x1x16xi32>
      tpu.vector_store %arg5[%swap3A_2078, %swap3A_2079, %swap3A_2080], %swap3A_2083 {strides = array<i32>} : memref<2x4x128xi32, #tpu.memory_space<vmem>>, vector<1x1x16xi32>,
      %get3A_2084 = arith.constant 1 : i32
      %get3A_2085 = arith.constant 3 : i32
      %get3A_2086 = arith.index_cast %get3A_2084 : i32 to index
      %get3A_2087 = arith.index_cast %get3A_2085 : i32 to index
      %get3A_2088 = arith.constant 16 : index
      %get3A_2089 = tpu.vector_load %arg5[%get3A_2086, %get3A_2087, %get3A_2088] {strides = array<i32>} : memref<2x4x128xi32, #tpu.memory_space<vmem>>, vector<1x1x16xi32>,
      %get3A_2090 = vector.shape_cast %get3A_2089 : vector<1x1x16xi32> to vector<16xi32>
      %shift_right_arithmetic3A_2091 = arith.constant 11 : i32
      %shift_right_arithmetic3A_2092 = vector.broadcast %shift_right_arithmetic3A_2091 : i32 to vector<16xi32>
      %shift_right_arithmetic3A_2093 = arith.shrsi %get3A_2090, %shift_right_arithmetic3A_2092 : vector<16xi32>
      %shift_left3A_2094 = arith.constant 11 : i32
      %shift_left3A_2095 = vector.broadcast %shift_left3A_2094 : i32 to vector<16xi32>
      %shift_left3A_2096 = arith.shli %shift_right_arithmetic3A_2093, %shift_left3A_2095 : vector<16xi32>
      %and3A_2097 = arith.constant 1023 : i32
      %and3A_2098 = vector.broadcast %and3A_2097 : i32 to vector<16xi32>
      %and3A_2099 = arith.andi %get3A_2090, %and3A_2098 : vector<16xi32>
      %shift_left3A_2100 = arith.constant 1 : i32
      %shift_left3A_2101 = vector.broadcast %shift_left3A_2100 : i32 to vector<16xi32>
      %shift_left3A_2102 = arith.shli %and3A_2099, %shift_left3A_2101 : vector<16xi32>
      %add3A_2103 = arith.addi %shift_left3A_2096, %shift_left3A_2102 : vector<16xi32>
      %shift_right_arithmetic3A_2104 = arith.constant 10 : i32
      %shift_right_arithmetic3A_2105 = vector.broadcast %shift_right_arithmetic3A_2104 : i32 to vector<16xi32>
      %shift_right_arithmetic3A_2106 = arith.shrsi %get3A_2090, %shift_right_arithmetic3A_2105 : vector<16xi32>
      %and3A_2107 = arith.constant 1 : i32
      %and3A_2108 = vector.broadcast %and3A_2107 : i32 to vector<16xi32>
      %and3A_2109 = arith.andi %shift_right_arithmetic3A_2106, %and3A_2108 : vector<16xi32>
      %add3A_2110 = arith.addi %add3A_2103, %and3A_2109 : vector<16xi32>
      %swap3A_2111 = arith.constant 1 : i32
      %swap3A_2112 = arith.constant 3 : i32
      %swap3A_2113 = arith.index_cast %swap3A_2111 : i32 to index
      %swap3A_2114 = arith.index_cast %swap3A_2112 : i32 to index
      %swap3A_2115 = arith.constant 16 : index
      %swap3A_2116 = tpu.vector_load %arg5[%swap3A_2113, %swap3A_2114, %swap3A_2115] {strides = array<i32>} : memref<2x4x128xi32, #tpu.memory_space<vmem>>, vector<1x1x16xi32>,
      %swap3A_2117 = vector.shape_cast %swap3A_2116 : vector<1x1x16xi32> to vector<16xi32>
      %swap3A_2118 = vector.shape_cast %add3A_2110 : vector<16xi32> to vector<1x1x16xi32>
      tpu.vector_store %arg5[%swap3A_2113, %swap3A_2114, %swap3A_2115], %swap3A_2118 {strides = array<i32>} : memref<2x4x128xi32, #tpu.memory_space<vmem>>, vector<1x1x16xi32>,
      %get3A_2119 = arith.constant 1 : i32
      %get3A_2120 = arith.constant 3 : i32
      %get3A_2121 = arith.index_cast %get3A_2119 : i32 to index
      %get3A_2122 = arith.index_cast %get3A_2120 : i32 to index
      %get3A_2123 = arith.constant 32 : index
      %get3A_2124 = tpu.vector_load %arg5[%get3A_2121, %get3A_2122, %get3A_2123] {strides = array<i32>} : memref<2x4x128xi32, #tpu.memory_space<vmem>>, vector<1x1x16xi32>,
      %get3A_2125 = vector.shape_cast %get3A_2124 : vector<1x1x16xi32> to vector<16xi32>
      %shift_right_arithmetic3A_2126 = arith.constant 11 : i32
      %shift_right_arithmetic3A_2127 = vector.broadcast %shift_right_arithmetic3A_2126 : i32 to vector<16xi32>
      %shift_right_arithmetic3A_2128 = arith.shrsi %get3A_2125, %shift_right_arithmetic3A_2127 : vector<16xi32>
      %shift_left3A_2129 = arith.constant 11 : i32
      %shift_left3A_2130 = vector.broadcast %shift_left3A_2129 : i32 to vector<16xi32>
      %shift_left3A_2131 = arith.shli %shift_right_arithmetic3A_2128, %shift_left3A_2130 : vector<16xi32>
      %and3A_2132 = arith.constant 1023 : i32
      %and3A_2133 = vector.broadcast %and3A_2132 : i32 to vector<16xi32>
      %and3A_2134 = arith.andi %get3A_2125, %and3A_2133 : vector<16xi32>
      %shift_left3A_2135 = arith.constant 1 : i32
      %shift_left3A_2136 = vector.broadcast %shift_left3A_2135 : i32 to vector<16xi32>
      %shift_left3A_2137 = arith.shli %and3A_2134, %shift_left3A_2136 : vector<16xi32>
      %add3A_2138 = arith.addi %shift_left3A_2131, %shift_left3A_2137 : vector<16xi32>
      %shift_right_arithmetic3A_2139 = arith.constant 10 : i32
      %shift_right_arithmetic3A_2140 = vector.broadcast %shift_right_arithmetic3A_2139 : i32 to vector<16xi32>
      %shift_right_arithmetic3A_2141 = arith.shrsi %get3A_2125, %shift_right_arithmetic3A_2140 : vector<16xi32>
      %and3A_2142 = arith.constant 1 : i32
      %and3A_2143 = vector.broadcast %and3A_2142 : i32 to vector<16xi32>
      %and3A_2144 = arith.andi %shift_right_arithmetic3A_2141, %and3A_2143 : vector<16xi32>
      %add3A_2145 = arith.addi %add3A_2138, %and3A_2144 : vector<16xi32>
      %swap3A_2146 = arith.constant 1 : i32
      %swap3A_2147 = arith.constant 3 : i32
      %swap3A_2148 = arith.index_cast %swap3A_2146 : i32 to index
      %swap3A_2149 = arith.index_cast %swap3A_2147 : i32 to index
      %swap3A_2150 = arith.constant 32 : index
      %swap3A_2151 = tpu.vector_load %arg5[%swap3A_2148, %swap3A_2149, %swap3A_2150] {strides = array<i32>} : memref<2x4x128xi32, #tpu.memory_space<vmem>>, vector<1x1x16xi32>,
      %swap3A_2152 = vector.shape_cast %swap3A_2151 : vector<1x1x16xi32> to vector<16xi32>
      %swap3A_2153 = vector.shape_cast %add3A_2145 : vector<16xi32> to vector<1x1x16xi32>
      tpu.vector_store %arg5[%swap3A_2148, %swap3A_2149, %swap3A_2150], %swap3A_2153 {strides = array<i32>} : memref<2x4x128xi32, #tpu.memory_space<vmem>>, vector<1x1x16xi32>,
      %get3A_2154 = arith.constant 1 : i32
      %get3A_2155 = arith.constant 3 : i32
      %get3A_2156 = arith.index_cast %get3A_2154 : i32 to index
      %get3A_2157 = arith.index_cast %get3A_2155 : i32 to index
      %get3A_2158 = arith.constant 48 : index
      %get3A_2159 = tpu.vector_load %arg5[%get3A_2156, %get3A_2157, %get3A_2158] {strides = array<i32>} : memref<2x4x128xi32, #tpu.memory_space<vmem>>, vector<1x1x16xi32>,
      %get3A_2160 = vector.shape_cast %get3A_2159 : vector<1x1x16xi32> to vector<16xi32>
      %shift_right_arithmetic3A_2161 = arith.constant 11 : i32
      %shift_right_arithmetic3A_2162 = vector.broadcast %shift_right_arithmetic3A_2161 : i32 to vector<16xi32>
      %shift_right_arithmetic3A_2163 = arith.shrsi %get3A_2160, %shift_right_arithmetic3A_2162 : vector<16xi32>
      %shift_left3A_2164 = arith.constant 11 : i32
      %shift_left3A_2165 = vector.broadcast %shift_left3A_2164 : i32 to vector<16xi32>
      %shift_left3A_2166 = arith.shli %shift_right_arithmetic3A_2163, %shift_left3A_2165 : vector<16xi32>
      %and3A_2167 = arith.constant 1023 : i32
      %and3A_2168 = vector.broadcast %and3A_2167 : i32 to vector<16xi32>
      %and3A_2169 = arith.andi %get3A_2160, %and3A_2168 : vector<16xi32>
      %shift_left3A_2170 = arith.constant 1 : i32
      %shift_left3A_2171 = vector.broadcast %shift_left3A_2170 : i32 to vector<16xi32>
      %shift_left3A_2172 = arith.shli %and3A_2169, %shift_left3A_2171 : vector<16xi32>
      %add3A_2173 = arith.addi %shift_left3A_2166, %shift_left3A_2172 : vector<16xi32>
      %shift_right_arithmetic3A_2174 = arith.constant 10 : i32
      %shift_right_arithmetic3A_2175 = vector.broadcast %shift_right_arithmetic3A_2174 : i32 to vector<16xi32>
      %shift_right_arithmetic3A_2176 = arith.shrsi %get3A_2160, %shift_right_arithmetic3A_2175 : vector<16xi32>
      %and3A_2177 = arith.constant 1 : i32
      %and3A_2178 = vector.broadcast %and3A_2177 : i32 to vector<16xi32>
      %and3A_2179 = arith.andi %shift_right_arithmetic3A_2176, %and3A_2178 : vector<16xi32>
      %add3A_2180 = arith.addi %add3A_2173, %and3A_2179 : vector<16xi32>
      %swap3A_2181 = arith.constant 1 : i32
      %swap3A_2182 = arith.constant 3 : i32
      %swap3A_2183 = arith.index_cast %swap3A_2181 : i32 to index
      %swap3A_2184 = arith.index_cast %swap3A_2182 : i32 to index
      %swap3A_2185 = arith.constant 48 : index
      %swap3A_2186 = tpu.vector_load %arg5[%swap3A_2183, %swap3A_2184, %swap3A_2185] {strides = array<i32>} : memref<2x4x128xi32, #tpu.memory_space<vmem>>, vector<1x1x16xi32>,
      %swap3A_2187 = vector.shape_cast %swap3A_2186 : vector<1x1x16xi32> to vector<16xi32>
      %swap3A_2188 = vector.shape_cast %add3A_2180 : vector<16xi32> to vector<1x1x16xi32>
      tpu.vector_store %arg5[%swap3A_2183, %swap3A_2184, %swap3A_2185], %swap3A_2188 {strides = array<i32>} : memref<2x4x128xi32, #tpu.memory_space<vmem>>, vector<1x1x16xi32>,
      %get3A_2189 = arith.constant 1 : i32
      %get3A_2190 = arith.constant 3 : i32
      %get3A_2191 = arith.index_cast %get3A_2189 : i32 to index
      %get3A_2192 = arith.index_cast %get3A_2190 : i32 to index
      %get3A_2193 = arith.constant 64 : index
      %get3A_2194 = tpu.vector_load %arg5[%get3A_2191, %get3A_2192, %get3A_2193] {strides = array<i32>} : memref<2x4x128xi32, #tpu.memory_space<vmem>>, vector<1x1x16xi32>,
      %get3A_2195 = vector.shape_cast %get3A_2194 : vector<1x1x16xi32> to vector<16xi32>
      %shift_right_arithmetic3A_2196 = arith.constant 11 : i32
      %shift_right_arithmetic3A_2197 = vector.broadcast %shift_right_arithmetic3A_2196 : i32 to vector<16xi32>
      %shift_right_arithmetic3A_2198 = arith.shrsi %get3A_2195, %shift_right_arithmetic3A_2197 : vector<16xi32>
      %shift_left3A_2199 = arith.constant 11 : i32
      %shift_left3A_2200 = vector.broadcast %shift_left3A_2199 : i32 to vector<16xi32>
      %shift_left3A_2201 = arith.shli %shift_right_arithmetic3A_2198, %shift_left3A_2200 : vector<16xi32>
      %and3A_2202 = arith.constant 1023 : i32
      %and3A_2203 = vector.broadcast %and3A_2202 : i32 to vector<16xi32>
      %and3A_2204 = arith.andi %get3A_2195, %and3A_2203 : vector<16xi32>
      %shift_left3A_2205 = arith.constant 1 : i32
      %shift_left3A_2206 = vector.broadcast %shift_left3A_2205 : i32 to vector<16xi32>
      %shift_left3A_2207 = arith.shli %and3A_2204, %shift_left3A_2206 : vector<16xi32>
      %add3A_2208 = arith.addi %shift_left3A_2201, %shift_left3A_2207 : vector<16xi32>
      %shift_right_arithmetic3A_2209 = arith.constant 10 : i32
      %shift_right_arithmetic3A_2210 = vector.broadcast %shift_right_arithmetic3A_2209 : i32 to vector<16xi32>
      %shift_right_arithmetic3A_2211 = arith.shrsi %get3A_2195, %shift_right_arithmetic3A_2210 : vector<16xi32>
      %and3A_2212 = arith.constant 1 : i32
      %and3A_2213 = vector.broadcast %and3A_2212 : i32 to vector<16xi32>
      %and3A_2214 = arith.andi %shift_right_arithmetic3A_2211, %and3A_2213 : vector<16xi32>
      %add3A_2215 = arith.addi %add3A_2208, %and3A_2214 : vector<16xi32>
      %swap3A_2216 = arith.constant 1 : i32
      %swap3A_2217 = arith.constant 3 : i32
      %swap3A_2218 = arith.index_cast %swap3A_2216 : i32 to index
      %swap3A_2219 = arith.index_cast %swap3A_2217 : i32 to index
      %swap3A_2220 = arith.constant 64 : index
      %swap3A_2221 = tpu.vector_load %arg5[%swap3A_2218, %swap3A_2219, %swap3A_2220] {strides = array<i32>} : memref<2x4x128xi32, #tpu.memory_space<vmem>>, vector<1x1x16xi32>,
      %swap3A_2222 = vector.shape_cast %swap3A_2221 : vector<1x1x16xi32> to vector<16xi32>
      %swap3A_2223 = vector.shape_cast %add3A_2215 : vector<16xi32> to vector<1x1x16xi32>
      tpu.vector_store %arg5[%swap3A_2218, %swap3A_2219, %swap3A_2220], %swap3A_2223 {strides = array<i32>} : memref<2x4x128xi32, #tpu.memory_space<vmem>>, vector<1x1x16xi32>,
      %get3A_2224 = arith.constant 1 : i32
      %get3A_2225 = arith.constant 3 : i32
      %get3A_2226 = arith.index_cast %get3A_2224 : i32 to index
      %get3A_2227 = arith.index_cast %get3A_2225 : i32 to index
      %get3A_2228 = arith.constant 80 : index
      %get3A_2229 = tpu.vector_load %arg5[%get3A_2226, %get3A_2227, %get3A_2228] {strides = array<i32>} : memref<2x4x128xi32, #tpu.memory_space<vmem>>, vector<1x1x16xi32>,
      %get3A_2230 = vector.shape_cast %get3A_2229 : vector<1x1x16xi32> to vector<16xi32>
      %shift_right_arithmetic3A_2231 = arith.constant 11 : i32
      %shift_right_arithmetic3A_2232 = vector.broadcast %shift_right_arithmetic3A_2231 : i32 to vector<16xi32>
      %shift_right_arithmetic3A_2233 = arith.shrsi %get3A_2230, %shift_right_arithmetic3A_2232 : vector<16xi32>
      %shift_left3A_2234 = arith.constant 11 : i32
      %shift_left3A_2235 = vector.broadcast %shift_left3A_2234 : i32 to vector<16xi32>
      %shift_left3A_2236 = arith.shli %shift_right_arithmetic3A_2233, %shift_left3A_2235 : vector<16xi32>
      %and3A_2237 = arith.constant 1023 : i32
      %and3A_2238 = vector.broadcast %and3A_2237 : i32 to vector<16xi32>
      %and3A_2239 = arith.andi %get3A_2230, %and3A_2238 : vector<16xi32>
      %shift_left3A_2240 = arith.constant 1 : i32
      %shift_left3A_2241 = vector.broadcast %shift_left3A_2240 : i32 to vector<16xi32>
      %shift_left3A_2242 = arith.shli %and3A_2239, %shift_left3A_2241 : vector<16xi32>
      %add3A_2243 = arith.addi %shift_left3A_2236, %shift_left3A_2242 : vector<16xi32>
      %shift_right_arithmetic3A_2244 = arith.constant 10 : i32
      %shift_right_arithmetic3A_2245 = vector.broadcast %shift_right_arithmetic3A_2244 : i32 to vector<16xi32>
      %shift_right_arithmetic3A_2246 = arith.shrsi %get3A_2230, %shift_right_arithmetic3A_2245 : vector<16xi32>
      %and3A_2247 = arith.constant 1 : i32
      %and3A_2248 = vector.broadcast %and3A_2247 : i32 to vector<16xi32>
      %and3A_2249 = arith.andi %shift_right_arithmetic3A_2246, %and3A_2248 : vector<16xi32>
      %add3A_2250 = arith.addi %add3A_2243, %and3A_2249 : vector<16xi32>
      %swap3A_2251 = arith.constant 1 : i32
      %swap3A_2252 = arith.constant 3 : i32
      %swap3A_2253 = arith.index_cast %swap3A_2251 : i32 to index
      %swap3A_2254 = arith.index_cast %swap3A_2252 : i32 to index
      %swap3A_2255 = arith.constant 80 : index
      %swap3A_2256 = tpu.vector_load %arg5[%swap3A_2253, %swap3A_2254, %swap3A_2255] {strides = array<i32>} : memref<2x4x128xi32, #tpu.memory_space<vmem>>, vector<1x1x16xi32>,
      %swap3A_2257 = vector.shape_cast %swap3A_2256 : vector<1x1x16xi32> to vector<16xi32>
      %swap3A_2258 = vector.shape_cast %add3A_2250 : vector<16xi32> to vector<1x1x16xi32>
      tpu.vector_store %arg5[%swap3A_2253, %swap3A_2254, %swap3A_2255], %swap3A_2258 {strides = array<i32>} : memref<2x4x128xi32, #tpu.memory_space<vmem>>, vector<1x1x16xi32>,
      %get3A_2259 = arith.constant 1 : i32
      %get3A_2260 = arith.constant 3 : i32
      %get3A_2261 = arith.index_cast %get3A_2259 : i32 to index
      %get3A_2262 = arith.index_cast %get3A_2260 : i32 to index
      %get3A_2263 = arith.constant 96 : index
      %get3A_2264 = tpu.vector_load %arg5[%get3A_2261, %get3A_2262, %get3A_2263] {strides = array<i32>} : memref<2x4x128xi32, #tpu.memory_space<vmem>>, vector<1x1x16xi32>,
      %get3A_2265 = vector.shape_cast %get3A_2264 : vector<1x1x16xi32> to vector<16xi32>
      %shift_right_arithmetic3A_2266 = arith.constant 11 : i32
      %shift_right_arithmetic3A_2267 = vector.broadcast %shift_right_arithmetic3A_2266 : i32 to vector<16xi32>
      %shift_right_arithmetic3A_2268 = arith.shrsi %get3A_2265, %shift_right_arithmetic3A_2267 : vector<16xi32>
      %shift_left3A_2269 = arith.constant 11 : i32
      %shift_left3A_2270 = vector.broadcast %shift_left3A_2269 : i32 to vector<16xi32>
      %shift_left3A_2271 = arith.shli %shift_right_arithmetic3A_2268, %shift_left3A_2270 : vector<16xi32>
      %and3A_2272 = arith.constant 1023 : i32
      %and3A_2273 = vector.broadcast %and3A_2272 : i32 to vector<16xi32>
      %and3A_2274 = arith.andi %get3A_2265, %and3A_2273 : vector<16xi32>
      %shift_left3A_2275 = arith.constant 1 : i32
      %shift_left3A_2276 = vector.broadcast %shift_left3A_2275 : i32 to vector<16xi32>
      %shift_left3A_2277 = arith.shli %and3A_2274, %shift_left3A_2276 : vector<16xi32>
      %add3A_2278 = arith.addi %shift_left3A_2271, %shift_left3A_2277 : vector<16xi32>
      %shift_right_arithmetic3A_2279 = arith.constant 10 : i32
      %shift_right_arithmetic3A_2280 = vector.broadcast %shift_right_arithmetic3A_2279 : i32 to vector<16xi32>
      %shift_right_arithmetic3A_2281 = arith.shrsi %get3A_2265, %shift_right_arithmetic3A_2280 : vector<16xi32>
      %and3A_2282 = arith.constant 1 : i32
      %and3A_2283 = vector.broadcast %and3A_2282 : i32 to vector<16xi32>
      %and3A_2284 = arith.andi %shift_right_arithmetic3A_2281, %and3A_2283 : vector<16xi32>
      %add3A_2285 = arith.addi %add3A_2278, %and3A_2284 : vector<16xi32>
      %swap3A_2286 = arith.constant 1 : i32
      %swap3A_2287 = arith.constant 3 : i32
      %swap3A_2288 = arith.index_cast %swap3A_2286 : i32 to index
      %swap3A_2289 = arith.index_cast %swap3A_2287 : i32 to index
      %swap3A_2290 = arith.constant 96 : index
      %swap3A_2291 = tpu.vector_load %arg5[%swap3A_2288, %swap3A_2289, %swap3A_2290] {strides = array<i32>} : memref<2x4x128xi32, #tpu.memory_space<vmem>>, vector<1x1x16xi32>,
      %swap3A_2292 = vector.shape_cast %swap3A_2291 : vector<1x1x16xi32> to vector<16xi32>
      %swap3A_2293 = vector.shape_cast %add3A_2285 : vector<16xi32> to vector<1x1x16xi32>
      tpu.vector_store %arg5[%swap3A_2288, %swap3A_2289, %swap3A_2290], %swap3A_2293 {strides = array<i32>} : memref<2x4x128xi32, #tpu.memory_space<vmem>>, vector<1x1x16xi32>,
      %get3A_2294 = arith.constant 1 : i32
      %get3A_2295 = arith.constant 3 : i32
      %get3A_2296 = arith.index_cast %get3A_2294 : i32 to index
      %get3A_2297 = arith.index_cast %get3A_2295 : i32 to index
      %get3A_2298 = arith.constant 112 : index
      %get3A_2299 = tpu.vector_load %arg5[%get3A_2296, %get3A_2297, %get3A_2298] {strides = array<i32>} : memref<2x4x128xi32, #tpu.memory_space<vmem>>, vector<1x1x16xi32>,
      %get3A_2300 = vector.shape_cast %get3A_2299 : vector<1x1x16xi32> to vector<16xi32>
      %shift_right_arithmetic3A_2301 = arith.constant 11 : i32
      %shift_right_arithmetic3A_2302 = vector.broadcast %shift_right_arithmetic3A_2301 : i32 to vector<16xi32>
      %shift_right_arithmetic3A_2303 = arith.shrsi %get3A_2300, %shift_right_arithmetic3A_2302 : vector<16xi32>
      %shift_left3A_2304 = arith.constant 11 : i32
      %shift_left3A_2305 = vector.broadcast %shift_left3A_2304 : i32 to vector<16xi32>
      %shift_left3A_2306 = arith.shli %shift_right_arithmetic3A_2303, %shift_left3A_2305 : vector<16xi32>
      %and3A_2307 = arith.constant 1023 : i32
      %and3A_2308 = vector.broadcast %and3A_2307 : i32 to vector<16xi32>
      %and3A_2309 = arith.andi %get3A_2300, %and3A_2308 : vector<16xi32>
      %shift_left3A_2310 = arith.constant 1 : i32
      %shift_left3A_2311 = vector.broadcast %shift_left3A_2310 : i32 to vector<16xi32>
      %shift_left3A_2312 = arith.shli %and3A_2309, %shift_left3A_2311 : vector<16xi32>
      %add3A_2313 = arith.addi %shift_left3A_2306, %shift_left3A_2312 : vector<16xi32>
      %shift_right_arithmetic3A_2314 = arith.constant 10 : i32
      %shift_right_arithmetic3A_2315 = vector.broadcast %shift_right_arithmetic3A_2314 : i32 to vector<16xi32>
      %shift_right_arithmetic3A_2316 = arith.shrsi %get3A_2300, %shift_right_arithmetic3A_2315 : vector<16xi32>
      %and3A_2317 = arith.constant 1 : i32
      %and3A_2318 = vector.broadcast %and3A_2317 : i32 to vector<16xi32>
      %and3A_2319 = arith.andi %shift_right_arithmetic3A_2316, %and3A_2318 : vector<16xi32>
      %add3A_2320 = arith.addi %add3A_2313, %and3A_2319 : vector<16xi32>
      %swap3A_2321 = arith.constant 1 : i32
      %swap3A_2322 = arith.constant 3 : i32
      %swap3A_2323 = arith.index_cast %swap3A_2321 : i32 to index
      %swap3A_2324 = arith.index_cast %swap3A_2322 : i32 to index
      %swap3A_2325 = arith.constant 112 : index
      %swap3A_2326 = tpu.vector_load %arg5[%swap3A_2323, %swap3A_2324, %swap3A_2325] {strides = array<i32>} : memref<2x4x128xi32, #tpu.memory_space<vmem>>, vector<1x1x16xi32>,
      %swap3A_2327 = vector.shape_cast %swap3A_2326 : vector<1x1x16xi32> to vector<16xi32>
      %swap3A_2328 = vector.shape_cast %add3A_2320 : vector<16xi32> to vector<1x1x16xi32>
      tpu.vector_store %arg5[%swap3A_2323, %swap3A_2324, %swap3A_2325], %swap3A_2328 {strides = array<i32>} : memref<2x4x128xi32, #tpu.memory_space<vmem>>, vector<1x1x16xi32>,
      %dma_start3A_2329 = arith.constant 1 : i32
      %dma_start3A_2330 = arith.constant 0 : i32
      %dma_start3A_2331 = arith.constant 1 : i32
      %dma_start3A_2332 = arith.constant 0 : i32
      %dma_start3A_2333 = arith.constant 0 : i32
      %dma_start3A_2334 = tpu.memref_slice %arg6[%dma_start3A_2331, %dma_start3A_2332, %dma_start3A_2333] : memref<2x512x64xf32, #tpu.memory_space<vmem>> -> memref<1x512x64xf32, #tpu.memory_space<vmem>>
      %dma_start3A_2335 = tpu.memref_squeeze %dma_start3A_2334 : memref<1x512x64xf32, #tpu.memory_space<vmem>> -> memref<512x64xf32, #tpu.memory_space<vmem>>
      %dma_start3A_2336 = arith.constant 0 : i32
      %dma_start3A_2337 = arith.constant 0 : i32
      %dma_start3A_2338 = tpu.memref_slice %dma_start3A_2335[%dma_start3A_2336, %dma_start3A_2337] : memref<512x64xf32, #tpu.memory_space<vmem>> -> memref<128x64xf32, #tpu.memory_space<vmem>>
      %dma_start3A_2339 = arith.constant 0 : i32
      %dma_start3A_2340 = tpu.memref_slice %arg5[%dma_start3A_2329, %dma_start3A_2330, %dma_start3A_2339] : memref<2x4x128xi32, #tpu.memory_space<vmem>> -> memref<1x1x128xi32, #tpu.memory_space<vmem>>
      %dma_start3A_2341 = tpu.memref_squeeze %dma_start3A_2340 : memref<1x1x128xi32, #tpu.memory_space<vmem>> -> memref<128xi32, #tpu.memory_space<vmem>>
      %dma_start3A_2342 = arith.constant 0 : i32
      %dma_start3A_2343 = arith.constant 0 : i32
      %dma_start3A_2344 = tpu.memref_slice %arg3[%dma_start3A_2342, %dma_start3A_2343] : memref<1001472x64xf32, #tpu.memory_space<hbm>> -> memref<1001472x64xf32, #tpu.memory_space<hbm>>
      tpu.enqueue_indirect_dma source(%dma_start3A_2344 : memref<1001472x64xf32, #tpu.memory_space<hbm>>) target(%dma_start3A_2338 : memref<128x64xf32, #tpu.memory_space<vmem>>) offsets(%dma_start3A_2341 : memref<128xi32, #tpu.memory_space<vmem>>) semaphore(%arg8 : memref<!tpu.dma_semaphore, #tpu.memory_space<semaphore_mem>>)
      %dma_start3A_2345 = arith.constant 1 : i32
      %dma_start3A_2346 = arith.constant 1 : i32
      %dma_start3A_2347 = arith.constant 1 : i32
      %dma_start3A_2348 = arith.constant 0 : i32
      %dma_start3A_2349 = arith.constant 0 : i32
      %dma_start3A_2350 = tpu.memref_slice %arg6[%dma_start3A_2347, %dma_start3A_2348, %dma_start3A_2349] : memref<2x512x64xf32, #tpu.memory_space<vmem>> -> memref<1x512x64xf32, #tpu.memory_space<vmem>>
      %dma_start3A_2351 = tpu.memref_squeeze %dma_start3A_2350 : memref<1x512x64xf32, #tpu.memory_space<vmem>> -> memref<512x64xf32, #tpu.memory_space<vmem>>
      %dma_start3A_2352 = arith.constant 128 : i32
      %dma_start3A_2353 = arith.constant 0 : i32
      %dma_start3A_2354 = tpu.memref_slice %dma_start3A_2351[%dma_start3A_2352, %dma_start3A_2353] : memref<512x64xf32, #tpu.memory_space<vmem>> -> memref<128x64xf32, #tpu.memory_space<vmem>>
      %dma_start3A_2355 = arith.constant 0 : i32
      %dma_start3A_2356 = tpu.memref_slice %arg5[%dma_start3A_2345, %dma_start3A_2346, %dma_start3A_2355] : memref<2x4x128xi32, #tpu.memory_space<vmem>> -> memref<1x1x128xi32, #tpu.memory_space<vmem>>
      %dma_start3A_2357 = tpu.memref_squeeze %dma_start3A_2356 : memref<1x1x128xi32, #tpu.memory_space<vmem>> -> memref<128xi32, #tpu.memory_space<vmem>>
      %dma_start3A_2358 = arith.constant 0 : i32
      %dma_start3A_2359 = arith.constant 0 : i32
      %dma_start3A_2360 = tpu.memref_slice %arg3[%dma_start3A_2358, %dma_start3A_2359] : memref<1001472x64xf32, #tpu.memory_space<hbm>> -> memref<1001472x64xf32, #tpu.memory_space<hbm>>
      tpu.enqueue_indirect_dma source(%dma_start3A_2360 : memref<1001472x64xf32, #tpu.memory_space<hbm>>) target(%dma_start3A_2354 : memref<128x64xf32, #tpu.memory_space<vmem>>) offsets(%dma_start3A_2357 : memref<128xi32, #tpu.memory_space<vmem>>) semaphore(%arg8 : memref<!tpu.dma_semaphore, #tpu.memory_space<semaphore_mem>>)
      %dma_start3A_2361 = arith.constant 1 : i32
      %dma_start3A_2362 = arith.constant 2 : i32
      %dma_start3A_2363 = arith.constant 1 : i32
      %dma_start3A_2364 = arith.constant 0 : i32
      %dma_start3A_2365 = arith.constant 0 : i32
      %dma_start3A_2366 = tpu.memref_slice %arg6[%dma_start3A_2363, %dma_start3A_2364, %dma_start3A_2365] : memref<2x512x64xf32, #tpu.memory_space<vmem>> -> memref<1x512x64xf32, #tpu.memory_space<vmem>>
      %dma_start3A_2367 = tpu.memref_squeeze %dma_start3A_2366 : memref<1x512x64xf32, #tpu.memory_space<vmem>> -> memref<512x64xf32, #tpu.memory_space<vmem>>
      %dma_start3A_2368 = arith.constant 256 : i32
      %dma_start3A_2369 = arith.constant 0 : i32
      %dma_start3A_2370 = tpu.memref_slice %dma_start3A_2367[%dma_start3A_2368, %dma_start3A_2369] : memref<512x64xf32, #tpu.memory_space<vmem>> -> memref<128x64xf32, #tpu.memory_space<vmem>>
      %dma_start3A_2371 = arith.constant 0 : i32
      %dma_start3A_2372 = tpu.memref_slice %arg5[%dma_start3A_2361, %dma_start3A_2362, %dma_start3A_2371] : memref<2x4x128xi32, #tpu.memory_space<vmem>> -> memref<1x1x128xi32, #tpu.memory_space<vmem>>
      %dma_start3A_2373 = tpu.memref_squeeze %dma_start3A_2372 : memref<1x1x128xi32, #tpu.memory_space<vmem>> -> memref<128xi32, #tpu.memory_space<vmem>>
      %dma_start3A_2374 = arith.constant 0 : i32
      %dma_start3A_2375 = arith.constant 0 : i32
      %dma_start3A_2376 = tpu.memref_slice %arg3[%dma_start3A_2374, %dma_start3A_2375] : memref<1001472x64xf32, #tpu.memory_space<hbm>> -> memref<1001472x64xf32, #tpu.memory_space<hbm>>
      tpu.enqueue_indirect_dma source(%dma_start3A_2376 : memref<1001472x64xf32, #tpu.memory_space<hbm>>) target(%dma_start3A_2370 : memref<128x64xf32, #tpu.memory_space<vmem>>) offsets(%dma_start3A_2373 : memref<128xi32, #tpu.memory_space<vmem>>) semaphore(%arg8 : memref<!tpu.dma_semaphore, #tpu.memory_space<semaphore_mem>>)
      %dma_start3A_2377 = arith.constant 1 : i32
      %dma_start3A_2378 = arith.constant 3 : i32
      %dma_start3A_2379 = arith.constant 1 : i32
      %dma_start3A_2380 = arith.constant 0 : i32
      %dma_start3A_2381 = arith.constant 0 : i32
      %dma_start3A_2382 = tpu.memref_slice %arg6[%dma_start3A_2379, %dma_start3A_2380, %dma_start3A_2381] : memref<2x512x64xf32, #tpu.memory_space<vmem>> -> memref<1x512x64xf32, #tpu.memory_space<vmem>>
      %dma_start3A_2383 = tpu.memref_squeeze %dma_start3A_2382 : memref<1x512x64xf32, #tpu.memory_space<vmem>> -> memref<512x64xf32, #tpu.memory_space<vmem>>
      %dma_start3A_2384 = arith.constant 384 : i32
      %dma_start3A_2385 = arith.constant 0 : i32
      %dma_start3A_2386 = tpu.memref_slice %dma_start3A_2383[%dma_start3A_2384, %dma_start3A_2385] : memref<512x64xf32, #tpu.memory_space<vmem>> -> memref<128x64xf32, #tpu.memory_space<vmem>>
      %dma_start3A_2387 = arith.constant 0 : i32
      %dma_start3A_2388 = tpu.memref_slice %arg5[%dma_start3A_2377, %dma_start3A_2378, %dma_start3A_2387] : memref<2x4x128xi32, #tpu.memory_space<vmem>> -> memref<1x1x128xi32, #tpu.memory_space<vmem>>
      %dma_start3A_2389 = tpu.memref_squeeze %dma_start3A_2388 : memref<1x1x128xi32, #tpu.memory_space<vmem>> -> memref<128xi32, #tpu.memory_space<vmem>>
      %dma_start3A_2390 = arith.constant 0 : i32
      %dma_start3A_2391 = arith.constant 0 : i32
      %dma_start3A_2392 = tpu.memref_slice %arg3[%dma_start3A_2390, %dma_start3A_2391] : memref<1001472x64xf32, #tpu.memory_space<hbm>> -> memref<1001472x64xf32, #tpu.memory_space<hbm>>
      tpu.enqueue_indirect_dma source(%dma_start3A_2392 : memref<1001472x64xf32, #tpu.memory_space<hbm>>) target(%dma_start3A_2386 : memref<128x64xf32, #tpu.memory_space<vmem>>) offsets(%dma_start3A_2389 : memref<128xi32, #tpu.memory_space<vmem>>) semaphore(%arg8 : memref<!tpu.dma_semaphore, #tpu.memory_space<semaphore_mem>>)
      %dma_wait3A = arith.constant 0 : i32
      %dma_wait3A_2393 = arith.constant 0 : i32
      %dma_wait3A_2394 = arith.constant 0 : i32
      %dma_wait3A_2395 = tpu.memref_slice %arg6[%dma_wait3A, %dma_wait3A_2393, %dma_wait3A_2394] : memref<2x512x64xf32, #tpu.memory_space<vmem>> -> memref<1x512x64xf32, #tpu.memory_space<vmem>>
      %dma_wait3A_2396 = tpu.memref_squeeze %dma_wait3A_2395 : memref<1x512x64xf32, #tpu.memory_space<vmem>> -> memref<512x64xf32, #tpu.memory_space<vmem>>
      %dma_wait3A_2397 = arith.constant 0 : i32
      %dma_wait3A_2398 = arith.constant 0 : i32
      %dma_wait3A_2399 = tpu.memref_slice %dma_wait3A_2396[%dma_wait3A_2397, %dma_wait3A_2398] : memref<512x64xf32, #tpu.memory_space<vmem>> -> memref<128x64xf32, #tpu.memory_space<vmem>>
      %dma_wait3A_2400 = arith.constant 0 : i32
      %dma_wait3A_2401 = arith.constant 0 : i32
      %dma_wait3A_2402 = tpu.memref_slice %arg3[%dma_wait3A_2400, %dma_wait3A_2401] : memref<1001472x64xf32, #tpu.memory_space<hbm>> -> memref<128x64xf32, #tpu.memory_space<hbm>>
      %dma_wait3A_2403 = arith.constant 0 : i32
      %dma_wait3A_2404 = arith.constant 0 : i32
      %dma_wait3A_2405 = tpu.memref_slice %arg6[%dma_wait3A, %dma_wait3A_2403, %dma_wait3A_2404] : memref<2x512x64xf32, #tpu.memory_space<vmem>> -> memref<1x512x64xf32, #tpu.memory_space<vmem>>
      %dma_wait3A_2406 = tpu.memref_squeeze %dma_wait3A_2405 : memref<1x512x64xf32, #tpu.memory_space<vmem>> -> memref<512x64xf32, #tpu.memory_space<vmem>>
      %dma_wait3A_2407 = arith.constant 0 : i32
      %dma_wait3A_2408 = arith.constant 0 : i32
      %dma_wait3A_2409 = tpu.memref_slice %dma_wait3A_2406[%dma_wait3A_2407, %dma_wait3A_2408] : memref<512x64xf32, #tpu.memory_space<vmem>> -> memref<128x64xf32, #tpu.memory_space<vmem>>
      %dma_wait3A_2410 = arith.constant 0 : i32
      %dma_wait3A_2411 = arith.constant 0 : i32
      %dma_wait3A_2412 = tpu.memref_slice %arg3[%dma_wait3A_2410, %dma_wait3A_2411] : memref<1001472x64xf32, #tpu.memory_space<hbm>> -> memref<128x64xf32, #tpu.memory_space<hbm>>
      tpu.wait_dma2 semaphore(%arg7 : memref<!tpu.dma_semaphore, #tpu.memory_space<semaphore_mem>>) src(%dma_wait3A_2412 : memref<128x64xf32, #tpu.memory_space<hbm>>) dst(%dma_wait3A_2409 : memref<128x64xf32, #tpu.memory_space<vmem>>)
      %dma_wait3A_2413 = arith.constant 0 : i32
      %dma_wait3A_2414 = arith.constant 0 : i32
      %dma_wait3A_2415 = arith.constant 0 : i32
      %dma_wait3A_2416 = tpu.memref_slice %arg6[%dma_wait3A_2413, %dma_wait3A_2414, %dma_wait3A_2415] : memref<2x512x64xf32, #tpu.memory_space<vmem>> -> memref<1x512x64xf32, #tpu.memory_space<vmem>>
      %dma_wait3A_2417 = tpu.memref_squeeze %dma_wait3A_2416 : memref<1x512x64xf32, #tpu.memory_space<vmem>> -> memref<512x64xf32, #tpu.memory_space<vmem>>
      %dma_wait3A_2418 = arith.constant 128 : i32
      %dma_wait3A_2419 = arith.constant 0 : i32
      %dma_wait3A_2420 = tpu.memref_slice %dma_wait3A_2417[%dma_wait3A_2418, %dma_wait3A_2419] : memref<512x64xf32, #tpu.memory_space<vmem>> -> memref<128x64xf32, #tpu.memory_space<vmem>>
      %dma_wait3A_2421 = arith.constant 0 : i32
      %dma_wait3A_2422 = arith.constant 0 : i32
      %dma_wait3A_2423 = tpu.memref_slice %arg3[%dma_wait3A_2421, %dma_wait3A_2422] : memref<1001472x64xf32, #tpu.memory_space<hbm>> -> memref<128x64xf32, #tpu.memory_space<hbm>>
      %dma_wait3A_2424 = arith.constant 0 : i32
      %dma_wait3A_2425 = arith.constant 0 : i32
      %dma_wait3A_2426 = tpu.memref_slice %arg6[%dma_wait3A_2413, %dma_wait3A_2424, %dma_wait3A_2425] : memref<2x512x64xf32, #tpu.memory_space<vmem>> -> memref<1x512x64xf32, #tpu.memory_space<vmem>>
      %dma_wait3A_2427 = tpu.memref_squeeze %dma_wait3A_2426 : memref<1x512x64xf32, #tpu.memory_space<vmem>> -> memref<512x64xf32, #tpu.memory_space<vmem>>
      %dma_wait3A_2428 = arith.constant 128 : i32
      %dma_wait3A_2429 = arith.constant 0 : i32
      %dma_wait3A_2430 = tpu.memref_slice %dma_wait3A_2427[%dma_wait3A_2428, %dma_wait3A_2429] : memref<512x64xf32, #tpu.memory_space<vmem>> -> memref<128x64xf32, #tpu.memory_space<vmem>>
      %dma_wait3A_2431 = arith.constant 0 : i32
      %dma_wait3A_2432 = arith.constant 0 : i32
      %dma_wait3A_2433 = tpu.memref_slice %arg3[%dma_wait3A_2431, %dma_wait3A_2432] : memref<1001472x64xf32, #tpu.memory_space<hbm>> -> memref<128x64xf32, #tpu.memory_space<hbm>>
      tpu.wait_dma2 semaphore(%arg7 : memref<!tpu.dma_semaphore, #tpu.memory_space<semaphore_mem>>) src(%dma_wait3A_2433 : memref<128x64xf32, #tpu.memory_space<hbm>>) dst(%dma_wait3A_2430 : memref<128x64xf32, #tpu.memory_space<vmem>>)
      %dma_wait3A_2434 = arith.constant 0 : i32
      %dma_wait3A_2435 = arith.constant 0 : i32
      %dma_wait3A_2436 = arith.constant 0 : i32
      %dma_wait3A_2437 = tpu.memref_slice %arg6[%dma_wait3A_2434, %dma_wait3A_2435, %dma_wait3A_2436] : memref<2x512x64xf32, #tpu.memory_space<vmem>> -> memref<1x512x64xf32, #tpu.memory_space<vmem>>
      %dma_wait3A_2438 = tpu.memref_squeeze %dma_wait3A_2437 : memref<1x512x64xf32, #tpu.memory_space<vmem>> -> memref<512x64xf32, #tpu.memory_space<vmem>>
      %dma_wait3A_2439 = arith.constant 256 : i32
      %dma_wait3A_2440 = arith.constant 0 : i32
      %dma_wait3A_2441 = tpu.memref_slice %dma_wait3A_2438[%dma_wait3A_2439, %dma_wait3A_2440] : memref<512x64xf32, #tpu.memory_space<vmem>> -> memref<128x64xf32, #tpu.memory_space<vmem>>
      %dma_wait3A_2442 = arith.constant 0 : i32
      %dma_wait3A_2443 = arith.constant 0 : i32
      %dma_wait3A_2444 = tpu.memref_slice %arg3[%dma_wait3A_2442, %dma_wait3A_2443] : memref<1001472x64xf32, #tpu.memory_space<hbm>> -> memref<128x64xf32, #tpu.memory_space<hbm>>
      %dma_wait3A_2445 = arith.constant 0 : i32
      %dma_wait3A_2446 = arith.constant 0 : i32
      %dma_wait3A_2447 = tpu.memref_slice %arg6[%dma_wait3A_2434, %dma_wait3A_2445, %dma_wait3A_2446] : memref<2x512x64xf32, #tpu.memory_space<vmem>> -> memref<1x512x64xf32, #tpu.memory_space<vmem>>
      %dma_wait3A_2448 = tpu.memref_squeeze %dma_wait3A_2447 : memref<1x512x64xf32, #tpu.memory_space<vmem>> -> memref<512x64xf32, #tpu.memory_space<vmem>>
      %dma_wait3A_2449 = arith.constant 256 : i32
      %dma_wait3A_2450 = arith.constant 0 : i32
      %dma_wait3A_2451 = tpu.memref_slice %dma_wait3A_2448[%dma_wait3A_2449, %dma_wait3A_2450] : memref<512x64xf32, #tpu.memory_space<vmem>> -> memref<128x64xf32, #tpu.memory_space<vmem>>
      %dma_wait3A_2452 = arith.constant 0 : i32
      %dma_wait3A_2453 = arith.constant 0 : i32
      %dma_wait3A_2454 = tpu.memref_slice %arg3[%dma_wait3A_2452, %dma_wait3A_2453] : memref<1001472x64xf32, #tpu.memory_space<hbm>> -> memref<128x64xf32, #tpu.memory_space<hbm>>
      tpu.wait_dma2 semaphore(%arg7 : memref<!tpu.dma_semaphore, #tpu.memory_space<semaphore_mem>>) src(%dma_wait3A_2454 : memref<128x64xf32, #tpu.memory_space<hbm>>) dst(%dma_wait3A_2451 : memref<128x64xf32, #tpu.memory_space<vmem>>)
      %dma_wait3A_2455 = arith.constant 0 : i32
      %dma_wait3A_2456 = arith.constant 0 : i32
      %dma_wait3A_2457 = arith.constant 0 : i32
      %dma_wait3A_2458 = tpu.memref_slice %arg6[%dma_wait3A_2455, %dma_wait3A_2456, %dma_wait3A_2457] : memref<2x512x64xf32, #tpu.memory_space<vmem>> -> memref<1x512x64xf32, #tpu.memory_space<vmem>>
      %dma_wait3A_2459 = tpu.memref_squeeze %dma_wait3A_2458 : memref<1x512x64xf32, #tpu.memory_space<vmem>> -> memref<512x64xf32, #tpu.memory_space<vmem>>
      %dma_wait3A_2460 = arith.constant 384 : i32
      %dma_wait3A_2461 = arith.constant 0 : i32
      %dma_wait3A_2462 = tpu.memref_slice %dma_wait3A_2459[%dma_wait3A_2460, %dma_wait3A_2461] : memref<512x64xf32, #tpu.memory_space<vmem>> -> memref<128x64xf32, #tpu.memory_space<vmem>>
      %dma_wait3A_2463 = arith.constant 0 : i32
      %dma_wait3A_2464 = arith.constant 0 : i32
      %dma_wait3A_2465 = tpu.memref_slice %arg3[%dma_wait3A_2463, %dma_wait3A_2464] : memref<1001472x64xf32, #tpu.memory_space<hbm>> -> memref<128x64xf32, #tpu.memory_space<hbm>>
      %dma_wait3A_2466 = arith.constant 0 : i32
      %dma_wait3A_2467 = arith.constant 0 : i32
      %dma_wait3A_2468 = tpu.memref_slice %arg6[%dma_wait3A_2455, %dma_wait3A_2466, %dma_wait3A_2467] : memref<2x512x64xf32, #tpu.memory_space<vmem>> -> memref<1x512x64xf32, #tpu.memory_space<vmem>>
      %dma_wait3A_2469 = tpu.memref_squeeze %dma_wait3A_2468 : memref<1x512x64xf32, #tpu.memory_space<vmem>> -> memref<512x64xf32, #tpu.memory_space<vmem>>
      %dma_wait3A_2470 = arith.constant 384 : i32
      %dma_wait3A_2471 = arith.constant 0 : i32
      %dma_wait3A_2472 = tpu.memref_slice %dma_wait3A_2469[%dma_wait3A_2470, %dma_wait3A_2471] : memref<512x64xf32, #tpu.memory_space<vmem>> -> memref<128x64xf32, #tpu.memory_space<vmem>>
      %dma_wait3A_2473 = arith.constant 0 : i32
      %dma_wait3A_2474 = arith.constant 0 : i32
      %dma_wait3A_2475 = tpu.memref_slice %arg3[%dma_wait3A_2473, %dma_wait3A_2474] : memref<1001472x64xf32, #tpu.memory_space<hbm>> -> memref<128x64xf32, #tpu.memory_space<hbm>>
      tpu.wait_dma2 semaphore(%arg7 : memref<!tpu.dma_semaphore, #tpu.memory_space<semaphore_mem>>) src(%dma_wait3A_2475 : memref<128x64xf32, #tpu.memory_space<hbm>>) dst(%dma_wait3A_2472 : memref<128x64xf32, #tpu.memory_space<vmem>>)
      %lt3A_2476 = arith.constant 16 : i32
      %lt3A_2477 = arith.cmpi slt, %add3A, %lt3A_2476 : i32
      %convert_element_type3A = arith.extui %lt3A_2477 : i1 to i32
      %cond3A = arith.constant 0 : i32
      %cond3A_2478 = arith.cmpi ne, %convert_element_type3A, %cond3A : i32
      scf.if %cond3A_2478 {
        %mul3A_2584 = arith.constant 512 : i32
        %mul3A_2585 = arith.muli %mul3A_1202, %mul3A_2584 : i32
        %add3A_2586 = arith.addi %mul3A_13, %mul3A_2585 : i32
        %run_scoped3A_2587 = arith.constant 0 : i32
        "tpu.region"() ({
          %run_scoped3A_2588 = tpu.sem_alloc : memref<!tpu.dma_semaphore, #tpu.memory_space<semaphore_mem>>
          %dma_start3A_2589 = arith.constant 0 : i32
          %dma_start3A_2590 = arith.constant 0 : i32
          %dma_start3A_2591 = tpu.memref_slice %arg6[%run_scoped3A_2587, %dma_start3A_2589, %dma_start3A_2590] : memref<2x512x64xf32, #tpu.memory_space<vmem>> -> memref<1x512x64xf32, #tpu.memory_space<vmem>>
          %dma_start3A_2592 = tpu.memref_squeeze %dma_start3A_2591 : memref<1x512x64xf32, #tpu.memory_space<vmem>> -> memref<512x64xf32, #tpu.memory_space<vmem>>
          %dma_start3A_2593 = arith.constant 0 : i32
          %dma_start3A_2594 = tpu.memref_slice %arg4[%add3A_2586, %dma_start3A_2593] : memref<1048576x128xf32, #tpu.memory_space<hbm>> -> memref<512x64xf32, #tpu.memory_space<hbm>>
          %dma_start3A_2595 = arith.constant 0 : i32
          %dma_start3A_2596 = tpu.memref_slice %arg4[%add3A_2586, %dma_start3A_2595] : memref<1048576x128xf32, #tpu.memory_space<hbm>> -> memref<512x64xf32, #tpu.memory_space<hbm>>
          %dma_start3A_2597 = arith.constant 0 : i32
          %dma_start3A_2598 = arith.constant 0 : i32
          %dma_start3A_2599 = tpu.memref_slice %arg6[%run_scoped3A_2587, %dma_start3A_2597, %dma_start3A_2598] : memref<2x512x64xf32, #tpu.memory_space<vmem>> -> memref<1x512x64xf32, #tpu.memory_space<vmem>>
          %dma_start3A_2600 = tpu.memref_squeeze %dma_start3A_2599 : memref<1x512x64xf32, #tpu.memory_space<vmem>> -> memref<512x64xf32, #tpu.memory_space<vmem>>
          tpu.enqueue_dma source(%dma_start3A_2600 : memref<512x64xf32, #tpu.memory_space<vmem>>) target(%dma_start3A_2596 : memref<512x64xf32, #tpu.memory_space<hbm>>) target_semaphore(%run_scoped3A_2588 : memref<!tpu.dma_semaphore, #tpu.memory_space<semaphore_mem>>)
          %dma_wait3A_2601 = arith.constant 0 : i32
          %dma_wait3A_2602 = arith.constant 0 : i32
          %dma_wait3A_2603 = tpu.memref_slice %arg6[%run_scoped3A_2587, %dma_wait3A_2601, %dma_wait3A_2602] : memref<2x512x64xf32, #tpu.memory_space<vmem>> -> memref<1x512x64xf32, #tpu.memory_space<vmem>>
          %dma_wait3A_2604 = tpu.memref_squeeze %dma_wait3A_2603 : memref<1x512x64xf32, #tpu.memory_space<vmem>> -> memref<512x64xf32, #tpu.memory_space<vmem>>
          %dma_wait3A_2605 = arith.constant 0 : i32
          %dma_wait3A_2606 = tpu.memref_slice %arg4[%add3A_2586, %dma_wait3A_2605] : memref<1048576x128xf32, #tpu.memory_space<hbm>> -> memref<512x64xf32, #tpu.memory_space<hbm>>
          %dma_wait3A_2607 = arith.constant 0 : i32
          %dma_wait3A_2608 = tpu.memref_slice %arg4[%add3A_2586, %dma_wait3A_2607] : memref<1048576x128xf32, #tpu.memory_space<hbm>> -> memref<512x64xf32, #tpu.memory_space<hbm>>
          %dma_wait3A_2609 = arith.constant 0 : i32
          %dma_wait3A_2610 = arith.constant 0 : i32
          %dma_wait3A_2611 = tpu.memref_slice %arg6[%run_scoped3A_2587, %dma_wait3A_2609, %dma_wait3A_2610] : memref<2x512x64xf32, #tpu.memory_space<vmem>> -> memref<1x512x64xf32, #tpu.memory_space<vmem>>
          %dma_wait3A_2612 = tpu.memref_squeeze %dma_wait3A_2611 : memref<1x512x64xf32, #tpu.memory_space<vmem>> -> memref<512x64xf32, #tpu.memory_space<vmem>>
          tpu.wait_dma2 semaphore(%run_scoped3A_2588 : memref<!tpu.dma_semaphore, #tpu.memory_space<semaphore_mem>>) src(%dma_wait3A_2612 : memref<512x64xf32, #tpu.memory_space<vmem>>) dst(%dma_wait3A_2608 : memref<512x64xf32, #tpu.memory_space<hbm>>)
          tpu.yield
        }) : () -> ()
      } else {
      }
      %ge3A = arith.constant 16 : i32
      %ge3A_2479 = arith.cmpi sge, %add3A, %ge3A : i32
      %convert_element_type3A_2480 = arith.extui %ge3A_2479 : i1 to i32
      %cond3A_2481 = arith.constant 0 : i32
      %cond3A_2482 = arith.cmpi ne, %convert_element_type3A_2480, %cond3A_2481 : i32
      scf.if %cond3A_2482 {
        %mul3A_2584 = arith.constant 512 : i32
        %mul3A_2585 = arith.muli %mul3A_1202, %mul3A_2584 : i32
        %add3A_2586 = arith.addi %mul3A_13, %mul3A_2585 : i32
        %run_scoped3A_2587 = arith.constant 0 : i32
        "tpu.region"() ({
          %run_scoped3A_2588 = tpu.sem_alloc : memref<!tpu.dma_semaphore, #tpu.memory_space<semaphore_mem>>
          %dma_start3A_2589 = arith.constant 0 : i32
          %dma_start3A_2590 = arith.constant 0 : i32
          %dma_start3A_2591 = tpu.memref_slice %arg6[%run_scoped3A_2587, %dma_start3A_2589, %dma_start3A_2590] : memref<2x512x64xf32, #tpu.memory_space<vmem>> -> memref<1x512x64xf32, #tpu.memory_space<vmem>>
          %dma_start3A_2592 = tpu.memref_squeeze %dma_start3A_2591 : memref<1x512x64xf32, #tpu.memory_space<vmem>> -> memref<512x64xf32, #tpu.memory_space<vmem>>
          %dma_start3A_2593 = arith.constant 64 : i32
          %dma_start3A_2594 = tpu.memref_slice %arg4[%add3A_2586, %dma_start3A_2593] : memref<1048576x128xf32, #tpu.memory_space<hbm>> -> memref<512x64xf32, #tpu.memory_space<hbm>>
          %dma_start3A_2595 = arith.constant 64 : i32
          %dma_start3A_2596 = tpu.memref_slice %arg4[%add3A_2586, %dma_start3A_2595] : memref<1048576x128xf32, #tpu.memory_space<hbm>> -> memref<512x64xf32, #tpu.memory_space<hbm>>
          %dma_start3A_2597 = arith.constant 0 : i32
          %dma_start3A_2598 = arith.constant 0 : i32
          %dma_start3A_2599 = tpu.memref_slice %arg6[%run_scoped3A_2587, %dma_start3A_2597, %dma_start3A_2598] : memref<2x512x64xf32, #tpu.memory_space<vmem>> -> memref<1x512x64xf32, #tpu.memory_space<vmem>>
          %dma_start3A_2600 = tpu.memref_squeeze %dma_start3A_2599 : memref<1x512x64xf32, #tpu.memory_space<vmem>> -> memref<512x64xf32, #tpu.memory_space<vmem>>
          tpu.enqueue_dma source(%dma_start3A_2600 : memref<512x64xf32, #tpu.memory_space<vmem>>) target(%dma_start3A_2596 : memref<512x64xf32, #tpu.memory_space<hbm>>) target_semaphore(%run_scoped3A_2588 : memref<!tpu.dma_semaphore, #tpu.memory_space<semaphore_mem>>)
          %dma_wait3A_2601 = arith.constant 0 : i32
          %dma_wait3A_2602 = arith.constant 0 : i32
          %dma_wait3A_2603 = tpu.memref_slice %arg6[%run_scoped3A_2587, %dma_wait3A_2601, %dma_wait3A_2602] : memref<2x512x64xf32, #tpu.memory_space<vmem>> -> memref<1x512x64xf32, #tpu.memory_space<vmem>>
          %dma_wait3A_2604 = tpu.memref_squeeze %dma_wait3A_2603 : memref<1x512x64xf32, #tpu.memory_space<vmem>> -> memref<512x64xf32, #tpu.memory_space<vmem>>
          %dma_wait3A_2605 = arith.constant 64 : i32
          %dma_wait3A_2606 = tpu.memref_slice %arg4[%add3A_2586, %dma_wait3A_2605] : memref<1048576x128xf32, #tpu.memory_space<hbm>> -> memref<512x64xf32, #tpu.memory_space<hbm>>
          %dma_wait3A_2607 = arith.constant 64 : i32
          %dma_wait3A_2608 = tpu.memref_slice %arg4[%add3A_2586, %dma_wait3A_2607] : memref<1048576x128xf32, #tpu.memory_space<hbm>> -> memref<512x64xf32, #tpu.memory_space<hbm>>
          %dma_wait3A_2609 = arith.constant 0 : i32
          %dma_wait3A_2610 = arith.constant 0 : i32
          %dma_wait3A_2611 = tpu.memref_slice %arg6[%run_scoped3A_2587, %dma_wait3A_2609, %dma_wait3A_2610] : memref<2x512x64xf32, #tpu.memory_space<vmem>> -> memref<1x512x64xf32, #tpu.memory_space<vmem>>
          %dma_wait3A_2612 = tpu.memref_squeeze %dma_wait3A_2611 : memref<1x512x64xf32, #tpu.memory_space<vmem>> -> memref<512x64xf32, #tpu.memory_space<vmem>>
          tpu.wait_dma2 semaphore(%run_scoped3A_2588 : memref<!tpu.dma_semaphore, #tpu.memory_space<semaphore_mem>>) src(%dma_wait3A_2612 : memref<512x64xf32, #tpu.memory_space<vmem>>) dst(%dma_wait3A_2608 : memref<512x64xf32, #tpu.memory_space<hbm>>)
          tpu.yield
        }) : () -> ()
      } else {
      }
      %add3A_2483 = arith.constant 1 : i32
      %add3A_2484 = arith.addi %add3A_1204, %add3A_2483 : i32
      %lt3A_2485 = arith.constant 128 : i32
      %lt3A_2486 = arith.cmpi slt, %add3A_2484, %lt3A_2485 : i32
      %convert_element_type3A_2487 = arith.extui %lt3A_2486 : i1 to i32
      %cond3A_2488 = arith.constant 0 : i32
      %cond3A_2489 = arith.cmpi ne, %convert_element_type3A_2487, %cond3A_2488 : i32
      scf.if %cond3A_2489 {
        %mul3A_2584 = arith.constant 4 : i32
        %mul3A_2585 = arith.muli %add3A_2484, %mul3A_2584 : i32
        %add3A_2586 = arith.addi %mul3A_2, %mul3A_2585 : i32
        %run_scoped3A_2587 = arith.constant 0 : i32
        "tpu.region"() ({
          %run_scoped3A_3772 = tpu.sem_alloc : memref<!tpu.dma_semaphore, #tpu.memory_space<semaphore_mem>>
          %dma_start3A_3773 = arith.constant 0 : i32
          %dma_start3A_3774 = arith.constant 0 : i32
          %dma_start3A_3775 = tpu.memref_slice %arg5[%run_scoped3A_2587, %dma_start3A_3773, %dma_start3A_3774] : memref<2x4x128xi32, #tpu.memory_space<vmem>> -> memref<1x4x128xi32, #tpu.memory_space<vmem>>
          %dma_start3A_3776 = tpu.memref_squeeze %dma_start3A_3775 : memref<1x4x128xi32, #tpu.memory_space<vmem>> -> memref<4x128xi32, #tpu.memory_space<vmem>>
          %dma_start3A_3777 = arith.constant 0 : i32
          %dma_start3A_3778 = tpu.memref_slice %arg2[%add3A_2586, %dma_start3A_3777] : memref<16384x128xi32, #tpu.memory_space<hbm>> -> memref<4x128xi32, #tpu.memory_space<hbm>>
          %dma_start3A_3779 = arith.constant 0 : i32
          %dma_start3A_3780 = arith.constant 0 : i32
          %dma_start3A_3781 = tpu.memref_slice %arg5[%run_scoped3A_2587, %dma_start3A_3779, %dma_start3A_3780] : memref<2x4x128xi32, #tpu.memory_space<vmem>> -> memref<1x4x128xi32, #tpu.memory_space<vmem>>
          %dma_start3A_3782 = tpu.memref_squeeze %dma_start3A_3781 : memref<1x4x128xi32, #tpu.memory_space<vmem>> -> memref<4x128xi32, #tpu.memory_space<vmem>>
          %dma_start3A_3783 = arith.constant 0 : i32
          %dma_start3A_3784 = tpu.memref_slice %arg2[%add3A_2586, %dma_start3A_3783] : memref<16384x128xi32, #tpu.memory_space<hbm>> -> memref<4x128xi32, #tpu.memory_space<hbm>>
          tpu.enqueue_dma source(%dma_start3A_3784 : memref<4x128xi32, #tpu.memory_space<hbm>>) target(%dma_start3A_3782 : memref<4x128xi32, #tpu.memory_space<vmem>>) target_semaphore(%run_scoped3A_3772 : memref<!tpu.dma_semaphore, #tpu.memory_space<semaphore_mem>>)
          %dma_wait3A_3785 = arith.constant 0 : i32
          %dma_wait3A_3786 = arith.constant 0 : i32
          %dma_wait3A_3787 = tpu.memref_slice %arg5[%run_scoped3A_2587, %dma_wait3A_3785, %dma_wait3A_3786] : memref<2x4x128xi32, #tpu.memory_space<vmem>> -> memref<1x4x128xi32, #tpu.memory_space<vmem>>
          %dma_wait3A_3788 = tpu.memref_squeeze %dma_wait3A_3787 : memref<1x4x128xi32, #tpu.memory_space<vmem>> -> memref<4x128xi32, #tpu.memory_space<vmem>>
          %dma_wait3A_3789 = arith.constant 0 : i32
          %dma_wait3A_3790 = tpu.memref_slice %arg2[%add3A_2586, %dma_wait3A_3789] : memref<16384x128xi32, #tpu.memory_space<hbm>> -> memref<4x128xi32, #tpu.memory_space<hbm>>
          %dma_wait3A_3791 = arith.constant 0 : i32
          %dma_wait3A_3792 = arith.constant 0 : i32
          %dma_wait3A_3793 = tpu.memref_slice %arg5[%run_scoped3A_2587, %dma_wait3A_3791, %dma_wait3A_3792] : memref<2x4x128xi32, #tpu.memory_space<vmem>> -> memref<1x4x128xi32, #tpu.memory_space<vmem>>
          %dma_wait3A_3794 = tpu.memref_squeeze %dma_wait3A_3793 : memref<1x4x128xi32, #tpu.memory_space<vmem>> -> memref<4x128xi32, #tpu.memory_space<vmem>>
          %dma_wait3A_3795 = arith.constant 0 : i32
          %dma_wait3A_3796 = tpu.memref_slice %arg2[%add3A_2586, %dma_wait3A_3795] : memref<16384x128xi32, #tpu.memory_space<hbm>> -> memref<4x128xi32, #tpu.memory_space<hbm>>
          tpu.wait_dma2 semaphore(%run_scoped3A_3772 : memref<!tpu.dma_semaphore, #tpu.memory_space<semaphore_mem>>) src(%dma_wait3A_3796 : memref<4x128xi32, #tpu.memory_space<hbm>>) dst(%dma_wait3A_3794 : memref<4x128xi32, #tpu.memory_space<vmem>>)
          tpu.yield
        }) : () -> ()
        %get3A_2588 = arith.constant 0 : i32
        %get3A_2589 = arith.constant 0 : i32
        %get3A_2590 = arith.index_cast %get3A_2588 : i32 to index
        %get3A_2591 = arith.index_cast %get3A_2589 : i32 to index
        %get3A_2592 = arith.constant 0 : index
        %get3A_2593 = tpu.vector_load %arg5[%get3A_2590, %get3A_2591, %get3A_2592] {strides = array<i32>} : memref<2x4x128xi32, #tpu.memory_space<vmem>>, vector<1x1x16xi32>,
        %get3A_2594 = vector.shape_cast %get3A_2593 : vector<1x1x16xi32> to vector<16xi32>
        %shift_right_arithmetic3A_2595 = arith.constant 11 : i32
        %shift_right_arithmetic3A_2596 = vector.broadcast %shift_right_arithmetic3A_2595 : i32 to vector<16xi32>
        %shift_right_arithmetic3A_2597 = arith.shrsi %get3A_2594, %shift_right_arithmetic3A_2596 : vector<16xi32>
        %shift_left3A_2598 = arith.constant 11 : i32
        %shift_left3A_2599 = vector.broadcast %shift_left3A_2598 : i32 to vector<16xi32>
        %shift_left3A_2600 = arith.shli %shift_right_arithmetic3A_2597, %shift_left3A_2599 : vector<16xi32>
        %and3A_2601 = arith.constant 1023 : i32
        %and3A_2602 = vector.broadcast %and3A_2601 : i32 to vector<16xi32>
        %and3A_2603 = arith.andi %get3A_2594, %and3A_2602 : vector<16xi32>
        %shift_left3A_2604 = arith.constant 1 : i32
        %shift_left3A_2605 = vector.broadcast %shift_left3A_2604 : i32 to vector<16xi32>
        %shift_left3A_2606 = arith.shli %and3A_2603, %shift_left3A_2605 : vector<16xi32>
        %add3A_2607 = arith.addi %shift_left3A_2600, %shift_left3A_2606 : vector<16xi32>
        %shift_right_arithmetic3A_2608 = arith.constant 10 : i32
        %shift_right_arithmetic3A_2609 = vector.broadcast %shift_right_arithmetic3A_2608 : i32 to vector<16xi32>
        %shift_right_arithmetic3A_2610 = arith.shrsi %get3A_2594, %shift_right_arithmetic3A_2609 : vector<16xi32>
        %and3A_2611 = arith.constant 1 : i32
        %and3A_2612 = vector.broadcast %and3A_2611 : i32 to vector<16xi32>
        %and3A_2613 = arith.andi %shift_right_arithmetic3A_2610, %and3A_2612 : vector<16xi32>
        %add3A_2614 = arith.addi %add3A_2607, %and3A_2613 : vector<16xi32>
        %swap3A_2615 = arith.constant 0 : i32
        %swap3A_2616 = arith.constant 0 : i32
        %swap3A_2617 = arith.index_cast %swap3A_2615 : i32 to index
        %swap3A_2618 = arith.index_cast %swap3A_2616 : i32 to index
        %swap3A_2619 = arith.constant 0 : index
        %swap3A_2620 = tpu.vector_load %arg5[%swap3A_2617, %swap3A_2618, %swap3A_2619] {strides = array<i32>} : memref<2x4x128xi32, #tpu.memory_space<vmem>>, vector<1x1x16xi32>,
        %swap3A_2621 = vector.shape_cast %swap3A_2620 : vector<1x1x16xi32> to vector<16xi32>
        %swap3A_2622 = vector.shape_cast %add3A_2614 : vector<16xi32> to vector<1x1x16xi32>
        tpu.vector_store %arg5[%swap3A_2617, %swap3A_2618, %swap3A_2619], %swap3A_2622 {strides = array<i32>} : memref<2x4x128xi32, #tpu.memory_space<vmem>>, vector<1x1x16xi32>,
        %get3A_2623 = arith.constant 0 : i32
        %get3A_2624 = arith.constant 0 : i32
        %get3A_2625 = arith.index_cast %get3A_2623 : i32 to index
        %get3A_2626 = arith.index_cast %get3A_2624 : i32 to index
        %get3A_2627 = arith.constant 16 : index
        %get3A_2628 = tpu.vector_load %arg5[%get3A_2625, %get3A_2626, %get3A_2627] {strides = array<i32>} : memref<2x4x128xi32, #tpu.memory_space<vmem>>, vector<1x1x16xi32>,
        %get3A_2629 = vector.shape_cast %get3A_2628 : vector<1x1x16xi32> to vector<16xi32>
        %shift_right_arithmetic3A_2630 = arith.constant 11 : i32
        %shift_right_arithmetic3A_2631 = vector.broadcast %shift_right_arithmetic3A_2630 : i32 to vector<16xi32>
        %shift_right_arithmetic3A_2632 = arith.shrsi %get3A_2629, %shift_right_arithmetic3A_2631 : vector<16xi32>
        %shift_left3A_2633 = arith.constant 11 : i32
        %shift_left3A_2634 = vector.broadcast %shift_left3A_2633 : i32 to vector<16xi32>
        %shift_left3A_2635 = arith.shli %shift_right_arithmetic3A_2632, %shift_left3A_2634 : vector<16xi32>
        %and3A_2636 = arith.constant 1023 : i32
        %and3A_2637 = vector.broadcast %and3A_2636 : i32 to vector<16xi32>
        %and3A_2638 = arith.andi %get3A_2629, %and3A_2637 : vector<16xi32>
        %shift_left3A_2639 = arith.constant 1 : i32
        %shift_left3A_2640 = vector.broadcast %shift_left3A_2639 : i32 to vector<16xi32>
        %shift_left3A_2641 = arith.shli %and3A_2638, %shift_left3A_2640 : vector<16xi32>
        %add3A_2642 = arith.addi %shift_left3A_2635, %shift_left3A_2641 : vector<16xi32>
        %shift_right_arithmetic3A_2643 = arith.constant 10 : i32
        %shift_right_arithmetic3A_2644 = vector.broadcast %shift_right_arithmetic3A_2643 : i32 to vector<16xi32>
        %shift_right_arithmetic3A_2645 = arith.shrsi %get3A_2629, %shift_right_arithmetic3A_2644 : vector<16xi32>
        %and3A_2646 = arith.constant 1 : i32
        %and3A_2647 = vector.broadcast %and3A_2646 : i32 to vector<16xi32>
        %and3A_2648 = arith.andi %shift_right_arithmetic3A_2645, %and3A_2647 : vector<16xi32>
        %add3A_2649 = arith.addi %add3A_2642, %and3A_2648 : vector<16xi32>
        %swap3A_2650 = arith.constant 0 : i32
        %swap3A_2651 = arith.constant 0 : i32
        %swap3A_2652 = arith.index_cast %swap3A_2650 : i32 to index
        %swap3A_2653 = arith.index_cast %swap3A_2651 : i32 to index
        %swap3A_2654 = arith.constant 16 : index
        %swap3A_2655 = tpu.vector_load %arg5[%swap3A_2652, %swap3A_2653, %swap3A_2654] {strides = array<i32>} : memref<2x4x128xi32, #tpu.memory_space<vmem>>, vector<1x1x16xi32>,
        %swap3A_2656 = vector.shape_cast %swap3A_2655 : vector<1x1x16xi32> to vector<16xi32>
        %swap3A_2657 = vector.shape_cast %add3A_2649 : vector<16xi32> to vector<1x1x16xi32>
        tpu.vector_store %arg5[%swap3A_2652, %swap3A_2653, %swap3A_2654], %swap3A_2657 {strides = array<i32>} : memref<2x4x128xi32, #tpu.memory_space<vmem>>, vector<1x1x16xi32>,
        %get3A_2658 = arith.constant 0 : i32
        %get3A_2659 = arith.constant 0 : i32
        %get3A_2660 = arith.index_cast %get3A_2658 : i32 to index
        %get3A_2661 = arith.index_cast %get3A_2659 : i32 to index
        %get3A_2662 = arith.constant 32 : index
        %get3A_2663 = tpu.vector_load %arg5[%get3A_2660, %get3A_2661, %get3A_2662] {strides = array<i32>} : memref<2x4x128xi32, #tpu.memory_space<vmem>>, vector<1x1x16xi32>,
        %get3A_2664 = vector.shape_cast %get3A_2663 : vector<1x1x16xi32> to vector<16xi32>
        %shift_right_arithmetic3A_2665 = arith.constant 11 : i32
        %shift_right_arithmetic3A_2666 = vector.broadcast %shift_right_arithmetic3A_2665 : i32 to vector<16xi32>
        %shift_right_arithmetic3A_2667 = arith.shrsi %get3A_2664, %shift_right_arithmetic3A_2666 : vector<16xi32>
        %shift_left3A_2668 = arith.constant 11 : i32
        %shift_left3A_2669 = vector.broadcast %shift_left3A_2668 : i32 to vector<16xi32>
        %shift_left3A_2670 = arith.shli %shift_right_arithmetic3A_2667, %shift_left3A_2669 : vector<16xi32>
        %and3A_2671 = arith.constant 1023 : i32
        %and3A_2672 = vector.broadcast %and3A_2671 : i32 to vector<16xi32>
        %and3A_2673 = arith.andi %get3A_2664, %and3A_2672 : vector<16xi32>
        %shift_left3A_2674 = arith.constant 1 : i32
        %shift_left3A_2675 = vector.broadcast %shift_left3A_2674 : i32 to vector<16xi32>
        %shift_left3A_2676 = arith.shli %and3A_2673, %shift_left3A_2675 : vector<16xi32>
        %add3A_2677 = arith.addi %shift_left3A_2670, %shift_left3A_2676 : vector<16xi32>
        %shift_right_arithmetic3A_2678 = arith.constant 10 : i32
        %shift_right_arithmetic3A_2679 = vector.broadcast %shift_right_arithmetic3A_2678 : i32 to vector<16xi32>
        %shift_right_arithmetic3A_2680 = arith.shrsi %get3A_2664, %shift_right_arithmetic3A_2679 : vector<16xi32>
        %and3A_2681 = arith.constant 1 : i32
        %and3A_2682 = vector.broadcast %and3A_2681 : i32 to vector<16xi32>
        %and3A_2683 = arith.andi %shift_right_arithmetic3A_2680, %and3A_2682 : vector<16xi32>
        %add3A_2684 = arith.addi %add3A_2677, %and3A_2683 : vector<16xi32>
        %swap3A_2685 = arith.constant 0 : i32
        %swap3A_2686 = arith.constant 0 : i32
        %swap3A_2687 = arith.index_cast %swap3A_2685 : i32 to index
        %swap3A_2688 = arith.index_cast %swap3A_2686 : i32 to index
        %swap3A_2689 = arith.constant 32 : index
        %swap3A_2690 = tpu.vector_load %arg5[%swap3A_2687, %swap3A_2688, %swap3A_2689] {strides = array<i32>} : memref<2x4x128xi32, #tpu.memory_space<vmem>>, vector<1x1x16xi32>,
        %swap3A_2691 = vector.shape_cast %swap3A_2690 : vector<1x1x16xi32> to vector<16xi32>
        %swap3A_2692 = vector.shape_cast %add3A_2684 : vector<16xi32> to vector<1x1x16xi32>
        tpu.vector_store %arg5[%swap3A_2687, %swap3A_2688, %swap3A_2689], %swap3A_2692 {strides = array<i32>} : memref<2x4x128xi32, #tpu.memory_space<vmem>>, vector<1x1x16xi32>,
        %get3A_2693 = arith.constant 0 : i32
        %get3A_2694 = arith.constant 0 : i32
        %get3A_2695 = arith.index_cast %get3A_2693 : i32 to index
        %get3A_2696 = arith.index_cast %get3A_2694 : i32 to index
        %get3A_2697 = arith.constant 48 : index
        %get3A_2698 = tpu.vector_load %arg5[%get3A_2695, %get3A_2696, %get3A_2697] {strides = array<i32>} : memref<2x4x128xi32, #tpu.memory_space<vmem>>, vector<1x1x16xi32>,
        %get3A_2699 = vector.shape_cast %get3A_2698 : vector<1x1x16xi32> to vector<16xi32>
        %shift_right_arithmetic3A_2700 = arith.constant 11 : i32
        %shift_right_arithmetic3A_2701 = vector.broadcast %shift_right_arithmetic3A_2700 : i32 to vector<16xi32>
        %shift_right_arithmetic3A_2702 = arith.shrsi %get3A_2699, %shift_right_arithmetic3A_2701 : vector<16xi32>
        %shift_left3A_2703 = arith.constant 11 : i32
        %shift_left3A_2704 = vector.broadcast %shift_left3A_2703 : i32 to vector<16xi32>
        %shift_left3A_2705 = arith.shli %shift_right_arithmetic3A_2702, %shift_left3A_2704 : vector<16xi32>
        %and3A_2706 = arith.constant 1023 : i32
        %and3A_2707 = vector.broadcast %and3A_2706 : i32 to vector<16xi32>
        %and3A_2708 = arith.andi %get3A_2699, %and3A_2707 : vector<16xi32>
        %shift_left3A_2709 = arith.constant 1 : i32
        %shift_left3A_2710 = vector.broadcast %shift_left3A_2709 : i32 to vector<16xi32>
        %shift_left3A_2711 = arith.shli %and3A_2708, %shift_left3A_2710 : vector<16xi32>
        %add3A_2712 = arith.addi %shift_left3A_2705, %shift_left3A_2711 : vector<16xi32>
        %shift_right_arithmetic3A_2713 = arith.constant 10 : i32
        %shift_right_arithmetic3A_2714 = vector.broadcast %shift_right_arithmetic3A_2713 : i32 to vector<16xi32>
        %shift_right_arithmetic3A_2715 = arith.shrsi %get3A_2699, %shift_right_arithmetic3A_2714 : vector<16xi32>
        %and3A_2716 = arith.constant 1 : i32
        %and3A_2717 = vector.broadcast %and3A_2716 : i32 to vector<16xi32>
        %and3A_2718 = arith.andi %shift_right_arithmetic3A_2715, %and3A_2717 : vector<16xi32>
        %add3A_2719 = arith.addi %add3A_2712, %and3A_2718 : vector<16xi32>
        %swap3A_2720 = arith.constant 0 : i32
        %swap3A_2721 = arith.constant 0 : i32
        %swap3A_2722 = arith.index_cast %swap3A_2720 : i32 to index
        %swap3A_2723 = arith.index_cast %swap3A_2721 : i32 to index
        %swap3A_2724 = arith.constant 48 : index
        %swap3A_2725 = tpu.vector_load %arg5[%swap3A_2722, %swap3A_2723, %swap3A_2724] {strides = array<i32>} : memref<2x4x128xi32, #tpu.memory_space<vmem>>, vector<1x1x16xi32>,
        %swap3A_2726 = vector.shape_cast %swap3A_2725 : vector<1x1x16xi32> to vector<16xi32>
        %swap3A_2727 = vector.shape_cast %add3A_2719 : vector<16xi32> to vector<1x1x16xi32>
        tpu.vector_store %arg5[%swap3A_2722, %swap3A_2723, %swap3A_2724], %swap3A_2727 {strides = array<i32>} : memref<2x4x128xi32, #tpu.memory_space<vmem>>, vector<1x1x16xi32>,
        %get3A_2728 = arith.constant 0 : i32
        %get3A_2729 = arith.constant 0 : i32
        %get3A_2730 = arith.index_cast %get3A_2728 : i32 to index
        %get3A_2731 = arith.index_cast %get3A_2729 : i32 to index
        %get3A_2732 = arith.constant 64 : index
        %get3A_2733 = tpu.vector_load %arg5[%get3A_2730, %get3A_2731, %get3A_2732] {strides = array<i32>} : memref<2x4x128xi32, #tpu.memory_space<vmem>>, vector<1x1x16xi32>,
        %get3A_2734 = vector.shape_cast %get3A_2733 : vector<1x1x16xi32> to vector<16xi32>
        %shift_right_arithmetic3A_2735 = arith.constant 11 : i32
        %shift_right_arithmetic3A_2736 = vector.broadcast %shift_right_arithmetic3A_2735 : i32 to vector<16xi32>
        %shift_right_arithmetic3A_2737 = arith.shrsi %get3A_2734, %shift_right_arithmetic3A_2736 : vector<16xi32>
        %shift_left3A_2738 = arith.constant 11 : i32
        %shift_left3A_2739 = vector.broadcast %shift_left3A_2738 : i32 to vector<16xi32>
        %shift_left3A_2740 = arith.shli %shift_right_arithmetic3A_2737, %shift_left3A_2739 : vector<16xi32>
        %and3A_2741 = arith.constant 1023 : i32
        %and3A_2742 = vector.broadcast %and3A_2741 : i32 to vector<16xi32>
        %and3A_2743 = arith.andi %get3A_2734, %and3A_2742 : vector<16xi32>
        %shift_left3A_2744 = arith.constant 1 : i32
        %shift_left3A_2745 = vector.broadcast %shift_left3A_2744 : i32 to vector<16xi32>
        %shift_left3A_2746 = arith.shli %and3A_2743, %shift_left3A_2745 : vector<16xi32>
        %add3A_2747 = arith.addi %shift_left3A_2740, %shift_left3A_2746 : vector<16xi32>
        %shift_right_arithmetic3A_2748 = arith.constant 10 : i32
        %shift_right_arithmetic3A_2749 = vector.broadcast %shift_right_arithmetic3A_2748 : i32 to vector<16xi32>
        %shift_right_arithmetic3A_2750 = arith.shrsi %get3A_2734, %shift_right_arithmetic3A_2749 : vector<16xi32>
        %and3A_2751 = arith.constant 1 : i32
        %and3A_2752 = vector.broadcast %and3A_2751 : i32 to vector<16xi32>
        %and3A_2753 = arith.andi %shift_right_arithmetic3A_2750, %and3A_2752 : vector<16xi32>
        %add3A_2754 = arith.addi %add3A_2747, %and3A_2753 : vector<16xi32>
        %swap3A_2755 = arith.constant 0 : i32
        %swap3A_2756 = arith.constant 0 : i32
        %swap3A_2757 = arith.index_cast %swap3A_2755 : i32 to index
        %swap3A_2758 = arith.index_cast %swap3A_2756 : i32 to index
        %swap3A_2759 = arith.constant 64 : index
        %swap3A_2760 = tpu.vector_load %arg5[%swap3A_2757, %swap3A_2758, %swap3A_2759] {strides = array<i32>} : memref<2x4x128xi32, #tpu.memory_space<vmem>>, vector<1x1x16xi32>,
        %swap3A_2761 = vector.shape_cast %swap3A_2760 : vector<1x1x16xi32> to vector<16xi32>
        %swap3A_2762 = vector.shape_cast %add3A_2754 : vector<16xi32> to vector<1x1x16xi32>
        tpu.vector_store %arg5[%swap3A_2757, %swap3A_2758, %swap3A_2759], %swap3A_2762 {strides = array<i32>} : memref<2x4x128xi32, #tpu.memory_space<vmem>>, vector<1x1x16xi32>,
        %get3A_2763 = arith.constant 0 : i32
        %get3A_2764 = arith.constant 0 : i32
        %get3A_2765 = arith.index_cast %get3A_2763 : i32 to index
        %get3A_2766 = arith.index_cast %get3A_2764 : i32 to index
        %get3A_2767 = arith.constant 80 : index
        %get3A_2768 = tpu.vector_load %arg5[%get3A_2765, %get3A_2766, %get3A_2767] {strides = array<i32>} : memref<2x4x128xi32, #tpu.memory_space<vmem>>, vector<1x1x16xi32>,
        %get3A_2769 = vector.shape_cast %get3A_2768 : vector<1x1x16xi32> to vector<16xi32>
        %shift_right_arithmetic3A_2770 = arith.constant 11 : i32
        %shift_right_arithmetic3A_2771 = vector.broadcast %shift_right_arithmetic3A_2770 : i32 to vector<16xi32>
        %shift_right_arithmetic3A_2772 = arith.shrsi %get3A_2769, %shift_right_arithmetic3A_2771 : vector<16xi32>
        %shift_left3A_2773 = arith.constant 11 : i32
        %shift_left3A_2774 = vector.broadcast %shift_left3A_2773 : i32 to vector<16xi32>
        %shift_left3A_2775 = arith.shli %shift_right_arithmetic3A_2772, %shift_left3A_2774 : vector<16xi32>
        %and3A_2776 = arith.constant 1023 : i32
        %and3A_2777 = vector.broadcast %and3A_2776 : i32 to vector<16xi32>
        %and3A_2778 = arith.andi %get3A_2769, %and3A_2777 : vector<16xi32>
        %shift_left3A_2779 = arith.constant 1 : i32
        %shift_left3A_2780 = vector.broadcast %shift_left3A_2779 : i32 to vector<16xi32>
        %shift_left3A_2781 = arith.shli %and3A_2778, %shift_left3A_2780 : vector<16xi32>
        %add3A_2782 = arith.addi %shift_left3A_2775, %shift_left3A_2781 : vector<16xi32>
        %shift_right_arithmetic3A_2783 = arith.constant 10 : i32
        %shift_right_arithmetic3A_2784 = vector.broadcast %shift_right_arithmetic3A_2783 : i32 to vector<16xi32>
        %shift_right_arithmetic3A_2785 = arith.shrsi %get3A_2769, %shift_right_arithmetic3A_2784 : vector<16xi32>
        %and3A_2786 = arith.constant 1 : i32
        %and3A_2787 = vector.broadcast %and3A_2786 : i32 to vector<16xi32>
        %and3A_2788 = arith.andi %shift_right_arithmetic3A_2785, %and3A_2787 : vector<16xi32>
        %add3A_2789 = arith.addi %add3A_2782, %and3A_2788 : vector<16xi32>
        %swap3A_2790 = arith.constant 0 : i32
        %swap3A_2791 = arith.constant 0 : i32
        %swap3A_2792 = arith.index_cast %swap3A_2790 : i32 to index
        %swap3A_2793 = arith.index_cast %swap3A_2791 : i32 to index
        %swap3A_2794 = arith.constant 80 : index
        %swap3A_2795 = tpu.vector_load %arg5[%swap3A_2792, %swap3A_2793, %swap3A_2794] {strides = array<i32>} : memref<2x4x128xi32, #tpu.memory_space<vmem>>, vector<1x1x16xi32>,
        %swap3A_2796 = vector.shape_cast %swap3A_2795 : vector<1x1x16xi32> to vector<16xi32>
        %swap3A_2797 = vector.shape_cast %add3A_2789 : vector<16xi32> to vector<1x1x16xi32>
        tpu.vector_store %arg5[%swap3A_2792, %swap3A_2793, %swap3A_2794], %swap3A_2797 {strides = array<i32>} : memref<2x4x128xi32, #tpu.memory_space<vmem>>, vector<1x1x16xi32>,
        %get3A_2798 = arith.constant 0 : i32
        %get3A_2799 = arith.constant 0 : i32
        %get3A_2800 = arith.index_cast %get3A_2798 : i32 to index
        %get3A_2801 = arith.index_cast %get3A_2799 : i32 to index
        %get3A_2802 = arith.constant 96 : index
        %get3A_2803 = tpu.vector_load %arg5[%get3A_2800, %get3A_2801, %get3A_2802] {strides = array<i32>} : memref<2x4x128xi32, #tpu.memory_space<vmem>>, vector<1x1x16xi32>,
        %get3A_2804 = vector.shape_cast %get3A_2803 : vector<1x1x16xi32> to vector<16xi32>
        %shift_right_arithmetic3A_2805 = arith.constant 11 : i32
        %shift_right_arithmetic3A_2806 = vector.broadcast %shift_right_arithmetic3A_2805 : i32 to vector<16xi32>
        %shift_right_arithmetic3A_2807 = arith.shrsi %get3A_2804, %shift_right_arithmetic3A_2806 : vector<16xi32>
        %shift_left3A_2808 = arith.constant 11 : i32
        %shift_left3A_2809 = vector.broadcast %shift_left3A_2808 : i32 to vector<16xi32>
        %shift_left3A_2810 = arith.shli %shift_right_arithmetic3A_2807, %shift_left3A_2809 : vector<16xi32>
        %and3A_2811 = arith.constant 1023 : i32
        %and3A_2812 = vector.broadcast %and3A_2811 : i32 to vector<16xi32>
        %and3A_2813 = arith.andi %get3A_2804, %and3A_2812 : vector<16xi32>
        %shift_left3A_2814 = arith.constant 1 : i32
        %shift_left3A_2815 = vector.broadcast %shift_left3A_2814 : i32 to vector<16xi32>
        %shift_left3A_2816 = arith.shli %and3A_2813, %shift_left3A_2815 : vector<16xi32>
        %add3A_2817 = arith.addi %shift_left3A_2810, %shift_left3A_2816 : vector<16xi32>
        %shift_right_arithmetic3A_2818 = arith.constant 10 : i32
        %shift_right_arithmetic3A_2819 = vector.broadcast %shift_right_arithmetic3A_2818 : i32 to vector<16xi32>
        %shift_right_arithmetic3A_2820 = arith.shrsi %get3A_2804, %shift_right_arithmetic3A_2819 : vector<16xi32>
        %and3A_2821 = arith.constant 1 : i32
        %and3A_2822 = vector.broadcast %and3A_2821 : i32 to vector<16xi32>
        %and3A_2823 = arith.andi %shift_right_arithmetic3A_2820, %and3A_2822 : vector<16xi32>
        %add3A_2824 = arith.addi %add3A_2817, %and3A_2823 : vector<16xi32>
        %swap3A_2825 = arith.constant 0 : i32
        %swap3A_2826 = arith.constant 0 : i32
        %swap3A_2827 = arith.index_cast %swap3A_2825 : i32 to index
        %swap3A_2828 = arith.index_cast %swap3A_2826 : i32 to index
        %swap3A_2829 = arith.constant 96 : index
        %swap3A_2830 = tpu.vector_load %arg5[%swap3A_2827, %swap3A_2828, %swap3A_2829] {strides = array<i32>} : memref<2x4x128xi32, #tpu.memory_space<vmem>>, vector<1x1x16xi32>,
        %swap3A_2831 = vector.shape_cast %swap3A_2830 : vector<1x1x16xi32> to vector<16xi32>
        %swap3A_2832 = vector.shape_cast %add3A_2824 : vector<16xi32> to vector<1x1x16xi32>
        tpu.vector_store %arg5[%swap3A_2827, %swap3A_2828, %swap3A_2829], %swap3A_2832 {strides = array<i32>} : memref<2x4x128xi32, #tpu.memory_space<vmem>>, vector<1x1x16xi32>,
        %get3A_2833 = arith.constant 0 : i32
        %get3A_2834 = arith.constant 0 : i32
        %get3A_2835 = arith.index_cast %get3A_2833 : i32 to index
        %get3A_2836 = arith.index_cast %get3A_2834 : i32 to index
        %get3A_2837 = arith.constant 112 : index
        %get3A_2838 = tpu.vector_load %arg5[%get3A_2835, %get3A_2836, %get3A_2837] {strides = array<i32>} : memref<2x4x128xi32, #tpu.memory_space<vmem>>, vector<1x1x16xi32>,
        %get3A_2839 = vector.shape_cast %get3A_2838 : vector<1x1x16xi32> to vector<16xi32>
        %shift_right_arithmetic3A_2840 = arith.constant 11 : i32
        %shift_right_arithmetic3A_2841 = vector.broadcast %shift_right_arithmetic3A_2840 : i32 to vector<16xi32>
        %shift_right_arithmetic3A_2842 = arith.shrsi %get3A_2839, %shift_right_arithmetic3A_2841 : vector<16xi32>
        %shift_left3A_2843 = arith.constant 11 : i32
        %shift_left3A_2844 = vector.broadcast %shift_left3A_2843 : i32 to vector<16xi32>
        %shift_left3A_2845 = arith.shli %shift_right_arithmetic3A_2842, %shift_left3A_2844 : vector<16xi32>
        %and3A_2846 = arith.constant 1023 : i32
        %and3A_2847 = vector.broadcast %and3A_2846 : i32 to vector<16xi32>
        %and3A_2848 = arith.andi %get3A_2839, %and3A_2847 : vector<16xi32>
        %shift_left3A_2849 = arith.constant 1 : i32
        %shift_left3A_2850 = vector.broadcast %shift_left3A_2849 : i32 to vector<16xi32>
        %shift_left3A_2851 = arith.shli %and3A_2848, %shift_left3A_2850 : vector<16xi32>
        %add3A_2852 = arith.addi %shift_left3A_2845, %shift_left3A_2851 : vector<16xi32>
        %shift_right_arithmetic3A_2853 = arith.constant 10 : i32
        %shift_right_arithmetic3A_2854 = vector.broadcast %shift_right_arithmetic3A_2853 : i32 to vector<16xi32>
        %shift_right_arithmetic3A_2855 = arith.shrsi %get3A_2839, %shift_right_arithmetic3A_2854 : vector<16xi32>
        %and3A_2856 = arith.constant 1 : i32
        %and3A_2857 = vector.broadcast %and3A_2856 : i32 to vector<16xi32>
        %and3A_2858 = arith.andi %shift_right_arithmetic3A_2855, %and3A_2857 : vector<16xi32>
        %add3A_2859 = arith.addi %add3A_2852, %and3A_2858 : vector<16xi32>
        %swap3A_2860 = arith.constant 0 : i32
        %swap3A_2861 = arith.constant 0 : i32
        %swap3A_2862 = arith.index_cast %swap3A_2860 : i32 to index
        %swap3A_2863 = arith.index_cast %swap3A_2861 : i32 to index
        %swap3A_2864 = arith.constant 112 : index
        %swap3A_2865 = tpu.vector_load %arg5[%swap3A_2862, %swap3A_2863, %swap3A_2864] {strides = array<i32>} : memref<2x4x128xi32, #tpu.memory_space<vmem>>, vector<1x1x16xi32>,
        %swap3A_2866 = vector.shape_cast %swap3A_2865 : vector<1x1x16xi32> to vector<16xi32>
        %swap3A_2867 = vector.shape_cast %add3A_2859 : vector<16xi32> to vector<1x1x16xi32>
        tpu.vector_store %arg5[%swap3A_2862, %swap3A_2863, %swap3A_2864], %swap3A_2867 {strides = array<i32>} : memref<2x4x128xi32, #tpu.memory_space<vmem>>, vector<1x1x16xi32>,
        %get3A_2868 = arith.constant 0 : i32
        %get3A_2869 = arith.constant 1 : i32
        %get3A_2870 = arith.index_cast %get3A_2868 : i32 to index
        %get3A_2871 = arith.index_cast %get3A_2869 : i32 to index
        %get3A_2872 = arith.constant 0 : index
        %get3A_2873 = tpu.vector_load %arg5[%get3A_2870, %get3A_2871, %get3A_2872] {strides = array<i32>} : memref<2x4x128xi32, #tpu.memory_space<vmem>>, vector<1x1x16xi32>,
        %get3A_2874 = vector.shape_cast %get3A_2873 : vector<1x1x16xi32> to vector<16xi32>
        %shift_right_arithmetic3A_2875 = arith.constant 11 : i32
        %shift_right_arithmetic3A_2876 = vector.broadcast %shift_right_arithmetic3A_2875 : i32 to vector<16xi32>
        %shift_right_arithmetic3A_2877 = arith.shrsi %get3A_2874, %shift_right_arithmetic3A_2876 : vector<16xi32>
        %shift_left3A_2878 = arith.constant 11 : i32
        %shift_left3A_2879 = vector.broadcast %shift_left3A_2878 : i32 to vector<16xi32>
        %shift_left3A_2880 = arith.shli %shift_right_arithmetic3A_2877, %shift_left3A_2879 : vector<16xi32>
        %and3A_2881 = arith.constant 1023 : i32
        %and3A_2882 = vector.broadcast %and3A_2881 : i32 to vector<16xi32>
        %and3A_2883 = arith.andi %get3A_2874, %and3A_2882 : vector<16xi32>
        %shift_left3A_2884 = arith.constant 1 : i32
        %shift_left3A_2885 = vector.broadcast %shift_left3A_2884 : i32 to vector<16xi32>
        %shift_left3A_2886 = arith.shli %and3A_2883, %shift_left3A_2885 : vector<16xi32>
        %add3A_2887 = arith.addi %shift_left3A_2880, %shift_left3A_2886 : vector<16xi32>
        %shift_right_arithmetic3A_2888 = arith.constant 10 : i32
        %shift_right_arithmetic3A_2889 = vector.broadcast %shift_right_arithmetic3A_2888 : i32 to vector<16xi32>
        %shift_right_arithmetic3A_2890 = arith.shrsi %get3A_2874, %shift_right_arithmetic3A_2889 : vector<16xi32>
        %and3A_2891 = arith.constant 1 : i32
        %and3A_2892 = vector.broadcast %and3A_2891 : i32 to vector<16xi32>
        %and3A_2893 = arith.andi %shift_right_arithmetic3A_2890, %and3A_2892 : vector<16xi32>
        %add3A_2894 = arith.addi %add3A_2887, %and3A_2893 : vector<16xi32>
        %swap3A_2895 = arith.constant 0 : i32
        %swap3A_2896 = arith.constant 1 : i32
        %swap3A_2897 = arith.index_cast %swap3A_2895 : i32 to index
        %swap3A_2898 = arith.index_cast %swap3A_2896 : i32 to index
        %swap3A_2899 = arith.constant 0 : index
        %swap3A_2900 = tpu.vector_load %arg5[%swap3A_2897, %swap3A_2898, %swap3A_2899] {strides = array<i32>} : memref<2x4x128xi32, #tpu.memory_space<vmem>>, vector<1x1x16xi32>,
        %swap3A_2901 = vector.shape_cast %swap3A_2900 : vector<1x1x16xi32> to vector<16xi32>
        %swap3A_2902 = vector.shape_cast %add3A_2894 : vector<16xi32> to vector<1x1x16xi32>
        tpu.vector_store %arg5[%swap3A_2897, %swap3A_2898, %swap3A_2899], %swap3A_2902 {strides = array<i32>} : memref<2x4x128xi32, #tpu.memory_space<vmem>>, vector<1x1x16xi32>,
        %get3A_2903 = arith.constant 0 : i32
        %get3A_2904 = arith.constant 1 : i32
        %get3A_2905 = arith.index_cast %get3A_2903 : i32 to index
        %get3A_2906 = arith.index_cast %get3A_2904 : i32 to index
        %get3A_2907 = arith.constant 16 : index
        %get3A_2908 = tpu.vector_load %arg5[%get3A_2905, %get3A_2906, %get3A_2907] {strides = array<i32>} : memref<2x4x128xi32, #tpu.memory_space<vmem>>, vector<1x1x16xi32>,
        %get3A_2909 = vector.shape_cast %get3A_2908 : vector<1x1x16xi32> to vector<16xi32>
        %shift_right_arithmetic3A_2910 = arith.constant 11 : i32
        %shift_right_arithmetic3A_2911 = vector.broadcast %shift_right_arithmetic3A_2910 : i32 to vector<16xi32>
        %shift_right_arithmetic3A_2912 = arith.shrsi %get3A_2909, %shift_right_arithmetic3A_2911 : vector<16xi32>
        %shift_left3A_2913 = arith.constant 11 : i32
        %shift_left3A_2914 = vector.broadcast %shift_left3A_2913 : i32 to vector<16xi32>
        %shift_left3A_2915 = arith.shli %shift_right_arithmetic3A_2912, %shift_left3A_2914 : vector<16xi32>
        %and3A_2916 = arith.constant 1023 : i32
        %and3A_2917 = vector.broadcast %and3A_2916 : i32 to vector<16xi32>
        %and3A_2918 = arith.andi %get3A_2909, %and3A_2917 : vector<16xi32>
        %shift_left3A_2919 = arith.constant 1 : i32
        %shift_left3A_2920 = vector.broadcast %shift_left3A_2919 : i32 to vector<16xi32>
        %shift_left3A_2921 = arith.shli %and3A_2918, %shift_left3A_2920 : vector<16xi32>
        %add3A_2922 = arith.addi %shift_left3A_2915, %shift_left3A_2921 : vector<16xi32>
        %shift_right_arithmetic3A_2923 = arith.constant 10 : i32
        %shift_right_arithmetic3A_2924 = vector.broadcast %shift_right_arithmetic3A_2923 : i32 to vector<16xi32>
        %shift_right_arithmetic3A_2925 = arith.shrsi %get3A_2909, %shift_right_arithmetic3A_2924 : vector<16xi32>
        %and3A_2926 = arith.constant 1 : i32
        %and3A_2927 = vector.broadcast %and3A_2926 : i32 to vector<16xi32>
        %and3A_2928 = arith.andi %shift_right_arithmetic3A_2925, %and3A_2927 : vector<16xi32>
        %add3A_2929 = arith.addi %add3A_2922, %and3A_2928 : vector<16xi32>
        %swap3A_2930 = arith.constant 0 : i32
        %swap3A_2931 = arith.constant 1 : i32
        %swap3A_2932 = arith.index_cast %swap3A_2930 : i32 to index
        %swap3A_2933 = arith.index_cast %swap3A_2931 : i32 to index
        %swap3A_2934 = arith.constant 16 : index
        %swap3A_2935 = tpu.vector_load %arg5[%swap3A_2932, %swap3A_2933, %swap3A_2934] {strides = array<i32>} : memref<2x4x128xi32, #tpu.memory_space<vmem>>, vector<1x1x16xi32>,
        %swap3A_2936 = vector.shape_cast %swap3A_2935 : vector<1x1x16xi32> to vector<16xi32>
        %swap3A_2937 = vector.shape_cast %add3A_2929 : vector<16xi32> to vector<1x1x16xi32>
        tpu.vector_store %arg5[%swap3A_2932, %swap3A_2933, %swap3A_2934], %swap3A_2937 {strides = array<i32>} : memref<2x4x128xi32, #tpu.memory_space<vmem>>, vector<1x1x16xi32>,
        %get3A_2938 = arith.constant 0 : i32
        %get3A_2939 = arith.constant 1 : i32
        %get3A_2940 = arith.index_cast %get3A_2938 : i32 to index
        %get3A_2941 = arith.index_cast %get3A_2939 : i32 to index
        %get3A_2942 = arith.constant 32 : index
        %get3A_2943 = tpu.vector_load %arg5[%get3A_2940, %get3A_2941, %get3A_2942] {strides = array<i32>} : memref<2x4x128xi32, #tpu.memory_space<vmem>>, vector<1x1x16xi32>,
        %get3A_2944 = vector.shape_cast %get3A_2943 : vector<1x1x16xi32> to vector<16xi32>
        %shift_right_arithmetic3A_2945 = arith.constant 11 : i32
        %shift_right_arithmetic3A_2946 = vector.broadcast %shift_right_arithmetic3A_2945 : i32 to vector<16xi32>
        %shift_right_arithmetic3A_2947 = arith.shrsi %get3A_2944, %shift_right_arithmetic3A_2946 : vector<16xi32>
        %shift_left3A_2948 = arith.constant 11 : i32
        %shift_left3A_2949 = vector.broadcast %shift_left3A_2948 : i32 to vector<16xi32>
        %shift_left3A_2950 = arith.shli %shift_right_arithmetic3A_2947, %shift_left3A_2949 : vector<16xi32>
        %and3A_2951 = arith.constant 1023 : i32
        %and3A_2952 = vector.broadcast %and3A_2951 : i32 to vector<16xi32>
        %and3A_2953 = arith.andi %get3A_2944, %and3A_2952 : vector<16xi32>
        %shift_left3A_2954 = arith.constant 1 : i32
        %shift_left3A_2955 = vector.broadcast %shift_left3A_2954 : i32 to vector<16xi32>
        %shift_left3A_2956 = arith.shli %and3A_2953, %shift_left3A_2955 : vector<16xi32>
        %add3A_2957 = arith.addi %shift_left3A_2950, %shift_left3A_2956 : vector<16xi32>
        %shift_right_arithmetic3A_2958 = arith.constant 10 : i32
        %shift_right_arithmetic3A_2959 = vector.broadcast %shift_right_arithmetic3A_2958 : i32 to vector<16xi32>
        %shift_right_arithmetic3A_2960 = arith.shrsi %get3A_2944, %shift_right_arithmetic3A_2959 : vector<16xi32>
        %and3A_2961 = arith.constant 1 : i32
        %and3A_2962 = vector.broadcast %and3A_2961 : i32 to vector<16xi32>
        %and3A_2963 = arith.andi %shift_right_arithmetic3A_2960, %and3A_2962 : vector<16xi32>
        %add3A_2964 = arith.addi %add3A_2957, %and3A_2963 : vector<16xi32>
        %swap3A_2965 = arith.constant 0 : i32
        %swap3A_2966 = arith.constant 1 : i32
        %swap3A_2967 = arith.index_cast %swap3A_2965 : i32 to index
        %swap3A_2968 = arith.index_cast %swap3A_2966 : i32 to index
        %swap3A_2969 = arith.constant 32 : index
        %swap3A_2970 = tpu.vector_load %arg5[%swap3A_2967, %swap3A_2968, %swap3A_2969] {strides = array<i32>} : memref<2x4x128xi32, #tpu.memory_space<vmem>>, vector<1x1x16xi32>,
        %swap3A_2971 = vector.shape_cast %swap3A_2970 : vector<1x1x16xi32> to vector<16xi32>
        %swap3A_2972 = vector.shape_cast %add3A_2964 : vector<16xi32> to vector<1x1x16xi32>
        tpu.vector_store %arg5[%swap3A_2967, %swap3A_2968, %swap3A_2969], %swap3A_2972 {strides = array<i32>} : memref<2x4x128xi32, #tpu.memory_space<vmem>>, vector<1x1x16xi32>,
        %get3A_2973 = arith.constant 0 : i32
        %get3A_2974 = arith.constant 1 : i32
        %get3A_2975 = arith.index_cast %get3A_2973 : i32 to index
        %get3A_2976 = arith.index_cast %get3A_2974 : i32 to index
        %get3A_2977 = arith.constant 48 : index
        %get3A_2978 = tpu.vector_load %arg5[%get3A_2975, %get3A_2976, %get3A_2977] {strides = array<i32>} : memref<2x4x128xi32, #tpu.memory_space<vmem>>, vector<1x1x16xi32>,
        %get3A_2979 = vector.shape_cast %get3A_2978 : vector<1x1x16xi32> to vector<16xi32>
        %shift_right_arithmetic3A_2980 = arith.constant 11 : i32
        %shift_right_arithmetic3A_2981 = vector.broadcast %shift_right_arithmetic3A_2980 : i32 to vector<16xi32>
        %shift_right_arithmetic3A_2982 = arith.shrsi %get3A_2979, %shift_right_arithmetic3A_2981 : vector<16xi32>
        %shift_left3A_2983 = arith.constant 11 : i32
        %shift_left3A_2984 = vector.broadcast %shift_left3A_2983 : i32 to vector<16xi32>
        %shift_left3A_2985 = arith.shli %shift_right_arithmetic3A_2982, %shift_left3A_2984 : vector<16xi32>
        %and3A_2986 = arith.constant 1023 : i32
        %and3A_2987 = vector.broadcast %and3A_2986 : i32 to vector<16xi32>
        %and3A_2988 = arith.andi %get3A_2979, %and3A_2987 : vector<16xi32>
        %shift_left3A_2989 = arith.constant 1 : i32
        %shift_left3A_2990 = vector.broadcast %shift_left3A_2989 : i32 to vector<16xi32>
        %shift_left3A_2991 = arith.shli %and3A_2988, %shift_left3A_2990 : vector<16xi32>
        %add3A_2992 = arith.addi %shift_left3A_2985, %shift_left3A_2991 : vector<16xi32>
        %shift_right_arithmetic3A_2993 = arith.constant 10 : i32
        %shift_right_arithmetic3A_2994 = vector.broadcast %shift_right_arithmetic3A_2993 : i32 to vector<16xi32>
        %shift_right_arithmetic3A_2995 = arith.shrsi %get3A_2979, %shift_right_arithmetic3A_2994 : vector<16xi32>
        %and3A_2996 = arith.constant 1 : i32
        %and3A_2997 = vector.broadcast %and3A_2996 : i32 to vector<16xi32>
        %and3A_2998 = arith.andi %shift_right_arithmetic3A_2995, %and3A_2997 : vector<16xi32>
        %add3A_2999 = arith.addi %add3A_2992, %and3A_2998 : vector<16xi32>
        %swap3A_3000 = arith.constant 0 : i32
        %swap3A_3001 = arith.constant 1 : i32
        %swap3A_3002 = arith.index_cast %swap3A_3000 : i32 to index
        %swap3A_3003 = arith.index_cast %swap3A_3001 : i32 to index
        %swap3A_3004 = arith.constant 48 : index
        %swap3A_3005 = tpu.vector_load %arg5[%swap3A_3002, %swap3A_3003, %swap3A_3004] {strides = array<i32>} : memref<2x4x128xi32, #tpu.memory_space<vmem>>, vector<1x1x16xi32>,
        %swap3A_3006 = vector.shape_cast %swap3A_3005 : vector<1x1x16xi32> to vector<16xi32>
        %swap3A_3007 = vector.shape_cast %add3A_2999 : vector<16xi32> to vector<1x1x16xi32>
        tpu.vector_store %arg5[%swap3A_3002, %swap3A_3003, %swap3A_3004], %swap3A_3007 {strides = array<i32>} : memref<2x4x128xi32, #tpu.memory_space<vmem>>, vector<1x1x16xi32>,
        %get3A_3008 = arith.constant 0 : i32
        %get3A_3009 = arith.constant 1 : i32
        %get3A_3010 = arith.index_cast %get3A_3008 : i32 to index
        %get3A_3011 = arith.index_cast %get3A_3009 : i32 to index
        %get3A_3012 = arith.constant 64 : index
        %get3A_3013 = tpu.vector_load %arg5[%get3A_3010, %get3A_3011, %get3A_3012] {strides = array<i32>} : memref<2x4x128xi32, #tpu.memory_space<vmem>>, vector<1x1x16xi32>,
        %get3A_3014 = vector.shape_cast %get3A_3013 : vector<1x1x16xi32> to vector<16xi32>
        %shift_right_arithmetic3A_3015 = arith.constant 11 : i32
        %shift_right_arithmetic3A_3016 = vector.broadcast %shift_right_arithmetic3A_3015 : i32 to vector<16xi32>
        %shift_right_arithmetic3A_3017 = arith.shrsi %get3A_3014, %shift_right_arithmetic3A_3016 : vector<16xi32>
        %shift_left3A_3018 = arith.constant 11 : i32
        %shift_left3A_3019 = vector.broadcast %shift_left3A_3018 : i32 to vector<16xi32>
        %shift_left3A_3020 = arith.shli %shift_right_arithmetic3A_3017, %shift_left3A_3019 : vector<16xi32>
        %and3A_3021 = arith.constant 1023 : i32
        %and3A_3022 = vector.broadcast %and3A_3021 : i32 to vector<16xi32>
        %and3A_3023 = arith.andi %get3A_3014, %and3A_3022 : vector<16xi32>
        %shift_left3A_3024 = arith.constant 1 : i32
        %shift_left3A_3025 = vector.broadcast %shift_left3A_3024 : i32 to vector<16xi32>
        %shift_left3A_3026 = arith.shli %and3A_3023, %shift_left3A_3025 : vector<16xi32>
        %add3A_3027 = arith.addi %shift_left3A_3020, %shift_left3A_3026 : vector<16xi32>
        %shift_right_arithmetic3A_3028 = arith.constant 10 : i32
        %shift_right_arithmetic3A_3029 = vector.broadcast %shift_right_arithmetic3A_3028 : i32 to vector<16xi32>
        %shift_right_arithmetic3A_3030 = arith.shrsi %get3A_3014, %shift_right_arithmetic3A_3029 : vector<16xi32>
        %and3A_3031 = arith.constant 1 : i32
        %and3A_3032 = vector.broadcast %and3A_3031 : i32 to vector<16xi32>
        %and3A_3033 = arith.andi %shift_right_arithmetic3A_3030, %and3A_3032 : vector<16xi32>
        %add3A_3034 = arith.addi %add3A_3027, %and3A_3033 : vector<16xi32>
        %swap3A_3035 = arith.constant 0 : i32
        %swap3A_3036 = arith.constant 1 : i32
        %swap3A_3037 = arith.index_cast %swap3A_3035 : i32 to index
        %swap3A_3038 = arith.index_cast %swap3A_3036 : i32 to index
        %swap3A_3039 = arith.constant 64 : index
        %swap3A_3040 = tpu.vector_load %arg5[%swap3A_3037, %swap3A_3038, %swap3A_3039] {strides = array<i32>} : memref<2x4x128xi32, #tpu.memory_space<vmem>>, vector<1x1x16xi32>,
        %swap3A_3041 = vector.shape_cast %swap3A_3040 : vector<1x1x16xi32> to vector<16xi32>
        %swap3A_3042 = vector.shape_cast %add3A_3034 : vector<16xi32> to vector<1x1x16xi32>
        tpu.vector_store %arg5[%swap3A_3037, %swap3A_3038, %swap3A_3039], %swap3A_3042 {strides = array<i32>} : memref<2x4x128xi32, #tpu.memory_space<vmem>>, vector<1x1x16xi32>,
        %get3A_3043 = arith.constant 0 : i32
        %get3A_3044 = arith.constant 1 : i32
        %get3A_3045 = arith.index_cast %get3A_3043 : i32 to index
        %get3A_3046 = arith.index_cast %get3A_3044 : i32 to index
        %get3A_3047 = arith.constant 80 : index
        %get3A_3048 = tpu.vector_load %arg5[%get3A_3045, %get3A_3046, %get3A_3047] {strides = array<i32>} : memref<2x4x128xi32, #tpu.memory_space<vmem>>, vector<1x1x16xi32>,
        %get3A_3049 = vector.shape_cast %get3A_3048 : vector<1x1x16xi32> to vector<16xi32>
        %shift_right_arithmetic3A_3050 = arith.constant 11 : i32
        %shift_right_arithmetic3A_3051 = vector.broadcast %shift_right_arithmetic3A_3050 : i32 to vector<16xi32>
        %shift_right_arithmetic3A_3052 = arith.shrsi %get3A_3049, %shift_right_arithmetic3A_3051 : vector<16xi32>
        %shift_left3A_3053 = arith.constant 11 : i32
        %shift_left3A_3054 = vector.broadcast %shift_left3A_3053 : i32 to vector<16xi32>
        %shift_left3A_3055 = arith.shli %shift_right_arithmetic3A_3052, %shift_left3A_3054 : vector<16xi32>
        %and3A_3056 = arith.constant 1023 : i32
        %and3A_3057 = vector.broadcast %and3A_3056 : i32 to vector<16xi32>
        %and3A_3058 = arith.andi %get3A_3049, %and3A_3057 : vector<16xi32>
        %shift_left3A_3059 = arith.constant 1 : i32
        %shift_left3A_3060 = vector.broadcast %shift_left3A_3059 : i32 to vector<16xi32>
        %shift_left3A_3061 = arith.shli %and3A_3058, %shift_left3A_3060 : vector<16xi32>
        %add3A_3062 = arith.addi %shift_left3A_3055, %shift_left3A_3061 : vector<16xi32>
        %shift_right_arithmetic3A_3063 = arith.constant 10 : i32
        %shift_right_arithmetic3A_3064 = vector.broadcast %shift_right_arithmetic3A_3063 : i32 to vector<16xi32>
        %shift_right_arithmetic3A_3065 = arith.shrsi %get3A_3049, %shift_right_arithmetic3A_3064 : vector<16xi32>
        %and3A_3066 = arith.constant 1 : i32
        %and3A_3067 = vector.broadcast %and3A_3066 : i32 to vector<16xi32>
        %and3A_3068 = arith.andi %shift_right_arithmetic3A_3065, %and3A_3067 : vector<16xi32>
        %add3A_3069 = arith.addi %add3A_3062, %and3A_3068 : vector<16xi32>
        %swap3A_3070 = arith.constant 0 : i32
        %swap3A_3071 = arith.constant 1 : i32
        %swap3A_3072 = arith.index_cast %swap3A_3070 : i32 to index
        %swap3A_3073 = arith.index_cast %swap3A_3071 : i32 to index
        %swap3A_3074 = arith.constant 80 : index
        %swap3A_3075 = tpu.vector_load %arg5[%swap3A_3072, %swap3A_3073, %swap3A_3074] {strides = array<i32>} : memref<2x4x128xi32, #tpu.memory_space<vmem>>, vector<1x1x16xi32>,
        %swap3A_3076 = vector.shape_cast %swap3A_3075 : vector<1x1x16xi32> to vector<16xi32>
        %swap3A_3077 = vector.shape_cast %add3A_3069 : vector<16xi32> to vector<1x1x16xi32>
        tpu.vector_store %arg5[%swap3A_3072, %swap3A_3073, %swap3A_3074], %swap3A_3077 {strides = array<i32>} : memref<2x4x128xi32, #tpu.memory_space<vmem>>, vector<1x1x16xi32>,
        %get3A_3078 = arith.constant 0 : i32
        %get3A_3079 = arith.constant 1 : i32
        %get3A_3080 = arith.index_cast %get3A_3078 : i32 to index
        %get3A_3081 = arith.index_cast %get3A_3079 : i32 to index
        %get3A_3082 = arith.constant 96 : index
        %get3A_3083 = tpu.vector_load %arg5[%get3A_3080, %get3A_3081, %get3A_3082] {strides = array<i32>} : memref<2x4x128xi32, #tpu.memory_space<vmem>>, vector<1x1x16xi32>,
        %get3A_3084 = vector.shape_cast %get3A_3083 : vector<1x1x16xi32> to vector<16xi32>
        %shift_right_arithmetic3A_3085 = arith.constant 11 : i32
        %shift_right_arithmetic3A_3086 = vector.broadcast %shift_right_arithmetic3A_3085 : i32 to vector<16xi32>
        %shift_right_arithmetic3A_3087 = arith.shrsi %get3A_3084, %shift_right_arithmetic3A_3086 : vector<16xi32>
        %shift_left3A_3088 = arith.constant 11 : i32
        %shift_left3A_3089 = vector.broadcast %shift_left3A_3088 : i32 to vector<16xi32>
        %shift_left3A_3090 = arith.shli %shift_right_arithmetic3A_3087, %shift_left3A_3089 : vector<16xi32>
        %and3A_3091 = arith.constant 1023 : i32
        %and3A_3092 = vector.broadcast %and3A_3091 : i32 to vector<16xi32>
        %and3A_3093 = arith.andi %get3A_3084, %and3A_3092 : vector<16xi32>
        %shift_left3A_3094 = arith.constant 1 : i32
        %shift_left3A_3095 = vector.broadcast %shift_left3A_3094 : i32 to vector<16xi32>
        %shift_left3A_3096 = arith.shli %and3A_3093, %shift_left3A_3095 : vector<16xi32>
        %add3A_3097 = arith.addi %shift_left3A_3090, %shift_left3A_3096 : vector<16xi32>
        %shift_right_arithmetic3A_3098 = arith.constant 10 : i32
        %shift_right_arithmetic3A_3099 = vector.broadcast %shift_right_arithmetic3A_3098 : i32 to vector<16xi32>
        %shift_right_arithmetic3A_3100 = arith.shrsi %get3A_3084, %shift_right_arithmetic3A_3099 : vector<16xi32>
        %and3A_3101 = arith.constant 1 : i32
        %and3A_3102 = vector.broadcast %and3A_3101 : i32 to vector<16xi32>
        %and3A_3103 = arith.andi %shift_right_arithmetic3A_3100, %and3A_3102 : vector<16xi32>
        %add3A_3104 = arith.addi %add3A_3097, %and3A_3103 : vector<16xi32>
        %swap3A_3105 = arith.constant 0 : i32
        %swap3A_3106 = arith.constant 1 : i32
        %swap3A_3107 = arith.index_cast %swap3A_3105 : i32 to index
        %swap3A_3108 = arith.index_cast %swap3A_3106 : i32 to index
        %swap3A_3109 = arith.constant 96 : index
        %swap3A_3110 = tpu.vector_load %arg5[%swap3A_3107, %swap3A_3108, %swap3A_3109] {strides = array<i32>} : memref<2x4x128xi32, #tpu.memory_space<vmem>>, vector<1x1x16xi32>,
        %swap3A_3111 = vector.shape_cast %swap3A_3110 : vector<1x1x16xi32> to vector<16xi32>
        %swap3A_3112 = vector.shape_cast %add3A_3104 : vector<16xi32> to vector<1x1x16xi32>
        tpu.vector_store %arg5[%swap3A_3107, %swap3A_3108, %swap3A_3109], %swap3A_3112 {strides = array<i32>} : memref<2x4x128xi32, #tpu.memory_space<vmem>>, vector<1x1x16xi32>,
        %get3A_3113 = arith.constant 0 : i32
        %get3A_3114 = arith.constant 1 : i32
        %get3A_3115 = arith.index_cast %get3A_3113 : i32 to index
        %get3A_3116 = arith.index_cast %get3A_3114 : i32 to index
        %get3A_3117 = arith.constant 112 : index
        %get3A_3118 = tpu.vector_load %arg5[%get3A_3115, %get3A_3116, %get3A_3117] {strides = array<i32>} : memref<2x4x128xi32, #tpu.memory_space<vmem>>, vector<1x1x16xi32>,
        %get3A_3119 = vector.shape_cast %get3A_3118 : vector<1x1x16xi32> to vector<16xi32>
        %shift_right_arithmetic3A_3120 = arith.constant 11 : i32
        %shift_right_arithmetic3A_3121 = vector.broadcast %shift_right_arithmetic3A_3120 : i32 to vector<16xi32>
        %shift_right_arithmetic3A_3122 = arith.shrsi %get3A_3119, %shift_right_arithmetic3A_3121 : vector<16xi32>
        %shift_left3A_3123 = arith.constant 11 : i32
        %shift_left3A_3124 = vector.broadcast %shift_left3A_3123 : i32 to vector<16xi32>
        %shift_left3A_3125 = arith.shli %shift_right_arithmetic3A_3122, %shift_left3A_3124 : vector<16xi32>
        %and3A_3126 = arith.constant 1023 : i32
        %and3A_3127 = vector.broadcast %and3A_3126 : i32 to vector<16xi32>
        %and3A_3128 = arith.andi %get3A_3119, %and3A_3127 : vector<16xi32>
        %shift_left3A_3129 = arith.constant 1 : i32
        %shift_left3A_3130 = vector.broadcast %shift_left3A_3129 : i32 to vector<16xi32>
        %shift_left3A_3131 = arith.shli %and3A_3128, %shift_left3A_3130 : vector<16xi32>
        %add3A_3132 = arith.addi %shift_left3A_3125, %shift_left3A_3131 : vector<16xi32>
        %shift_right_arithmetic3A_3133 = arith.constant 10 : i32
        %shift_right_arithmetic3A_3134 = vector.broadcast %shift_right_arithmetic3A_3133 : i32 to vector<16xi32>
        %shift_right_arithmetic3A_3135 = arith.shrsi %get3A_3119, %shift_right_arithmetic3A_3134 : vector<16xi32>
        %and3A_3136 = arith.constant 1 : i32
        %and3A_3137 = vector.broadcast %and3A_3136 : i32 to vector<16xi32>
        %and3A_3138 = arith.andi %shift_right_arithmetic3A_3135, %and3A_3137 : vector<16xi32>
        %add3A_3139 = arith.addi %add3A_3132, %and3A_3138 : vector<16xi32>
        %swap3A_3140 = arith.constant 0 : i32
        %swap3A_3141 = arith.constant 1 : i32
        %swap3A_3142 = arith.index_cast %swap3A_3140 : i32 to index
        %swap3A_3143 = arith.index_cast %swap3A_3141 : i32 to index
        %swap3A_3144 = arith.constant 112 : index
        %swap3A_3145 = tpu.vector_load %arg5[%swap3A_3142, %swap3A_3143, %swap3A_3144] {strides = array<i32>} : memref<2x4x128xi32, #tpu.memory_space<vmem>>, vector<1x1x16xi32>,
        %swap3A_3146 = vector.shape_cast %swap3A_3145 : vector<1x1x16xi32> to vector<16xi32>
        %swap3A_3147 = vector.shape_cast %add3A_3139 : vector<16xi32> to vector<1x1x16xi32>
        tpu.vector_store %arg5[%swap3A_3142, %swap3A_3143, %swap3A_3144], %swap3A_3147 {strides = array<i32>} : memref<2x4x128xi32, #tpu.memory_space<vmem>>, vector<1x1x16xi32>,
        %get3A_3148 = arith.constant 0 : i32
        %get3A_3149 = arith.constant 2 : i32
        %get3A_3150 = arith.index_cast %get3A_3148 : i32 to index
        %get3A_3151 = arith.index_cast %get3A_3149 : i32 to index
        %get3A_3152 = arith.constant 0 : index
        %get3A_3153 = tpu.vector_load %arg5[%get3A_3150, %get3A_3151, %get3A_3152] {strides = array<i32>} : memref<2x4x128xi32, #tpu.memory_space<vmem>>, vector<1x1x16xi32>,
        %get3A_3154 = vector.shape_cast %get3A_3153 : vector<1x1x16xi32> to vector<16xi32>
        %shift_right_arithmetic3A_3155 = arith.constant 11 : i32
        %shift_right_arithmetic3A_3156 = vector.broadcast %shift_right_arithmetic3A_3155 : i32 to vector<16xi32>
        %shift_right_arithmetic3A_3157 = arith.shrsi %get3A_3154, %shift_right_arithmetic3A_3156 : vector<16xi32>
        %shift_left3A_3158 = arith.constant 11 : i32
        %shift_left3A_3159 = vector.broadcast %shift_left3A_3158 : i32 to vector<16xi32>
        %shift_left3A_3160 = arith.shli %shift_right_arithmetic3A_3157, %shift_left3A_3159 : vector<16xi32>
        %and3A_3161 = arith.constant 1023 : i32
        %and3A_3162 = vector.broadcast %and3A_3161 : i32 to vector<16xi32>
        %and3A_3163 = arith.andi %get3A_3154, %and3A_3162 : vector<16xi32>
        %shift_left3A_3164 = arith.constant 1 : i32
        %shift_left3A_3165 = vector.broadcast %shift_left3A_3164 : i32 to vector<16xi32>
        %shift_left3A_3166 = arith.shli %and3A_3163, %shift_left3A_3165 : vector<16xi32>
        %add3A_3167 = arith.addi %shift_left3A_3160, %shift_left3A_3166 : vector<16xi32>
        %shift_right_arithmetic3A_3168 = arith.constant 10 : i32
        %shift_right_arithmetic3A_3169 = vector.broadcast %shift_right_arithmetic3A_3168 : i32 to vector<16xi32>
        %shift_right_arithmetic3A_3170 = arith.shrsi %get3A_3154, %shift_right_arithmetic3A_3169 : vector<16xi32>
        %and3A_3171 = arith.constant 1 : i32
        %and3A_3172 = vector.broadcast %and3A_3171 : i32 to vector<16xi32>
        %and3A_3173 = arith.andi %shift_right_arithmetic3A_3170, %and3A_3172 : vector<16xi32>
        %add3A_3174 = arith.addi %add3A_3167, %and3A_3173 : vector<16xi32>
        %swap3A_3175 = arith.constant 0 : i32
        %swap3A_3176 = arith.constant 2 : i32
        %swap3A_3177 = arith.index_cast %swap3A_3175 : i32 to index
        %swap3A_3178 = arith.index_cast %swap3A_3176 : i32 to index
        %swap3A_3179 = arith.constant 0 : index
        %swap3A_3180 = tpu.vector_load %arg5[%swap3A_3177, %swap3A_3178, %swap3A_3179] {strides = array<i32>} : memref<2x4x128xi32, #tpu.memory_space<vmem>>, vector<1x1x16xi32>,
        %swap3A_3181 = vector.shape_cast %swap3A_3180 : vector<1x1x16xi32> to vector<16xi32>
        %swap3A_3182 = vector.shape_cast %add3A_3174 : vector<16xi32> to vector<1x1x16xi32>
        tpu.vector_store %arg5[%swap3A_3177, %swap3A_3178, %swap3A_3179], %swap3A_3182 {strides = array<i32>} : memref<2x4x128xi32, #tpu.memory_space<vmem>>, vector<1x1x16xi32>,
        %get3A_3183 = arith.constant 0 : i32
        %get3A_3184 = arith.constant 2 : i32
        %get3A_3185 = arith.index_cast %get3A_3183 : i32 to index
        %get3A_3186 = arith.index_cast %get3A_3184 : i32 to index
        %get3A_3187 = arith.constant 16 : index
        %get3A_3188 = tpu.vector_load %arg5[%get3A_3185, %get3A_3186, %get3A_3187] {strides = array<i32>} : memref<2x4x128xi32, #tpu.memory_space<vmem>>, vector<1x1x16xi32>,
        %get3A_3189 = vector.shape_cast %get3A_3188 : vector<1x1x16xi32> to vector<16xi32>
        %shift_right_arithmetic3A_3190 = arith.constant 11 : i32
        %shift_right_arithmetic3A_3191 = vector.broadcast %shift_right_arithmetic3A_3190 : i32 to vector<16xi32>
        %shift_right_arithmetic3A_3192 = arith.shrsi %get3A_3189, %shift_right_arithmetic3A_3191 : vector<16xi32>
        %shift_left3A_3193 = arith.constant 11 : i32
        %shift_left3A_3194 = vector.broadcast %shift_left3A_3193 : i32 to vector<16xi32>
        %shift_left3A_3195 = arith.shli %shift_right_arithmetic3A_3192, %shift_left3A_3194 : vector<16xi32>
        %and3A_3196 = arith.constant 1023 : i32
        %and3A_3197 = vector.broadcast %and3A_3196 : i32 to vector<16xi32>
        %and3A_3198 = arith.andi %get3A_3189, %and3A_3197 : vector<16xi32>
        %shift_left3A_3199 = arith.constant 1 : i32
        %shift_left3A_3200 = vector.broadcast %shift_left3A_3199 : i32 to vector<16xi32>
        %shift_left3A_3201 = arith.shli %and3A_3198, %shift_left3A_3200 : vector<16xi32>
        %add3A_3202 = arith.addi %shift_left3A_3195, %shift_left3A_3201 : vector<16xi32>
        %shift_right_arithmetic3A_3203 = arith.constant 10 : i32
        %shift_right_arithmetic3A_3204 = vector.broadcast %shift_right_arithmetic3A_3203 : i32 to vector<16xi32>
        %shift_right_arithmetic3A_3205 = arith.shrsi %get3A_3189, %shift_right_arithmetic3A_3204 : vector<16xi32>
        %and3A_3206 = arith.constant 1 : i32
        %and3A_3207 = vector.broadcast %and3A_3206 : i32 to vector<16xi32>
        %and3A_3208 = arith.andi %shift_right_arithmetic3A_3205, %and3A_3207 : vector<16xi32>
        %add3A_3209 = arith.addi %add3A_3202, %and3A_3208 : vector<16xi32>
        %swap3A_3210 = arith.constant 0 : i32
        %swap3A_3211 = arith.constant 2 : i32
        %swap3A_3212 = arith.index_cast %swap3A_3210 : i32 to index
        %swap3A_3213 = arith.index_cast %swap3A_3211 : i32 to index
        %swap3A_3214 = arith.constant 16 : index
        %swap3A_3215 = tpu.vector_load %arg5[%swap3A_3212, %swap3A_3213, %swap3A_3214] {strides = array<i32>} : memref<2x4x128xi32, #tpu.memory_space<vmem>>, vector<1x1x16xi32>,
        %swap3A_3216 = vector.shape_cast %swap3A_3215 : vector<1x1x16xi32> to vector<16xi32>
        %swap3A_3217 = vector.shape_cast %add3A_3209 : vector<16xi32> to vector<1x1x16xi32>
        tpu.vector_store %arg5[%swap3A_3212, %swap3A_3213, %swap3A_3214], %swap3A_3217 {strides = array<i32>} : memref<2x4x128xi32, #tpu.memory_space<vmem>>, vector<1x1x16xi32>,
        %get3A_3218 = arith.constant 0 : i32
        %get3A_3219 = arith.constant 2 : i32
        %get3A_3220 = arith.index_cast %get3A_3218 : i32 to index
        %get3A_3221 = arith.index_cast %get3A_3219 : i32 to index
        %get3A_3222 = arith.constant 32 : index
        %get3A_3223 = tpu.vector_load %arg5[%get3A_3220, %get3A_3221, %get3A_3222] {strides = array<i32>} : memref<2x4x128xi32, #tpu.memory_space<vmem>>, vector<1x1x16xi32>,
        %get3A_3224 = vector.shape_cast %get3A_3223 : vector<1x1x16xi32> to vector<16xi32>
        %shift_right_arithmetic3A_3225 = arith.constant 11 : i32
        %shift_right_arithmetic3A_3226 = vector.broadcast %shift_right_arithmetic3A_3225 : i32 to vector<16xi32>
        %shift_right_arithmetic3A_3227 = arith.shrsi %get3A_3224, %shift_right_arithmetic3A_3226 : vector<16xi32>
        %shift_left3A_3228 = arith.constant 11 : i32
        %shift_left3A_3229 = vector.broadcast %shift_left3A_3228 : i32 to vector<16xi32>
        %shift_left3A_3230 = arith.shli %shift_right_arithmetic3A_3227, %shift_left3A_3229 : vector<16xi32>
        %and3A_3231 = arith.constant 1023 : i32
        %and3A_3232 = vector.broadcast %and3A_3231 : i32 to vector<16xi32>
        %and3A_3233 = arith.andi %get3A_3224, %and3A_3232 : vector<16xi32>
        %shift_left3A_3234 = arith.constant 1 : i32
        %shift_left3A_3235 = vector.broadcast %shift_left3A_3234 : i32 to vector<16xi32>
        %shift_left3A_3236 = arith.shli %and3A_3233, %shift_left3A_3235 : vector<16xi32>
        %add3A_3237 = arith.addi %shift_left3A_3230, %shift_left3A_3236 : vector<16xi32>
        %shift_right_arithmetic3A_3238 = arith.constant 10 : i32
        %shift_right_arithmetic3A_3239 = vector.broadcast %shift_right_arithmetic3A_3238 : i32 to vector<16xi32>
        %shift_right_arithmetic3A_3240 = arith.shrsi %get3A_3224, %shift_right_arithmetic3A_3239 : vector<16xi32>
        %and3A_3241 = arith.constant 1 : i32
        %and3A_3242 = vector.broadcast %and3A_3241 : i32 to vector<16xi32>
        %and3A_3243 = arith.andi %shift_right_arithmetic3A_3240, %and3A_3242 : vector<16xi32>
        %add3A_3244 = arith.addi %add3A_3237, %and3A_3243 : vector<16xi32>
        %swap3A_3245 = arith.constant 0 : i32
        %swap3A_3246 = arith.constant 2 : i32
        %swap3A_3247 = arith.index_cast %swap3A_3245 : i32 to index
        %swap3A_3248 = arith.index_cast %swap3A_3246 : i32 to index
        %swap3A_3249 = arith.constant 32 : index
        %swap3A_3250 = tpu.vector_load %arg5[%swap3A_3247, %swap3A_3248, %swap3A_3249] {strides = array<i32>} : memref<2x4x128xi32, #tpu.memory_space<vmem>>, vector<1x1x16xi32>,
        %swap3A_3251 = vector.shape_cast %swap3A_3250 : vector<1x1x16xi32> to vector<16xi32>
        %swap3A_3252 = vector.shape_cast %add3A_3244 : vector<16xi32> to vector<1x1x16xi32>
        tpu.vector_store %arg5[%swap3A_3247, %swap3A_3248, %swap3A_3249], %swap3A_3252 {strides = array<i32>} : memref<2x4x128xi32, #tpu.memory_space<vmem>>, vector<1x1x16xi32>,
        %get3A_3253 = arith.constant 0 : i32
        %get3A_3254 = arith.constant 2 : i32
        %get3A_3255 = arith.index_cast %get3A_3253 : i32 to index
        %get3A_3256 = arith.index_cast %get3A_3254 : i32 to index
        %get3A_3257 = arith.constant 48 : index
        %get3A_3258 = tpu.vector_load %arg5[%get3A_3255, %get3A_3256, %get3A_3257] {strides = array<i32>} : memref<2x4x128xi32, #tpu.memory_space<vmem>>, vector<1x1x16xi32>,
        %get3A_3259 = vector.shape_cast %get3A_3258 : vector<1x1x16xi32> to vector<16xi32>
        %shift_right_arithmetic3A_3260 = arith.constant 11 : i32
        %shift_right_arithmetic3A_3261 = vector.broadcast %shift_right_arithmetic3A_3260 : i32 to vector<16xi32>
        %shift_right_arithmetic3A_3262 = arith.shrsi %get3A_3259, %shift_right_arithmetic3A_3261 : vector<16xi32>
        %shift_left3A_3263 = arith.constant 11 : i32
        %shift_left3A_3264 = vector.broadcast %shift_left3A_3263 : i32 to vector<16xi32>
        %shift_left3A_3265 = arith.shli %shift_right_arithmetic3A_3262, %shift_left3A_3264 : vector<16xi32>
        %and3A_3266 = arith.constant 1023 : i32
        %and3A_3267 = vector.broadcast %and3A_3266 : i32 to vector<16xi32>
        %and3A_3268 = arith.andi %get3A_3259, %and3A_3267 : vector<16xi32>
        %shift_left3A_3269 = arith.constant 1 : i32
        %shift_left3A_3270 = vector.broadcast %shift_left3A_3269 : i32 to vector<16xi32>
        %shift_left3A_3271 = arith.shli %and3A_3268, %shift_left3A_3270 : vector<16xi32>
        %add3A_3272 = arith.addi %shift_left3A_3265, %shift_left3A_3271 : vector<16xi32>
        %shift_right_arithmetic3A_3273 = arith.constant 10 : i32
        %shift_right_arithmetic3A_3274 = vector.broadcast %shift_right_arithmetic3A_3273 : i32 to vector<16xi32>
        %shift_right_arithmetic3A_3275 = arith.shrsi %get3A_3259, %shift_right_arithmetic3A_3274 : vector<16xi32>
        %and3A_3276 = arith.constant 1 : i32
        %and3A_3277 = vector.broadcast %and3A_3276 : i32 to vector<16xi32>
        %and3A_3278 = arith.andi %shift_right_arithmetic3A_3275, %and3A_3277 : vector<16xi32>
        %add3A_3279 = arith.addi %add3A_3272, %and3A_3278 : vector<16xi32>
        %swap3A_3280 = arith.constant 0 : i32
        %swap3A_3281 = arith.constant 2 : i32
        %swap3A_3282 = arith.index_cast %swap3A_3280 : i32 to index
        %swap3A_3283 = arith.index_cast %swap3A_3281 : i32 to index
        %swap3A_3284 = arith.constant 48 : index
        %swap3A_3285 = tpu.vector_load %arg5[%swap3A_3282, %swap3A_3283, %swap3A_3284] {strides = array<i32>} : memref<2x4x128xi32, #tpu.memory_space<vmem>>, vector<1x1x16xi32>,
        %swap3A_3286 = vector.shape_cast %swap3A_3285 : vector<1x1x16xi32> to vector<16xi32>
        %swap3A_3287 = vector.shape_cast %add3A_3279 : vector<16xi32> to vector<1x1x16xi32>
        tpu.vector_store %arg5[%swap3A_3282, %swap3A_3283, %swap3A_3284], %swap3A_3287 {strides = array<i32>} : memref<2x4x128xi32, #tpu.memory_space<vmem>>, vector<1x1x16xi32>,
        %get3A_3288 = arith.constant 0 : i32
        %get3A_3289 = arith.constant 2 : i32
        %get3A_3290 = arith.index_cast %get3A_3288 : i32 to index
        %get3A_3291 = arith.index_cast %get3A_3289 : i32 to index
        %get3A_3292 = arith.constant 64 : index
        %get3A_3293 = tpu.vector_load %arg5[%get3A_3290, %get3A_3291, %get3A_3292] {strides = array<i32>} : memref<2x4x128xi32, #tpu.memory_space<vmem>>, vector<1x1x16xi32>,
        %get3A_3294 = vector.shape_cast %get3A_3293 : vector<1x1x16xi32> to vector<16xi32>
        %shift_right_arithmetic3A_3295 = arith.constant 11 : i32
        %shift_right_arithmetic3A_3296 = vector.broadcast %shift_right_arithmetic3A_3295 : i32 to vector<16xi32>
        %shift_right_arithmetic3A_3297 = arith.shrsi %get3A_3294, %shift_right_arithmetic3A_3296 : vector<16xi32>
        %shift_left3A_3298 = arith.constant 11 : i32
        %shift_left3A_3299 = vector.broadcast %shift_left3A_3298 : i32 to vector<16xi32>
        %shift_left3A_3300 = arith.shli %shift_right_arithmetic3A_3297, %shift_left3A_3299 : vector<16xi32>
        %and3A_3301 = arith.constant 1023 : i32
        %and3A_3302 = vector.broadcast %and3A_3301 : i32 to vector<16xi32>
        %and3A_3303 = arith.andi %get3A_3294, %and3A_3302 : vector<16xi32>
        %shift_left3A_3304 = arith.constant 1 : i32
        %shift_left3A_3305 = vector.broadcast %shift_left3A_3304 : i32 to vector<16xi32>
        %shift_left3A_3306 = arith.shli %and3A_3303, %shift_left3A_3305 : vector<16xi32>
        %add3A_3307 = arith.addi %shift_left3A_3300, %shift_left3A_3306 : vector<16xi32>
        %shift_right_arithmetic3A_3308 = arith.constant 10 : i32
        %shift_right_arithmetic3A_3309 = vector.broadcast %shift_right_arithmetic3A_3308 : i32 to vector<16xi32>
        %shift_right_arithmetic3A_3310 = arith.shrsi %get3A_3294, %shift_right_arithmetic3A_3309 : vector<16xi32>
        %and3A_3311 = arith.constant 1 : i32
        %and3A_3312 = vector.broadcast %and3A_3311 : i32 to vector<16xi32>
        %and3A_3313 = arith.andi %shift_right_arithmetic3A_3310, %and3A_3312 : vector<16xi32>
        %add3A_3314 = arith.addi %add3A_3307, %and3A_3313 : vector<16xi32>
        %swap3A_3315 = arith.constant 0 : i32
        %swap3A_3316 = arith.constant 2 : i32
        %swap3A_3317 = arith.index_cast %swap3A_3315 : i32 to index
        %swap3A_3318 = arith.index_cast %swap3A_3316 : i32 to index
        %swap3A_3319 = arith.constant 64 : index
        %swap3A_3320 = tpu.vector_load %arg5[%swap3A_3317, %swap3A_3318, %swap3A_3319] {strides = array<i32>} : memref<2x4x128xi32, #tpu.memory_space<vmem>>, vector<1x1x16xi32>,
        %swap3A_3321 = vector.shape_cast %swap3A_3320 : vector<1x1x16xi32> to vector<16xi32>
        %swap3A_3322 = vector.shape_cast %add3A_3314 : vector<16xi32> to vector<1x1x16xi32>
        tpu.vector_store %arg5[%swap3A_3317, %swap3A_3318, %swap3A_3319], %swap3A_3322 {strides = array<i32>} : memref<2x4x128xi32, #tpu.memory_space<vmem>>, vector<1x1x16xi32>,
        %get3A_3323 = arith.constant 0 : i32
        %get3A_3324 = arith.constant 2 : i32
        %get3A_3325 = arith.index_cast %get3A_3323 : i32 to index
        %get3A_3326 = arith.index_cast %get3A_3324 : i32 to index
        %get3A_3327 = arith.constant 80 : index
        %get3A_3328 = tpu.vector_load %arg5[%get3A_3325, %get3A_3326, %get3A_3327] {strides = array<i32>} : memref<2x4x128xi32, #tpu.memory_space<vmem>>, vector<1x1x16xi32>,
        %get3A_3329 = vector.shape_cast %get3A_3328 : vector<1x1x16xi32> to vector<16xi32>
        %shift_right_arithmetic3A_3330 = arith.constant 11 : i32
        %shift_right_arithmetic3A_3331 = vector.broadcast %shift_right_arithmetic3A_3330 : i32 to vector<16xi32>
        %shift_right_arithmetic3A_3332 = arith.shrsi %get3A_3329, %shift_right_arithmetic3A_3331 : vector<16xi32>
        %shift_left3A_3333 = arith.constant 11 : i32
        %shift_left3A_3334 = vector.broadcast %shift_left3A_3333 : i32 to vector<16xi32>
        %shift_left3A_3335 = arith.shli %shift_right_arithmetic3A_3332, %shift_left3A_3334 : vector<16xi32>
        %and3A_3336 = arith.constant 1023 : i32
        %and3A_3337 = vector.broadcast %and3A_3336 : i32 to vector<16xi32>
        %and3A_3338 = arith.andi %get3A_3329, %and3A_3337 : vector<16xi32>
        %shift_left3A_3339 = arith.constant 1 : i32
        %shift_left3A_3340 = vector.broadcast %shift_left3A_3339 : i32 to vector<16xi32>
        %shift_left3A_3341 = arith.shli %and3A_3338, %shift_left3A_3340 : vector<16xi32>
        %add3A_3342 = arith.addi %shift_left3A_3335, %shift_left3A_3341 : vector<16xi32>
        %shift_right_arithmetic3A_3343 = arith.constant 10 : i32
        %shift_right_arithmetic3A_3344 = vector.broadcast %shift_right_arithmetic3A_3343 : i32 to vector<16xi32>
        %shift_right_arithmetic3A_3345 = arith.shrsi %get3A_3329, %shift_right_arithmetic3A_3344 : vector<16xi32>
        %and3A_3346 = arith.constant 1 : i32
        %and3A_3347 = vector.broadcast %and3A_3346 : i32 to vector<16xi32>
        %and3A_3348 = arith.andi %shift_right_arithmetic3A_3345, %and3A_3347 : vector<16xi32>
        %add3A_3349 = arith.addi %add3A_3342, %and3A_3348 : vector<16xi32>
        %swap3A_3350 = arith.constant 0 : i32
        %swap3A_3351 = arith.constant 2 : i32
        %swap3A_3352 = arith.index_cast %swap3A_3350 : i32 to index
        %swap3A_3353 = arith.index_cast %swap3A_3351 : i32 to index
        %swap3A_3354 = arith.constant 80 : index
        %swap3A_3355 = tpu.vector_load %arg5[%swap3A_3352, %swap3A_3353, %swap3A_3354] {strides = array<i32>} : memref<2x4x128xi32, #tpu.memory_space<vmem>>, vector<1x1x16xi32>,
        %swap3A_3356 = vector.shape_cast %swap3A_3355 : vector<1x1x16xi32> to vector<16xi32>
        %swap3A_3357 = vector.shape_cast %add3A_3349 : vector<16xi32> to vector<1x1x16xi32>
        tpu.vector_store %arg5[%swap3A_3352, %swap3A_3353, %swap3A_3354], %swap3A_3357 {strides = array<i32>} : memref<2x4x128xi32, #tpu.memory_space<vmem>>, vector<1x1x16xi32>,
        %get3A_3358 = arith.constant 0 : i32
        %get3A_3359 = arith.constant 2 : i32
        %get3A_3360 = arith.index_cast %get3A_3358 : i32 to index
        %get3A_3361 = arith.index_cast %get3A_3359 : i32 to index
        %get3A_3362 = arith.constant 96 : index
        %get3A_3363 = tpu.vector_load %arg5[%get3A_3360, %get3A_3361, %get3A_3362] {strides = array<i32>} : memref<2x4x128xi32, #tpu.memory_space<vmem>>, vector<1x1x16xi32>,
        %get3A_3364 = vector.shape_cast %get3A_3363 : vector<1x1x16xi32> to vector<16xi32>
        %shift_right_arithmetic3A_3365 = arith.constant 11 : i32
        %shift_right_arithmetic3A_3366 = vector.broadcast %shift_right_arithmetic3A_3365 : i32 to vector<16xi32>
        %shift_right_arithmetic3A_3367 = arith.shrsi %get3A_3364, %shift_right_arithmetic3A_3366 : vector<16xi32>
        %shift_left3A_3368 = arith.constant 11 : i32
        %shift_left3A_3369 = vector.broadcast %shift_left3A_3368 : i32 to vector<16xi32>
        %shift_left3A_3370 = arith.shli %shift_right_arithmetic3A_3367, %shift_left3A_3369 : vector<16xi32>
        %and3A_3371 = arith.constant 1023 : i32
        %and3A_3372 = vector.broadcast %and3A_3371 : i32 to vector<16xi32>
        %and3A_3373 = arith.andi %get3A_3364, %and3A_3372 : vector<16xi32>
        %shift_left3A_3374 = arith.constant 1 : i32
        %shift_left3A_3375 = vector.broadcast %shift_left3A_3374 : i32 to vector<16xi32>
        %shift_left3A_3376 = arith.shli %and3A_3373, %shift_left3A_3375 : vector<16xi32>
        %add3A_3377 = arith.addi %shift_left3A_3370, %shift_left3A_3376 : vector<16xi32>
        %shift_right_arithmetic3A_3378 = arith.constant 10 : i32
        %shift_right_arithmetic3A_3379 = vector.broadcast %shift_right_arithmetic3A_3378 : i32 to vector<16xi32>
        %shift_right_arithmetic3A_3380 = arith.shrsi %get3A_3364, %shift_right_arithmetic3A_3379 : vector<16xi32>
        %and3A_3381 = arith.constant 1 : i32
        %and3A_3382 = vector.broadcast %and3A_3381 : i32 to vector<16xi32>
        %and3A_3383 = arith.andi %shift_right_arithmetic3A_3380, %and3A_3382 : vector<16xi32>
        %add3A_3384 = arith.addi %add3A_3377, %and3A_3383 : vector<16xi32>
        %swap3A_3385 = arith.constant 0 : i32
        %swap3A_3386 = arith.constant 2 : i32
        %swap3A_3387 = arith.index_cast %swap3A_3385 : i32 to index
        %swap3A_3388 = arith.index_cast %swap3A_3386 : i32 to index
        %swap3A_3389 = arith.constant 96 : index
        %swap3A_3390 = tpu.vector_load %arg5[%swap3A_3387, %swap3A_3388, %swap3A_3389] {strides = array<i32>} : memref<2x4x128xi32, #tpu.memory_space<vmem>>, vector<1x1x16xi32>,
        %swap3A_3391 = vector.shape_cast %swap3A_3390 : vector<1x1x16xi32> to vector<16xi32>
        %swap3A_3392 = vector.shape_cast %add3A_3384 : vector<16xi32> to vector<1x1x16xi32>
        tpu.vector_store %arg5[%swap3A_3387, %swap3A_3388, %swap3A_3389], %swap3A_3392 {strides = array<i32>} : memref<2x4x128xi32, #tpu.memory_space<vmem>>, vector<1x1x16xi32>,
        %get3A_3393 = arith.constant 0 : i32
        %get3A_3394 = arith.constant 2 : i32
        %get3A_3395 = arith.index_cast %get3A_3393 : i32 to index
        %get3A_3396 = arith.index_cast %get3A_3394 : i32 to index
        %get3A_3397 = arith.constant 112 : index
        %get3A_3398 = tpu.vector_load %arg5[%get3A_3395, %get3A_3396, %get3A_3397] {strides = array<i32>} : memref<2x4x128xi32, #tpu.memory_space<vmem>>, vector<1x1x16xi32>,
        %get3A_3399 = vector.shape_cast %get3A_3398 : vector<1x1x16xi32> to vector<16xi32>
        %shift_right_arithmetic3A_3400 = arith.constant 11 : i32
        %shift_right_arithmetic3A_3401 = vector.broadcast %shift_right_arithmetic3A_3400 : i32 to vector<16xi32>
        %shift_right_arithmetic3A_3402 = arith.shrsi %get3A_3399, %shift_right_arithmetic3A_3401 : vector<16xi32>
        %shift_left3A_3403 = arith.constant 11 : i32
        %shift_left3A_3404 = vector.broadcast %shift_left3A_3403 : i32 to vector<16xi32>
        %shift_left3A_3405 = arith.shli %shift_right_arithmetic3A_3402, %shift_left3A_3404 : vector<16xi32>
        %and3A_3406 = arith.constant 1023 : i32
        %and3A_3407 = vector.broadcast %and3A_3406 : i32 to vector<16xi32>
        %and3A_3408 = arith.andi %get3A_3399, %and3A_3407 : vector<16xi32>
        %shift_left3A_3409 = arith.constant 1 : i32
        %shift_left3A_3410 = vector.broadcast %shift_left3A_3409 : i32 to vector<16xi32>
        %shift_left3A_3411 = arith.shli %and3A_3408, %shift_left3A_3410 : vector<16xi32>
        %add3A_3412 = arith.addi %shift_left3A_3405, %shift_left3A_3411 : vector<16xi32>
        %shift_right_arithmetic3A_3413 = arith.constant 10 : i32
        %shift_right_arithmetic3A_3414 = vector.broadcast %shift_right_arithmetic3A_3413 : i32 to vector<16xi32>
        %shift_right_arithmetic3A_3415 = arith.shrsi %get3A_3399, %shift_right_arithmetic3A_3414 : vector<16xi32>
        %and3A_3416 = arith.constant 1 : i32
        %and3A_3417 = vector.broadcast %and3A_3416 : i32 to vector<16xi32>
        %and3A_3418 = arith.andi %shift_right_arithmetic3A_3415, %and3A_3417 : vector<16xi32>
        %add3A_3419 = arith.addi %add3A_3412, %and3A_3418 : vector<16xi32>
        %swap3A_3420 = arith.constant 0 : i32
        %swap3A_3421 = arith.constant 2 : i32
        %swap3A_3422 = arith.index_cast %swap3A_3420 : i32 to index
        %swap3A_3423 = arith.index_cast %swap3A_3421 : i32 to index
        %swap3A_3424 = arith.constant 112 : index
        %swap3A_3425 = tpu.vector_load %arg5[%swap3A_3422, %swap3A_3423, %swap3A_3424] {strides = array<i32>} : memref<2x4x128xi32, #tpu.memory_space<vmem>>, vector<1x1x16xi32>,
        %swap3A_3426 = vector.shape_cast %swap3A_3425 : vector<1x1x16xi32> to vector<16xi32>
        %swap3A_3427 = vector.shape_cast %add3A_3419 : vector<16xi32> to vector<1x1x16xi32>
        tpu.vector_store %arg5[%swap3A_3422, %swap3A_3423, %swap3A_3424], %swap3A_3427 {strides = array<i32>} : memref<2x4x128xi32, #tpu.memory_space<vmem>>, vector<1x1x16xi32>,
        %get3A_3428 = arith.constant 0 : i32
        %get3A_3429 = arith.constant 3 : i32
        %get3A_3430 = arith.index_cast %get3A_3428 : i32 to index
        %get3A_3431 = arith.index_cast %get3A_3429 : i32 to index
        %get3A_3432 = arith.constant 0 : index
        %get3A_3433 = tpu.vector_load %arg5[%get3A_3430, %get3A_3431, %get3A_3432] {strides = array<i32>} : memref<2x4x128xi32, #tpu.memory_space<vmem>>, vector<1x1x16xi32>,
        %get3A_3434 = vector.shape_cast %get3A_3433 : vector<1x1x16xi32> to vector<16xi32>
        %shift_right_arithmetic3A_3435 = arith.constant 11 : i32
        %shift_right_arithmetic3A_3436 = vector.broadcast %shift_right_arithmetic3A_3435 : i32 to vector<16xi32>
        %shift_right_arithmetic3A_3437 = arith.shrsi %get3A_3434, %shift_right_arithmetic3A_3436 : vector<16xi32>
        %shift_left3A_3438 = arith.constant 11 : i32
        %shift_left3A_3439 = vector.broadcast %shift_left3A_3438 : i32 to vector<16xi32>
        %shift_left3A_3440 = arith.shli %shift_right_arithmetic3A_3437, %shift_left3A_3439 : vector<16xi32>
        %and3A_3441 = arith.constant 1023 : i32
        %and3A_3442 = vector.broadcast %and3A_3441 : i32 to vector<16xi32>
        %and3A_3443 = arith.andi %get3A_3434, %and3A_3442 : vector<16xi32>
        %shift_left3A_3444 = arith.constant 1 : i32
        %shift_left3A_3445 = vector.broadcast %shift_left3A_3444 : i32 to vector<16xi32>
        %shift_left3A_3446 = arith.shli %and3A_3443, %shift_left3A_3445 : vector<16xi32>
        %add3A_3447 = arith.addi %shift_left3A_3440, %shift_left3A_3446 : vector<16xi32>
        %shift_right_arithmetic3A_3448 = arith.constant 10 : i32
        %shift_right_arithmetic3A_3449 = vector.broadcast %shift_right_arithmetic3A_3448 : i32 to vector<16xi32>
        %shift_right_arithmetic3A_3450 = arith.shrsi %get3A_3434, %shift_right_arithmetic3A_3449 : vector<16xi32>
        %and3A_3451 = arith.constant 1 : i32
        %and3A_3452 = vector.broadcast %and3A_3451 : i32 to vector<16xi32>
        %and3A_3453 = arith.andi %shift_right_arithmetic3A_3450, %and3A_3452 : vector<16xi32>
        %add3A_3454 = arith.addi %add3A_3447, %and3A_3453 : vector<16xi32>
        %swap3A_3455 = arith.constant 0 : i32
        %swap3A_3456 = arith.constant 3 : i32
        %swap3A_3457 = arith.index_cast %swap3A_3455 : i32 to index
        %swap3A_3458 = arith.index_cast %swap3A_3456 : i32 to index
        %swap3A_3459 = arith.constant 0 : index
        %swap3A_3460 = tpu.vector_load %arg5[%swap3A_3457, %swap3A_3458, %swap3A_3459] {strides = array<i32>} : memref<2x4x128xi32, #tpu.memory_space<vmem>>, vector<1x1x16xi32>,
        %swap3A_3461 = vector.shape_cast %swap3A_3460 : vector<1x1x16xi32> to vector<16xi32>
        %swap3A_3462 = vector.shape_cast %add3A_3454 : vector<16xi32> to vector<1x1x16xi32>
        tpu.vector_store %arg5[%swap3A_3457, %swap3A_3458, %swap3A_3459], %swap3A_3462 {strides = array<i32>} : memref<2x4x128xi32, #tpu.memory_space<vmem>>, vector<1x1x16xi32>,
        %get3A_3463 = arith.constant 0 : i32
        %get3A_3464 = arith.constant 3 : i32
        %get3A_3465 = arith.index_cast %get3A_3463 : i32 to index
        %get3A_3466 = arith.index_cast %get3A_3464 : i32 to index
        %get3A_3467 = arith.constant 16 : index
        %get3A_3468 = tpu.vector_load %arg5[%get3A_3465, %get3A_3466, %get3A_3467] {strides = array<i32>} : memref<2x4x128xi32, #tpu.memory_space<vmem>>, vector<1x1x16xi32>,
        %get3A_3469 = vector.shape_cast %get3A_3468 : vector<1x1x16xi32> to vector<16xi32>
        %shift_right_arithmetic3A_3470 = arith.constant 11 : i32
        %shift_right_arithmetic3A_3471 = vector.broadcast %shift_right_arithmetic3A_3470 : i32 to vector<16xi32>
        %shift_right_arithmetic3A_3472 = arith.shrsi %get3A_3469, %shift_right_arithmetic3A_3471 : vector<16xi32>
        %shift_left3A_3473 = arith.constant 11 : i32
        %shift_left3A_3474 = vector.broadcast %shift_left3A_3473 : i32 to vector<16xi32>
        %shift_left3A_3475 = arith.shli %shift_right_arithmetic3A_3472, %shift_left3A_3474 : vector<16xi32>
        %and3A_3476 = arith.constant 1023 : i32
        %and3A_3477 = vector.broadcast %and3A_3476 : i32 to vector<16xi32>
        %and3A_3478 = arith.andi %get3A_3469, %and3A_3477 : vector<16xi32>
        %shift_left3A_3479 = arith.constant 1 : i32
        %shift_left3A_3480 = vector.broadcast %shift_left3A_3479 : i32 to vector<16xi32>
        %shift_left3A_3481 = arith.shli %and3A_3478, %shift_left3A_3480 : vector<16xi32>
        %add3A_3482 = arith.addi %shift_left3A_3475, %shift_left3A_3481 : vector<16xi32>
        %shift_right_arithmetic3A_3483 = arith.constant 10 : i32
        %shift_right_arithmetic3A_3484 = vector.broadcast %shift_right_arithmetic3A_3483 : i32 to vector<16xi32>
        %shift_right_arithmetic3A_3485 = arith.shrsi %get3A_3469, %shift_right_arithmetic3A_3484 : vector<16xi32>
        %and3A_3486 = arith.constant 1 : i32
        %and3A_3487 = vector.broadcast %and3A_3486 : i32 to vector<16xi32>
        %and3A_3488 = arith.andi %shift_right_arithmetic3A_3485, %and3A_3487 : vector<16xi32>
        %add3A_3489 = arith.addi %add3A_3482, %and3A_3488 : vector<16xi32>
        %swap3A_3490 = arith.constant 0 : i32
        %swap3A_3491 = arith.constant 3 : i32
        %swap3A_3492 = arith.index_cast %swap3A_3490 : i32 to index
        %swap3A_3493 = arith.index_cast %swap3A_3491 : i32 to index
        %swap3A_3494 = arith.constant 16 : index
        %swap3A_3495 = tpu.vector_load %arg5[%swap3A_3492, %swap3A_3493, %swap3A_3494] {strides = array<i32>} : memref<2x4x128xi32, #tpu.memory_space<vmem>>, vector<1x1x16xi32>,
        %swap3A_3496 = vector.shape_cast %swap3A_3495 : vector<1x1x16xi32> to vector<16xi32>
        %swap3A_3497 = vector.shape_cast %add3A_3489 : vector<16xi32> to vector<1x1x16xi32>
        tpu.vector_store %arg5[%swap3A_3492, %swap3A_3493, %swap3A_3494], %swap3A_3497 {strides = array<i32>} : memref<2x4x128xi32, #tpu.memory_space<vmem>>, vector<1x1x16xi32>,
        %get3A_3498 = arith.constant 0 : i32
        %get3A_3499 = arith.constant 3 : i32
        %get3A_3500 = arith.index_cast %get3A_3498 : i32 to index
        %get3A_3501 = arith.index_cast %get3A_3499 : i32 to index
        %get3A_3502 = arith.constant 32 : index
        %get3A_3503 = tpu.vector_load %arg5[%get3A_3500, %get3A_3501, %get3A_3502] {strides = array<i32>} : memref<2x4x128xi32, #tpu.memory_space<vmem>>, vector<1x1x16xi32>,
        %get3A_3504 = vector.shape_cast %get3A_3503 : vector<1x1x16xi32> to vector<16xi32>
        %shift_right_arithmetic3A_3505 = arith.constant 11 : i32
        %shift_right_arithmetic3A_3506 = vector.broadcast %shift_right_arithmetic3A_3505 : i32 to vector<16xi32>
        %shift_right_arithmetic3A_3507 = arith.shrsi %get3A_3504, %shift_right_arithmetic3A_3506 : vector<16xi32>
        %shift_left3A_3508 = arith.constant 11 : i32
        %shift_left3A_3509 = vector.broadcast %shift_left3A_3508 : i32 to vector<16xi32>
        %shift_left3A_3510 = arith.shli %shift_right_arithmetic3A_3507, %shift_left3A_3509 : vector<16xi32>
        %and3A_3511 = arith.constant 1023 : i32
        %and3A_3512 = vector.broadcast %and3A_3511 : i32 to vector<16xi32>
        %and3A_3513 = arith.andi %get3A_3504, %and3A_3512 : vector<16xi32>
        %shift_left3A_3514 = arith.constant 1 : i32
        %shift_left3A_3515 = vector.broadcast %shift_left3A_3514 : i32 to vector<16xi32>
        %shift_left3A_3516 = arith.shli %and3A_3513, %shift_left3A_3515 : vector<16xi32>
        %add3A_3517 = arith.addi %shift_left3A_3510, %shift_left3A_3516 : vector<16xi32>
        %shift_right_arithmetic3A_3518 = arith.constant 10 : i32
        %shift_right_arithmetic3A_3519 = vector.broadcast %shift_right_arithmetic3A_3518 : i32 to vector<16xi32>
        %shift_right_arithmetic3A_3520 = arith.shrsi %get3A_3504, %shift_right_arithmetic3A_3519 : vector<16xi32>
        %and3A_3521 = arith.constant 1 : i32
        %and3A_3522 = vector.broadcast %and3A_3521 : i32 to vector<16xi32>
        %and3A_3523 = arith.andi %shift_right_arithmetic3A_3520, %and3A_3522 : vector<16xi32>
        %add3A_3524 = arith.addi %add3A_3517, %and3A_3523 : vector<16xi32>
        %swap3A_3525 = arith.constant 0 : i32
        %swap3A_3526 = arith.constant 3 : i32
        %swap3A_3527 = arith.index_cast %swap3A_3525 : i32 to index
        %swap3A_3528 = arith.index_cast %swap3A_3526 : i32 to index
        %swap3A_3529 = arith.constant 32 : index
        %swap3A_3530 = tpu.vector_load %arg5[%swap3A_3527, %swap3A_3528, %swap3A_3529] {strides = array<i32>} : memref<2x4x128xi32, #tpu.memory_space<vmem>>, vector<1x1x16xi32>,
        %swap3A_3531 = vector.shape_cast %swap3A_3530 : vector<1x1x16xi32> to vector<16xi32>
        %swap3A_3532 = vector.shape_cast %add3A_3524 : vector<16xi32> to vector<1x1x16xi32>
        tpu.vector_store %arg5[%swap3A_3527, %swap3A_3528, %swap3A_3529], %swap3A_3532 {strides = array<i32>} : memref<2x4x128xi32, #tpu.memory_space<vmem>>, vector<1x1x16xi32>,
        %get3A_3533 = arith.constant 0 : i32
        %get3A_3534 = arith.constant 3 : i32
        %get3A_3535 = arith.index_cast %get3A_3533 : i32 to index
        %get3A_3536 = arith.index_cast %get3A_3534 : i32 to index
        %get3A_3537 = arith.constant 48 : index
        %get3A_3538 = tpu.vector_load %arg5[%get3A_3535, %get3A_3536, %get3A_3537] {strides = array<i32>} : memref<2x4x128xi32, #tpu.memory_space<vmem>>, vector<1x1x16xi32>,
        %get3A_3539 = vector.shape_cast %get3A_3538 : vector<1x1x16xi32> to vector<16xi32>
        %shift_right_arithmetic3A_3540 = arith.constant 11 : i32
        %shift_right_arithmetic3A_3541 = vector.broadcast %shift_right_arithmetic3A_3540 : i32 to vector<16xi32>
        %shift_right_arithmetic3A_3542 = arith.shrsi %get3A_3539, %shift_right_arithmetic3A_3541 : vector<16xi32>
        %shift_left3A_3543 = arith.constant 11 : i32
        %shift_left3A_3544 = vector.broadcast %shift_left3A_3543 : i32 to vector<16xi32>
        %shift_left3A_3545 = arith.shli %shift_right_arithmetic3A_3542, %shift_left3A_3544 : vector<16xi32>
        %and3A_3546 = arith.constant 1023 : i32
        %and3A_3547 = vector.broadcast %and3A_3546 : i32 to vector<16xi32>
        %and3A_3548 = arith.andi %get3A_3539, %and3A_3547 : vector<16xi32>
        %shift_left3A_3549 = arith.constant 1 : i32
        %shift_left3A_3550 = vector.broadcast %shift_left3A_3549 : i32 to vector<16xi32>
        %shift_left3A_3551 = arith.shli %and3A_3548, %shift_left3A_3550 : vector<16xi32>
        %add3A_3552 = arith.addi %shift_left3A_3545, %shift_left3A_3551 : vector<16xi32>
        %shift_right_arithmetic3A_3553 = arith.constant 10 : i32
        %shift_right_arithmetic3A_3554 = vector.broadcast %shift_right_arithmetic3A_3553 : i32 to vector<16xi32>
        %shift_right_arithmetic3A_3555 = arith.shrsi %get3A_3539, %shift_right_arithmetic3A_3554 : vector<16xi32>
        %and3A_3556 = arith.constant 1 : i32
        %and3A_3557 = vector.broadcast %and3A_3556 : i32 to vector<16xi32>
        %and3A_3558 = arith.andi %shift_right_arithmetic3A_3555, %and3A_3557 : vector<16xi32>
        %add3A_3559 = arith.addi %add3A_3552, %and3A_3558 : vector<16xi32>
        %swap3A_3560 = arith.constant 0 : i32
        %swap3A_3561 = arith.constant 3 : i32
        %swap3A_3562 = arith.index_cast %swap3A_3560 : i32 to index
        %swap3A_3563 = arith.index_cast %swap3A_3561 : i32 to index
        %swap3A_3564 = arith.constant 48 : index
        %swap3A_3565 = tpu.vector_load %arg5[%swap3A_3562, %swap3A_3563, %swap3A_3564] {strides = array<i32>} : memref<2x4x128xi32, #tpu.memory_space<vmem>>, vector<1x1x16xi32>,
        %swap3A_3566 = vector.shape_cast %swap3A_3565 : vector<1x1x16xi32> to vector<16xi32>
        %swap3A_3567 = vector.shape_cast %add3A_3559 : vector<16xi32> to vector<1x1x16xi32>
        tpu.vector_store %arg5[%swap3A_3562, %swap3A_3563, %swap3A_3564], %swap3A_3567 {strides = array<i32>} : memref<2x4x128xi32, #tpu.memory_space<vmem>>, vector<1x1x16xi32>,
        %get3A_3568 = arith.constant 0 : i32
        %get3A_3569 = arith.constant 3 : i32
        %get3A_3570 = arith.index_cast %get3A_3568 : i32 to index
        %get3A_3571 = arith.index_cast %get3A_3569 : i32 to index
        %get3A_3572 = arith.constant 64 : index
        %get3A_3573 = tpu.vector_load %arg5[%get3A_3570, %get3A_3571, %get3A_3572] {strides = array<i32>} : memref<2x4x128xi32, #tpu.memory_space<vmem>>, vector<1x1x16xi32>,
        %get3A_3574 = vector.shape_cast %get3A_3573 : vector<1x1x16xi32> to vector<16xi32>
        %shift_right_arithmetic3A_3575 = arith.constant 11 : i32
        %shift_right_arithmetic3A_3576 = vector.broadcast %shift_right_arithmetic3A_3575 : i32 to vector<16xi32>
        %shift_right_arithmetic3A_3577 = arith.shrsi %get3A_3574, %shift_right_arithmetic3A_3576 : vector<16xi32>
        %shift_left3A_3578 = arith.constant 11 : i32
        %shift_left3A_3579 = vector.broadcast %shift_left3A_3578 : i32 to vector<16xi32>
        %shift_left3A_3580 = arith.shli %shift_right_arithmetic3A_3577, %shift_left3A_3579 : vector<16xi32>
        %and3A_3581 = arith.constant 1023 : i32
        %and3A_3582 = vector.broadcast %and3A_3581 : i32 to vector<16xi32>
        %and3A_3583 = arith.andi %get3A_3574, %and3A_3582 : vector<16xi32>
        %shift_left3A_3584 = arith.constant 1 : i32
        %shift_left3A_3585 = vector.broadcast %shift_left3A_3584 : i32 to vector<16xi32>
        %shift_left3A_3586 = arith.shli %and3A_3583, %shift_left3A_3585 : vector<16xi32>
        %add3A_3587 = arith.addi %shift_left3A_3580, %shift_left3A_3586 : vector<16xi32>
        %shift_right_arithmetic3A_3588 = arith.constant 10 : i32
        %shift_right_arithmetic3A_3589 = vector.broadcast %shift_right_arithmetic3A_3588 : i32 to vector<16xi32>
        %shift_right_arithmetic3A_3590 = arith.shrsi %get3A_3574, %shift_right_arithmetic3A_3589 : vector<16xi32>
        %and3A_3591 = arith.constant 1 : i32
        %and3A_3592 = vector.broadcast %and3A_3591 : i32 to vector<16xi32>
        %and3A_3593 = arith.andi %shift_right_arithmetic3A_3590, %and3A_3592 : vector<16xi32>
        %add3A_3594 = arith.addi %add3A_3587, %and3A_3593 : vector<16xi32>
        %swap3A_3595 = arith.constant 0 : i32
        %swap3A_3596 = arith.constant 3 : i32
        %swap3A_3597 = arith.index_cast %swap3A_3595 : i32 to index
        %swap3A_3598 = arith.index_cast %swap3A_3596 : i32 to index
        %swap3A_3599 = arith.constant 64 : index
        %swap3A_3600 = tpu.vector_load %arg5[%swap3A_3597, %swap3A_3598, %swap3A_3599] {strides = array<i32>} : memref<2x4x128xi32, #tpu.memory_space<vmem>>, vector<1x1x16xi32>,
        %swap3A_3601 = vector.shape_cast %swap3A_3600 : vector<1x1x16xi32> to vector<16xi32>
        %swap3A_3602 = vector.shape_cast %add3A_3594 : vector<16xi32> to vector<1x1x16xi32>
        tpu.vector_store %arg5[%swap3A_3597, %swap3A_3598, %swap3A_3599], %swap3A_3602 {strides = array<i32>} : memref<2x4x128xi32, #tpu.memory_space<vmem>>, vector<1x1x16xi32>,
        %get3A_3603 = arith.constant 0 : i32
        %get3A_3604 = arith.constant 3 : i32
        %get3A_3605 = arith.index_cast %get3A_3603 : i32 to index
        %get3A_3606 = arith.index_cast %get3A_3604 : i32 to index
        %get3A_3607 = arith.constant 80 : index
        %get3A_3608 = tpu.vector_load %arg5[%get3A_3605, %get3A_3606, %get3A_3607] {strides = array<i32>} : memref<2x4x128xi32, #tpu.memory_space<vmem>>, vector<1x1x16xi32>,
        %get3A_3609 = vector.shape_cast %get3A_3608 : vector<1x1x16xi32> to vector<16xi32>
        %shift_right_arithmetic3A_3610 = arith.constant 11 : i32
        %shift_right_arithmetic3A_3611 = vector.broadcast %shift_right_arithmetic3A_3610 : i32 to vector<16xi32>
        %shift_right_arithmetic3A_3612 = arith.shrsi %get3A_3609, %shift_right_arithmetic3A_3611 : vector<16xi32>
        %shift_left3A_3613 = arith.constant 11 : i32
        %shift_left3A_3614 = vector.broadcast %shift_left3A_3613 : i32 to vector<16xi32>
        %shift_left3A_3615 = arith.shli %shift_right_arithmetic3A_3612, %shift_left3A_3614 : vector<16xi32>
        %and3A_3616 = arith.constant 1023 : i32
        %and3A_3617 = vector.broadcast %and3A_3616 : i32 to vector<16xi32>
        %and3A_3618 = arith.andi %get3A_3609, %and3A_3617 : vector<16xi32>
        %shift_left3A_3619 = arith.constant 1 : i32
        %shift_left3A_3620 = vector.broadcast %shift_left3A_3619 : i32 to vector<16xi32>
        %shift_left3A_3621 = arith.shli %and3A_3618, %shift_left3A_3620 : vector<16xi32>
        %add3A_3622 = arith.addi %shift_left3A_3615, %shift_left3A_3621 : vector<16xi32>
        %shift_right_arithmetic3A_3623 = arith.constant 10 : i32
        %shift_right_arithmetic3A_3624 = vector.broadcast %shift_right_arithmetic3A_3623 : i32 to vector<16xi32>
        %shift_right_arithmetic3A_3625 = arith.shrsi %get3A_3609, %shift_right_arithmetic3A_3624 : vector<16xi32>
        %and3A_3626 = arith.constant 1 : i32
        %and3A_3627 = vector.broadcast %and3A_3626 : i32 to vector<16xi32>
        %and3A_3628 = arith.andi %shift_right_arithmetic3A_3625, %and3A_3627 : vector<16xi32>
        %add3A_3629 = arith.addi %add3A_3622, %and3A_3628 : vector<16xi32>
        %swap3A_3630 = arith.constant 0 : i32
        %swap3A_3631 = arith.constant 3 : i32
        %swap3A_3632 = arith.index_cast %swap3A_3630 : i32 to index
        %swap3A_3633 = arith.index_cast %swap3A_3631 : i32 to index
        %swap3A_3634 = arith.constant 80 : index
        %swap3A_3635 = tpu.vector_load %arg5[%swap3A_3632, %swap3A_3633, %swap3A_3634] {strides = array<i32>} : memref<2x4x128xi32, #tpu.memory_space<vmem>>, vector<1x1x16xi32>,
        %swap3A_3636 = vector.shape_cast %swap3A_3635 : vector<1x1x16xi32> to vector<16xi32>
        %swap3A_3637 = vector.shape_cast %add3A_3629 : vector<16xi32> to vector<1x1x16xi32>
        tpu.vector_store %arg5[%swap3A_3632, %swap3A_3633, %swap3A_3634], %swap3A_3637 {strides = array<i32>} : memref<2x4x128xi32, #tpu.memory_space<vmem>>, vector<1x1x16xi32>,
        %get3A_3638 = arith.constant 0 : i32
        %get3A_3639 = arith.constant 3 : i32
        %get3A_3640 = arith.index_cast %get3A_3638 : i32 to index
        %get3A_3641 = arith.index_cast %get3A_3639 : i32 to index
        %get3A_3642 = arith.constant 96 : index
        %get3A_3643 = tpu.vector_load %arg5[%get3A_3640, %get3A_3641, %get3A_3642] {strides = array<i32>} : memref<2x4x128xi32, #tpu.memory_space<vmem>>, vector<1x1x16xi32>,
        %get3A_3644 = vector.shape_cast %get3A_3643 : vector<1x1x16xi32> to vector<16xi32>
        %shift_right_arithmetic3A_3645 = arith.constant 11 : i32
        %shift_right_arithmetic3A_3646 = vector.broadcast %shift_right_arithmetic3A_3645 : i32 to vector<16xi32>
        %shift_right_arithmetic3A_3647 = arith.shrsi %get3A_3644, %shift_right_arithmetic3A_3646 : vector<16xi32>
        %shift_left3A_3648 = arith.constant 11 : i32
        %shift_left3A_3649 = vector.broadcast %shift_left3A_3648 : i32 to vector<16xi32>
        %shift_left3A_3650 = arith.shli %shift_right_arithmetic3A_3647, %shift_left3A_3649 : vector<16xi32>
        %and3A_3651 = arith.constant 1023 : i32
        %and3A_3652 = vector.broadcast %and3A_3651 : i32 to vector<16xi32>
        %and3A_3653 = arith.andi %get3A_3644, %and3A_3652 : vector<16xi32>
        %shift_left3A_3654 = arith.constant 1 : i32
        %shift_left3A_3655 = vector.broadcast %shift_left3A_3654 : i32 to vector<16xi32>
        %shift_left3A_3656 = arith.shli %and3A_3653, %shift_left3A_3655 : vector<16xi32>
        %add3A_3657 = arith.addi %shift_left3A_3650, %shift_left3A_3656 : vector<16xi32>
        %shift_right_arithmetic3A_3658 = arith.constant 10 : i32
        %shift_right_arithmetic3A_3659 = vector.broadcast %shift_right_arithmetic3A_3658 : i32 to vector<16xi32>
        %shift_right_arithmetic3A_3660 = arith.shrsi %get3A_3644, %shift_right_arithmetic3A_3659 : vector<16xi32>
        %and3A_3661 = arith.constant 1 : i32
        %and3A_3662 = vector.broadcast %and3A_3661 : i32 to vector<16xi32>
        %and3A_3663 = arith.andi %shift_right_arithmetic3A_3660, %and3A_3662 : vector<16xi32>
        %add3A_3664 = arith.addi %add3A_3657, %and3A_3663 : vector<16xi32>
        %swap3A_3665 = arith.constant 0 : i32
        %swap3A_3666 = arith.constant 3 : i32
        %swap3A_3667 = arith.index_cast %swap3A_3665 : i32 to index
        %swap3A_3668 = arith.index_cast %swap3A_3666 : i32 to index
        %swap3A_3669 = arith.constant 96 : index
        %swap3A_3670 = tpu.vector_load %arg5[%swap3A_3667, %swap3A_3668, %swap3A_3669] {strides = array<i32>} : memref<2x4x128xi32, #tpu.memory_space<vmem>>, vector<1x1x16xi32>,
        %swap3A_3671 = vector.shape_cast %swap3A_3670 : vector<1x1x16xi32> to vector<16xi32>
        %swap3A_3672 = vector.shape_cast %add3A_3664 : vector<16xi32> to vector<1x1x16xi32>
        tpu.vector_store %arg5[%swap3A_3667, %swap3A_3668, %swap3A_3669], %swap3A_3672 {strides = array<i32>} : memref<2x4x128xi32, #tpu.memory_space<vmem>>, vector<1x1x16xi32>,
        %get3A_3673 = arith.constant 0 : i32
        %get3A_3674 = arith.constant 3 : i32
        %get3A_3675 = arith.index_cast %get3A_3673 : i32 to index
        %get3A_3676 = arith.index_cast %get3A_3674 : i32 to index
        %get3A_3677 = arith.constant 112 : index
        %get3A_3678 = tpu.vector_load %arg5[%get3A_3675, %get3A_3676, %get3A_3677] {strides = array<i32>} : memref<2x4x128xi32, #tpu.memory_space<vmem>>, vector<1x1x16xi32>,
        %get3A_3679 = vector.shape_cast %get3A_3678 : vector<1x1x16xi32> to vector<16xi32>
        %shift_right_arithmetic3A_3680 = arith.constant 11 : i32
        %shift_right_arithmetic3A_3681 = vector.broadcast %shift_right_arithmetic3A_3680 : i32 to vector<16xi32>
        %shift_right_arithmetic3A_3682 = arith.shrsi %get3A_3679, %shift_right_arithmetic3A_3681 : vector<16xi32>
        %shift_left3A_3683 = arith.constant 11 : i32
        %shift_left3A_3684 = vector.broadcast %shift_left3A_3683 : i32 to vector<16xi32>
        %shift_left3A_3685 = arith.shli %shift_right_arithmetic3A_3682, %shift_left3A_3684 : vector<16xi32>
        %and3A_3686 = arith.constant 1023 : i32
        %and3A_3687 = vector.broadcast %and3A_3686 : i32 to vector<16xi32>
        %and3A_3688 = arith.andi %get3A_3679, %and3A_3687 : vector<16xi32>
        %shift_left3A_3689 = arith.constant 1 : i32
        %shift_left3A_3690 = vector.broadcast %shift_left3A_3689 : i32 to vector<16xi32>
        %shift_left3A_3691 = arith.shli %and3A_3688, %shift_left3A_3690 : vector<16xi32>
        %add3A_3692 = arith.addi %shift_left3A_3685, %shift_left3A_3691 : vector<16xi32>
        %shift_right_arithmetic3A_3693 = arith.constant 10 : i32
        %shift_right_arithmetic3A_3694 = vector.broadcast %shift_right_arithmetic3A_3693 : i32 to vector<16xi32>
        %shift_right_arithmetic3A_3695 = arith.shrsi %get3A_3679, %shift_right_arithmetic3A_3694 : vector<16xi32>
        %and3A_3696 = arith.constant 1 : i32
        %and3A_3697 = vector.broadcast %and3A_3696 : i32 to vector<16xi32>
        %and3A_3698 = arith.andi %shift_right_arithmetic3A_3695, %and3A_3697 : vector<16xi32>
        %add3A_3699 = arith.addi %add3A_3692, %and3A_3698 : vector<16xi32>
        %swap3A_3700 = arith.constant 0 : i32
        %swap3A_3701 = arith.constant 3 : i32
        %swap3A_3702 = arith.index_cast %swap3A_3700 : i32 to index
        %swap3A_3703 = arith.index_cast %swap3A_3701 : i32 to index
        %swap3A_3704 = arith.constant 112 : index
        %swap3A_3705 = tpu.vector_load %arg5[%swap3A_3702, %swap3A_3703, %swap3A_3704] {strides = array<i32>} : memref<2x4x128xi32, #tpu.memory_space<vmem>>, vector<1x1x16xi32>,
        %swap3A_3706 = vector.shape_cast %swap3A_3705 : vector<1x1x16xi32> to vector<16xi32>
        %swap3A_3707 = vector.shape_cast %add3A_3699 : vector<16xi32> to vector<1x1x16xi32>
        tpu.vector_store %arg5[%swap3A_3702, %swap3A_3703, %swap3A_3704], %swap3A_3707 {strides = array<i32>} : memref<2x4x128xi32, #tpu.memory_space<vmem>>, vector<1x1x16xi32>,
        %dma_start3A_3708 = arith.constant 0 : i32
        %dma_start3A_3709 = arith.constant 0 : i32
        %dma_start3A_3710 = arith.constant 0 : i32
        %dma_start3A_3711 = arith.constant 0 : i32
        %dma_start3A_3712 = arith.constant 0 : i32
        %dma_start3A_3713 = tpu.memref_slice %arg6[%dma_start3A_3710, %dma_start3A_3711, %dma_start3A_3712] : memref<2x512x64xf32, #tpu.memory_space<vmem>> -> memref<1x512x64xf32, #tpu.memory_space<vmem>>
        %dma_start3A_3714 = tpu.memref_squeeze %dma_start3A_3713 : memref<1x512x64xf32, #tpu.memory_space<vmem>> -> memref<512x64xf32, #tpu.memory_space<vmem>>
        %dma_start3A_3715 = arith.constant 0 : i32
        %dma_start3A_3716 = arith.constant 0 : i32
        %dma_start3A_3717 = tpu.memref_slice %dma_start3A_3714[%dma_start3A_3715, %dma_start3A_3716] : memref<512x64xf32, #tpu.memory_space<vmem>> -> memref<128x64xf32, #tpu.memory_space<vmem>>
        %dma_start3A_3718 = arith.constant 0 : i32
        %dma_start3A_3719 = tpu.memref_slice %arg5[%dma_start3A_3708, %dma_start3A_3709, %dma_start3A_3718] : memref<2x4x128xi32, #tpu.memory_space<vmem>> -> memref<1x1x128xi32, #tpu.memory_space<vmem>>
        %dma_start3A_3720 = tpu.memref_squeeze %dma_start3A_3719 : memref<1x1x128xi32, #tpu.memory_space<vmem>> -> memref<128xi32, #tpu.memory_space<vmem>>
        %dma_start3A_3721 = arith.constant 0 : i32
        %dma_start3A_3722 = arith.constant 0 : i32
        %dma_start3A_3723 = tpu.memref_slice %arg3[%dma_start3A_3721, %dma_start3A_3722] : memref<1001472x64xf32, #tpu.memory_space<hbm>> -> memref<1001472x64xf32, #tpu.memory_space<hbm>>
        tpu.enqueue_indirect_dma source(%dma_start3A_3723 : memref<1001472x64xf32, #tpu.memory_space<hbm>>) target(%dma_start3A_3717 : memref<128x64xf32, #tpu.memory_space<vmem>>) offsets(%dma_start3A_3720 : memref<128xi32, #tpu.memory_space<vmem>>) semaphore(%arg7 : memref<!tpu.dma_semaphore, #tpu.memory_space<semaphore_mem>>)
        %dma_start3A_3724 = arith.constant 0 : i32
        %dma_start3A_3725 = arith.constant 1 : i32
        %dma_start3A_3726 = arith.constant 0 : i32
        %dma_start3A_3727 = arith.constant 0 : i32
        %dma_start3A_3728 = arith.constant 0 : i32
        %dma_start3A_3729 = tpu.memref_slice %arg6[%dma_start3A_3726, %dma_start3A_3727, %dma_start3A_3728] : memref<2x512x64xf32, #tpu.memory_space<vmem>> -> memref<1x512x64xf32, #tpu.memory_space<vmem>>
        %dma_start3A_3730 = tpu.memref_squeeze %dma_start3A_3729 : memref<1x512x64xf32, #tpu.memory_space<vmem>> -> memref<512x64xf32, #tpu.memory_space<vmem>>
        %dma_start3A_3731 = arith.constant 128 : i32
        %dma_start3A_3732 = arith.constant 0 : i32
        %dma_start3A_3733 = tpu.memref_slice %dma_start3A_3730[%dma_start3A_3731, %dma_start3A_3732] : memref<512x64xf32, #tpu.memory_space<vmem>> -> memref<128x64xf32, #tpu.memory_space<vmem>>
        %dma_start3A_3734 = arith.constant 0 : i32
        %dma_start3A_3735 = tpu.memref_slice %arg5[%dma_start3A_3724, %dma_start3A_3725, %dma_start3A_3734] : memref<2x4x128xi32, #tpu.memory_space<vmem>> -> memref<1x1x128xi32, #tpu.memory_space<vmem>>
        %dma_start3A_3736 = tpu.memref_squeeze %dma_start3A_3735 : memref<1x1x128xi32, #tpu.memory_space<vmem>> -> memref<128xi32, #tpu.memory_space<vmem>>
        %dma_start3A_3737 = arith.constant 0 : i32
        %dma_start3A_3738 = arith.constant 0 : i32
        %dma_start3A_3739 = tpu.memref_slice %arg3[%dma_start3A_3737, %dma_start3A_3738] : memref<1001472x64xf32, #tpu.memory_space<hbm>> -> memref<1001472x64xf32, #tpu.memory_space<hbm>>
        tpu.enqueue_indirect_dma source(%dma_start3A_3739 : memref<1001472x64xf32, #tpu.memory_space<hbm>>) target(%dma_start3A_3733 : memref<128x64xf32, #tpu.memory_space<vmem>>) offsets(%dma_start3A_3736 : memref<128xi32, #tpu.memory_space<vmem>>) semaphore(%arg7 : memref<!tpu.dma_semaphore, #tpu.memory_space<semaphore_mem>>)
        %dma_start3A_3740 = arith.constant 0 : i32
        %dma_start3A_3741 = arith.constant 2 : i32
        %dma_start3A_3742 = arith.constant 0 : i32
        %dma_start3A_3743 = arith.constant 0 : i32
        %dma_start3A_3744 = arith.constant 0 : i32
        %dma_start3A_3745 = tpu.memref_slice %arg6[%dma_start3A_3742, %dma_start3A_3743, %dma_start3A_3744] : memref<2x512x64xf32, #tpu.memory_space<vmem>> -> memref<1x512x64xf32, #tpu.memory_space<vmem>>
        %dma_start3A_3746 = tpu.memref_squeeze %dma_start3A_3745 : memref<1x512x64xf32, #tpu.memory_space<vmem>> -> memref<512x64xf32, #tpu.memory_space<vmem>>
        %dma_start3A_3747 = arith.constant 256 : i32
        %dma_start3A_3748 = arith.constant 0 : i32
        %dma_start3A_3749 = tpu.memref_slice %dma_start3A_3746[%dma_start3A_3747, %dma_start3A_3748] : memref<512x64xf32, #tpu.memory_space<vmem>> -> memref<128x64xf32, #tpu.memory_space<vmem>>
        %dma_start3A_3750 = arith.constant 0 : i32
        %dma_start3A_3751 = tpu.memref_slice %arg5[%dma_start3A_3740, %dma_start3A_3741, %dma_start3A_3750] : memref<2x4x128xi32, #tpu.memory_space<vmem>> -> memref<1x1x128xi32, #tpu.memory_space<vmem>>
        %dma_start3A_3752 = tpu.memref_squeeze %dma_start3A_3751 : memref<1x1x128xi32, #tpu.memory_space<vmem>> -> memref<128xi32, #tpu.memory_space<vmem>>
        %dma_start3A_3753 = arith.constant 0 : i32
        %dma_start3A_3754 = arith.constant 0 : i32
        %dma_start3A_3755 = tpu.memref_slice %arg3[%dma_start3A_3753, %dma_start3A_3754] : memref<1001472x64xf32, #tpu.memory_space<hbm>> -> memref<1001472x64xf32, #tpu.memory_space<hbm>>
        tpu.enqueue_indirect_dma source(%dma_start3A_3755 : memref<1001472x64xf32, #tpu.memory_space<hbm>>) target(%dma_start3A_3749 : memref<128x64xf32, #tpu.memory_space<vmem>>) offsets(%dma_start3A_3752 : memref<128xi32, #tpu.memory_space<vmem>>) semaphore(%arg7 : memref<!tpu.dma_semaphore, #tpu.memory_space<semaphore_mem>>)
        %dma_start3A_3756 = arith.constant 0 : i32
        %dma_start3A_3757 = arith.constant 3 : i32
        %dma_start3A_3758 = arith.constant 0 : i32
        %dma_start3A_3759 = arith.constant 0 : i32
        %dma_start3A_3760 = arith.constant 0 : i32
        %dma_start3A_3761 = tpu.memref_slice %arg6[%dma_start3A_3758, %dma_start3A_3759, %dma_start3A_3760] : memref<2x512x64xf32, #tpu.memory_space<vmem>> -> memref<1x512x64xf32, #tpu.memory_space<vmem>>
        %dma_start3A_3762 = tpu.memref_squeeze %dma_start3A_3761 : memref<1x512x64xf32, #tpu.memory_space<vmem>> -> memref<512x64xf32, #tpu.memory_space<vmem>>
        %dma_start3A_3763 = arith.constant 384 : i32
        %dma_start3A_3764 = arith.constant 0 : i32
        %dma_start3A_3765 = tpu.memref_slice %dma_start3A_3762[%dma_start3A_3763, %dma_start3A_3764] : memref<512x64xf32, #tpu.memory_space<vmem>> -> memref<128x64xf32, #tpu.memory_space<vmem>>
        %dma_start3A_3766 = arith.constant 0 : i32
        %dma_start3A_3767 = tpu.memref_slice %arg5[%dma_start3A_3756, %dma_start3A_3757, %dma_start3A_3766] : memref<2x4x128xi32, #tpu.memory_space<vmem>> -> memref<1x1x128xi32, #tpu.memory_space<vmem>>
        %dma_start3A_3768 = tpu.memref_squeeze %dma_start3A_3767 : memref<1x1x128xi32, #tpu.memory_space<vmem>> -> memref<128xi32, #tpu.memory_space<vmem>>
        %dma_start3A_3769 = arith.constant 0 : i32
        %dma_start3A_3770 = arith.constant 0 : i32
        %dma_start3A_3771 = tpu.memref_slice %arg3[%dma_start3A_3769, %dma_start3A_3770] : memref<1001472x64xf32, #tpu.memory_space<hbm>> -> memref<1001472x64xf32, #tpu.memory_space<hbm>>
        tpu.enqueue_indirect_dma source(%dma_start3A_3771 : memref<1001472x64xf32, #tpu.memory_space<hbm>>) target(%dma_start3A_3765 : memref<128x64xf32, #tpu.memory_space<vmem>>) offsets(%dma_start3A_3768 : memref<128xi32, #tpu.memory_space<vmem>>) semaphore(%arg7 : memref<!tpu.dma_semaphore, #tpu.memory_space<semaphore_mem>>)
      } else {
      }
      %dma_wait3A_2490 = arith.constant 1 : i32
      %dma_wait3A_2491 = arith.constant 0 : i32
      %dma_wait3A_2492 = arith.constant 0 : i32
      %dma_wait3A_2493 = tpu.memref_slice %arg6[%dma_wait3A_2490, %dma_wait3A_2491, %dma_wait3A_2492] : memref<2x512x64xf32, #tpu.memory_space<vmem>> -> memref<1x512x64xf32, #tpu.memory_space<vmem>>
      %dma_wait3A_2494 = tpu.memref_squeeze %dma_wait3A_2493 : memref<1x512x64xf32, #tpu.memory_space<vmem>> -> memref<512x64xf32, #tpu.memory_space<vmem>>
      %dma_wait3A_2495 = arith.constant 0 : i32
      %dma_wait3A_2496 = arith.constant 0 : i32
      %dma_wait3A_2497 = tpu.memref_slice %dma_wait3A_2494[%dma_wait3A_2495, %dma_wait3A_2496] : memref<512x64xf32, #tpu.memory_space<vmem>> -> memref<128x64xf32, #tpu.memory_space<vmem>>
      %dma_wait3A_2498 = arith.constant 0 : i32
      %dma_wait3A_2499 = arith.constant 0 : i32
      %dma_wait3A_2500 = tpu.memref_slice %arg3[%dma_wait3A_2498, %dma_wait3A_2499] : memref<1001472x64xf32, #tpu.memory_space<hbm>> -> memref<128x64xf32, #tpu.memory_space<hbm>>
      %dma_wait3A_2501 = arith.constant 0 : i32
      %dma_wait3A_2502 = arith.constant 0 : i32
      %dma_wait3A_2503 = tpu.memref_slice %arg6[%dma_wait3A_2490, %dma_wait3A_2501, %dma_wait3A_2502] : memref<2x512x64xf32, #tpu.memory_space<vmem>> -> memref<1x512x64xf32, #tpu.memory_space<vmem>>
      %dma_wait3A_2504 = tpu.memref_squeeze %dma_wait3A_2503 : memref<1x512x64xf32, #tpu.memory_space<vmem>> -> memref<512x64xf32, #tpu.memory_space<vmem>>
      %dma_wait3A_2505 = arith.constant 0 : i32
      %dma_wait3A_2506 = arith.constant 0 : i32
      %dma_wait3A_2507 = tpu.memref_slice %dma_wait3A_2504[%dma_wait3A_2505, %dma_wait3A_2506] : memref<512x64xf32, #tpu.memory_space<vmem>> -> memref<128x64xf32, #tpu.memory_space<vmem>>
      %dma_wait3A_2508 = arith.constant 0 : i32
      %dma_wait3A_2509 = arith.constant 0 : i32
      %dma_wait3A_2510 = tpu.memref_slice %arg3[%dma_wait3A_2508, %dma_wait3A_2509] : memref<1001472x64xf32, #tpu.memory_space<hbm>> -> memref<128x64xf32, #tpu.memory_space<hbm>>
      tpu.wait_dma2 semaphore(%arg8 : memref<!tpu.dma_semaphore, #tpu.memory_space<semaphore_mem>>) src(%dma_wait3A_2510 : memref<128x64xf32, #tpu.memory_space<hbm>>) dst(%dma_wait3A_2507 : memref<128x64xf32, #tpu.memory_space<vmem>>)
      %dma_wait3A_2511 = arith.constant 1 : i32
      %dma_wait3A_2512 = arith.constant 0 : i32
      %dma_wait3A_2513 = arith.constant 0 : i32
      %dma_wait3A_2514 = tpu.memref_slice %arg6[%dma_wait3A_2511, %dma_wait3A_2512, %dma_wait3A_2513] : memref<2x512x64xf32, #tpu.memory_space<vmem>> -> memref<1x512x64xf32, #tpu.memory_space<vmem>>
      %dma_wait3A_2515 = tpu.memref_squeeze %dma_wait3A_2514 : memref<1x512x64xf32, #tpu.memory_space<vmem>> -> memref<512x64xf32, #tpu.memory_space<vmem>>
      %dma_wait3A_2516 = arith.constant 128 : i32
      %dma_wait3A_2517 = arith.constant 0 : i32
      %dma_wait3A_2518 = tpu.memref_slice %dma_wait3A_2515[%dma_wait3A_2516, %dma_wait3A_2517] : memref<512x64xf32, #tpu.memory_space<vmem>> -> memref<128x64xf32, #tpu.memory_space<vmem>>
      %dma_wait3A_2519 = arith.constant 0 : i32
      %dma_wait3A_2520 = arith.constant 0 : i32
      %dma_wait3A_2521 = tpu.memref_slice %arg3[%dma_wait3A_2519, %dma_wait3A_2520] : memref<1001472x64xf32, #tpu.memory_space<hbm>> -> memref<128x64xf32, #tpu.memory_space<hbm>>
      %dma_wait3A_2522 = arith.constant 0 : i32
      %dma_wait3A_2523 = arith.constant 0 : i32
      %dma_wait3A_2524 = tpu.memref_slice %arg6[%dma_wait3A_2511, %dma_wait3A_2522, %dma_wait3A_2523] : memref<2x512x64xf32, #tpu.memory_space<vmem>> -> memref<1x512x64xf32, #tpu.memory_space<vmem>>
      %dma_wait3A_2525 = tpu.memref_squeeze %dma_wait3A_2524 : memref<1x512x64xf32, #tpu.memory_space<vmem>> -> memref<512x64xf32, #tpu.memory_space<vmem>>
      %dma_wait3A_2526 = arith.constant 128 : i32
      %dma_wait3A_2527 = arith.constant 0 : i32
      %dma_wait3A_2528 = tpu.memref_slice %dma_wait3A_2525[%dma_wait3A_2526, %dma_wait3A_2527] : memref<512x64xf32, #tpu.memory_space<vmem>> -> memref<128x64xf32, #tpu.memory_space<vmem>>
      %dma_wait3A_2529 = arith.constant 0 : i32
      %dma_wait3A_2530 = arith.constant 0 : i32
      %dma_wait3A_2531 = tpu.memref_slice %arg3[%dma_wait3A_2529, %dma_wait3A_2530] : memref<1001472x64xf32, #tpu.memory_space<hbm>> -> memref<128x64xf32, #tpu.memory_space<hbm>>
      tpu.wait_dma2 semaphore(%arg8 : memref<!tpu.dma_semaphore, #tpu.memory_space<semaphore_mem>>) src(%dma_wait3A_2531 : memref<128x64xf32, #tpu.memory_space<hbm>>) dst(%dma_wait3A_2528 : memref<128x64xf32, #tpu.memory_space<vmem>>)
      %dma_wait3A_2532 = arith.constant 1 : i32
      %dma_wait3A_2533 = arith.constant 0 : i32
      %dma_wait3A_2534 = arith.constant 0 : i32
      %dma_wait3A_2535 = tpu.memref_slice %arg6[%dma_wait3A_2532, %dma_wait3A_2533, %dma_wait3A_2534] : memref<2x512x64xf32, #tpu.memory_space<vmem>> -> memref<1x512x64xf32, #tpu.memory_space<vmem>>
      %dma_wait3A_2536 = tpu.memref_squeeze %dma_wait3A_2535 : memref<1x512x64xf32, #tpu.memory_space<vmem>> -> memref<512x64xf32, #tpu.memory_space<vmem>>
      %dma_wait3A_2537 = arith.constant 256 : i32
      %dma_wait3A_2538 = arith.constant 0 : i32
      %dma_wait3A_2539 = tpu.memref_slice %dma_wait3A_2536[%dma_wait3A_2537, %dma_wait3A_2538] : memref<512x64xf32, #tpu.memory_space<vmem>> -> memref<128x64xf32, #tpu.memory_space<vmem>>
      %dma_wait3A_2540 = arith.constant 0 : i32
      %dma_wait3A_2541 = arith.constant 0 : i32
      %dma_wait3A_2542 = tpu.memref_slice %arg3[%dma_wait3A_2540, %dma_wait3A_2541] : memref<1001472x64xf32, #tpu.memory_space<hbm>> -> memref<128x64xf32, #tpu.memory_space<hbm>>
      %dma_wait3A_2543 = arith.constant 0 : i32
      %dma_wait3A_2544 = arith.constant 0 : i32
      %dma_wait3A_2545 = tpu.memref_slice %arg6[%dma_wait3A_2532, %dma_wait3A_2543, %dma_wait3A_2544] : memref<2x512x64xf32, #tpu.memory_space<vmem>> -> memref<1x512x64xf32, #tpu.memory_space<vmem>>
      %dma_wait3A_2546 = tpu.memref_squeeze %dma_wait3A_2545 : memref<1x512x64xf32, #tpu.memory_space<vmem>> -> memref<512x64xf32, #tpu.memory_space<vmem>>
      %dma_wait3A_2547 = arith.constant 256 : i32
      %dma_wait3A_2548 = arith.constant 0 : i32
      %dma_wait3A_2549 = tpu.memref_slice %dma_wait3A_2546[%dma_wait3A_2547, %dma_wait3A_2548] : memref<512x64xf32, #tpu.memory_space<vmem>> -> memref<128x64xf32, #tpu.memory_space<vmem>>
      %dma_wait3A_2550 = arith.constant 0 : i32
      %dma_wait3A_2551 = arith.constant 0 : i32
      %dma_wait3A_2552 = tpu.memref_slice %arg3[%dma_wait3A_2550, %dma_wait3A_2551] : memref<1001472x64xf32, #tpu.memory_space<hbm>> -> memref<128x64xf32, #tpu.memory_space<hbm>>
      tpu.wait_dma2 semaphore(%arg8 : memref<!tpu.dma_semaphore, #tpu.memory_space<semaphore_mem>>) src(%dma_wait3A_2552 : memref<128x64xf32, #tpu.memory_space<hbm>>) dst(%dma_wait3A_2549 : memref<128x64xf32, #tpu.memory_space<vmem>>)
      %dma_wait3A_2553 = arith.constant 1 : i32
      %dma_wait3A_2554 = arith.constant 0 : i32
      %dma_wait3A_2555 = arith.constant 0 : i32
      %dma_wait3A_2556 = tpu.memref_slice %arg6[%dma_wait3A_2553, %dma_wait3A_2554, %dma_wait3A_2555] : memref<2x512x64xf32, #tpu.memory_space<vmem>> -> memref<1x512x64xf32, #tpu.memory_space<vmem>>
      %dma_wait3A_2557 = tpu.memref_squeeze %dma_wait3A_2556 : memref<1x512x64xf32, #tpu.memory_space<vmem>> -> memref<512x64xf32, #tpu.memory_space<vmem>>
      %dma_wait3A_2558 = arith.constant 384 : i32
      %dma_wait3A_2559 = arith.constant 0 : i32
      %dma_wait3A_2560 = tpu.memref_slice %dma_wait3A_2557[%dma_wait3A_2558, %dma_wait3A_2559] : memref<512x64xf32, #tpu.memory_space<vmem>> -> memref<128x64xf32, #tpu.memory_space<vmem>>
      %dma_wait3A_2561 = arith.constant 0 : i32
      %dma_wait3A_2562 = arith.constant 0 : i32
      %dma_wait3A_2563 = tpu.memref_slice %arg3[%dma_wait3A_2561, %dma_wait3A_2562] : memref<1001472x64xf32, #tpu.memory_space<hbm>> -> memref<128x64xf32, #tpu.memory_space<hbm>>
      %dma_wait3A_2564 = arith.constant 0 : i32
      %dma_wait3A_2565 = arith.constant 0 : i32
      %dma_wait3A_2566 = tpu.memref_slice %arg6[%dma_wait3A_2553, %dma_wait3A_2564, %dma_wait3A_2565] : memref<2x512x64xf32, #tpu.memory_space<vmem>> -> memref<1x512x64xf32, #tpu.memory_space<vmem>>
      %dma_wait3A_2567 = tpu.memref_squeeze %dma_wait3A_2566 : memref<1x512x64xf32, #tpu.memory_space<vmem>> -> memref<512x64xf32, #tpu.memory_space<vmem>>
      %dma_wait3A_2568 = arith.constant 384 : i32
      %dma_wait3A_2569 = arith.constant 0 : i32
      %dma_wait3A_2570 = tpu.memref_slice %dma_wait3A_2567[%dma_wait3A_2568, %dma_wait3A_2569] : memref<512x64xf32, #tpu.memory_space<vmem>> -> memref<128x64xf32, #tpu.memory_space<vmem>>
      %dma_wait3A_2571 = arith.constant 0 : i32
      %dma_wait3A_2572 = arith.constant 0 : i32
      %dma_wait3A_2573 = tpu.memref_slice %arg3[%dma_wait3A_2571, %dma_wait3A_2572] : memref<1001472x64xf32, #tpu.memory_space<hbm>> -> memref<128x64xf32, #tpu.memory_space<hbm>>
      tpu.wait_dma2 semaphore(%arg8 : memref<!tpu.dma_semaphore, #tpu.memory_space<semaphore_mem>>) src(%dma_wait3A_2573 : memref<128x64xf32, #tpu.memory_space<hbm>>) dst(%dma_wait3A_2570 : memref<128x64xf32, #tpu.memory_space<vmem>>)
      %lt3A_2574 = arith.constant 16 : i32
      %lt3A_2575 = arith.cmpi slt, %add3A, %lt3A_2574 : i32
      %convert_element_type3A_2576 = arith.extui %lt3A_2575 : i1 to i32
      %cond3A_2577 = arith.constant 0 : i32
      %cond3A_2578 = arith.cmpi ne, %convert_element_type3A_2576, %cond3A_2577 : i32
      scf.if %cond3A_2578 {
        %mul3A_2584 = arith.constant 512 : i32
        %mul3A_2585 = arith.muli %add3A_1204, %mul3A_2584 : i32
        %add3A_2586 = arith.addi %mul3A_13, %mul3A_2585 : i32
        %run_scoped3A_2587 = arith.constant 1 : i32
        "tpu.region"() ({
          %run_scoped3A_2588 = tpu.sem_alloc : memref<!tpu.dma_semaphore, #tpu.memory_space<semaphore_mem>>
          %dma_start3A_2589 = arith.constant 0 : i32
          %dma_start3A_2590 = arith.constant 0 : i32
          %dma_start3A_2591 = tpu.memref_slice %arg6[%run_scoped3A_2587, %dma_start3A_2589, %dma_start3A_2590] : memref<2x512x64xf32, #tpu.memory_space<vmem>> -> memref<1x512x64xf32, #tpu.memory_space<vmem>>
          %dma_start3A_2592 = tpu.memref_squeeze %dma_start3A_2591 : memref<1x512x64xf32, #tpu.memory_space<vmem>> -> memref<512x64xf32, #tpu.memory_space<vmem>>
          %dma_start3A_2593 = arith.constant 0 : i32
          %dma_start3A_2594 = tpu.memref_slice %arg4[%add3A_2586, %dma_start3A_2593] : memref<1048576x128xf32, #tpu.memory_space<hbm>> -> memref<512x64xf32, #tpu.memory_space<hbm>>
          %dma_start3A_2595 = arith.constant 0 : i32
          %dma_start3A_2596 = tpu.memref_slice %arg4[%add3A_2586, %dma_start3A_2595] : memref<1048576x128xf32, #tpu.memory_space<hbm>> -> memref<512x64xf32, #tpu.memory_space<hbm>>
          %dma_start3A_2597 = arith.constant 0 : i32
          %dma_start3A_2598 = arith.constant 0 : i32
          %dma_start3A_2599 = tpu.memref_slice %arg6[%run_scoped3A_2587, %dma_start3A_2597, %dma_start3A_2598] : memref<2x512x64xf32, #tpu.memory_space<vmem>> -> memref<1x512x64xf32, #tpu.memory_space<vmem>>
          %dma_start3A_2600 = tpu.memref_squeeze %dma_start3A_2599 : memref<1x512x64xf32, #tpu.memory_space<vmem>> -> memref<512x64xf32, #tpu.memory_space<vmem>>
          tpu.enqueue_dma source(%dma_start3A_2600 : memref<512x64xf32, #tpu.memory_space<vmem>>) target(%dma_start3A_2596 : memref<512x64xf32, #tpu.memory_space<hbm>>) target_semaphore(%run_scoped3A_2588 : memref<!tpu.dma_semaphore, #tpu.memory_space<semaphore_mem>>)
          %dma_wait3A_2601 = arith.constant 0 : i32
          %dma_wait3A_2602 = arith.constant 0 : i32
          %dma_wait3A_2603 = tpu.memref_slice %arg6[%run_scoped3A_2587, %dma_wait3A_2601, %dma_wait3A_2602] : memref<2x512x64xf32, #tpu.memory_space<vmem>> -> memref<1x512x64xf32, #tpu.memory_space<vmem>>
          %dma_wait3A_2604 = tpu.memref_squeeze %dma_wait3A_2603 : memref<1x512x64xf32, #tpu.memory_space<vmem>> -> memref<512x64xf32, #tpu.memory_space<vmem>>
          %dma_wait3A_2605 = arith.constant 0 : i32
          %dma_wait3A_2606 = tpu.memref_slice %arg4[%add3A_2586, %dma_wait3A_2605] : memref<1048576x128xf32, #tpu.memory_space<hbm>> -> memref<512x64xf32, #tpu.memory_space<hbm>>
          %dma_wait3A_2607 = arith.constant 0 : i32
          %dma_wait3A_2608 = tpu.memref_slice %arg4[%add3A_2586, %dma_wait3A_2607] : memref<1048576x128xf32, #tpu.memory_space<hbm>> -> memref<512x64xf32, #tpu.memory_space<hbm>>
          %dma_wait3A_2609 = arith.constant 0 : i32
          %dma_wait3A_2610 = arith.constant 0 : i32
          %dma_wait3A_2611 = tpu.memref_slice %arg6[%run_scoped3A_2587, %dma_wait3A_2609, %dma_wait3A_2610] : memref<2x512x64xf32, #tpu.memory_space<vmem>> -> memref<1x512x64xf32, #tpu.memory_space<vmem>>
          %dma_wait3A_2612 = tpu.memref_squeeze %dma_wait3A_2611 : memref<1x512x64xf32, #tpu.memory_space<vmem>> -> memref<512x64xf32, #tpu.memory_space<vmem>>
          tpu.wait_dma2 semaphore(%run_scoped3A_2588 : memref<!tpu.dma_semaphore, #tpu.memory_space<semaphore_mem>>) src(%dma_wait3A_2612 : memref<512x64xf32, #tpu.memory_space<vmem>>) dst(%dma_wait3A_2608 : memref<512x64xf32, #tpu.memory_space<hbm>>)
          tpu.yield
        }) : () -> ()
      } else {
      }
      %ge3A_2579 = arith.constant 16 : i32
      %ge3A_2580 = arith.cmpi sge, %add3A, %ge3A_2579 : i32
      %convert_element_type3A_2581 = arith.extui %ge3A_2580 : i1 to i32
      %cond3A_2582 = arith.constant 0 : i32
      %cond3A_2583 = arith.cmpi ne, %convert_element_type3A_2581, %cond3A_2582 : i32
      scf.if %cond3A_2583 {
        %mul3A_2584 = arith.constant 512 : i32
        %mul3A_2585 = arith.muli %add3A_1204, %mul3A_2584 : i32
        %add3A_2586 = arith.addi %mul3A_13, %mul3A_2585 : i32
        %run_scoped3A_2587 = arith.constant 1 : i32
        "tpu.region"() ({
          %run_scoped3A_2588 = tpu.sem_alloc : memref<!tpu.dma_semaphore, #tpu.memory_space<semaphore_mem>>
          %dma_start3A_2589 = arith.constant 0 : i32
          %dma_start3A_2590 = arith.constant 0 : i32
          %dma_start3A_2591 = tpu.memref_slice %arg6[%run_scoped3A_2587, %dma_start3A_2589, %dma_start3A_2590] : memref<2x512x64xf32, #tpu.memory_space<vmem>> -> memref<1x512x64xf32, #tpu.memory_space<vmem>>
          %dma_start3A_2592 = tpu.memref_squeeze %dma_start3A_2591 : memref<1x512x64xf32, #tpu.memory_space<vmem>> -> memref<512x64xf32, #tpu.memory_space<vmem>>
          %dma_start3A_2593 = arith.constant 64 : i32
          %dma_start3A_2594 = tpu.memref_slice %arg4[%add3A_2586, %dma_start3A_2593] : memref<1048576x128xf32, #tpu.memory_space<hbm>> -> memref<512x64xf32, #tpu.memory_space<hbm>>
          %dma_start3A_2595 = arith.constant 64 : i32
          %dma_start3A_2596 = tpu.memref_slice %arg4[%add3A_2586, %dma_start3A_2595] : memref<1048576x128xf32, #tpu.memory_space<hbm>> -> memref<512x64xf32, #tpu.memory_space<hbm>>
          %dma_start3A_2597 = arith.constant 0 : i32
          %dma_start3A_2598 = arith.constant 0 : i32
          %dma_start3A_2599 = tpu.memref_slice %arg6[%run_scoped3A_2587, %dma_start3A_2597, %dma_start3A_2598] : memref<2x512x64xf32, #tpu.memory_space<vmem>> -> memref<1x512x64xf32, #tpu.memory_space<vmem>>
          %dma_start3A_2600 = tpu.memref_squeeze %dma_start3A_2599 : memref<1x512x64xf32, #tpu.memory_space<vmem>> -> memref<512x64xf32, #tpu.memory_space<vmem>>
          tpu.enqueue_dma source(%dma_start3A_2600 : memref<512x64xf32, #tpu.memory_space<vmem>>) target(%dma_start3A_2596 : memref<512x64xf32, #tpu.memory_space<hbm>>) target_semaphore(%run_scoped3A_2588 : memref<!tpu.dma_semaphore, #tpu.memory_space<semaphore_mem>>)
          %dma_wait3A_2601 = arith.constant 0 : i32
          %dma_wait3A_2602 = arith.constant 0 : i32
          %dma_wait3A_2603 = tpu.memref_slice %arg6[%run_scoped3A_2587, %dma_wait3A_2601, %dma_wait3A_2602] : memref<2x512x64xf32, #tpu.memory_space<vmem>> -> memref<1x512x64xf32, #tpu.memory_space<vmem>>
          %dma_wait3A_2604 = tpu.memref_squeeze %dma_wait3A_2603 : memref<1x512x64xf32, #tpu.memory_space<vmem>> -> memref<512x64xf32, #tpu.memory_space<vmem>>
          %dma_wait3A_2605 = arith.constant 64 : i32
          %dma_wait3A_2606 = tpu.memref_slice %arg4[%add3A_2586, %dma_wait3A_2605] : memref<1048576x128xf32, #tpu.memory_space<hbm>> -> memref<512x64xf32, #tpu.memory_space<hbm>>
          %dma_wait3A_2607 = arith.constant 64 : i32
          %dma_wait3A_2608 = tpu.memref_slice %arg4[%add3A_2586, %dma_wait3A_2607] : memref<1048576x128xf32, #tpu.memory_space<hbm>> -> memref<512x64xf32, #tpu.memory_space<hbm>>
          %dma_wait3A_2609 = arith.constant 0 : i32
          %dma_wait3A_2610 = arith.constant 0 : i32
          %dma_wait3A_2611 = tpu.memref_slice %arg6[%run_scoped3A_2587, %dma_wait3A_2609, %dma_wait3A_2610] : memref<2x512x64xf32, #tpu.memory_space<vmem>> -> memref<1x512x64xf32, #tpu.memory_space<vmem>>
          %dma_wait3A_2612 = tpu.memref_squeeze %dma_wait3A_2611 : memref<1x512x64xf32, #tpu.memory_space<vmem>> -> memref<512x64xf32, #tpu.memory_space<vmem>>
          tpu.wait_dma2 semaphore(%run_scoped3A_2588 : memref<!tpu.dma_semaphore, #tpu.memory_space<semaphore_mem>>) src(%dma_wait3A_2612 : memref<512x64xf32, #tpu.memory_space<vmem>>) dst(%dma_wait3A_2608 : memref<512x64xf32, #tpu.memory_space<hbm>>)
          tpu.yield
        }) : () -> ()
      } else {
      }
    }
    %scan3A_1199 = arith.constant 64 : i32
    return
  }
}

module attributes {stable_mosaic.version = 14 : i64} {
  func.func @_tc_transpose_body(%arg0: i32, %arg1: memref<64x2048xf32, #tpu.memory_space<vmem>>, %arg2: memref<1024x128xf32, #tpu.memory_space<vmem>>) attributes {dimension_semantics = [#tpu.dimension_semantics<arbitrary>], iteration_bounds = array<i64: 489>, scalar_prefetch = 0 : i64, scratch_operands = 0 : i64, tpu.core_type = #tpu.core_type<tc>, window_params = [{transform_indices = @transform_0, window_bounds = array<i64: 64, 2048>}, {transform_indices = @transform_1, window_bounds = array<i64: 1024, 128>}]} {
    %get3A = arith.constant 0 : index
    %get3A_0 = arith.constant 0 : index
    %get3A_1 = vector.load %arg1[%get3A, %get3A_0] : memref<64x2048xf32, #tpu.memory_space<vmem>>, vector<64x2048xf32>
    %transpose3A = tpu.transpose %get3A_1, [1, 0] : vector<64x2048xf32> -> vector<2048x64xf32>
    %slice3A = vector.extract_strided_slice %transpose3A {offsets = [0, 0], sizes = [1024, 64], strides = [1, 1]} : vector<2048x64xf32> to vector<1024x64xf32>
    %slice3A_2 = vector.extract_strided_slice %transpose3A {offsets = [1024, 0], sizes = [1024, 64], strides = [1, 1]} : vector<2048x64xf32> to vector<1024x64xf32>
    %concatenate3A = tpu.concatenate %slice3A, %slice3A_2 in 1 : vector<1024x64xf32>, vector<1024x64xf32> -> vector<1024x128xf32>
    %swap3A = arith.constant 0 : index
    %swap3A_3 = arith.constant 0 : index
    %swap3A_4 = vector.load %arg2[%swap3A, %swap3A_3] : memref<1024x128xf32, #tpu.memory_space<vmem>>, vector<1024x128xf32>
    tpu.vector_store %arg2[%swap3A, %swap3A_3], %concatenate3A {strides = array<i32>} : memref<1024x128xf32, #tpu.memory_space<vmem>>, vector<1024x128xf32>,
    return
  }
  func.func @transform_0(%arg0: i32) -> (i32, i32) {
    %c0_i32 = arith.constant 0 : i32
    %c0_i32_0 = arith.constant 0 : i32
    return %c0_i32, %arg0 : i32, i32
  }
  func.func @transform_1(%arg0: i32) -> (i32, i32) {
    %c0_i32 = arith.constant 0 : i32
    %c0_i32_0 = arith.constant 0 : i32
    return %arg0, %c0_i32 : i32, i32
  }
}

module attributes {stable_mosaic.version = 14 : i64} {
  func.func @_tc_combine_body(%arg0: i32, %arg1: memref<2x1x1x2048xi32, #tpu.memory_space<vmem>>, %arg2: memref<2x1x16x2048xf32, #tpu.memory_space<vmem>>, %arg3: memref<2048x128xf32, #tpu.memory_space<vmem>>, %arg4: memref<64x128xf32, #tpu.memory_space<vmem>>, %arg5: memref<64x16xf32, #tpu.memory_space<vmem>>, %arg6: memref<2x1x64x2048xf32, #tpu.memory_space<vmem>>) attributes {dimension_semantics = [#tpu.dimension_semantics<arbitrary>], iteration_bounds = array<i64: 512>, scalar_prefetch = 0 : i64, scratch_operands = 0 : i64, tpu.core_type = #tpu.core_type<tc>, window_params = [{transform_indices = @transform_0, window_bounds = array<i64: 2, 1, 1, 2048>}, {transform_indices = @transform_1, window_bounds = array<i64: 2, 1, 16, 2048>}, {transform_indices = @transform_2, window_bounds = array<i64: 2048, 128>}, {pipeline_mode = #tpu.pipeline_mode<synchronous>, transform_indices = @transform_3, window_bounds = array<i64: 64, 128>}, {pipeline_mode = #tpu.pipeline_mode<synchronous>, transform_indices = @transform_4, window_bounds = array<i64: 64, 16>}, {transform_indices = @transform_5, window_bounds = array<i64: 2, 1, 64, 2048>}]} {
    %get3A = arith.constant 0 : index
    %get3A_0 = arith.constant 0 : index
    %get3A_1 = vector.load %arg3[%get3A, %get3A_0] : memref<2048x128xf32, #tpu.memory_space<vmem>>, vector<2048x128xf32>
    %get3A_2 = arith.constant 0 : index
    %get3A_3 = arith.constant 0 : index
    %get3A_4 = arith.constant 0 : index
    %get3A_5 = arith.constant 0 : index
    %get3A_6 = vector.load %arg1[%get3A_2, %get3A_3, %get3A_4, %get3A_5] : memref<2x1x1x2048xi32, #tpu.memory_space<vmem>>, vector<1x1x1x2048xi32>
    %get3A_7 = vector.shape_cast %get3A_6 : vector<1x1x1x2048xi32> to vector<2048xi32>
    %iota3A = tpu.iota {dimensions = array<i32: 0>} : vector<128x2048xi32>
    %broadcast_in_dim3A = vector.shape_cast %get3A_7 : vector<2048xi32> to vector<1x2048xi32>
    %eq3A = vector.broadcast %broadcast_in_dim3A : vector<1x2048xi32> to vector<128x2048xi32>
    %eq3A_8 = arith.cmpi eq, %iota3A, %eq3A : vector<128x2048xi32>
    %convert_element_type3A = arith.extui %eq3A_8 : vector<128x2048xi1> to vector<128x2048xi32>
    %convert_element_type3A_9 = arith.sitofp %convert_element_type3A : vector<128x2048xi32> to vector<128x2048xf32>
    %get3A_10 = arith.constant 0 : index
    %get3A_11 = arith.constant 0 : index
    %get3A_12 = vector.load %arg4[%get3A_10, %get3A_11] : memref<64x128xf32, #tpu.memory_space<vmem>>, vector<64x128xf32>
    %dot_general3A = arith.constant dense<0.000000e+00> : vector<64x2048xf32>
    %dot_general3A_13 = tpu.matmul %get3A_12, %convert_element_type3A_9, %dot_general3A {dimension_numbers = #tpu.dot_dimension_numbers<[1], [0], [0], [1], [0, 0, 1, 1], [], []>, transpose_lhs_hint = false} : vector<64x128xf32>, vector<128x2048xf32>, vector<64x2048xf32> -> vector<64x2048xf32>
    %get3A_14 = arith.constant 0 : index
    %get3A_15 = arith.constant 0 : index
    %get3A_16 = vector.load %arg5[%get3A_14, %get3A_15] : memref<64x16xf32, #tpu.memory_space<vmem>>, vector<64x16xf32>
    %get3A_17 = arith.constant 0 : index
    %get3A_18 = arith.constant 0 : index
    %get3A_19 = arith.constant 0 : index
    %get3A_20 = arith.constant 0 : index
    %get3A_21 = vector.load %arg2[%get3A_17, %get3A_18, %get3A_19, %get3A_20] : memref<2x1x16x2048xf32, #tpu.memory_space<vmem>>, vector<1x1x16x2048xf32>
    %get3A_22 = vector.shape_cast %get3A_21 : vector<1x1x16x2048xf32> to vector<16x2048xf32>
    %dot_general3A_23 = arith.constant dense<0.000000e+00> : vector<64x2048xf32>
    %dot_general3A_24 = tpu.matmul %get3A_16, %get3A_22, %dot_general3A_23 {dimension_numbers = #tpu.dot_dimension_numbers<[1], [0], [0], [1], [0, 0, 1, 1], [], []>, transpose_lhs_hint = false} : vector<64x16xf32>, vector<16x2048xf32>, vector<64x2048xf32> -> vector<64x2048xf32>
    %add3A = arith.addf %dot_general3A_13, %dot_general3A_24 : vector<64x2048xf32>
    %slice3A = vector.extract_strided_slice %get3A_1 {offsets = [0, 0], sizes = [2048, 64], strides = [1, 1]} : vector<2048x128xf32> to vector<2048x64xf32>
    %transpose3A = tpu.transpose %slice3A, [1, 0] : vector<2048x64xf32> -> vector<64x2048xf32>
    %add3A_25 = arith.addf %add3A, %transpose3A : vector<64x2048xf32>
    %swap3A = arith.constant 0 : index
    %swap3A_26 = arith.constant 0 : index
    %swap3A_27 = arith.constant 0 : index
    %swap3A_28 = arith.constant 0 : index
    %swap3A_29 = vector.load %arg6[%swap3A, %swap3A_26, %swap3A_27, %swap3A_28] : memref<2x1x64x2048xf32, #tpu.memory_space<vmem>>, vector<1x1x64x2048xf32>
    %swap3A_30 = vector.shape_cast %swap3A_29 : vector<1x1x64x2048xf32> to vector<64x2048xf32>
    %swap3A_31 = vector.shape_cast %add3A_25 : vector<64x2048xf32> to vector<1x1x64x2048xf32>
    tpu.vector_store %arg6[%swap3A, %swap3A_26, %swap3A_27, %swap3A_28], %swap3A_31 {strides = array<i32>} : memref<2x1x64x2048xf32, #tpu.memory_space<vmem>>, vector<1x1x64x2048xf32>,
    %get3A_32 = arith.constant 1 : index
    %get3A_33 = arith.constant 0 : index
    %get3A_34 = arith.constant 0 : index
    %get3A_35 = arith.constant 0 : index
    %get3A_36 = vector.load %arg1[%get3A_32, %get3A_33, %get3A_34, %get3A_35] : memref<2x1x1x2048xi32, #tpu.memory_space<vmem>>, vector<1x1x1x2048xi32>
    %get3A_37 = vector.shape_cast %get3A_36 : vector<1x1x1x2048xi32> to vector<2048xi32>
    %iota3A_38 = tpu.iota {dimensions = array<i32: 0>} : vector<128x2048xi32>
    %broadcast_in_dim3A_39 = vector.shape_cast %get3A_37 : vector<2048xi32> to vector<1x2048xi32>
    %eq3A_40 = vector.broadcast %broadcast_in_dim3A_39 : vector<1x2048xi32> to vector<128x2048xi32>
    %eq3A_41 = arith.cmpi eq, %iota3A_38, %eq3A_40 : vector<128x2048xi32>
    %convert_element_type3A_42 = arith.extui %eq3A_41 : vector<128x2048xi1> to vector<128x2048xi32>
    %convert_element_type3A_43 = arith.sitofp %convert_element_type3A_42 : vector<128x2048xi32> to vector<128x2048xf32>
    %get3A_44 = arith.constant 0 : index
    %get3A_45 = arith.constant 0 : index
    %get3A_46 = vector.load %arg4[%get3A_44, %get3A_45] : memref<64x128xf32, #tpu.memory_space<vmem>>, vector<64x128xf32>
    %dot_general3A_47 = arith.constant dense<0.000000e+00> : vector<64x2048xf32>
    %dot_general3A_48 = tpu.matmul %get3A_46, %convert_element_type3A_43, %dot_general3A_47 {dimension_numbers = #tpu.dot_dimension_numbers<[1], [0], [0], [1], [0, 0, 1, 1], [], []>, transpose_lhs_hint = false} : vector<64x128xf32>, vector<128x2048xf32>, vector<64x2048xf32> -> vector<64x2048xf32>
    %get3A_49 = arith.constant 0 : index
    %get3A_50 = arith.constant 0 : index
    %get3A_51 = vector.load %arg5[%get3A_49, %get3A_50] : memref<64x16xf32, #tpu.memory_space<vmem>>, vector<64x16xf32>
    %get3A_52 = arith.constant 1 : index
    %get3A_53 = arith.constant 0 : index
    %get3A_54 = arith.constant 0 : index
    %get3A_55 = arith.constant 0 : index
    %get3A_56 = vector.load %arg2[%get3A_52, %get3A_53, %get3A_54, %get3A_55] : memref<2x1x16x2048xf32, #tpu.memory_space<vmem>>, vector<1x1x16x2048xf32>
    %get3A_57 = vector.shape_cast %get3A_56 : vector<1x1x16x2048xf32> to vector<16x2048xf32>
    %dot_general3A_58 = arith.constant dense<0.000000e+00> : vector<64x2048xf32>
    %dot_general3A_59 = tpu.matmul %get3A_51, %get3A_57, %dot_general3A_58 {dimension_numbers = #tpu.dot_dimension_numbers<[1], [0], [0], [1], [0, 0, 1, 1], [], []>, transpose_lhs_hint = false} : vector<64x16xf32>, vector<16x2048xf32>, vector<64x2048xf32> -> vector<64x2048xf32>
    %add3A_60 = arith.addf %dot_general3A_48, %dot_general3A_59 : vector<64x2048xf32>
    %slice3A_61 = vector.extract_strided_slice %get3A_1 {offsets = [0, 64], sizes = [2048, 64], strides = [1, 1]} : vector<2048x128xf32> to vector<2048x64xf32>
    %transpose3A_62 = tpu.transpose %slice3A_61, [1, 0] : vector<2048x64xf32> -> vector<64x2048xf32>
    %add3A_63 = arith.addf %add3A_60, %transpose3A_62 : vector<64x2048xf32>
    %swap3A_64 = arith.constant 1 : index
    %swap3A_65 = arith.constant 0 : index
    %swap3A_66 = arith.constant 0 : index
    %swap3A_67 = arith.constant 0 : index
    %swap3A_68 = vector.load %arg6[%swap3A_64, %swap3A_65, %swap3A_66, %swap3A_67] : memref<2x1x64x2048xf32, #tpu.memory_space<vmem>>, vector<1x1x64x2048xf32>
    %swap3A_69 = vector.shape_cast %swap3A_68 : vector<1x1x64x2048xf32> to vector<64x2048xf32>
    %swap3A_70 = vector.shape_cast %add3A_63 : vector<64x2048xf32> to vector<1x1x64x2048xf32>
    tpu.vector_store %arg6[%swap3A_64, %swap3A_65, %swap3A_66, %swap3A_67], %swap3A_70 {strides = array<i32>} : memref<2x1x64x2048xf32, #tpu.memory_space<vmem>>, vector<1x1x64x2048xf32>,
    return
  }
  func.func @transform_0(%arg0: i32) -> (i32, i32, i32, i32) {
    %c0_i32 = arith.constant 0 : i32
    %c0_i32_0 = arith.constant 0 : i32
    %c0_i32_1 = arith.constant 0 : i32
    %c0_i32_2 = arith.constant 0 : i32
    return %c0_i32, %arg0, %c0_i32_0, %c0_i32_1 : i32, i32, i32, i32
  }
  func.func @transform_1(%arg0: i32) -> (i32, i32, i32, i32) {
    %c0_i32 = arith.constant 0 : i32
    %c0_i32_0 = arith.constant 0 : i32
    %c0_i32_1 = arith.constant 0 : i32
    %c0_i32_2 = arith.constant 0 : i32
    return %c0_i32, %arg0, %c0_i32_0, %c0_i32_1 : i32, i32, i32, i32
  }
  func.func @transform_2(%arg0: i32) -> (i32, i32) {
    %c0_i32 = arith.constant 0 : i32
    %c0_i32_0 = arith.constant 0 : i32
    return %arg0, %c0_i32 : i32, i32
  }
  func.func @transform_3(%arg0: i32) -> (i32, i32) {
    %c0_i32 = arith.constant 0 : i32
    %c0_i32_0 = arith.constant 0 : i32
    %c0_i32_1 = arith.constant 0 : i32
    return %c0_i32, %c0_i32_0 : i32, i32
  }
  func.func @transform_4(%arg0: i32) -> (i32, i32) {
    %c0_i32 = arith.constant 0 : i32
    %c0_i32_0 = arith.constant 0 : i32
    %c0_i32_1 = arith.constant 0 : i32
    return %c0_i32, %c0_i32_0 : i32, i32
  }
  func.func @transform_5(%arg0: i32) -> (i32, i32, i32, i32) {
    %c0_i32 = arith.constant 0 : i32
    %c0_i32_0 = arith.constant 0 : i32
    %c0_i32_1 = arith.constant 0 : i32
    %c0_i32_2 = arith.constant 0 : i32
    return %c0_i32, %arg0, %c0_i32_0, %c0_i32_1 : i32, i32, i32, i32
  }
}

</mosaic_0001>

<sc_bundles>
// kernel: kernel.5.cloned.1.call-start
scs
__scs_entry_jumppad:
0x0: {  	(pc) =	sbr.rel $0x88, $3  }
0x1: {  	(tag) =	ssettag $0x0;
	lr =	simm.s32 $0x1  }
0x2: {  	[smem:$0x3F9B] =	sst lr;
	_ =	strace $0xD0000000  }
0x3: {  	_ = 	snop  }
0x4: {  	_ = 	snop  }
0x5: {  	_ = 	snop  }
0x6: {  	_ = 	snop  }
0x7: {  	_ = 	snop  }
__scs_overlays_trampoline_lowered:
0x8: {  	[smem:$0x3FAA] =	sst s0  }
0x9: {  	[smem:$0x3FAB] =	sst s1  }
0xa: {  	[smem:$0x3FAC] =	sst s2  }
0xb: {  	[smem:$0x3FAD] =	sst s3  }
0xc: {  	[smem:$0x3FAE] =	sst s4  }
0xd: {  	[smem:$0x3FAF] =	sst s5  }
0xe: {  	[smem:$0x3FB0] =	sst s6  }
0xf: {  	[smem:$0x3FB1] =	sst s7  }
0x10: {  	[smem:$0x3FB2] =	sst s8  }
0x11: {  	[smem:$0x3FB3] =	sst s9;
	s0 =	simm.s32 @!p0 $0x0  }
0x12: {  	s1 =	sld [smem:$0x3F99];
	s0 =	simm.s32 @p0 $0x1  }
0x13: {  	[smem:$0x3FB4] =	sst s0;
	s0 =	simm.s32 @!p1 $0x0  }
0x14: {  	s2 =	sld [smem:$0x3F98];
	s0 =	simm.s32 @p1 $0x1  }
0x15: {  	[smem:$0x3FB5] =	sst s0;
	s0 =	simm.s32 @!p2 $0x0  }
0x16: {  	s3 =	sld [smem:$0x3FDB];
	s0 =	simm.s32 @p2 $0x1  }
0x17: {  	s4 =	simm.s32 $0x1BF5;
	[smem:$0x3FB7] =	sst s0  }
0x18: {  	s0 =	sld [smem:$0x3F9A];
	_ =	swait.ge [sflag:s4], $0x0  }
0x19: {  	s7 =	sld [smem:$0x3F9B]  }
0x1a: {  	s8 =	sadd.s32 $0xFFFFE003, lr  }
0x1b: {  	s9 =	sadd.s32 $0xFFFFFEF7, lr;
	s5 =	simm.s32 $0xFFFFFFFF;
	p2 =	slt.u32 s8, $0xFFFFF086  }
0x1c: {  	p1 =	slt.u32 s9, $0xF7A;
	s5 =	simm.s32 @!p2 $0x0  }
0x1d: {  	s5 =	simm.s32 @p1 $0x1;
	p0 =	seq.s32 s7, s2  }
0x1e: {  	s7 =	smul.u32 @!p0 $0xF7A, s2;
	p2 =	seq.s32 @!p0 s5, $0x0  }
0x1f: {  	s9 =	smul.u32 $0xF7A, s1;
	s8 =	simm.s32 @!p0 $0x1BF5;
	p2 =	por !p2, p0  }
0x20: {  	[sflag:s8] =	ssyncset.s32 @!p0 $0xFFFFF086;
	s6 =	sadd.s32 @!p0 s3, s7;
	s7 =	simm.s32 @!p0 $0x108  }
0x21: {  	s3 =	sadd.s32 s3, s9;
	s6 =	sadd.s32 @!p0 $0x88, s6;
	s7 =	simm.s32 @p2 $0x1082  }
0x22: {  	[simem:s7], [sflag:s8] =	dma.local @!p0 [hbm:s6], $0xF7A  }
0x23: {  	s9 =	sor.u32 $0xD0000000, s2;
	s6 =	simm.s32 $0x108;
	_ =	swait.ge @!p0 [sflag:s8], $0x0  }
0x24: {  	s3 =	sadd.s32 $0x88, s3;
	s6 =	simm.s32 @!p1 $0x1082;
	[sflag:s4] =	ssyncset.s32 $0xFFFFF086  }
0x25: {  	[simem:s6], [sflag:s4] =	dma.local [hbm:s3], $0xF7A  }
0x26: {  	[smem:$0x3F9B] =	sst s1;
	(tag) =	ssettag s2;
	_ =	strace s9  }
0x27: {  	s1 =	sld [smem:$0x3FAB]  }
0x28: {  	s2 =	sld [smem:$0x3FAC]  }
0x29: {  	s4 =	sld [smem:$0x3FAE]  }
0x2a: {  	p0 =	seq.s32 s5, $0x0;
	s5 =	sld [smem:$0x3FAF]  }
0x2b: {  	s6 =	sld [smem:$0x3FB0]  }
0x2c: {  	s7 =	sld [smem:$0x3FB1]  }
0x2d: {  	s3 =	simm.s32 $0x108;
	s8 =	sld [smem:$0x3FB2]  }
0x2e: {  	s3 =	simm.s32 @!p0 $0x1082;
	s9 =	sld [smem:$0x3FB3]  }
0x2f: {  	lr =	sadd.s32 s0, s3;
	s0 =	sld [smem:$0x3FAA]  }
0x30: {  	s3 =	sld [smem:$0x3FAD]  }
0x31: {  	[smem:$0x3FB6] =	sst s10  }
0x32: {  	s10 =	sld [smem:$0x3FB4];
	_ =	sdelay $0x3  }
0x33: {  	p0 =	seq.s32 s10, $0x1;
	s10 =	sld [smem:$0x3FB6];
	_ =	sdelay $0x3  }
0x34: {  	[smem:$0x3FB6] =	sst s10  }
0x35: {  	s10 =	sld [smem:$0x3FB5];
	_ =	sdelay $0x3  }
0x36: {  	p1 =	seq.s32 s10, $0x1;
	s10 =	sld [smem:$0x3FB6];
	_ =	sdelay $0x3  }
0x37: {  	[smem:$0x3FB6] =	sst s10  }
0x38: {  	s10 =	sld [smem:$0x3FB7]  }
0x39: {  	_ = 	snop;
	(pc) =	sbr.ind lr, $3  }
0x3a: {  	_ = 	snop  }
0x3b: {  	_ = 	snop  }
0x3c: {  	p2 =	seq.s32 s10, $0x1;
	s10 =	sld [smem:$0x3FB6]  }
0x3d: {  	_ =	shalt  }
0x3e: {  	_ =	shalt  }
0x3f: {  	_ =	shalt  }
0x40: {  	_ =	shalt  }
0x41: {  	_ =	shalt  }
0x42: {  	_ =	shalt  }
0x43: {  	_ =	shalt  }
0x44: {  	_ =	shalt  }
0x45: {  	_ =	shalt  }
0x46: {  	_ =	shalt  }
0x47: {  	_ =	shalt  }
0x48: {  	_ =	shalt  }
0x49: {  	_ =	shalt  }
0x4a: {  	_ =	shalt  }
0x4b: {  	_ =	shalt  }
0x4c: {  	_ =	shalt  }
0x4d: {  	_ =	shalt  }
0x4e: {  	_ =	shalt  }
0x4f: {  	_ =	shalt  }
0x50: {  	_ =	shalt  }
0x51: {  	_ =	shalt  }
0x52: {  	_ =	shalt  }
0x53: {  	_ =	shalt  }
0x54: {  	_ =	shalt  }
0x55: {  	_ =	shalt  }
0x56: {  	_ =	shalt  }
0x57: {  	_ =	shalt  }
0x58: {  	_ =	shalt  }
0x59: {  	_ =	shalt  }
0x5a: {  	_ =	shalt  }
0x5b: {  	_ =	shalt  }
0x5c: {  	_ =	shalt  }
0x5d: {  	_ =	shalt  }
0x5e: {  	_ =	shalt  }
0x5f: {  	_ =	shalt  }
0x60: {  	_ =	shalt  }
0x61: {  	_ =	shalt  }
0x62: {  	_ =	shalt  }
0x63: {  	_ =	shalt  }
0x64: {  	_ =	shalt  }
0x65: {  	_ =	shalt  }
0x66: {  	_ =	shalt  }
0x67: {  	_ =	shalt  }
0x68: {  	_ =	shalt  }
0x69: {  	_ =	shalt  }
0x6a: {  	_ =	shalt  }
0x6b: {  	_ =	shalt  }
0x6c: {  	_ =	shalt  }
0x6d: {  	_ =	shalt  }
0x6e: {  	_ =	shalt  }
0x6f: {  	_ =	shalt  }
0x70: {  	_ =	shalt  }
0x71: {  	_ =	shalt  }
0x72: {  	_ =	shalt  }
0x73: {  	_ =	shalt  }
0x74: {  	_ =	shalt  }
0x75: {  	_ =	shalt  }
0x76: {  	_ =	shalt  }
0x77: {  	_ =	shalt  }
0x78: {  	_ =	shalt  }
0x79: {  	_ =	shalt  }
0x7a: {  	_ =	shalt  }
0x7b: {  	_ =	shalt  }
0x7c: {  	_ =	shalt  }
0x7d: {  	_ =	shalt  }
0x7e: {  	_ =	shalt  }
0x7f: {  	_ =	shalt  }
0x80: {  	_ =	shalt  }
0x81: {  	_ =	shalt  }
0x82: {  	_ =	shalt  }
0x83: {  	_ =	shalt  }
0x84: {  	_ =	shalt  }
0x85: {  	_ =	shalt  }
0x86: {  	_ =	shalt  }
0x87: {  	_ =	shalt  }
.Lfunc_end0:
.L_simem_size_0:
called_computation_lowered:
.L_overlay_start_0:
0x88: {  	s2 =	sld [smem:$0x3FD9]  }
0x89: {  	s3 =	sld [smem:$0x3FFE];
	_ =	sdelay $0x1  }
0x8a: {  	s1 =	srdreg.scid  }
0x8b: {  	s0 =	sand.u32 $0x1, s1  }
0x8c: {  	s17 =	sshll.u32 s0, $0xA;
	s2 =	sadd.s32 s3, s2  }
0x8d: {  	s2 =	sadd.s32 s2, s17  }
0x8e: {  	[smem:$0x3FC2] =	sst s2  }
0x8f: {  	_ = 	snop  }
0x90: {  	s2 =	sld [smem:$0x3FD0];
	(tm) =	ssettm $0x1  }
0x91: {  	s18 =	sld [smem:$0x3FFB];
	_ =	sdelay $0x3  }
0x92: {  	_ =	strace s18  }
0x93: {  	s3 =	sld [smem:$0x3FFC];
	_ =	sdelay $0x3  }
0x94: {  	_ =	strace s3  }
0x95: {  	s3 =	sld [smem:$0x3FFD];
	_ =	sdelay $0x3  }
0x96: {  	_ =	strace s3  }
0x97: {  	_ =	strace $0x8FFFFFFF  }
0x98: {  	s19 =	sld [smem:$0x3FDB];
	_ =	sdelay $0x1  }
0x99: {  	s4 =	simm.s32 $_scs_section_size  }
0x9a: {  	s5 =	simm.s32 $_size__tile_overlayer_lowered;
	s6 =	simm.s32 $_tile_overlayer_lowered  }
0x9b: {  	s22 =	simm.s32 $0x1BFF;
	s21 =	sshll.u32 s6, $0x1;
	s3 =	sadd.s32 s4, s19  }
0x9c: {  	s7 =	simm.s32 $0x0;
	s20 =	sshll.u32 s5, $0x1;
	s5 =	sadd.s32 s21, s3  }
0x9d: {  	[timem:s7], [sflag:s22] =	dma.local [hbm:s5], s20  }
0x9e: {  	_ =	swait.ge [sflag:s22], s20  }
0x9f: {  	s4 =	ssub.s32 $0x0, s20;
	[sflag:s22] =	ssyncset.done $0x0  }
0xa0: {  	[sflag:s22] =	ssyncadd.s32 s4;
	_ =	sdelay $0x1  }
0xa1: {  	s23 =	simm.s32 $0x1B8B  }
0xa2: {  	_ =	swait.ge [sflag:s23], $0x1  }
0xa3: {  	[sflag:s23] =	ssyncset.done $0x0  }
0xa4: {  	s25 =	simm.s32 $0x1B8E;
	s24 =	sld [smem:$0x3FFE];
	[sflag:s23] =	ssyncadd.s32 $0xFFFFFFFF  }
0xa5: {  	s26 =	simm.s32 $execute0_lowered;
	[smem:$0x3FD2] =	sst s25  }
0xa6: {  	s5 =	sshll.u32 s26, $0x1;
	_ =	strace $0x80000046;
	[dreg:$0x1] =	wrdreg $0xFFFFFFFF  }
0xa7: {  	s28 =	simm.s32 $_size_execute0_lowered;
	s3 =	sadd.s32 s3, s5;
	[dreg:$0x0] =	wrdreg $0x0  }
0xa8: {  	s5 =	sshll.u32 s28, $0x1;
	[dreg:$0x2] =	wrdreg s3  }
0xa9: {  	[dreg:$0x3] =	wrdreg s5  }
0xaa: {  	[dreg:$0x4] =	wrdreg $0xC0  }
0xab: {  	_ =	task [dreg:s7], $0x5FFFF  }
0xac: {  	[dreg:$0x1] =	wrdreg $0xFFFFFFFF  }
0xad: {  	[dreg:$0x0] =	wrdreg $0x60  }
0xae: {  	[dreg:$0x2] =	wrdreg s24  }
0xaf: {  	[dreg:$0x3] =	wrdreg s2  }
0xb0: {  	[dreg:$0x4] =	wrdreg $0x9  }
0xb1: {  	_ =	task.clear_ibuf [dreg:s7], $0x5FFFF;
	_ =	strace $0x90000046  }
0xb2: {  	s29 =	simm.s32 $0x9;
	_ =	strace $0x80000048  }
0xb3: {  	_ =	swait.ge [sflag:s29], $0x1  }
0xb4: {  	[sflag:s29] =	ssyncadd.s32 $0xFFFFFFFF  }
0xb5: {  	_ =	strace $0x90000048  }
0xb6: {  	_ =	sfence  }
0xb7: {  	s30 =	sld [smem:$0x0];
	_ =	sdelay $0x2  }
0xb8: {  	s31 =	sshll.u32 s1, $0xD;
	s1 =	sshrl.u32 s1, $0x2  }
0xb9: {  	s3 =	sand.u32 $0x4000, s31;
	s1 =	sadd.s32 s1, s30  }
0xba: {  	s0 =	sor.u32 s3, s0;
	s1 =	sshll.u32 s1, $0x11  }
0xbb: {  	s0 =	sor.u32 s1, s0  }
0xbc: {  	s0 =	sadd.s32 $0x8F2B, s0  }
0xbd: {  	[sflag:s0] =	ssyncadd.remote.s32 $0x1  }
0xbe: {  	_ =	sfence.sel $0xFFFF  }
0xbf: {  	[dreg:$0x0] =	wrdreg $0xFFFFFFFF;
	(pc) =	sbr.abs _section_cstart, $3  }
0xc0: {  	[dreg:$0x1] =	wrdreg $0xFFFFFFFF  }
0xc1: {  	_ =	task.clear_ibuf [dreg:s7], $0x2FFFF;
	_ =	strace $0x9FFFFFFF  }
0xc2: {  	(tm) =	ssettm $0x7FFFFFFF  }
0xc3: {  	_ =	shalt  }
tec
execute0_lowered:
.L_overlay_start_1:
0x0: {  	(tag) =	ssettag $0x1  }
0x1: {  	s0 =	rddreg [dreg:$0x0]  }
0x2: {  	s1 =	rddreg [dreg:$0x1];
	s3 =	simm.s32 $0x0  }
0x3: {  	s2 =	srdreg.scid;
	s11 =	stileid.u32;
	s12 =	simm.s32 $0x100  }
0x4: {  	s13 =	simm.s32 $0x4400;
	s14 =	simm.s32 $0x180;
	s15 =	simm.s32 $0x3  }
0x5: {  	s16 =	simm.s32 $0x6400;
	s17 =	simm.s32 $0x200;
	s18 =	simm.s32 $0x4  }
0x6: {  	s19 =	simm.s32 $0x8400;
	s20 =	simm.s32 $0x280;
	s21 =	simm.s32 $0xA400  }
0x7: {  	s22 =	simm.s32 $0x300;
	s23 =	simm.s32 $0xC400;
	s24 =	simm.s32 $0x380  }
0x8: {  	s28 =	simm.s32 $0x40;
	s29 =	simm.s32 $0x2;
	s30 =	simm.s32 $0x0  }
0x9: {  	[smem:$0x7FF] =	sst s3;
	s7 =	sadd.s32 $0x600, s0;
	s2 =	sand.u32 $0x1, s2  }
0xa: {  	s4 =	sshll.u32 s11, $0x1;
	s0 =	sadd.s32 $0x40600, s0;
	p0 =	sgt.u32 s11, $0x7  }
0xb: {  	s26 =	sshll.u32 s11, $0xE;
	s11 =	simm.s32 $0x2400;
	_ =	strace $0x80000047  }
0xc: {  	s5 =	ssub.s32 $0x2, s2;
	s4 =	sor.u32 s2, s4;
	s31 =	sadd.s32 s26, s7  }
0xd: {  	s2 =	sshll.u32 s2, $0xD;
	s15 =	simm.s32 @!p0 $0x4;
	s26 =	simm.s32 $0x1  }
0xe: {  	s6 =	sshrl.u32 s5, $0x1;
	s8 =	sshll.u32 s4, $0xD;
	s9 =	sshll.u32 s4, $0x14  }
.Ltmp0:
0xf: {  	s6 =	ssub.s32 s5, s6;
	s10 =	sand.u32 $0xF00000, s9;
	(pc) =	sbr.rel .LBB2_1-.Ltmp0, $4  }
0x10: {  	s25 =	sadd.s32 s7, s8;
	s5 =	sadd.s32 s0, s9;
	s7 =	sadd.s32 s2, s31  }
0x11: {  	s8 =	simm.s32 $0x3;
	s9 =	simm.s32 $0x80;
	s0 =	sadd.s32 s10, s0  }
0x12: {  	[dreg:$0x3] =	wrdreg s25;
	s6 =	smax.u32 s6, $0x1;
	s0 =	sadd.s32 $0x8, s0  }
0x13: {  	s10 =	simm.s32 $0x400;
	s25 =	simm.s32 $0xE400;
	s5 =	smov.u32 @p0 s0  }
.LBB2_5:
0x14: {  	s30 =	sadd.s32 $0x1, s30  }
0x15: {  	p0 =	sne.s32 s30, s6  }
.Ltmp1:
0x16: {  	_ = 	snop;
	(pc) =	sbr.rel @!p0 .LBB2_6-.Ltmp1, $1  }
0x17: {  	_ =	sdelay $0x3  }
.LBB2_1:
0x18: {  	s0 =	rddreg [dreg:$0x3]  }
0x19: {  	[tilespmem:s3], [sflag:$0x3] =	stream.linear.gather [hbm4b:s0+s3], $0x200, $0x38;
	[tilespmem:$0x10400] =	vst v63  }
0x1a: {  	_ =	swait.ge [sflag:s8], $0x200  }
0x1b: {  	[sflag:s8] =	ssyncset.done $0x0  }
0x1c: {  	[sflag:s8] =	ssyncadd.s32 $0xFFFFFE00  }
0x1d: {  	v0 =	vld [tilespmem:$0x0]  }
0x1e: {  	v1 =	vld [tilespmem:$0x10]  }
0x1f: {  	v2 =	vld [tilespmem:$0x20]  }
0x20: {  	v5 =	vld [tilespmem:$0x30]  }
0x21: {  	v6 =	vld [tilespmem:$0x40]  }
0x22: {  	v8 =	vld [tilespmem:$0x50]  }
0x23: {  	v51 =	vld [tilespmem:$0x60]  }
0x24: {  	v9 =	vld [tilespmem:$0x70];
	v3 =	vshll.u32 v0, $0x1  }
0x25: {  	v55 =	vld [tilespmem:$0x80];
	v4 =	vand.u32 $0xFFFFF800, v0;
	v0 =	vshrl.u32 v0, $0xA;
	v43 =	vshll.u32 v1, $0x1  }
0x26: {  	v11 =	vld [tilespmem:$0x90];
	v44 =	vand.u32 $0xFFFFF800, v1;
	v1 =	vshrl.u32 v1, $0xA;
	v45 =	vshll.u32 v2, $0x1  }
0x27: {  	v12 =	vld [tilespmem:$0xA0];
	v7 =	vand.u32 $0xFFFFF800, v2;
	v2 =	vshrl.u32 v2, $0xA;
	v47 =	vshll.u32 v5, $0x1  }
0x28: {  	v62 =	vld [tilespmem:$0xB0];
	v48 =	vand.u32 $0xFFFFF800, v5;
	v5 =	vshrl.u32 v5, $0xA;
	v50 =	vshll.u32 v6, $0x1  }
0x29: {  	v14 =	vld [tilespmem:$0xC0];
	v52 =	vand.u32 $0xFFFFF800, v6;
	v53 =	vshrl.u32 v6, $0xA;
	v54 =	vshll.u32 v8, $0x1  }
0x2a: {  	v22 =	vld [tilespmem:$0xE0];
	v10 =	vand.u32 $0xFFFFF800, v8;
	v8 =	vshrl.u32 v8, $0xA;
	v56 =	vshll.u32 v51, $0x1  }
0x2b: {  	v30 =	vld [tilespmem:$0x110];
	v57 =	vand.u32 $0xFFFFF800, v51;
	v58 =	vshll.u32 v9, $0x1;
	v59 =	vand.u32 $0xFFFFF800, v9  }
0x2c: {  	v60 =	vshrl.u32 v9, $0xA;
	v61 =	vshll.u32 v55, $0x1;
	v13 =	vand.u32 $0xFFFFF800, v55  }
0x2d: {  	v15 =	vshll.u32 v11, $0x1;
	v16 =	vand.u32 $0xFFFFF800, v11;
	v11 =	vshrl.u32 v11, $0xA  }
0x2e: {  	v18 =	vshll.u32 v12, $0x1;
	v19 =	vand.u32 $0xFFFFF800, v12;
	v20 =	vshrl.u32 v12, $0xA  }
0x2f: {  	v21 =	vshll.u32 v62, $0x1;
	v23 =	vshll.u32 v14, $0x1;
	v24 =	vand.u32 $0xFFFFF800, v14  }
0x30: {  	v14 =	vshrl.u32 v14, $0xA;
	v29 =	vshll.u32 v22, $0x1;
	v37 =	vshll.u32 v30, $0x1  }
0x31: {  	v3 =	vand.u32 $0x7FE, v3;
	v0 =	vand.u32 $0x1, v0;
	v1 =	vand.u32 $0x1, v1  }
0x32: {  	v46 =	vand.u32 $0x1, v2;
	v49 =	vand.u32 $0x1, v5;
	v5 =	vand.u32 $0x7FE, v50  }
0x33: {  	v6 =	vand.u32 $0x7FE, v54;
	v8 =	vand.u32 $0x1, v8;
	v9 =	vand.u32 $0x7FE, v61  }
0x34: {  	v17 =	vand.u32 $0x1, v11;
	v11 =	vand.u32 $0x7FE, v18;
	v12 =	vand.u32 $0x7FE, v21  }
0x35: {  	v25 =	vand.u32 $0x1, v14;
	v3 =	vor.u32 v4, v3;
	v4 =	vand.u32 $0x7FE, v43  }
0x36: {  	v6 =	vor.u32 v10, v6;
	v10 =	vshrl.u32 v55, $0xA;
	v9 =	vor.u32 v13, v9  }
0x37: {  	v38 =	vld [tilespmem:$0x140];
	v13 =	vshrl.u32 v62, $0xA;
	v0 =	vor.u32 v0, v3;
	v3 =	vor.u32 v44, v4  }
0x38: {  	v4 =	vand.u32 $0x7FE, v45;
	v10 =	vand.u32 $0x1, v10;
	v13 =	vand.u32 $0x1, v13  }
0x39: {  	v4 =	vor.u32 v7, v4;
	v2 =	vor.u32 v1, v3;
	v3 =	vand.u32 $0x7FE, v47  }
0x3a: {  	v7 =	vshrl.u32 v51, $0xA;
	v63 =	vor.u32 v10, v9;
	v9 =	vand.u32 $0x7FE, v15  }
0x3b: {  	v10 =	vor.u32 v19, v11;
	v11 =	vand.u32 $0x1, v20;
	v19 =	vand.u32 $0xFFFFF800, v22  }
0x3c: {  	v51 =	vand.u32 $0xFFFFF800, v38;
	v1 =	vor.u32 v46, v4;
	v3 =	vor.u32 v48, v3  }
0x3d: {  	v18 =	vld [tilespmem:$0x100];
	v4 =	vor.u32 v52, v5;
	v5 =	vand.u32 $0x1, v53;
	v7 =	vand.u32 $0x1, v7  }
0x3e: {  	v21 =	vld [tilespmem:$0x130];
	v9 =	vor.u32 v16, v9;
	v16 =	vand.u32 $0xFFFFF800, v62;
	v10 =	vor.u32 v11, v10  }
0x3f: {  	v52 =	vshrl.u32 v38, $0xA;
	v3 =	vor.u32 v49, v3;
	v4 =	vor.u32 v5, v4  }
0x40: {  	v50 =	vld [tilespmem:$0x160];
	v5 =	vor.u32 v8, v6;
	v6 =	vand.u32 $0x7FE, v56;
	v8 =	vand.u32 $0x7FE, v58  }
0x41: {  	v9 =	vor.u32 v17, v9;
	v12 =	vor.u32 v16, v12;
	v16 =	vshrl.u32 v22, $0xA  }
0x42: {  	v34 =	vshll.u32 v18, $0x1;
	v35 =	vand.u32 $0xFFFFF800, v18;
	v36 =	vshrl.u32 v18, $0xA  }
0x43: {  	v55 =	vld [tilespmem:$0x170];
	v22 =	vand.u32 $0xFFFFF800, v30;
	v18 =	vand.u32 $0x7FE, v37;
	v43 =	vshll.u32 v21, $0x1  }
0x44: {  	v45 =	vand.u32 $0xFFFFF800, v21;
	v48 =	vshrl.u32 v21, $0xA;
	v49 =	vshll.u32 v38, $0x1  }
0x45: {  	[tilespmem:$0x80] =	vst v63;
	v54 =	vand.u32 $0x1, v52;
	v62 =	vand.u32 $0xFFFFF800, v50;
	v63 =	vshrl.u32 v50, $0xA  }
0x46: {  	v15 =	vld [tilespmem:$0xD0];
	v6 =	vor.u32 v57, v6;
	v11 =	vor.u32 v13, v12;
	v12 =	vand.u32 $0x7FE, v23  }
0x47: {  	v20 =	vld [tilespmem:$0x120];
	v16 =	vand.u32 $0x1, v16;
	v18 =	vor.u32 v22, v18;
	v46 =	vand.u32 $0x7FE, v43  }
0x48: {  	v53 =	vand.u32 $0x1, v48;
	v22 =	vand.u32 $0xFFFFF800, v55;
	v6 =	vor.u32 v7, v6  }
0x49: {  	v61 =	vld [tilespmem:$0x180];
	v7 =	vor.u32 v59, v8;
	v8 =	vand.u32 $0x1, v60;
	v12 =	vor.u32 v24, v12  }
0x4a: {  	v47 =	vor.u32 v45, v46;
	v60 =	vshll.u32 v50, $0x1;
	v7 =	vor.u32 v8, v7  }
0x4b: {  	v26 =	vshll.u32 v15, $0x1;
	v12 =	vor.u32 v25, v12;
	v27 =	vand.u32 $0xFFFFF800, v15  }
0x4c: {  	[tilespmem:$0x10] =	vst v2;
	v28 =	vshrl.u32 v15, $0xA;
	v15 =	vand.u32 $0x7FE, v29;
	v40 =	vshll.u32 v20, $0x1  }
0x4d: {  	v17 =	vld [tilespmem:$0xF0];
	[tilespmem:$0x50] =	vst v5;
	v41 =	vand.u32 $0xFFFFF800, v20;
	v20 =	vshrl.u32 v20, $0xA;
	v2 =	vor.u32 v53, v47  }
0x4e: {  	[tilespmem:$0x60] =	vst v6;
	v5 =	vand.u32 $0x7FE, v60;
	v6 =	vshrl.u32 v61, $0xA;
	v14 =	vand.u32 $0x7FE, v26  }
0x4f: {  	v21 =	vld [tilespmem:$0x190];
	v15 =	vor.u32 v19, v15;
	v19 =	vshrl.u32 v30, $0xA;
	v42 =	vand.u32 $0x1, v20  }
0x50: {  	[tilespmem:$0x40] =	vst v4;
	v4 =	vor.u32 v62, v5;
	v20 =	vshll.u32 v55, $0x1;
	v5 =	vand.u32 $0x1, v63  }
0x51: {  	v6 =	vand.u32 $0x1, v6;
	v13 =	vor.u32 v27, v14;
	v14 =	vand.u32 $0x1, v28  }
0x52: {  	v31 =	vshll.u32 v17, $0x1;
	v32 =	vand.u32 $0xFFFFF800, v17;
	v17 =	vshrl.u32 v17, $0xA  }
0x53: {  	v23 =	vld [tilespmem:$0x150];
	[tilespmem:$0x70] =	vst v7;
	v19 =	vand.u32 $0x1, v19;
	v7 =	vand.u32 $0x7FE, v20;
	v4 =	vor.u32 v5, v4  }
0x54: {  	v27 =	vshll.u32 v61, $0x1;
	v28 =	vand.u32 $0xFFFFF800, v61;
	v29 =	vshll.u32 v21, $0x1  }
0x55: {  	v8 =	vshrl.u32 v21, $0xA;
	v13 =	vor.u32 v14, v13;
	v14 =	vor.u32 v16, v15  }
0x56: {  	v15 =	vand.u32 $0x7FE, v31;
	v33 =	vand.u32 $0x1, v17;
	v17 =	vand.u32 $0x7FE, v34  }
0x57: {  	[tilespmem:$0x0] =	vst v0;
	v39 =	vor.u32 v19, v18;
	v18 =	vand.u32 $0x7FE, v40;
	v19 =	vand.u32 $0x7FE, v49  }
0x58: {  	[tilespmem:$0x20] =	vst v1;
	v56 =	vshll.u32 v23, $0x1;
	v57 =	vand.u32 $0xFFFFF800, v23;
	v58 =	vshrl.u32 v23, $0xA  }
0x59: {  	[tilespmem:$0xA0] =	vst v10;
	v23 =	vshrl.u32 v55, $0xA;
	v7 =	vor.u32 v22, v7;
	v31 =	vand.u32 $0xFFFFF800, v21  }
0x5a: {  	[tilespmem:$0x90] =	vst v9;
	v25 =	vld [tilespmem:$0x1A0];
	v9 =	vand.u32 $0x7FE, v29;
	v8 =	vand.u32 $0x1, v8;
	v15 =	vor.u32 v32, v15  }
0x5b: {  	[tilespmem:$0x30] =	vst v3;
	v16 =	vor.u32 v35, v17;
	v17 =	vand.u32 $0x1, v36;
	v18 =	vor.u32 v41, v18  }
0x5c: {  	[tilespmem:$0xB0] =	vst v11;
	v30 =	vld [tilespmem:$0x1B0];
	v1 =	vor.u32 v51, v19;
	v3 =	vand.u32 $0x7FE, v56;
	v59 =	vand.u32 $0x1, v58  }
0x5d: {  	[tilespmem:$0xC0] =	vst v12;
	v24 =	vand.u32 $0x1, v23;
	v15 =	vor.u32 v33, v15;
	v16 =	vor.u32 v17, v16  }
0x5e: {  	[tilespmem:$0x130] =	vst v2;
	v44 =	vor.u32 v42, v18;
	v1 =	vor.u32 v54, v1;
	v3 =	vor.u32 v57, v3  }
0x5f: {  	[tilespmem:$0x160] =	vst v4;
	v26 =	vor.u32 v24, v7;
	v7 =	vand.u32 $0x7FE, v27;
	v32 =	vshll.u32 v25, $0x1  }
0x60: {  	v49 =	vld [tilespmem:$0x1F0];
	[tilespmem:$0xD0] =	vst v13;
	v34 =	vand.u32 $0xFFFFF800, v25;
	v10 =	vshrl.u32 v25, $0xA;
	v3 =	vor.u32 v59, v3  }
0x61: {  	[tilespmem:$0xE0] =	vst v14;
	v35 =	vld [tilespmem:$0x1D0];
	v7 =	vor.u32 v28, v7;
	v10 =	vand.u32 $0x1, v10;
	v38 =	vshll.u32 v30, $0x1  }
0x62: {  	[tilespmem:$0x110] =	vst v39;
	v39 =	vand.u32 $0xFFFFF800, v30;
	v40 =	vshrl.u32 v30, $0xA;
	v6 =	vor.u32 v6, v7  }
0x63: {  	v33 =	vld [tilespmem:$0x1C0];
	[tilespmem:$0xF0] =	vst v15;
	v7 =	vor.u32 v31, v9;
	v9 =	vand.u32 $0x7FE, v32;
	v42 =	vand.u32 $0x1, v40  }
0x64: {  	[tilespmem:$0x100] =	vst v16;
	v9 =	vor.u32 v34, v9;
	v36 =	vor.u32 v8, v7;
	v8 =	vand.u32 $0x7FE, v38  }
0x65: {  	[tilespmem:$0x120] =	vst v44;
	v60 =	vshll.u32 v49, $0x1;
	v61 =	vand.u32 $0xFFFFF800, v49;
	v62 =	vshrl.u32 v49, $0xA  }
0x66: {  	[tilespmem:$0x140] =	vst v1;
	v44 =	vld [tilespmem:$0x1E0];
	v37 =	vor.u32 v10, v9;
	v41 =	vor.u32 v39, v8;
	v48 =	vshll.u32 v35, $0x1  }
0x67: {  	[tilespmem:$0x170] =	vst v26;
	v50 =	vand.u32 $0xFFFFF800, v35;
	v51 =	vshrl.u32 v35, $0xA;
	v63 =	vand.u32 $0x1, v62  }
0x68: {  	[tilespmem:$0x150] =	vst v3;
	v43 =	vshll.u32 v33, $0x1;
	v1 =	vor.u32 v42, v41;
	v45 =	vand.u32 $0xFFFFF800, v33  }
0x69: {  	[tilespmem:$0x180] =	vst v6;
	v47 =	vshrl.u32 v33, $0xA;
	v4 =	vand.u32 $0x7FE, v48;
	v52 =	vand.u32 $0x1, v51  }
0x6a: {  	[tilespmem:$0x190] =	vst v36;
	v46 =	vand.u32 $0x7FE, v43;
	v4 =	vor.u32 v50, v4;
	v3 =	vand.u32 $0x1, v47  }
0x6b: {  	[tilespmem:$0x1A0] =	vst v37;
	v55 =	vshll.u32 v44, $0x1;
	v56 =	vand.u32 $0xFFFFF800, v44;
	v57 =	vshrl.u32 v44, $0xA  }
0x6c: {  	[tilespmem:$0x1B0] =	vst v1;
	v2 =	vor.u32 v45, v46;
	v54 =	vor.u32 v52, v4;
	v4 =	vand.u32 $0x7FE, v60  }
0x6d: {  	v53 =	vor.u32 v3, v2;
	v3 =	vand.u32 $0x7FE, v55;
	[tilespmem:$0x1D0] =	vst v54;
	v0 =	vor.u32 v61, v4  }
0x6e: {  	v59 =	vand.u32 $0x1, v57;
	v58 =	vor.u32 v56, v3;
	[tilespmem:$0x1C0] =	vst v53;
	v0 =	vor.u32 v63, v0  }
0x6f: {  	v1 =	vor.u32 v59, v58;
	[tilespmem:$0x1F0] =	vst v0  }
0x70: {  	[tilespmem:$0x1E0] =	vst v1  }
0x71: {  	[tilespmem:s10], [sflag:$0x1] =	stream.indirect.gather [hbm4b:s1+s9], $0x40, s3, s9, $0xb8;
	[tilespmem:$0x10400] =	vst v63  }
0x72: {  	_ = 	snop  }
0x73: {  	[tilespmem:s11], [sflag:$0x1] =	stream.indirect.gather [hbm4b:s1+s9], $0x40, s9, s9, $0xb8;
	[tilespmem:$0x10400] =	vst v63  }
.Ltmp2:
0x74: {  	_ = 	snop;
	(pc) =	sbr.rel .LBB2_2-.Ltmp2, $4  }
0x75: {  	_ = 	snop  }
0x76: {  	[tilespmem:s13], [sflag:$0x1] =	stream.indirect.gather [hbm4b:s1+s9], $0x40, s12, s9, $0xb8;
	[tilespmem:$0x10400] =	vst v63  }
0x77: {  	s31 =	smov.u32 s5;
	s0 =	simm.s32 $0x0  }
0x78: {  	[tilespmem:s16], [sflag:$0x1] =	stream.indirect.gather [hbm4b:s1+s9], $0x40, s14, s9, $0xb8;
	[tilespmem:$0x10400] =	vst v63  }
.LBB2_4:
0x79: {  	_ =	swait.ge [sflag:s29], $0x2000  }
0x7a: {  	[sflag:s29] =	ssyncset.done $0x0  }
0x7b: {  	[sflag:s29] =	ssyncadd.s32 $0xFFFFE000  }
0x7c: {  	_ =	swait.ge [sflag:s29], $0x2000  }
0x7d: {  	[sflag:s29] =	ssyncset.done $0x0  }
0x7e: {  	[sflag:s29] =	ssyncadd.s32 $0xFFFFE000  }
0x7f: {  	_ =	swait.ge [sflag:s29], $0x2000  }
0x80: {  	[sflag:s29] =	ssyncset.done $0x0  }
0x81: {  	[sflag:s29] =	ssyncadd.s32 $0xFFFFE000  }
0x82: {  	s0 =	sadd.s32 $0x80, s0;
	_ =	swait.ge [sflag:s29], $0x2000  }
0x83: {  	p0 =	sne.s32 s0, $0x2000;
	[sflag:s29] =	ssyncset.done $0x0  }
.Ltmp3:
0x84: {  	s2 =	sadd.s32 $0x2000, s31;
	[sflag:s29] =	ssyncadd.s32 $0xFFFFE000;
	(pc) =	sbr.rel @!p0 .LBB2_5-.Ltmp3, $4  }
0x85: {  	[hbm4b:s2+s28] =	stream.strided.scatter [tilespmem:s19], [sflag:s15], $0x8000, s9, s28, $0x38;
	[tilespmem:$0x10400] =	vst v63  }
0x86: {  	_ =	swait.ge [sflag:s15], $0x8000  }
0x87: {  	[sflag:s15] =	ssyncset.done $0x0  }
0x88: {  	s31 =	sadd.s32 $0x4000, s31;
	[sflag:s15] =	ssyncadd.s32 $0xFFFF8000  }
.LBB2_2:
0x89: {  	s2 =	sadd.s32 s0, s7  }
0x8a: {  	s4 =	sadd.s32 $0x40, s2  }
0x8b: {  	[tilespmem:s17], [sflag:$0x4] =	stream.linear.gather [hbm4b:s4+s3], $0x200, $0x38;
	[tilespmem:$0x10400] =	vst v63  }
0x8c: {  	_ =	swait.ge [sflag:s18], $0x200  }
0x8d: {  	[sflag:s18] =	ssyncset.done $0x0  }
0x8e: {  	[sflag:s18] =	ssyncadd.s32 $0xFFFFFE00  }
0x8f: {  	v0 =	vld [tilespmem:$0x200]  }
0x90: {  	v1 =	vld [tilespmem:$0x210]  }
0x91: {  	v2 =	vld [tilespmem:$0x220]  }
0x92: {  	v5 =	vld [tilespmem:$0x230]  }
0x93: {  	v6 =	vld [tilespmem:$0x240]  }
0x94: {  	v8 =	vld [tilespmem:$0x250]  }
0x95: {  	v51 =	vld [tilespmem:$0x260]  }
0x96: {  	v9 =	vld [tilespmem:$0x270];
	v3 =	vshll.u32 v0, $0x1  }
0x97: {  	v55 =	vld [tilespmem:$0x280];
	v4 =	vand.u32 $0xFFFFF800, v0;
	v0 =	vshrl.u32 v0, $0xA;
	v43 =	vshll.u32 v1, $0x1  }
0x98: {  	v11 =	vld [tilespmem:$0x290];
	v44 =	vand.u32 $0xFFFFF800, v1;
	v1 =	vshrl.u32 v1, $0xA;
	v45 =	vshll.u32 v2, $0x1  }
0x99: {  	v12 =	vld [tilespmem:$0x2A0];
	v7 =	vand.u32 $0xFFFFF800, v2;
	v2 =	vshrl.u32 v2, $0xA;
	v47 =	vshll.u32 v5, $0x1  }
0x9a: {  	v62 =	vld [tilespmem:$0x2B0];
	v48 =	vand.u32 $0xFFFFF800, v5;
	v5 =	vshrl.u32 v5, $0xA;
	v50 =	vshll.u32 v6, $0x1  }
0x9b: {  	v14 =	vld [tilespmem:$0x2C0];
	v52 =	vand.u32 $0xFFFFF800, v6;
	v53 =	vshrl.u32 v6, $0xA;
	v54 =	vshll.u32 v8, $0x1  }
0x9c: {  	v22 =	vld [tilespmem:$0x2E0];
	v10 =	vand.u32 $0xFFFFF800, v8;
	v8 =	vshrl.u32 v8, $0xA;
	v56 =	vshll.u32 v51, $0x1  }
0x9d: {  	v30 =	vld [tilespmem:$0x310];
	v57 =	vand.u32 $0xFFFFF800, v51;
	v58 =	vshll.u32 v9, $0x1;
	v59 =	vand.u32 $0xFFFFF800, v9  }
0x9e: {  	v60 =	vshrl.u32 v9, $0xA;
	v61 =	vshll.u32 v55, $0x1;
	v13 =	vand.u32 $0xFFFFF800, v55  }
0x9f: {  	v15 =	vshll.u32 v11, $0x1;
	v16 =	vand.u32 $0xFFFFF800, v11;
	v11 =	vshrl.u32 v11, $0xA  }
0xa0: {  	v18 =	vshll.u32 v12, $0x1;
	v19 =	vand.u32 $0xFFFFF800, v12;
	v20 =	vshrl.u32 v12, $0xA  }
0xa1: {  	v21 =	vshll.u32 v62, $0x1;
	v23 =	vshll.u32 v14, $0x1;
	v24 =	vand.u32 $0xFFFFF800, v14  }
0xa2: {  	v14 =	vshrl.u32 v14, $0xA;
	v29 =	vshll.u32 v22, $0x1;
	v37 =	vshll.u32 v30, $0x1  }
0xa3: {  	v3 =	vand.u32 $0x7FE, v3;
	v0 =	vand.u32 $0x1, v0;
	v1 =	vand.u32 $0x1, v1  }
0xa4: {  	v46 =	vand.u32 $0x1, v2;
	v49 =	vand.u32 $0x1, v5;
	v5 =	vand.u32 $0x7FE, v50  }
0xa5: {  	v6 =	vand.u32 $0x7FE, v54;
	v8 =	vand.u32 $0x1, v8;
	v9 =	vand.u32 $0x7FE, v61  }
0xa6: {  	v17 =	vand.u32 $0x1, v11;
	v11 =	vand.u32 $0x7FE, v18;
	v12 =	vand.u32 $0x7FE, v21  }
0xa7: {  	v25 =	vand.u32 $0x1, v14;
	v3 =	vor.u32 v4, v3;
	v4 =	vand.u32 $0x7FE, v43  }
0xa8: {  	v6 =	vor.u32 v10, v6;
	v10 =	vshrl.u32 v55, $0xA;
	v9 =	vor.u32 v13, v9  }
0xa9: {  	v38 =	vld [tilespmem:$0x340];
	v13 =	vshrl.u32 v62, $0xA;
	v0 =	vor.u32 v0, v3;
	v3 =	vor.u32 v44, v4  }
0xaa: {  	v4 =	vand.u32 $0x7FE, v45;
	v10 =	vand.u32 $0x1, v10;
	v13 =	vand.u32 $0x1, v13  }
0xab: {  	v4 =	vor.u32 v7, v4;
	v2 =	vor.u32 v1, v3;
	v3 =	vand.u32 $0x7FE, v47  }
0xac: {  	v7 =	vshrl.u32 v51, $0xA;
	v63 =	vor.u32 v10, v9;
	v9 =	vand.u32 $0x7FE, v15  }
0xad: {  	v10 =	vor.u32 v19, v11;
	v11 =	vand.u32 $0x1, v20;
	v19 =	vand.u32 $0xFFFFF800, v22  }
0xae: {  	v51 =	vand.u32 $0xFFFFF800, v38;
	v1 =	vor.u32 v46, v4;
	v3 =	vor.u32 v48, v3  }
0xaf: {  	v18 =	vld [tilespmem:$0x300];
	v4 =	vor.u32 v52, v5;
	v5 =	vand.u32 $0x1, v53;
	v7 =	vand.u32 $0x1, v7  }
0xb0: {  	v21 =	vld [tilespmem:$0x330];
	v9 =	vor.u32 v16, v9;
	v16 =	vand.u32 $0xFFFFF800, v62;
	v10 =	vor.u32 v11, v10  }
0xb1: {  	v52 =	vshrl.u32 v38, $0xA;
	v3 =	vor.u32 v49, v3;
	v4 =	vor.u32 v5, v4  }
0xb2: {  	v50 =	vld [tilespmem:$0x360];
	v5 =	vor.u32 v8, v6;
	v6 =	vand.u32 $0x7FE, v56;
	v8 =	vand.u32 $0x7FE, v58  }
0xb3: {  	v9 =	vor.u32 v17, v9;
	v12 =	vor.u32 v16, v12;
	v16 =	vshrl.u32 v22, $0xA  }
0xb4: {  	v34 =	vshll.u32 v18, $0x1;
	v35 =	vand.u32 $0xFFFFF800, v18;
	v36 =	vshrl.u32 v18, $0xA  }
0xb5: {  	v55 =	vld [tilespmem:$0x370];
	v22 =	vand.u32 $0xFFFFF800, v30;
	v18 =	vand.u32 $0x7FE, v37;
	v43 =	vshll.u32 v21, $0x1  }
0xb6: {  	v45 =	vand.u32 $0xFFFFF800, v21;
	v48 =	vshrl.u32 v21, $0xA;
	v49 =	vshll.u32 v38, $0x1  }
0xb7: {  	[tilespmem:$0x280] =	vst v63;
	v54 =	vand.u32 $0x1, v52;
	v62 =	vand.u32 $0xFFFFF800, v50;
	v63 =	vshrl.u32 v50, $0xA  }
0xb8: {  	v15 =	vld [tilespmem:$0x2D0];
	v6 =	vor.u32 v57, v6;
	v11 =	vor.u32 v13, v12;
	v12 =	vand.u32 $0x7FE, v23  }
0xb9: {  	v20 =	vld [tilespmem:$0x320];
	v16 =	vand.u32 $0x1, v16;
	v18 =	vor.u32 v22, v18;
	v46 =	vand.u32 $0x7FE, v43  }
0xba: {  	v53 =	vand.u32 $0x1, v48;
	v22 =	vand.u32 $0xFFFFF800, v55;
	v6 =	vor.u32 v7, v6  }
0xbb: {  	v61 =	vld [tilespmem:$0x380];
	v7 =	vor.u32 v59, v8;
	v8 =	vand.u32 $0x1, v60;
	v12 =	vor.u32 v24, v12  }
0xbc: {  	v47 =	vor.u32 v45, v46;
	v60 =	vshll.u32 v50, $0x1;
	v7 =	vor.u32 v8, v7  }
0xbd: {  	v26 =	vshll.u32 v15, $0x1;
	v12 =	vor.u32 v25, v12;
	v27 =	vand.u32 $0xFFFFF800, v15  }
0xbe: {  	[tilespmem:$0x210] =	vst v2;
	v28 =	vshrl.u32 v15, $0xA;
	v15 =	vand.u32 $0x7FE, v29;
	v40 =	vshll.u32 v20, $0x1  }
0xbf: {  	v17 =	vld [tilespmem:$0x2F0];
	[tilespmem:$0x250] =	vst v5;
	v41 =	vand.u32 $0xFFFFF800, v20;
	v20 =	vshrl.u32 v20, $0xA;
	v2 =	vor.u32 v53, v47  }
0xc0: {  	[tilespmem:$0x260] =	vst v6;
	v5 =	vand.u32 $0x7FE, v60;
	v6 =	vshrl.u32 v61, $0xA;
	v14 =	vand.u32 $0x7FE, v26  }
0xc1: {  	v21 =	vld [tilespmem:$0x390];
	v15 =	vor.u32 v19, v15;
	v19 =	vshrl.u32 v30, $0xA;
	v42 =	vand.u32 $0x1, v20  }
0xc2: {  	[tilespmem:$0x240] =	vst v4;
	v4 =	vor.u32 v62, v5;
	v20 =	vshll.u32 v55, $0x1;
	v5 =	vand.u32 $0x1, v63  }
0xc3: {  	v6 =	vand.u32 $0x1, v6;
	v13 =	vor.u32 v27, v14;
	v14 =	vand.u32 $0x1, v28  }
0xc4: {  	v31 =	vshll.u32 v17, $0x1;
	v32 =	vand.u32 $0xFFFFF800, v17;
	v17 =	vshrl.u32 v17, $0xA  }
0xc5: {  	v23 =	vld [tilespmem:$0x350];
	[tilespmem:$0x270] =	vst v7;
	v19 =	vand.u32 $0x1, v19;
	v7 =	vand.u32 $0x7FE, v20;
	v4 =	vor.u32 v5, v4  }
0xc6: {  	v27 =	vshll.u32 v61, $0x1;
	v28 =	vand.u32 $0xFFFFF800, v61;
	v29 =	vshll.u32 v21, $0x1  }
0xc7: {  	v8 =	vshrl.u32 v21, $0xA;
	v13 =	vor.u32 v14, v13;
	v14 =	vor.u32 v16, v15  }
0xc8: {  	v15 =	vand.u32 $0x7FE, v31;
	v33 =	vand.u32 $0x1, v17;
	v17 =	vand.u32 $0x7FE, v34  }
0xc9: {  	[tilespmem:$0x200] =	vst v0;
	v39 =	vor.u32 v19, v18;
	v18 =	vand.u32 $0x7FE, v40;
	v19 =	vand.u32 $0x7FE, v49  }
0xca: {  	[tilespmem:$0x220] =	vst v1;
	v56 =	vshll.u32 v23, $0x1;
	v57 =	vand.u32 $0xFFFFF800, v23;
	v58 =	vshrl.u32 v23, $0xA  }
0xcb: {  	[tilespmem:$0x2A0] =	vst v10;
	v23 =	vshrl.u32 v55, $0xA;
	v7 =	vor.u32 v22, v7;
	v31 =	vand.u32 $0xFFFFF800, v21  }
0xcc: {  	[tilespmem:$0x290] =	vst v9;
	v25 =	vld [tilespmem:$0x3A0];
	v9 =	vand.u32 $0x7FE, v29;
	v8 =	vand.u32 $0x1, v8;
	v15 =	vor.u32 v32, v15  }
0xcd: {  	[tilespmem:$0x230] =	vst v3;
	v16 =	vor.u32 v35, v17;
	v17 =	vand.u32 $0x1, v36;
	v18 =	vor.u32 v41, v18  }
0xce: {  	[tilespmem:$0x2B0] =	vst v11;
	v30 =	vld [tilespmem:$0x3B0];
	v1 =	vor.u32 v51, v19;
	v3 =	vand.u32 $0x7FE, v56;
	v59 =	vand.u32 $0x1, v58  }
0xcf: {  	[tilespmem:$0x2C0] =	vst v12;
	v24 =	vand.u32 $0x1, v23;
	v15 =	vor.u32 v33, v15;
	v16 =	vor.u32 v17, v16  }
0xd0: {  	[tilespmem:$0x330] =	vst v2;
	v44 =	vor.u32 v42, v18;
	v1 =	vor.u32 v54, v1;
	v3 =	vor.u32 v57, v3  }
0xd1: {  	[tilespmem:$0x360] =	vst v4;
	v26 =	vor.u32 v24, v7;
	v7 =	vand.u32 $0x7FE, v27;
	v32 =	vshll.u32 v25, $0x1  }
0xd2: {  	v49 =	vld [tilespmem:$0x3F0];
	[tilespmem:$0x2D0] =	vst v13;
	v34 =	vand.u32 $0xFFFFF800, v25;
	v10 =	vshrl.u32 v25, $0xA;
	v3 =	vor.u32 v59, v3  }
0xd3: {  	[tilespmem:$0x2E0] =	vst v14;
	v35 =	vld [tilespmem:$0x3D0];
	v7 =	vor.u32 v28, v7;
	v10 =	vand.u32 $0x1, v10;
	v38 =	vshll.u32 v30, $0x1  }
0xd4: {  	[tilespmem:$0x310] =	vst v39;
	v39 =	vand.u32 $0xFFFFF800, v30;
	v40 =	vshrl.u32 v30, $0xA;
	v6 =	vor.u32 v6, v7  }
0xd5: {  	v33 =	vld [tilespmem:$0x3C0];
	[tilespmem:$0x2F0] =	vst v15;
	v7 =	vor.u32 v31, v9;
	v9 =	vand.u32 $0x7FE, v32;
	v42 =	vand.u32 $0x1, v40  }
0xd6: {  	[tilespmem:$0x300] =	vst v16;
	v9 =	vor.u32 v34, v9;
	v36 =	vor.u32 v8, v7;
	v8 =	vand.u32 $0x7FE, v38  }
0xd7: {  	[tilespmem:$0x320] =	vst v44;
	v60 =	vshll.u32 v49, $0x1;
	v61 =	vand.u32 $0xFFFFF800, v49;
	v62 =	vshrl.u32 v49, $0xA  }
0xd8: {  	[tilespmem:$0x340] =	vst v1;
	v44 =	vld [tilespmem:$0x3E0];
	v37 =	vor.u32 v10, v9;
	v41 =	vor.u32 v39, v8;
	v48 =	vshll.u32 v35, $0x1  }
0xd9: {  	[tilespmem:$0x370] =	vst v26;
	v50 =	vand.u32 $0xFFFFF800, v35;
	v51 =	vshrl.u32 v35, $0xA;
	v63 =	vand.u32 $0x1, v62  }
0xda: {  	[tilespmem:$0x350] =	vst v3;
	v43 =	vshll.u32 v33, $0x1;
	v1 =	vor.u32 v42, v41;
	v45 =	vand.u32 $0xFFFFF800, v33  }
0xdb: {  	[tilespmem:$0x380] =	vst v6;
	v47 =	vshrl.u32 v33, $0xA;
	v4 =	vand.u32 $0x7FE, v48;
	v52 =	vand.u32 $0x1, v51  }
0xdc: {  	[tilespmem:$0x390] =	vst v36;
	v46 =	vand.u32 $0x7FE, v43;
	v4 =	vor.u32 v50, v4;
	v3 =	vand.u32 $0x1, v47  }
0xdd: {  	[tilespmem:$0x3A0] =	vst v37;
	v55 =	vshll.u32 v44, $0x1;
	v56 =	vand.u32 $0xFFFFF800, v44;
	v57 =	vshrl.u32 v44, $0xA  }
0xde: {  	[tilespmem:$0x3B0] =	vst v1;
	v2 =	vor.u32 v45, v46;
	v54 =	vor.u32 v52, v4;
	v4 =	vand.u32 $0x7FE, v60  }
0xdf: {  	v53 =	vor.u32 v3, v2;
	v3 =	vand.u32 $0x7FE, v55;
	[tilespmem:$0x3D0] =	vst v54;
	v0 =	vor.u32 v61, v4  }
0xe0: {  	v59 =	vand.u32 $0x1, v57;
	v58 =	vor.u32 v56, v3;
	[tilespmem:$0x3C0] =	vst v53;
	v0 =	vor.u32 v63, v0  }
0xe1: {  	v1 =	vor.u32 v59, v58;
	[tilespmem:$0x3F0] =	vst v0  }
0xe2: {  	[tilespmem:$0x3E0] =	vst v1  }
0xe3: {  	[tilespmem:s19], [sflag:$0x2] =	stream.indirect.gather [hbm4b:s1+s9], $0x40, s17, s9, $0xb8;
	[tilespmem:$0x10400] =	vst v63  }
0xe4: {  	_ = 	snop  }
0xe5: {  	[tilespmem:s21], [sflag:$0x2] =	stream.indirect.gather [hbm4b:s1+s9], $0x40, s20, s9, $0xb8;
	[tilespmem:$0x10400] =	vst v63  }
0xe6: {  	_ = 	snop  }
0xe7: {  	[tilespmem:s23], [sflag:$0x2] =	stream.indirect.gather [hbm4b:s1+s9], $0x40, s22, s9, $0xb8;
	[tilespmem:$0x10400] =	vst v63  }
0xe8: {  	_ = 	snop  }
0xe9: {  	[tilespmem:s25], [sflag:$0x2] =	stream.indirect.gather [hbm4b:s1+s9], $0x40, s24, s9, $0xb8;
	[tilespmem:$0x10400] =	vst v63  }
0xea: {  	_ =	swait.ge [sflag:s26], $0x2000  }
0xeb: {  	[sflag:s26] =	ssyncset.done $0x0  }
0xec: {  	[sflag:s26] =	ssyncadd.s32 $0xFFFFE000  }
0xed: {  	_ =	swait.ge [sflag:s26], $0x2000  }
0xee: {  	[sflag:s26] =	ssyncset.done $0x0  }
0xef: {  	[sflag:s26] =	ssyncadd.s32 $0xFFFFE000  }
0xf0: {  	_ =	swait.ge [sflag:s26], $0x2000  }
0xf1: {  	[sflag:s26] =	ssyncset.done $0x0  }
0xf2: {  	[sflag:s26] =	ssyncadd.s32 $0xFFFFE000  }
0xf3: {  	_ =	swait.ge [sflag:s26], $0x2000  }
0xf4: {  	p0 =	seq.s32 s0, $0x1F80;
	[sflag:s26] =	ssyncset.done $0x0  }
.Ltmp4:
0xf5: {  	[sflag:s26] =	ssyncadd.s32 $0xFFFFE000;
	(pc) =	sbr.rel @p0 .LBB2_4-.Ltmp4, $4  }
0xf6: {  	[hbm4b:s31+s28] =	stream.strided.scatter [tilespmem:s10], [sflag:$0x4], $0x8000, s9, s28, $0x38;
	[tilespmem:$0x10400] =	vst v63  }
0xf7: {  	_ =	swait.ge [sflag:s18], $0x8000  }
0xf8: {  	[sflag:s18] =	ssyncset.done $0x0  }
0xf9: {  	[sflag:s18] =	ssyncadd.s32 $0xFFFF8000  }
0xfa: {  	s2 =	sadd.s32 $0x80, s2  }
0xfb: {  	[tilespmem:s3], [sflag:$0x4] =	stream.linear.gather [hbm4b:s2+s3], $0x200, $0x38;
	[tilespmem:$0x10400] =	vst v63  }
0xfc: {  	_ =	swait.ge [sflag:s18], $0x200  }
0xfd: {  	[sflag:s18] =	ssyncset.done $0x0  }
0xfe: {  	[sflag:s18] =	ssyncadd.s32 $0xFFFFFE00  }
0xff: {  	v0 =	vld [tilespmem:$0x0]  }
0x100: {  	v1 =	vld [tilespmem:$0x10]  }
0x101: {  	v2 =	vld [tilespmem:$0x20]  }
0x102: {  	v5 =	vld [tilespmem:$0x30]  }
0x103: {  	v6 =	vld [tilespmem:$0x40]  }
0x104: {  	v8 =	vld [tilespmem:$0x50]  }
0x105: {  	v51 =	vld [tilespmem:$0x60]  }
0x106: {  	v9 =	vld [tilespmem:$0x70];
	v3 =	vshll.u32 v0, $0x1  }
0x107: {  	v55 =	vld [tilespmem:$0x80];
	v4 =	vand.u32 $0xFFFFF800, v0;
	v0 =	vshrl.u32 v0, $0xA;
	v43 =	vshll.u32 v1, $0x1  }
0x108: {  	v11 =	vld [tilespmem:$0x90];
	v44 =	vand.u32 $0xFFFFF800, v1;
	v1 =	vshrl.u32 v1, $0xA;
	v45 =	vshll.u32 v2, $0x1  }
0x109: {  	v12 =	vld [tilespmem:$0xA0];
	v7 =	vand.u32 $0xFFFFF800, v2;
	v2 =	vshrl.u32 v2, $0xA;
	v47 =	vshll.u32 v5, $0x1  }
0x10a: {  	v62 =	vld [tilespmem:$0xB0];
	v48 =	vand.u32 $0xFFFFF800, v5;
	v5 =	vshrl.u32 v5, $0xA;
	v50 =	vshll.u32 v6, $0x1  }
0x10b: {  	v14 =	vld [tilespmem:$0xC0];
	v52 =	vand.u32 $0xFFFFF800, v6;
	v53 =	vshrl.u32 v6, $0xA;
	v54 =	vshll.u32 v8, $0x1  }
0x10c: {  	v22 =	vld [tilespmem:$0xE0];
	v10 =	vand.u32 $0xFFFFF800, v8;
	v8 =	vshrl.u32 v8, $0xA;
	v56 =	vshll.u32 v51, $0x1  }
0x10d: {  	v30 =	vld [tilespmem:$0x110];
	v57 =	vand.u32 $0xFFFFF800, v51;
	v58 =	vshll.u32 v9, $0x1;
	v59 =	vand.u32 $0xFFFFF800, v9  }
0x10e: {  	v60 =	vshrl.u32 v9, $0xA;
	v61 =	vshll.u32 v55, $0x1;
	v13 =	vand.u32 $0xFFFFF800, v55  }
0x10f: {  	v15 =	vshll.u32 v11, $0x1;
	v16 =	vand.u32 $0xFFFFF800, v11;
	v11 =	vshrl.u32 v11, $0xA  }
0x110: {  	v18 =	vshll.u32 v12, $0x1;
	v19 =	vand.u32 $0xFFFFF800, v12;
	v20 =	vshrl.u32 v12, $0xA  }
0x111: {  	v21 =	vshll.u32 v62, $0x1;
	v23 =	vshll.u32 v14, $0x1;
	v24 =	vand.u32 $0xFFFFF800, v14  }
0x112: {  	v14 =	vshrl.u32 v14, $0xA;
	v29 =	vshll.u32 v22, $0x1;
	v37 =	vshll.u32 v30, $0x1  }
0x113: {  	v3 =	vand.u32 $0x7FE, v3;
	v0 =	vand.u32 $0x1, v0;
	v1 =	vand.u32 $0x1, v1  }
0x114: {  	v46 =	vand.u32 $0x1, v2;
	v49 =	vand.u32 $0x1, v5;
	v5 =	vand.u32 $0x7FE, v50  }
0x115: {  	v6 =	vand.u32 $0x7FE, v54;
	v8 =	vand.u32 $0x1, v8;
	v9 =	vand.u32 $0x7FE, v61  }
0x116: {  	v17 =	vand.u32 $0x1, v11;
	v11 =	vand.u32 $0x7FE, v18;
	v12 =	vand.u32 $0x7FE, v21  }
0x117: {  	v25 =	vand.u32 $0x1, v14;
	v3 =	vor.u32 v4, v3;
	v4 =	vand.u32 $0x7FE, v43  }
0x118: {  	v6 =	vor.u32 v10, v6;
	v10 =	vshrl.u32 v55, $0xA;
	v9 =	vor.u32 v13, v9  }
0x119: {  	v38 =	vld [tilespmem:$0x140];
	v13 =	vshrl.u32 v62, $0xA;
	v0 =	vor.u32 v0, v3;
	v3 =	vor.u32 v44, v4  }
0x11a: {  	v4 =	vand.u32 $0x7FE, v45;
	v10 =	vand.u32 $0x1, v10;
	v13 =	vand.u32 $0x1, v13  }
0x11b: {  	v4 =	vor.u32 v7, v4;
	v2 =	vor.u32 v1, v3;
	v3 =	vand.u32 $0x7FE, v47  }
0x11c: {  	v7 =	vshrl.u32 v51, $0xA;
	v63 =	vor.u32 v10, v9;
	v9 =	vand.u32 $0x7FE, v15  }
0x11d: {  	v10 =	vor.u32 v19, v11;
	v11 =	vand.u32 $0x1, v20;
	v19 =	vand.u32 $0xFFFFF800, v22  }
0x11e: {  	v51 =	vand.u32 $0xFFFFF800, v38;
	v1 =	vor.u32 v46, v4;
	v3 =	vor.u32 v48, v3  }
0x11f: {  	v18 =	vld [tilespmem:$0x100];
	v4 =	vor.u32 v52, v5;
	v5 =	vand.u32 $0x1, v53;
	v7 =	vand.u32 $0x1, v7  }
0x120: {  	v21 =	vld [tilespmem:$0x130];
	v9 =	vor.u32 v16, v9;
	v16 =	vand.u32 $0xFFFFF800, v62;
	v10 =	vor.u32 v11, v10  }
0x121: {  	v52 =	vshrl.u32 v38, $0xA;
	v3 =	vor.u32 v49, v3;
	v4 =	vor.u32 v5, v4  }
0x122: {  	v50 =	vld [tilespmem:$0x160];
	v5 =	vor.u32 v8, v6;
	v6 =	vand.u32 $0x7FE, v56;
	v8 =	vand.u32 $0x7FE, v58  }
0x123: {  	v9 =	vor.u32 v17, v9;
	v12 =	vor.u32 v16, v12;
	v16 =	vshrl.u32 v22, $0xA  }
0x124: {  	v34 =	vshll.u32 v18, $0x1;
	v35 =	vand.u32 $0xFFFFF800, v18;
	v36 =	vshrl.u32 v18, $0xA  }
0x125: {  	v55 =	vld [tilespmem:$0x170];
	v22 =	vand.u32 $0xFFFFF800, v30;
	v18 =	vand.u32 $0x7FE, v37;
	v43 =	vshll.u32 v21, $0x1  }
0x126: {  	v45 =	vand.u32 $0xFFFFF800, v21;
	v48 =	vshrl.u32 v21, $0xA;
	v49 =	vshll.u32 v38, $0x1  }
0x127: {  	[tilespmem:$0x80] =	vst v63;
	v54 =	vand.u32 $0x1, v52;
	v62 =	vand.u32 $0xFFFFF800, v50;
	v63 =	vshrl.u32 v50, $0xA  }
0x128: {  	v15 =	vld [tilespmem:$0xD0];
	v6 =	vor.u32 v57, v6;
	v11 =	vor.u32 v13, v12;
	v12 =	vand.u32 $0x7FE, v23  }
0x129: {  	v20 =	vld [tilespmem:$0x120];
	v16 =	vand.u32 $0x1, v16;
	v18 =	vor.u32 v22, v18;
	v46 =	vand.u32 $0x7FE, v43  }
0x12a: {  	v53 =	vand.u32 $0x1, v48;
	v22 =	vand.u32 $0xFFFFF800, v55;
	v6 =	vor.u32 v7, v6  }
0x12b: {  	v61 =	vld [tilespmem:$0x180];
	v7 =	vor.u32 v59, v8;
	v8 =	vand.u32 $0x1, v60;
	v12 =	vor.u32 v24, v12  }
0x12c: {  	v47 =	vor.u32 v45, v46;
	v60 =	vshll.u32 v50, $0x1;
	v7 =	vor.u32 v8, v7  }
0x12d: {  	v26 =	vshll.u32 v15, $0x1;
	v12 =	vor.u32 v25, v12;
	v27 =	vand.u32 $0xFFFFF800, v15  }
0x12e: {  	[tilespmem:$0x10] =	vst v2;
	v28 =	vshrl.u32 v15, $0xA;
	v15 =	vand.u32 $0x7FE, v29;
	v40 =	vshll.u32 v20, $0x1  }
0x12f: {  	v17 =	vld [tilespmem:$0xF0];
	[tilespmem:$0x50] =	vst v5;
	v41 =	vand.u32 $0xFFFFF800, v20;
	v20 =	vshrl.u32 v20, $0xA;
	v2 =	vor.u32 v53, v47  }
0x130: {  	[tilespmem:$0x60] =	vst v6;
	v5 =	vand.u32 $0x7FE, v60;
	v6 =	vshrl.u32 v61, $0xA;
	v14 =	vand.u32 $0x7FE, v26  }
0x131: {  	v21 =	vld [tilespmem:$0x190];
	v15 =	vor.u32 v19, v15;
	v19 =	vshrl.u32 v30, $0xA;
	v42 =	vand.u32 $0x1, v20  }
0x132: {  	[tilespmem:$0x40] =	vst v4;
	v4 =	vor.u32 v62, v5;
	v20 =	vshll.u32 v55, $0x1;
	v5 =	vand.u32 $0x1, v63  }
0x133: {  	v6 =	vand.u32 $0x1, v6;
	v13 =	vor.u32 v27, v14;
	v14 =	vand.u32 $0x1, v28  }
0x134: {  	v31 =	vshll.u32 v17, $0x1;
	v32 =	vand.u32 $0xFFFFF800, v17;
	v17 =	vshrl.u32 v17, $0xA  }
0x135: {  	v23 =	vld [tilespmem:$0x150];
	[tilespmem:$0x70] =	vst v7;
	v19 =	vand.u32 $0x1, v19;
	v7 =	vand.u32 $0x7FE, v20;
	v4 =	vor.u32 v5, v4  }
0x136: {  	v27 =	vshll.u32 v61, $0x1;
	v28 =	vand.u32 $0xFFFFF800, v61;
	v29 =	vshll.u32 v21, $0x1  }
0x137: {  	v8 =	vshrl.u32 v21, $0xA;
	v13 =	vor.u32 v14, v13;
	v14 =	vor.u32 v16, v15  }
0x138: {  	v15 =	vand.u32 $0x7FE, v31;
	v33 =	vand.u32 $0x1, v17;
	v17 =	vand.u32 $0x7FE, v34  }
0x139: {  	[tilespmem:$0x0] =	vst v0;
	v39 =	vor.u32 v19, v18;
	v18 =	vand.u32 $0x7FE, v40;
	v19 =	vand.u32 $0x7FE, v49  }
0x13a: {  	[tilespmem:$0x20] =	vst v1;
	v56 =	vshll.u32 v23, $0x1;
	v57 =	vand.u32 $0xFFFFF800, v23;
	v58 =	vshrl.u32 v23, $0xA  }
0x13b: {  	[tilespmem:$0xA0] =	vst v10;
	v23 =	vshrl.u32 v55, $0xA;
	v7 =	vor.u32 v22, v7;
	v31 =	vand.u32 $0xFFFFF800, v21  }
0x13c: {  	[tilespmem:$0x90] =	vst v9;
	v25 =	vld [tilespmem:$0x1A0];
	v9 =	vand.u32 $0x7FE, v29;
	v8 =	vand.u32 $0x1, v8;
	v15 =	vor.u32 v32, v15  }
0x13d: {  	[tilespmem:$0x30] =	vst v3;
	v16 =	vor.u32 v35, v17;
	v17 =	vand.u32 $0x1, v36;
	v18 =	vor.u32 v41, v18  }
0x13e: {  	[tilespmem:$0xB0] =	vst v11;
	v30 =	vld [tilespmem:$0x1B0];
	v1 =	vor.u32 v51, v19;
	v3 =	vand.u32 $0x7FE, v56;
	v59 =	vand.u32 $0x1, v58  }
0x13f: {  	[tilespmem:$0xC0] =	vst v12;
	v24 =	vand.u32 $0x1, v23;
	v15 =	vor.u32 v33, v15;
	v16 =	vor.u32 v17, v16  }
0x140: {  	[tilespmem:$0x130] =	vst v2;
	v44 =	vor.u32 v42, v18;
	v1 =	vor.u32 v54, v1;
	v3 =	vor.u32 v57, v3  }
0x141: {  	[tilespmem:$0x160] =	vst v4;
	v26 =	vor.u32 v24, v7;
	v7 =	vand.u32 $0x7FE, v27;
	v32 =	vshll.u32 v25, $0x1  }
0x142: {  	v49 =	vld [tilespmem:$0x1F0];
	[tilespmem:$0xD0] =	vst v13;
	v34 =	vand.u32 $0xFFFFF800, v25;
	v10 =	vshrl.u32 v25, $0xA;
	v3 =	vor.u32 v59, v3  }
0x143: {  	[tilespmem:$0xE0] =	vst v14;
	v35 =	vld [tilespmem:$0x1D0];
	v7 =	vor.u32 v28, v7;
	v10 =	vand.u32 $0x1, v10;
	v38 =	vshll.u32 v30, $0x1  }
0x144: {  	[tilespmem:$0x110] =	vst v39;
	v39 =	vand.u32 $0xFFFFF800, v30;
	v40 =	vshrl.u32 v30, $0xA;
	v6 =	vor.u32 v6, v7  }
0x145: {  	v33 =	vld [tilespmem:$0x1C0];
	[tilespmem:$0xF0] =	vst v15;
	v7 =	vor.u32 v31, v9;
	v9 =	vand.u32 $0x7FE, v32;
	v42 =	vand.u32 $0x1, v40  }
0x146: {  	[tilespmem:$0x100] =	vst v16;
	v9 =	vor.u32 v34, v9;
	v36 =	vor.u32 v8, v7;
	v8 =	vand.u32 $0x7FE, v38  }
0x147: {  	[tilespmem:$0x120] =	vst v44;
	v60 =	vshll.u32 v49, $0x1;
	v61 =	vand.u32 $0xFFFFF800, v49;
	v62 =	vshrl.u32 v49, $0xA  }
0x148: {  	[tilespmem:$0x140] =	vst v1;
	v44 =	vld [tilespmem:$0x1E0];
	v37 =	vor.u32 v10, v9;
	v41 =	vor.u32 v39, v8;
	v48 =	vshll.u32 v35, $0x1  }
0x149: {  	[tilespmem:$0x170] =	vst v26;
	v50 =	vand.u32 $0xFFFFF800, v35;
	v51 =	vshrl.u32 v35, $0xA;
	v63 =	vand.u32 $0x1, v62  }
0x14a: {  	[tilespmem:$0x150] =	vst v3;
	v43 =	vshll.u32 v33, $0x1;
	v1 =	vor.u32 v42, v41;
	v45 =	vand.u32 $0xFFFFF800, v33  }
0x14b: {  	[tilespmem:$0x180] =	vst v6;
	v47 =	vshrl.u32 v33, $0xA;
	v4 =	vand.u32 $0x7FE, v48;
	v52 =	vand.u32 $0x1, v51  }
0x14c: {  	[tilespmem:$0x190] =	vst v36;
	v46 =	vand.u32 $0x7FE, v43;
	v4 =	vor.u32 v50, v4;
	v3 =	vand.u32 $0x1, v47  }
0x14d: {  	[tilespmem:$0x1A0] =	vst v37;
	v55 =	vshll.u32 v44, $0x1;
	v56 =	vand.u32 $0xFFFFF800, v44;
	v57 =	vshrl.u32 v44, $0xA  }
0x14e: {  	[tilespmem:$0x1B0] =	vst v1;
	v2 =	vor.u32 v45, v46;
	v54 =	vor.u32 v52, v4;
	v4 =	vand.u32 $0x7FE, v60  }
0x14f: {  	v53 =	vor.u32 v3, v2;
	v3 =	vand.u32 $0x7FE, v55;
	[tilespmem:$0x1D0] =	vst v54;
	v0 =	vor.u32 v61, v4  }
0x150: {  	v59 =	vand.u32 $0x1, v57;
	v58 =	vor.u32 v56, v3;
	[tilespmem:$0x1C0] =	vst v53;
	v0 =	vor.u32 v63, v0  }
0x151: {  	v1 =	vor.u32 v59, v58;
	[tilespmem:$0x1F0] =	vst v0  }
0x152: {  	[tilespmem:$0x1E0] =	vst v1  }
0x153: {  	[tilespmem:s10], [sflag:$0x1] =	stream.indirect.gather [hbm4b:s1+s9], $0x40, s3, s9, $0xb8;
	[tilespmem:$0x10400] =	vst v63  }
0x154: {  	_ = 	snop  }
0x155: {  	[tilespmem:s11], [sflag:$0x1] =	stream.indirect.gather [hbm4b:s1+s9], $0x40, s9, s9, $0xb8;
	[tilespmem:$0x10400] =	vst v63  }
.Ltmp5:
0x156: {  	_ = 	snop;
	(pc) =	sbr.rel .LBB2_4-.Ltmp5, $4  }
0x157: {  	_ = 	snop  }
0x158: {  	[tilespmem:s13], [sflag:$0x1] =	stream.indirect.gather [hbm4b:s1+s9], $0x40, s12, s9, $0xb8;
	[tilespmem:$0x10400] =	vst v63  }
0x159: {  	_ = 	snop  }
0x15a: {  	[tilespmem:s16], [sflag:$0x1] =	stream.indirect.gather [hbm4b:s1+s9], $0x40, s14, s9, $0xb8;
	[tilespmem:$0x10400] =	vst v63  }
.LBB2_6:
0x15b: {  	_ =	sfence.sel $0x180000  }
0x15c: {  	[bflag:$0x0] =	sbarrier.arrive $0xFFFF  }
0x15d: {  	_ =	strace $0x90000047  }
0x15e: {  	s0 =	stileid.u32;
	[bflag:$0x2] =	sbarrier.arrive $0xFFFF  }
0x15f: {  	p0 =	sne.s32 s0, $0x0;
	s0 =	rddreg [dreg:$0x2]  }
0x160: {  	s0 =	sadd.s32 @!p0 $0x100000, s0  }
0x161: {  	[sflag:s0] =	ssyncadd.tile.s32 @!p0 $0x1;
	_ =	shalt  }
.Lfunc_end2:
_tile_overlayer_lowered:
.L_overlay_start_2:
0x162: {  	(tag) =	ssettag $0x2  }
0x163: {  	s0 =	rddreg [dreg:$0x0];
	s2 =	stileid.u32  }
0x164: {  	s1 =	rddreg [dreg:$0x1];
	p0 =	sne.s32 s2, $0x0  }
0x165: {  	s3 =	rddreg [dreg:$0x2];
	[bflag:$0x3] =	sbarrier.arrive $0xFFFF;
	s2 =	simm.s32 @!p0 $0x1C03  }
0x166: {  	[timem:s3], [sflag:s2] =	dma.local @!p0 [hbm:s0], s1  }
0x167: {  	s0 =	simm.s32 @!p0 $0x3  }
0x168: {  	_ =	swait.ge @!p0 [sflag:s0], s1  }
0x169: {  	s1 =	ssub.s32 @!p0 $0x0, s1;
	[sflag:s0] =	ssyncset.done @!p0 $0x0  }
0x16a: {  	[sflag:s0] =	ssyncadd.s32 @!p0 s1  }
0x16b: {  	[bflag:$0x3] =	sbarrier.arrive $0xFFFF  }
0x16c: {  	_ =	shalt  }

</sc_bundles>
